<compile_context>
chip_gen: v7x
topology: tpu7x:2x2x1
jax: 0.10.2.dev20260603
libtpu: 0.0.44.dev20260713+nightly
codegen_flags: <defaults>
</compile_context>

<pallas_src>
import jax
import jax.numpy as jnp
from jax.experimental import pallas as pl
from jax.experimental.pallas import tpu as pltpu
from jax.experimental.pallas import tpu_sc as plsc

_N = 8192
_K = 20
_G = 16
_R = 256
_NB = _N // _R
_NEG = -jnp.inf
_KP = 32
_W_FAST = 1280


def _make_knn_body(window):
    def body(starts_ref, x_ref, xT_ref, brow_ref, bcol_ref, idx_ref):
        i = pl.program_id(0)
        s = starts_ref[i]
        xw = x_ref[pl.ds(s, window), :]
        xtr = xT_ref[...]
        mm = jax.lax.dot_general(xw, xtr, (((1,), (0,)), ((), ())),
                                 preferred_element_type=jnp.float32)
        cn = jnp.sum(xw * xw, axis=1, keepdims=True)
        rn = jnp.sum(xtr * xtr, axis=0, keepdims=True)
        dT = cn + rn - 2.0 * mm
        candio = s + jax.lax.broadcasted_iota(jnp.int32, dT.shape, 0)
        rowio = i * _R + jax.lax.broadcasted_iota(jnp.int32, dT.shape, 1)
        bw = bcol_ref[pl.ds(s, window), :]
        valid = (bw == brow_ref[...]) & (candio != rowio)
        dT = jnp.where(valid, dT, jnp.inf)

        def step(t, d):
            m = jnp.min(d, axis=0, keepdims=True)
            cand = jnp.where(d <= m, candio, jnp.int32(2147483647))
            j = jnp.min(cand, axis=0, keepdims=True)
            idx_ref[pl.ds(t, 1), :] = j
            return jnp.where(candio == j, jnp.inf, d)

        jax.lax.fori_loop(0, _K, step, dT)

    return body


def _knn_call(x, xT, brow, bcol, starts, window):
    n, f = x.shape
    grid_spec = pltpu.PrefetchScalarGridSpec(
        num_scalar_prefetch=1,
        grid=(_NB,),
        in_specs=[
            pl.BlockSpec((n, f), lambda i, *_: (0, 0)),
            pl.BlockSpec((f, _R), lambda i, *_: (0, i)),
            pl.BlockSpec((1, _R), lambda i, *_: (0, i)),
            pl.BlockSpec((n, 1), lambda i, *_: (0, 0)),
        ],
        out_specs=pl.BlockSpec((_KP, _R), lambda i, *_: (0, i)),
    )
    return pl.pallas_call(
        _make_knn_body(window),
        grid_spec=grid_spec,
        out_shape=jax.ShapeDtypeStruct((_KP, n), jnp.int32),
        compiler_params=pltpu.CompilerParams(
            dimension_semantics=("arbitrary",)),
    )(starts, x, xT, brow, bcol)


def _knn(x, batchrow, batchcol, blk_start, blk_end):
    n = x.shape[0]
    xT = x.T
    s_fast = jnp.minimum(blk_start, n - _W_FAST).astype(jnp.int32)
    fits = jnp.all(blk_end - s_fast <= _W_FAST)
    zeros = jnp.zeros_like(s_fast)

    def fast(xx, xxT):
        return _knn_call(xx, xxT, batchrow, batchcol, s_fast, _W_FAST)

    def slow(xx, xxT):
        return _knn_call(xx, xxT, batchrow, batchcol, zeros, n)

    idxp = jax.lax.cond(fits, fast, slow, x, xT)
    return idxp[:_K]


def _sc_gather(values, idx_flat, window=128):
    num_idx = idx_flat.shape[1]
    dv = values.shape[1]
    mesh = plsc.VectorSubcoreMesh(core_axis_name="c", subcore_axis_name="s")

    @pl.kernel(out_type=jax.ShapeDtypeStruct((num_idx, dv), values.dtype),
               mesh=mesh)
    def k(x_hbm, i_hbm, o_hbm):
        def body(i_vmem, o_vmem):
            pltpu.sync_copy(x_hbm.at[i_vmem.at[0]], o_vmem)

        pltpu.emit_pipeline(
            body,
            grid=(num_idx // window,),
            in_specs=[pl.BlockSpec((1, window), index_map=lambda i: (0, i))],
            out_specs=[pl.BlockSpec((window, dv), index_map=lambda i: (i, 0))],
            core_axis_name=("c", "s"),
            dimension_semantics=(pltpu.PARALLEL,),
        )(i_hbm, o_hbm)

    return k(values, idx_flat)


def _edge1(xi_ref, p_ref, w_ref, b_ref, j):
    xi = xi_ref[...]
    xj = p_ref[j][:, :3]
    e = jnp.concatenate([xi, xj - xi], axis=1)
    return jax.lax.dot_general(e, w_ref[...], (((1,), (0,)), ((), ())),
                               preferred_element_type=jnp.float32) + b_ref[...]


def _stats_body(xi_ref, p_ref, w_ref, b_ref, s_ref):
    i = pl.program_id(0)

    @pl.when(i == 0)
    def _():
        s_ref[...] = jnp.zeros_like(s_ref)

    dd = w_ref.shape[1]
    s1 = jnp.zeros((1, dd), jnp.float32)
    s2 = jnp.zeros((1, dd), jnp.float32)
    for j in range(_K):
        z = _edge1(xi_ref, p_ref, w_ref, b_ref, j)
        s1 = s1 + jnp.sum(z, axis=0, keepdims=True)
        s2 = s2 + jnp.sum(z * z, axis=0, keepdims=True)
    s_ref[0:1, :] += s1
    s_ref[1:2, :] += s2


def _stats(x, P, w, b):
    dd = w.shape[1]
    return pl.pallas_call(
        _stats_body,
        grid=(_NB,),
        in_specs=[
            pl.BlockSpec((_R, 3), lambda i: (i, 0)),
            pl.BlockSpec((_K, _R, 128), lambda i: (0, i, 0)),
            pl.BlockSpec((6, dd), lambda i: (0, 0)),
            pl.BlockSpec((1, dd), lambda i: (0, 0)),
        ],
        out_specs=pl.BlockSpec((8, dd), lambda i: (0, 0)),
        out_shape=jax.ShapeDtypeStruct((8, dd), jnp.float32),
        compiler_params=pltpu.CompilerParams(
            dimension_semantics=("arbitrary",)),
    )(x, P, w, b)


def _mlp1_body(xi_ref, p_ref, w1_ref, b1_ref, m_ref, sd_ref, g_ref, be_ref,
               w2_ref, b2_ref, z2_ref, s_ref):
    i = pl.program_id(0)

    @pl.when(i == 0)
    def _():
        s_ref[...] = jnp.zeros_like(s_ref)

    dd = w2_ref.shape[1]
    bm = m_ref[...]
    sd = sd_ref[...]
    g = g_ref[...]
    be = be_ref[...]
    w2 = w2_ref[...]
    b2 = b2_ref[...]
    s1 = jnp.zeros((1, dd), jnp.float32)
    s2 = jnp.zeros((1, dd), jnp.float32)
    for j in range(_K):
        z = _edge1(xi_ref, p_ref, w1_ref, b1_ref, j)
        h = jnp.maximum((z - bm) / sd * g + be, 0.0)
        z2 = jax.lax.dot_general(h, w2, (((1,), (0,)), ((), ())),
                                 preferred_element_type=jnp.float32) + b2
        z2_ref[j] = z2
        s1 = s1 + jnp.sum(z2, axis=0, keepdims=True)
        s2 = s2 + jnp.sum(z2 * z2, axis=0, keepdims=True)
    s_ref[0:1, :] += s1
    s_ref[1:2, :] += s2


def _mlp1(x, P, w1, b1, bm, sd, g, be, w2, b2):
    dd = w2.shape[1]
    return pl.pallas_call(
        _mlp1_body,
        grid=(_NB,),
        in_specs=[
            pl.BlockSpec((_R, 3), lambda i: (i, 0)),
            pl.BlockSpec((_K, _R, 128), lambda i: (0, i, 0)),
            pl.BlockSpec((6, dd), lambda i: (0, 0)),
            pl.BlockSpec((1, dd), lambda i: (0, 0)),
            pl.BlockSpec((1, dd), lambda i: (0, 0)),
            pl.BlockSpec((1, dd), lambda i: (0, 0)),
            pl.BlockSpec((1, dd), lambda i: (0, 0)),
            pl.BlockSpec((1, dd), lambda i: (0, 0)),
            pl.BlockSpec((dd, dd), lambda i: (0, 0)),
            pl.BlockSpec((1, dd), lambda i: (0, 0)),
        ],
        out_specs=[
            pl.BlockSpec((_K, _R, dd), lambda i: (0, i, 0)),
            pl.BlockSpec((8, dd), lambda i: (0, 0)),
        ],
        out_shape=[
            jax.ShapeDtypeStruct((_K, _N, dd), jnp.float32),
            jax.ShapeDtypeStruct((8, dd), jnp.float32),
        ],
        compiler_params=pltpu.CompilerParams(
            dimension_semantics=("arbitrary",)),
    )(x, P, w1, b1, bm, sd, g, be, w2, b2)


def _mlp2max_body(z2_ref, m_ref, sd_ref, g_ref, be_ref, w_ref, b_ref, x1_ref):
    bm = m_ref[...]
    sd = sd_ref[...]
    g = g_ref[...]
    be = be_ref[...]
    w = w_ref[...]
    b = b_ref[...]
    acc = None
    for j in range(_K):
        h = jnp.maximum((z2_ref[j] - bm) / sd * g + be, 0.0)
        z3 = jax.lax.dot_general(h, w, (((1,), (0,)), ((), ())),
                                 preferred_element_type=jnp.float32) + b
        acc = z3 if acc is None else jnp.maximum(acc, z3)
    x1_ref[...] = jnp.concatenate(
        [acc, jnp.zeros((acc.shape[0], 128 - acc.shape[1]), jnp.float32)],
        axis=1)


def _mlp2max(z2, bm, sd, g, be, w, b):
    dd = w.shape[1]
    return pl.pallas_call(
        _mlp2max_body,
        grid=(_NB,),
        in_specs=[
            pl.BlockSpec((_K, _R, dd), lambda i: (0, i, 0)),
            pl.BlockSpec((1, dd), lambda i: (0, 0)),
            pl.BlockSpec((1, dd), lambda i: (0, 0)),
            pl.BlockSpec((1, dd), lambda i: (0, 0)),
            pl.BlockSpec((1, dd), lambda i: (0, 0)),
            pl.BlockSpec((dd, dd), lambda i: (0, 0)),
            pl.BlockSpec((1, dd), lambda i: (0, 0)),
        ],
        out_specs=pl.BlockSpec((_R, 128), lambda i: (i, 0)),
        out_shape=jax.ShapeDtypeStruct((_N, 128), jnp.float32),
        compiler_params=pltpu.CompilerParams(
            dimension_semantics=("arbitrary",)),
    )(z2, bm, sd, g, be, w, b)


def _l1segmax_body(x1_ref, xg_ref, wc_ref, bc_ref, bcol_ref, w_ref, b_ref,
                   seg_ref):
    i = pl.program_id(0)

    @pl.when(i == 0)
    def _():
        seg_ref[...] = jnp.full_like(seg_ref, _NEG)

    xi = x1_ref[...][:, :64]
    wc = wc_ref[...]
    bc = bc_ref[...]
    acc = None
    for j in range(_K):
        e2 = jnp.concatenate([xi, xg_ref[j][:, :64] - xi], axis=1)
        z = jax.lax.dot_general(e2, wc, (((1,), (0,)), ((), ())),
                                preferred_element_type=jnp.float32) + bc
        acc = z if acc is None else jnp.maximum(acc, z)
    e = jnp.concatenate([xi, acc], axis=1)
    o = jax.lax.dot_general(e, w_ref[...], (((1,), (0,)), ((), ())),
                            preferred_element_type=jnp.float32) + b_ref[...]
    bb = bcol_ref[...]
    for s in range(_G):
        vals = jnp.max(jnp.where(bb == s, o, _NEG), axis=0, keepdims=True)
        seg_ref[s:s + 1, :] = jnp.maximum(seg_ref[s:s + 1, :], vals)


def _l1segmax(x1, Xg, wc, bc, batchcol, w, b):
    do = w.shape[1]
    return pl.pallas_call(
        _l1segmax_body,
        grid=(_NB,),
        in_specs=[
            pl.BlockSpec((_R, 128), lambda i: (i, 0)),
            pl.BlockSpec((_K, _R, 128), lambda i: (0, i, 0)),
            pl.BlockSpec((128, 128), lambda i: (0, 0)),
            pl.BlockSpec((1, 128), lambda i: (0, 0)),
            pl.BlockSpec((_R, 1), lambda i: (i, 0)),
            pl.BlockSpec((192, do), lambda i: (0, 0)),
            pl.BlockSpec((1, do), lambda i: (0, 0)),
        ],
        out_specs=pl.BlockSpec((_G, do), lambda i: (0, 0)),
        out_shape=jax.ShapeDtypeStruct((_G, do), jnp.float32),
        compiler_params=pltpu.CompilerParams(
            dimension_semantics=("arbitrary",)),
    )(x1, Xg, wc, bc, batchcol, w, b)


def _head_body(x_ref, w1_ref, b1_ref, w2_ref, b2_ref, w3_ref, b3_ref, o_ref):
    a = jax.lax.dot_general(x_ref[...], w1_ref[...], (((1,), (0,)), ((), ())),
                            preferred_element_type=jnp.float32) + b1_ref[...]
    a = jax.lax.dot_general(a, w2_ref[...], (((1,), (0,)), ((), ())),
                            preferred_element_type=jnp.float32) + b2_ref[...]
    o_ref[...] = jax.lax.dot_general(a, w3_ref[...], (((1,), (0,)), ((), ())),
                                     preferred_element_type=jnp.float32) + b3_ref[...]


def _head(x, w1, b1, w2, b2, w3, b3):
    return pl.pallas_call(
        _head_body,
        out_shape=jax.ShapeDtypeStruct((x.shape[0], w3.shape[1]), jnp.float32),
    )(x, w1, b1, w2, b2, w3, b3)


def kernel(pos, batch, c1_W1, c1_b1, c1_g1, c1_be1, c1_W2, c1_b2, c1_g2,
           c1_be2, c1_W3, c1_b3, c2_W, c2_b, l1_W, l1_b, m1_W, m1_b, m2_W,
           m2_b, h_W, h_b):
    batch = batch.astype(jnp.int32)
    brow = batch.reshape(1, _N)
    bcol = batch.reshape(_N, 1)
    nedges = float(_N * _K)
    seg_lo = jnp.searchsorted(batch, jnp.arange(_G, dtype=batch.dtype),
                              side="left").astype(jnp.int32)
    seg_hi = jnp.searchsorted(batch, jnp.arange(_G, dtype=batch.dtype),
                              side="right").astype(jnp.int32)
    b2d = batch.reshape(_NB, _R)
    blk_start = seg_lo[b2d[:, 0]]
    blk_end = seg_hi[b2d[:, -1]]

    def bn_params(sums):
        m = sums[0] / nedges
        var = sums[1] / nedges - m * m
        sd = jnp.sqrt(var + 1e-5)
        return m.reshape(1, -1), sd.reshape(1, -1)

    idx1 = _knn(pos, brow, bcol, blk_start, blk_end)
    posp = jnp.concatenate([pos, jnp.zeros((_N, 125), jnp.float32)], axis=1)
    P1 = _sc_gather(posp, idx1.reshape(1, -1)).reshape(_K, _N, 128)
    sums1 = _stats(pos, P1, c1_W1, c1_b1.reshape(1, -1))
    m1, sd1 = bn_params(sums1)
    z2, sums2 = _mlp1(pos, P1, c1_W1, c1_b1.reshape(1, -1), m1, sd1,
                      c1_g1.reshape(1, -1), c1_be1.reshape(1, -1),
                      c1_W2, c1_b2.reshape(1, -1))
    m2, sd2 = bn_params(sums2)
    x1 = _mlp2max(z2, m2, sd2, c1_g2.reshape(1, -1), c1_be2.reshape(1, -1),
                  c1_W3, c1_b3.reshape(1, -1))

    idx2 = _knn(x1, brow, bcol, blk_start, blk_end)
    Xg = _sc_gather(x1, idx2.reshape(1, -1)).reshape(_K, _N, 128)

    seg = _l1segmax(x1, Xg, c2_W, c2_b.reshape(1, -1), bcol, l1_W,
                    l1_b.reshape(1, -1))
    return _head(seg, m1_W, m1_b.reshape(1, -1), m2_W, m2_b.reshape(1, -1),
                 h_W, h_b.reshape(1, -1))

# --- scband reference (transcript-rebuilt; emitter-appended) ---
"""Pipeline reference for scband-dgcnn-34041910788657 (READ-ONLY COPY).

The authoritative reference and input builder live on the scoring server;
editing this copy changes nothing except your own understanding.
"""

import jax, jax.numpy as jnp
import numpy as np

K = 20
NUM_GRAPHS = 16


def _bn(x, g, b, eps=1e-5):
    m = jnp.mean(x, axis=0, keepdims=True)
    v = jnp.var(x, axis=0, keepdims=True)
    return (x - m) / jnp.sqrt(v + eps) * g + b


def _knn_idx(x, batch, k):
    x2 = jnp.sum(x * x, axis=1)
    d = x2[:, None] + x2[None, :] - 2.0 * (x @ x.T)
    same = batch[:, None] == batch[None, :]
    d = jnp.where(same, d, jnp.inf)
    n = x.shape[0]
    d = d.at[jnp.arange(n), jnp.arange(n)].set(jnp.inf)
    _, idx = jax.lax.top_k(-d, k)
    return idx


def _edge_conv(x, batch, k, nn_fn):
    idx = _knn_idx(x, batch, k)
    xj = x[idx]
    xi = jnp.broadcast_to(x[:, None, :], xj.shape)
    e = jnp.concatenate([xi, xj - xi], axis=-1)
    n = x.shape[0]
    h = nn_fn(e.reshape(n * k, -1)).reshape(n, k, -1)
    return jnp.max(h, axis=1)


def setup_inputs(seed: int = 0):
    key = jax.random.key(seed)
    ks = jax.random.split(key, 24)
    N = 8192
    inp = {}
    inp['pos'] = jax.random.normal(ks[0], (N, 3), dtype=jnp.float32)
    inp['batch'] = jnp.sort(jax.random.randint(ks[1], (N,), 0, NUM_GRAPHS))
    s = 0.1
    inp['c1_W1'] = jax.random.normal(ks[2], (6, 64), dtype=jnp.float32) * s
    inp['c1_b1'] = jnp.zeros((64,), dtype=jnp.float32)
    inp['c1_g1'] = jnp.ones((64,), dtype=jnp.float32)
    inp['c1_be1'] = jnp.zeros((64,), dtype=jnp.float32)
    inp['c1_W2'] = jax.random.normal(ks[3], (64, 64), dtype=jnp.float32) * s
    inp['c1_b2'] = jnp.zeros((64,), dtype=jnp.float32)
    inp['c1_g2'] = jnp.ones((64,), dtype=jnp.float32)
    inp['c1_be2'] = jnp.zeros((64,), dtype=jnp.float32)
    inp['c1_W3'] = jax.random.normal(ks[4], (64, 64), dtype=jnp.float32) * s
    inp['c1_b3'] = jnp.zeros((64,), dtype=jnp.float32)
    inp['c2_W'] = jax.random.normal(ks[5], (128, 128), dtype=jnp.float32) * s
    inp['c2_b'] = jnp.zeros((128,), dtype=jnp.float32)
    inp['l1_W'] = jax.random.normal(ks[6], (192, 1024), dtype=jnp.float32) * s
    inp['l1_b'] = jnp.zeros((1024,), dtype=jnp.float32)
    inp['m1_W'] = jax.random.normal(ks[7], (1024, 512), dtype=jnp.float32) * s
    inp['m1_b'] = jnp.zeros((512,), dtype=jnp.float32)
    inp['m2_W'] = jax.random.normal(ks[8], (512, 256), dtype=jnp.float32) * s
    inp['m2_b'] = jnp.zeros((256,), dtype=jnp.float32)
    inp['h_W'] = jax.random.normal(ks[9], (256, 40), dtype=jnp.float32) * s
    inp['h_b'] = jnp.zeros((40,), dtype=jnp.float32)
    return inp


def reference(pos, batch, c1_W1, c1_b1, c1_g1, c1_be1, c1_W2, c1_b2, c1_g2, c1_be2, c1_W3, c1_b3, c2_W, c2_b, l1_W, l1_b, m1_W, m1_b, m2_W, m2_b, h_W, h_b):
    def nn1(e):
        h = jax.nn.relu(_bn(e @ c1_W1 + c1_b1, c1_g1, c1_be1))
        h = jax.nn.relu(_bn(h @ c1_W2 + c1_b2, c1_g2, c1_be2))
        return h @ c1_W3 + c1_b3

    def nn2(e):
        return e @ c2_W + c2_b

    x1 = _edge_conv(pos, batch, K, nn1)
    x2 = _edge_conv(x1, batch, K, nn2)
    out = jnp.concatenate([x1, x2], axis=1) @ l1_W + l1_b
    out = jax.ops.segment_max(out, batch, num_segments=NUM_GRAPHS)
    out = out @ m1_W + m1_b  # dropout is identity in eval
    out = out @ m2_W + m2_b
    return out @ h_W + h_b

if __name__ == "__main__":
    import jax
    _d = setup_inputs()
    print(jax.jit(kernel)(*tuple(_d.values())))

</pallas_src>

<mosaic_0001>
#map = affine_map<(d0, d1) -> (0, 0)>
module attributes {stable_mosaic.version = 14 : i64} {
  func.func @k(%arg0: i32, %arg1: i32, %arg2: memref<8192x128xf32, #tpu.memory_space<hbm>>, %arg3: memref<1x163840xi32, #tpu.memory_space<hbm>>, %arg4: memref<163840x128xf32, #tpu.memory_space<hbm>>) attributes {dimension_semantics = [#tpu.dimension_semantics<core_parallel>, #tpu.dimension_semantics<subcore_parallel>], iteration_bounds = array<i64: 2, 16>, scalar_prefetch = 0 : i64, scratch_operands = 0 : i64, tpu.core_type = #tpu.core_type<sc_vector_subcore>, window_params = [{transform_indices = #map}, {transform_indices = #map}, {transform_indices = #map}]} {
    %mul3A = arith.constant 1 : i32
    %mul3A_0 = arith.muli %arg1, %mul3A : i32
    %add3A = arith.constant 0 : i32
    %add3A_1 = arith.addi %add3A, %mul3A_0 : i32
    %mul3A_2 = arith.constant 16 : i32
    %mul3A_3 = arith.muli %arg0, %mul3A_2 : i32
    %add3A_4 = arith.addi %add3A_1, %mul3A_3 : i32
    %mul3A_5 = arith.constant 40 : i32
    %mul3A_6 = arith.muli %add3A_4, %mul3A_5 : i32
    "tpu.region"() ({
      %run_scoped3A = memref.alloca() : memref<2x1x128xi32, #tpu.memory_space<vmem>>
      %run_scoped3A_7 = tpu.sem_alloc : memref<2x!tpu.dma_semaphore, #tpu.memory_space<semaphore_mem>>
      %run_scoped3A_8 = memref.alloca() : memref<2x128x128xf32, #tpu.memory_space<vmem>>
      %run_scoped3A_9 = tpu.sem_alloc : memref<2x!tpu.dma_semaphore, #tpu.memory_space<semaphore_mem>>
      %add3A_10 = arith.constant 0 : i32
      %add3A_11 = arith.addi %add3A_10, %mul3A_6 : i32
      %select_n3A = arith.constant true
      %select_n3A_12 = arith.constant 0 : i32
      %select_n3A_13 = arith.constant -1 : i32
      %select_n3A_14 = arith.select %select_n3A, %select_n3A_13, %select_n3A_12 : i32
      %eq3A = arith.constant -1 : i32
      %eq3A_15 = arith.cmpi eq, %select_n3A_14, %eq3A : i32
      %select_n3A_16 = arith.constant 39 : i32
      %select_n3A_17 = arith.select %eq3A_15, %select_n3A_16, %select_n3A_14 : i32
      %add3A_18 = arith.addi %select_n3A_17, %mul3A_6 : i32
      %select_n3A_19 = arith.constant true
      %select_n3A_20 = arith.constant 0 : i32
      %select_n3A_21 = arith.constant 1 : i32
      %select_n3A_22 = arith.select %select_n3A_19, %select_n3A_21, %select_n3A_20 : i32
      %eq3A_23 = arith.constant 40 : i32
      %eq3A_24 = arith.cmpi eq, %select_n3A_22, %eq3A_23 : i32
      %select_n3A_25 = arith.constant 0 : i32
      %select_n3A_26 = arith.select %eq3A_24, %select_n3A_25, %select_n3A_22 : i32
      %add3A_27 = arith.addi %select_n3A_26, %mul3A_6 : i32
      %add3A_28 = arith.constant 1 : i32
      %add3A_29 = arith.addi %select_n3A_26, %add3A_28 : i32
      %select_n3A_30 = arith.constant true
      %select_n3A_31 = arith.select %select_n3A_30, %add3A_29, %select_n3A_26 : i32
      %eq3A_32 = arith.constant 40 : i32
      %eq3A_33 = arith.cmpi eq, %select_n3A_31, %eq3A_32 : i32
      %select_n3A_34 = arith.constant 0 : i32
      %select_n3A_35 = arith.select %eq3A_33, %select_n3A_34, %select_n3A_31 : i32
      %add3A_36 = arith.addi %select_n3A_35, %mul3A_6 : i32
      "tpu.trace_start"() <{level = 10 : i32, message = "ep_initialize_0"}> : () -> ()
      %rem3A = arith.constant 0 : i32
      %rem3A_37 = arith.constant 2 : i32
      %rem3A_38 = arith.remui %rem3A, %rem3A_37 : i32
      %mul3A_39 = arith.constant 128 : i32
      %mul3A_40 = arith.muli %mul3A_39, %add3A_11 : i32
      %dma_start3A = arith.constant 0 : i32
      %dma_start3A_41 = arith.constant 0 : i32
      %dma_start3A_42 = tpu.memref_slice %run_scoped3A[%rem3A_38, %dma_start3A, %dma_start3A_41] : memref<2x1x128xi32, #tpu.memory_space<vmem>> -> memref<1x1x128xi32, #tpu.memory_space<vmem>>
      %dma_start3A_43 = tpu.memref_squeeze %dma_start3A_42 : memref<1x1x128xi32, #tpu.memory_space<vmem>> -> memref<1x128xi32, #tpu.memory_space<vmem>>
      %dma_start3A_44 = arith.constant 0 : i32
      %dma_start3A_45 = tpu.memref_slice %arg3[%dma_start3A_44, %mul3A_40] : memref<1x163840xi32, #tpu.memory_space<hbm>> -> memref<1x128xi32, #tpu.memory_space<hbm>>
      %dma_start3A_46 = tpu.memref_slice %run_scoped3A_7[%rem3A_38] : memref<2x!tpu.dma_semaphore, #tpu.memory_space<semaphore_mem>> -> memref<1x!tpu.dma_semaphore, #tpu.memory_space<semaphore_mem>>
      %dma_start3A_47 = tpu.memref_squeeze %dma_start3A_46 : memref<1x!tpu.dma_semaphore, #tpu.memory_space<semaphore_mem>> -> memref<!tpu.dma_semaphore, #tpu.memory_space<semaphore_mem>>
      %dma_start3A_48 = arith.constant 0 : i32
      %dma_start3A_49 = arith.constant 0 : i32
      %dma_start3A_50 = tpu.memref_slice %run_scoped3A[%rem3A_38, %dma_start3A_48, %dma_start3A_49] : memref<2x1x128xi32, #tpu.memory_space<vmem>> -> memref<1x1x128xi32, #tpu.memory_space<vmem>>
      %dma_start3A_51 = tpu.memref_squeeze %dma_start3A_50 : memref<1x1x128xi32, #tpu.memory_space<vmem>> -> memref<1x128xi32, #tpu.memory_space<vmem>>
      %dma_start3A_52 = arith.constant 0 : i32
      %dma_start3A_53 = tpu.memref_slice %arg3[%dma_start3A_52, %mul3A_40] : memref<1x163840xi32, #tpu.memory_space<hbm>> -> memref<1x128xi32, #tpu.memory_space<hbm>>
      tpu.enqueue_dma source(%dma_start3A_53 : memref<1x128xi32, #tpu.memory_space<hbm>>) target(%dma_start3A_51 : memref<1x128xi32, #tpu.memory_space<vmem>>) target_semaphore(%dma_start3A_47 : memref<!tpu.dma_semaphore, #tpu.memory_space<semaphore_mem>>)
      %add3A_54 = arith.constant 0 : i32
      %add3A_55 = arith.constant 1 : i32
      %add3A_56 = arith.addi %add3A_54, %add3A_55 : i32
      %select_n3A_57 = arith.constant true
      %select_n3A_58 = arith.constant 0 : i32
      %select_n3A_59 = arith.select %select_n3A_57, %add3A_56, %select_n3A_58 : i32
      "tpu.trace_stop"() : () -> ()
      %scan3A = arith.constant 0 : i32
      %scan3A_60 = arith.constant 0 : i32
      %scan3A_61 = arith.constant 0 : i32
      %scan3A_62 = arith.constant 0 : i32
      %scan3A_63 = arith.constant 0 : i32
      %scan3A_64 = arith.constant 40 : i32
      %scan3A_65 = arith.addi %scan3A_63, %scan3A_64 : i32
      %scan3A_66 = arith.constant 1 : i32
      %scan3A_67:5 = scf.for %scan3A_121 = %scan3A_63 to %scan3A_65 step %scan3A_66 iter_args(%scan3A_122 = %select_n3A_59, %scan3A_123 = %scan3A, %scan3A_124 = %scan3A_60, %scan3A_125 = %scan3A_61, %scan3A_126 = %scan3A_62) -> (i32, i32, i32, i32, i32)  : i32 {
        %eq3A_127 = arith.constant 0 : i32
        %eq3A_128 = arith.cmpi eq, %scan3A_121, %eq3A_127 : i32
        %eq3A_129 = arith.constant 39 : i32
        %eq3A_130 = arith.cmpi eq, %scan3A_121, %eq3A_129 : i32
        %add3A_131 = arith.addi %scan3A_126, %mul3A_6 : i32
        %sub3A_132 = arith.constant 1 : i32
        %sub3A_133 = arith.subi %scan3A_126, %sub3A_132 : i32
        %select_n3A_134 = arith.constant true
        %select_n3A_135 = arith.select %select_n3A_134, %sub3A_133, %scan3A_126 : i32
        %eq3A_136 = arith.constant -1 : i32
        %eq3A_137 = arith.cmpi eq, %select_n3A_135, %eq3A_136 : i32
        %select_n3A_138 = arith.constant 39 : i32
        %select_n3A_139 = arith.select %eq3A_137, %select_n3A_138, %select_n3A_135 : i32
        %add3A_140 = arith.addi %select_n3A_139, %mul3A_6 : i32
        %add3A_141 = arith.constant 1 : i32
        %add3A_142 = arith.addi %scan3A_126, %add3A_141 : i32
        %select_n3A_143 = arith.constant true
        %select_n3A_144 = arith.select %select_n3A_143, %add3A_142, %scan3A_126 : i32
        %eq3A_145 = arith.constant 40 : i32
        %eq3A_146 = arith.cmpi eq, %select_n3A_144, %eq3A_145 : i32
        %select_n3A_147 = arith.constant 0 : i32
        %select_n3A_148 = arith.select %eq3A_146, %select_n3A_147, %select_n3A_144 : i32
        %add3A_149 = arith.addi %select_n3A_148, %mul3A_6 : i32
        %add3A_150 = arith.constant 1 : i32
        %add3A_151 = arith.addi %select_n3A_148, %add3A_150 : i32
        %select_n3A_152 = arith.constant true
        %select_n3A_153 = arith.select %select_n3A_152, %add3A_151, %select_n3A_148 : i32
        %eq3A_154 = arith.constant 40 : i32
        %eq3A_155 = arith.cmpi eq, %select_n3A_153, %eq3A_154 : i32
        %select_n3A_156 = arith.constant 0 : i32
        %select_n3A_157 = arith.select %eq3A_155, %select_n3A_156, %select_n3A_153 : i32
        %add3A_158 = arith.addi %select_n3A_157, %mul3A_6 : i32
        %ne3A = arith.cmpi ne, %add3A_131, %add3A_149 : i32
        %or3A = arith.constant false
        %or3A_159 = arith.ori %or3A, %ne3A : i1
        %ge3A = arith.constant 39 : i32
        %ge3A_160 = arith.cmpi sge, %scan3A_121, %ge3A : i32
        %not3A = arith.constant true
        %not3A_161 = arith.xori %ge3A_160, %not3A : i1
        %and3A = arith.andi %or3A_159, %not3A_161 : i1
        %convert_element_type3A = arith.extui %and3A : i1 to i32
        %cond3A = arith.constant 0 : i32
        %cond3A_162 = arith.cmpi ne, %convert_element_type3A, %cond3A : i32
        scf.if %cond3A_162 {
          "tpu.trace_start"() <{level = 10 : i32, message = "ep_copy_in"}> : () -> ()
          %rem3A_264 = arith.constant 2 : i32
          %rem3A_265 = arith.remui %scan3A_122, %rem3A_264 : i32
          %mul3A_266 = arith.constant 128 : i32
          %mul3A_267 = arith.muli %mul3A_266, %add3A_149 : i32
          %dma_start3A_268 = arith.constant 0 : i32
          %dma_start3A_269 = arith.constant 0 : i32
          %dma_start3A_270 = tpu.memref_slice %run_scoped3A[%rem3A_265, %dma_start3A_268, %dma_start3A_269] : memref<2x1x128xi32, #tpu.memory_space<vmem>> -> memref<1x1x128xi32, #tpu.memory_space<vmem>>
          %dma_start3A_271 = tpu.memref_squeeze %dma_start3A_270 : memref<1x1x128xi32, #tpu.memory_space<vmem>> -> memref<1x128xi32, #tpu.memory_space<vmem>>
          %dma_start3A_272 = arith.constant 0 : i32
          %dma_start3A_273 = tpu.memref_slice %arg3[%dma_start3A_272, %mul3A_267] : memref<1x163840xi32, #tpu.memory_space<hbm>> -> memref<1x128xi32, #tpu.memory_space<hbm>>
          %dma_start3A_274 = tpu.memref_slice %run_scoped3A_7[%rem3A_265] : memref<2x!tpu.dma_semaphore, #tpu.memory_space<semaphore_mem>> -> memref<1x!tpu.dma_semaphore, #tpu.memory_space<semaphore_mem>>
          %dma_start3A_275 = tpu.memref_squeeze %dma_start3A_274 : memref<1x!tpu.dma_semaphore, #tpu.memory_space<semaphore_mem>> -> memref<!tpu.dma_semaphore, #tpu.memory_space<semaphore_mem>>
          %dma_start3A_276 = arith.constant 0 : i32
          %dma_start3A_277 = arith.constant 0 : i32
          %dma_start3A_278 = tpu.memref_slice %run_scoped3A[%rem3A_265, %dma_start3A_276, %dma_start3A_277] : memref<2x1x128xi32, #tpu.memory_space<vmem>> -> memref<1x1x128xi32, #tpu.memory_space<vmem>>
          %dma_start3A_279 = tpu.memref_squeeze %dma_start3A_278 : memref<1x1x128xi32, #tpu.memory_space<vmem>> -> memref<1x128xi32, #tpu.memory_space<vmem>>
          %dma_start3A_280 = arith.constant 0 : i32
          %dma_start3A_281 = tpu.memref_slice %arg3[%dma_start3A_280, %mul3A_267] : memref<1x163840xi32, #tpu.memory_space<hbm>> -> memref<1x128xi32, #tpu.memory_space<hbm>>
          tpu.enqueue_dma source(%dma_start3A_281 : memref<1x128xi32, #tpu.memory_space<hbm>>) target(%dma_start3A_279 : memref<1x128xi32, #tpu.memory_space<vmem>>) target_semaphore(%dma_start3A_275 : memref<!tpu.dma_semaphore, #tpu.memory_space<semaphore_mem>>)
          "tpu.trace_stop"() : () -> ()
        } else {
        }
        %and3A_163 = arith.constant true
        %and3A_164 = arith.andi %and3A, %and3A_163 : i1
        %add3A_165 = arith.constant 1 : i32
        %add3A_166 = arith.addi %scan3A_122, %add3A_165 : i32
        %select_n3A_167 = arith.select %and3A_164, %add3A_166, %scan3A_122 : i32
        %ne3A_168 = arith.cmpi ne, %add3A_131, %add3A_149 : i32
        %or3A_169 = arith.constant false
        %or3A_170 = arith.ori %or3A_169, %ne3A_168 : i1
        %or3A_171 = arith.constant false
        %or3A_172 = arith.ori %or3A_170, %or3A_171 : i1
        %ge3A_173 = arith.constant 39 : i32
        %ge3A_174 = arith.cmpi sge, %scan3A_121, %ge3A_173 : i32
        %not3A_175 = arith.constant true
        %not3A_176 = arith.xori %ge3A_174, %not3A_175 : i1
        %and3A_177 = arith.andi %or3A_172, %not3A_176 : i1
        %ne3A_178 = arith.cmpi ne, %add3A_131, %add3A_140 : i32
        %or3A_179 = arith.constant false
        %or3A_180 = arith.ori %or3A_179, %ne3A_178 : i1
        %or3A_181 = arith.ori %or3A_180, %eq3A_128 : i1
        %convert_element_type3A_182 = arith.extui %or3A_181 : i1 to i32
        %cond3A_183 = arith.constant 0 : i32
        %cond3A_184 = arith.cmpi ne, %convert_element_type3A_182, %cond3A_183 : i32
        scf.if %cond3A_184 {
          "tpu.trace_start"() <{level = 10 : i32, message = "ep_wait_in"}> : () -> ()
          %mul3A_264 = arith.constant 128 : i32
          %mul3A_265 = arith.muli %mul3A_264, %add3A_131 : i32
          %rem3A_266 = arith.constant 2 : i32
          %rem3A_267 = arith.remui %scan3A_123, %rem3A_266 : i32
          %dma_wait3A_268 = arith.constant 0 : i32
          %dma_wait3A_269 = arith.constant 0 : i32
          %dma_wait3A_270 = tpu.memref_slice %run_scoped3A[%rem3A_267, %dma_wait3A_268, %dma_wait3A_269] : memref<2x1x128xi32, #tpu.memory_space<vmem>> -> memref<1x1x128xi32, #tpu.memory_space<vmem>>
          %dma_wait3A_271 = tpu.memref_squeeze %dma_wait3A_270 : memref<1x1x128xi32, #tpu.memory_space<vmem>> -> memref<1x128xi32, #tpu.memory_space<vmem>>
          %dma_wait3A_272 = arith.constant 0 : i32
          %dma_wait3A_273 = tpu.memref_slice %arg3[%dma_wait3A_272, %mul3A_265] : memref<1x163840xi32, #tpu.memory_space<hbm>> -> memref<1x128xi32, #tpu.memory_space<hbm>>
          %dma_wait3A_274 = tpu.memref_slice %run_scoped3A_7[%rem3A_267] : memref<2x!tpu.dma_semaphore, #tpu.memory_space<semaphore_mem>> -> memref<1x!tpu.dma_semaphore, #tpu.memory_space<semaphore_mem>>
          %dma_wait3A_275 = tpu.memref_squeeze %dma_wait3A_274 : memref<1x!tpu.dma_semaphore, #tpu.memory_space<semaphore_mem>> -> memref<!tpu.dma_semaphore, #tpu.memory_space<semaphore_mem>>
          %dma_wait3A_276 = arith.constant 0 : i32
          %dma_wait3A_277 = arith.constant 0 : i32
          %dma_wait3A_278 = tpu.memref_slice %run_scoped3A[%rem3A_267, %dma_wait3A_276, %dma_wait3A_277] : memref<2x1x128xi32, #tpu.memory_space<vmem>> -> memref<1x1x128xi32, #tpu.memory_space<vmem>>
          %dma_wait3A_279 = tpu.memref_squeeze %dma_wait3A_278 : memref<1x1x128xi32, #tpu.memory_space<vmem>> -> memref<1x128xi32, #tpu.memory_space<vmem>>
          %dma_wait3A_280 = arith.constant 0 : i32
          %dma_wait3A_281 = tpu.memref_slice %arg3[%dma_wait3A_280, %mul3A_265] : memref<1x163840xi32, #tpu.memory_space<hbm>> -> memref<1x128xi32, #tpu.memory_space<hbm>>
          tpu.wait_dma2 semaphore(%dma_wait3A_275 : memref<!tpu.dma_semaphore, #tpu.memory_space<semaphore_mem>>) src(%dma_wait3A_281 : memref<1x128xi32, #tpu.memory_space<hbm>>) dst(%dma_wait3A_279 : memref<1x128xi32, #tpu.memory_space<vmem>>)
          "tpu.trace_stop"() : () -> ()
        } else {
        }
        %ne3A_185 = arith.cmpi ne, %add3A_131, %add3A_140 : i32
        %or3A_186 = arith.constant false
        %or3A_187 = arith.ori %or3A_186, %ne3A_185 : i1
        %or3A_188 = arith.constant false
        %or3A_189 = arith.ori %or3A_187, %or3A_188 : i1
        %or3A_190 = arith.ori %or3A_189, %eq3A_128 : i1
        %convert_element_type3A_191 = arith.extui %or3A_190 : i1 to i32
        %cond3A_192 = arith.constant 0 : i32
        %cond3A_193 = arith.cmpi ne, %convert_element_type3A_191, %cond3A_192 : i32
        scf.if %cond3A_193 {
        } else {
        }
        %rem3A_194 = arith.constant 2 : i32
        %rem3A_195 = arith.remui %scan3A_123, %rem3A_194 : i32
        %rem3A_196 = arith.constant 2 : i32
        %rem3A_197 = arith.remui %scan3A_124, %rem3A_196 : i32
        %run_scoped3A_198 = arith.constant 0 : i32
        "tpu.trace_start"() <{level = 10 : i32, message = "ep_run_kernel"}> : () -> ()
        "tpu.region"() ({
          %run_scoped3A_264 = tpu.sem_alloc : memref<!tpu.dma_semaphore, #tpu.memory_space<semaphore_mem>>
          %dma_start3A_265 = arith.constant 0 : i32
          %dma_start3A_266 = arith.constant 0 : i32
          %dma_start3A_267 = tpu.memref_slice %run_scoped3A_8[%rem3A_197, %dma_start3A_265, %dma_start3A_266] : memref<2x128x128xf32, #tpu.memory_space<vmem>> -> memref<1x128x128xf32, #tpu.memory_space<vmem>>
          %dma_start3A_268 = tpu.memref_squeeze %dma_start3A_267 : memref<1x128x128xf32, #tpu.memory_space<vmem>> -> memref<128x128xf32, #tpu.memory_space<vmem>>
          %dma_start3A_269 = arith.constant 0 : i32
          %dma_start3A_270 = arith.constant 0 : i32
          %dma_start3A_271 = tpu.memref_slice %run_scoped3A[%rem3A_195, %dma_start3A_269, %dma_start3A_270] : memref<2x1x128xi32, #tpu.memory_space<vmem>> -> memref<1x1x128xi32, #tpu.memory_space<vmem>>
          %dma_start3A_272 = tpu.memref_squeeze %dma_start3A_271 : memref<1x1x128xi32, #tpu.memory_space<vmem>> -> memref<1x128xi32, #tpu.memory_space<vmem>>
          %dma_start3A_273 = arith.constant 0 : i32
          %dma_start3A_274 = tpu.memref_slice %dma_start3A_272[%run_scoped3A_198, %dma_start3A_273] : memref<1x128xi32, #tpu.memory_space<vmem>> -> memref<1x128xi32, #tpu.memory_space<vmem>>
          %dma_start3A_275 = tpu.memref_squeeze %dma_start3A_274 : memref<1x128xi32, #tpu.memory_space<vmem>> -> memref<128xi32, #tpu.memory_space<vmem>>
          %dma_start3A_276 = arith.constant 0 : i32
          %dma_start3A_277 = arith.constant 0 : i32
          %dma_start3A_278 = tpu.memref_slice %arg2[%dma_start3A_276, %dma_start3A_277] : memref<8192x128xf32, #tpu.memory_space<hbm>> -> memref<8192x128xf32, #tpu.memory_space<hbm>>
          tpu.enqueue_indirect_dma source(%dma_start3A_278 : memref<8192x128xf32, #tpu.memory_space<hbm>>) target(%dma_start3A_268 : memref<128x128xf32, #tpu.memory_space<vmem>>) offsets(%dma_start3A_275 : memref<128xi32, #tpu.memory_space<vmem>>) semaphore(%run_scoped3A_264 : memref<!tpu.dma_semaphore, #tpu.memory_space<semaphore_mem>>)
          %dma_wait3A_279 = arith.constant 0 : i32
          %dma_wait3A_280 = arith.constant 0 : i32
          %dma_wait3A_281 = tpu.memref_slice %run_scoped3A_8[%rem3A_197, %dma_wait3A_279, %dma_wait3A_280] : memref<2x128x128xf32, #tpu.memory_space<vmem>> -> memref<1x128x128xf32, #tpu.memory_space<vmem>>
          %dma_wait3A_282 = tpu.memref_squeeze %dma_wait3A_281 : memref<1x128x128xf32, #tpu.memory_space<vmem>> -> memref<128x128xf32, #tpu.memory_space<vmem>>
          %dma_wait3A_283 = arith.constant 0 : i32
          %dma_wait3A_284 = arith.constant 0 : i32
          %dma_wait3A_285 = tpu.memref_slice %run_scoped3A[%rem3A_195, %dma_wait3A_283, %dma_wait3A_284] : memref<2x1x128xi32, #tpu.memory_space<vmem>> -> memref<1x1x128xi32, #tpu.memory_space<vmem>>
          %dma_wait3A_286 = tpu.memref_squeeze %dma_wait3A_285 : memref<1x1x128xi32, #tpu.memory_space<vmem>> -> memref<1x128xi32, #tpu.memory_space<vmem>>
          %dma_wait3A_287 = arith.constant 0 : i32
          %dma_wait3A_288 = tpu.memref_slice %dma_wait3A_286[%run_scoped3A_198, %dma_wait3A_287] : memref<1x128xi32, #tpu.memory_space<vmem>> -> memref<1x128xi32, #tpu.memory_space<vmem>>
          %dma_wait3A_289 = tpu.memref_squeeze %dma_wait3A_288 : memref<1x128xi32, #tpu.memory_space<vmem>> -> memref<128xi32, #tpu.memory_space<vmem>>
          %dma_wait3A_290 = arith.constant 0 : i32
          %dma_wait3A_291 = arith.constant 0 : i32
          %dma_wait3A_292 = tpu.memref_slice %arg2[%dma_wait3A_290, %dma_wait3A_291] : memref<8192x128xf32, #tpu.memory_space<hbm>> -> memref<8192x128xf32, #tpu.memory_space<hbm>>
          tpu.wait_indirect_dma semaphore(%run_scoped3A_264 : memref<!tpu.dma_semaphore, #tpu.memory_space<semaphore_mem>>) src(%dma_wait3A_292 : memref<8192x128xf32, #tpu.memory_space<hbm>>) dst(%dma_wait3A_282 : memref<128x128xf32, #tpu.memory_space<vmem>>)
          tpu.yield
        }) : () -> ()
        "tpu.trace_stop"() : () -> ()
        %ne3A_199 = arith.cmpi ne, %add3A_131, %add3A_149 : i32
        %or3A_200 = arith.constant false
        %or3A_201 = arith.ori %or3A_200, %ne3A_199 : i1
        %or3A_202 = arith.ori %or3A_201, %eq3A_130 : i1
        %convert_element_type3A_203 = arith.extui %or3A_202 : i1 to i32
        %cond3A_204 = arith.constant 0 : i32
        %cond3A_205 = arith.cmpi ne, %convert_element_type3A_203, %cond3A_204 : i32
        scf.if %cond3A_205 {
        } else {
        }
        %and3A_206 = arith.constant false
        %and3A_207 = arith.andi %or3A_202, %and3A_206 : i1
        %ne3A_208 = arith.cmpi ne, %add3A_131, %add3A_149 : i32
        %or3A_209 = arith.constant false
        %or3A_210 = arith.ori %or3A_209, %ne3A_208 : i1
        %or3A_211 = arith.constant false
        %or3A_212 = arith.ori %or3A_210, %or3A_211 : i1
        %or3A_213 = arith.ori %or3A_212, %eq3A_130 : i1
        %convert_element_type3A_214 = arith.extui %or3A_213 : i1 to i32
        %cond3A_215 = arith.constant 0 : i32
        %cond3A_216 = arith.cmpi ne, %convert_element_type3A_214, %cond3A_215 : i32
        scf.if %cond3A_216 {
          "tpu.trace_start"() <{level = 10 : i32, message = "ep_copy_out"}> : () -> ()
          %rem3A_264 = arith.constant 2 : i32
          %rem3A_265 = arith.remui %scan3A_124, %rem3A_264 : i32
          %mul3A_266 = arith.constant 128 : i32
          %mul3A_267 = arith.muli %mul3A_266, %add3A_131 : i32
          %dma_start3A_268 = arith.constant 0 : i32
          %dma_start3A_269 = arith.constant 0 : i32
          %dma_start3A_270 = tpu.memref_slice %run_scoped3A_8[%rem3A_265, %dma_start3A_268, %dma_start3A_269] : memref<2x128x128xf32, #tpu.memory_space<vmem>> -> memref<1x128x128xf32, #tpu.memory_space<vmem>>
          %dma_start3A_271 = tpu.memref_squeeze %dma_start3A_270 : memref<1x128x128xf32, #tpu.memory_space<vmem>> -> memref<128x128xf32, #tpu.memory_space<vmem>>
          %dma_start3A_272 = arith.constant 0 : i32
          %dma_start3A_273 = tpu.memref_slice %arg4[%mul3A_267, %dma_start3A_272] : memref<163840x128xf32, #tpu.memory_space<hbm>> -> memref<128x128xf32, #tpu.memory_space<hbm>>
          %dma_start3A_274 = tpu.memref_slice %run_scoped3A_9[%rem3A_265] : memref<2x!tpu.dma_semaphore, #tpu.memory_space<semaphore_mem>> -> memref<1x!tpu.dma_semaphore, #tpu.memory_space<semaphore_mem>>
          %dma_start3A_275 = tpu.memref_squeeze %dma_start3A_274 : memref<1x!tpu.dma_semaphore, #tpu.memory_space<semaphore_mem>> -> memref<!tpu.dma_semaphore, #tpu.memory_space<semaphore_mem>>
          %dma_start3A_276 = arith.constant 0 : i32
          %dma_start3A_277 = tpu.memref_slice %arg4[%mul3A_267, %dma_start3A_276] : memref<163840x128xf32, #tpu.memory_space<hbm>> -> memref<128x128xf32, #tpu.memory_space<hbm>>
          %dma_start3A_278 = arith.constant 0 : i32
          %dma_start3A_279 = arith.constant 0 : i32
          %dma_start3A_280 = tpu.memref_slice %run_scoped3A_8[%rem3A_265, %dma_start3A_278, %dma_start3A_279] : memref<2x128x128xf32, #tpu.memory_space<vmem>> -> memref<1x128x128xf32, #tpu.memory_space<vmem>>
          %dma_start3A_281 = tpu.memref_squeeze %dma_start3A_280 : memref<1x128x128xf32, #tpu.memory_space<vmem>> -> memref<128x128xf32, #tpu.memory_space<vmem>>
          tpu.enqueue_dma source(%dma_start3A_281 : memref<128x128xf32, #tpu.memory_space<vmem>>) target(%dma_start3A_277 : memref<128x128xf32, #tpu.memory_space<hbm>>) target_semaphore(%dma_start3A_275 : memref<!tpu.dma_semaphore, #tpu.memory_space<semaphore_mem>>)
          "tpu.trace_stop"() : () -> ()
        } else {
        }
        %and3A_217 = arith.constant true
        %and3A_218 = arith.andi %or3A_213, %and3A_217 : i1
        %add3A_219 = arith.constant 1 : i32
        %add3A_220 = arith.addi %scan3A_124, %add3A_219 : i32
        %select_n3A_221 = arith.select %and3A_218, %add3A_220, %scan3A_124 : i32
        %ne3A_222 = arith.cmpi ne, %add3A_131, %add3A_140 : i32
        %or3A_223 = arith.constant false
        %or3A_224 = arith.ori %or3A_223, %ne3A_222 : i1
        %not3A_225 = arith.constant true
        %not3A_226 = arith.xori %eq3A_128, %not3A_225 : i1
        %and3A_227 = arith.andi %or3A_224, %not3A_226 : i1
        %convert_element_type3A_228 = arith.extui %and3A_227 : i1 to i32
        %cond3A_229 = arith.constant 0 : i32
        %cond3A_230 = arith.cmpi ne, %convert_element_type3A_228, %cond3A_229 : i32
        scf.if %cond3A_230 {
        } else {
        }
        %and3A_231 = arith.constant false
        %and3A_232 = arith.andi %and3A_227, %and3A_231 : i1
        %ne3A_233 = arith.cmpi ne, %add3A_131, %add3A_140 : i32
        %or3A_234 = arith.constant false
        %or3A_235 = arith.ori %or3A_234, %ne3A_233 : i1
        %or3A_236 = arith.constant false
        %or3A_237 = arith.ori %or3A_235, %or3A_236 : i1
        %not3A_238 = arith.constant true
        %not3A_239 = arith.xori %eq3A_128, %not3A_238 : i1
        %and3A_240 = arith.andi %or3A_237, %not3A_239 : i1
        %convert_element_type3A_241 = arith.extui %and3A_240 : i1 to i32
        %cond3A_242 = arith.constant 0 : i32
        %cond3A_243 = arith.cmpi ne, %convert_element_type3A_241, %cond3A_242 : i32
        scf.if %cond3A_243 {
          "tpu.trace_start"() <{level = 10 : i32, message = "ep_wait_out"}> : () -> ()
          %rem3A_264 = arith.constant 2 : i32
          %rem3A_265 = arith.remui %scan3A_125, %rem3A_264 : i32
          %mul3A_266 = arith.constant 128 : i32
          %mul3A_267 = arith.muli %mul3A_266, %add3A_140 : i32
          %dma_wait3A_268 = arith.constant 0 : i32
          %dma_wait3A_269 = arith.constant 0 : i32
          %dma_wait3A_270 = tpu.memref_slice %run_scoped3A_8[%rem3A_265, %dma_wait3A_268, %dma_wait3A_269] : memref<2x128x128xf32, #tpu.memory_space<vmem>> -> memref<1x128x128xf32, #tpu.memory_space<vmem>>
          %dma_wait3A_271 = tpu.memref_squeeze %dma_wait3A_270 : memref<1x128x128xf32, #tpu.memory_space<vmem>> -> memref<128x128xf32, #tpu.memory_space<vmem>>
          %dma_wait3A_272 = arith.constant 0 : i32
          %dma_wait3A_273 = tpu.memref_slice %arg4[%mul3A_267, %dma_wait3A_272] : memref<163840x128xf32, #tpu.memory_space<hbm>> -> memref<128x128xf32, #tpu.memory_space<hbm>>
          %dma_wait3A_274 = tpu.memref_slice %run_scoped3A_9[%rem3A_265] : memref<2x!tpu.dma_semaphore, #tpu.memory_space<semaphore_mem>> -> memref<1x!tpu.dma_semaphore, #tpu.memory_space<semaphore_mem>>
          %dma_wait3A_275 = tpu.memref_squeeze %dma_wait3A_274 : memref<1x!tpu.dma_semaphore, #tpu.memory_space<semaphore_mem>> -> memref<!tpu.dma_semaphore, #tpu.memory_space<semaphore_mem>>
          %dma_wait3A_276 = arith.constant 0 : i32
          %dma_wait3A_277 = tpu.memref_slice %arg4[%mul3A_267, %dma_wait3A_276] : memref<163840x128xf32, #tpu.memory_space<hbm>> -> memref<128x128xf32, #tpu.memory_space<hbm>>
          %dma_wait3A_278 = arith.constant 0 : i32
          %dma_wait3A_279 = arith.constant 0 : i32
          %dma_wait3A_280 = tpu.memref_slice %run_scoped3A_8[%rem3A_265, %dma_wait3A_278, %dma_wait3A_279] : memref<2x128x128xf32, #tpu.memory_space<vmem>> -> memref<1x128x128xf32, #tpu.memory_space<vmem>>
          %dma_wait3A_281 = tpu.memref_squeeze %dma_wait3A_280 : memref<1x128x128xf32, #tpu.memory_space<vmem>> -> memref<128x128xf32, #tpu.memory_space<vmem>>
          tpu.wait_dma2 semaphore(%dma_wait3A_275 : memref<!tpu.dma_semaphore, #tpu.memory_space<semaphore_mem>>) src(%dma_wait3A_281 : memref<128x128xf32, #tpu.memory_space<vmem>>) dst(%dma_wait3A_277 : memref<128x128xf32, #tpu.memory_space<hbm>>)
          "tpu.trace_stop"() : () -> ()
        } else {
        }
        %and3A_244 = arith.constant true
        %and3A_245 = arith.andi %and3A_240, %and3A_244 : i1
        %add3A_246 = arith.constant 1 : i32
        %add3A_247 = arith.addi %scan3A_125, %add3A_246 : i32
        %select_n3A_248 = arith.select %and3A_245, %add3A_247, %scan3A_125 : i32
        %ne3A_249 = arith.cmpi ne, %add3A_131, %add3A_149 : i32
        %or3A_250 = arith.constant false
        %or3A_251 = arith.ori %or3A_250, %ne3A_249 : i1
        %or3A_252 = arith.ori %or3A_251, %eq3A_130 : i1
        %add3A_253 = arith.constant 1 : i32
        %add3A_254 = arith.addi %scan3A_123, %add3A_253 : i32
        %select_n3A_255 = arith.select %or3A_252, %add3A_254, %scan3A_123 : i32
        %add3A_256 = arith.constant 1 : i32
        %add3A_257 = arith.addi %scan3A_126, %add3A_256 : i32
        %select_n3A_258 = arith.constant true
        %select_n3A_259 = arith.select %select_n3A_258, %add3A_257, %scan3A_126 : i32
        %eq3A_260 = arith.constant 40 : i32
        %eq3A_261 = arith.cmpi eq, %select_n3A_259, %eq3A_260 : i32
        %select_n3A_262 = arith.constant 0 : i32
        %select_n3A_263 = arith.select %eq3A_261, %select_n3A_262, %select_n3A_259 : i32
        scf.yield %select_n3A_167, %select_n3A_255, %select_n3A_221, %select_n3A_248, %select_n3A_263 : i32, i32, i32, i32, i32
      }
      %scan3A_68 = arith.constant 40 : i32
      %sub3A = arith.constant 1 : i32
      %sub3A_69 = arith.subi %scan3A_67#4, %sub3A : i32
      %select_n3A_70 = arith.constant true
      %select_n3A_71 = arith.select %select_n3A_70, %sub3A_69, %scan3A_67#4 : i32
      %eq3A_72 = arith.constant -1 : i32
      %eq3A_73 = arith.cmpi eq, %select_n3A_71, %eq3A_72 : i32
      %select_n3A_74 = arith.constant 39 : i32
      %select_n3A_75 = arith.select %eq3A_73, %select_n3A_74, %select_n3A_71 : i32
      %add3A_76 = arith.addi %select_n3A_75, %mul3A_6 : i32
      %sub3A_77 = arith.constant 1 : i32
      %sub3A_78 = arith.subi %select_n3A_75, %sub3A_77 : i32
      %select_n3A_79 = arith.constant true
      %select_n3A_80 = arith.select %select_n3A_79, %sub3A_78, %select_n3A_75 : i32
      %eq3A_81 = arith.constant -1 : i32
      %eq3A_82 = arith.cmpi eq, %select_n3A_80, %eq3A_81 : i32
      %select_n3A_83 = arith.constant 39 : i32
      %select_n3A_84 = arith.select %eq3A_82, %select_n3A_83, %select_n3A_80 : i32
      %add3A_85 = arith.addi %select_n3A_84, %mul3A_6 : i32
      %add3A_86 = arith.constant 1 : i32
      %add3A_87 = arith.addi %select_n3A_75, %add3A_86 : i32
      %select_n3A_88 = arith.constant true
      %select_n3A_89 = arith.select %select_n3A_88, %add3A_87, %select_n3A_75 : i32
      %eq3A_90 = arith.constant 40 : i32
      %eq3A_91 = arith.cmpi eq, %select_n3A_89, %eq3A_90 : i32
      %select_n3A_92 = arith.constant 0 : i32
      %select_n3A_93 = arith.select %eq3A_91, %select_n3A_92, %select_n3A_89 : i32
      %add3A_94 = arith.addi %select_n3A_93, %mul3A_6 : i32
      %add3A_95 = arith.constant 1 : i32
      %add3A_96 = arith.addi %select_n3A_93, %add3A_95 : i32
      %select_n3A_97 = arith.constant true
      %select_n3A_98 = arith.select %select_n3A_97, %add3A_96, %select_n3A_93 : i32
      %eq3A_99 = arith.constant 40 : i32
      %eq3A_100 = arith.cmpi eq, %select_n3A_98, %eq3A_99 : i32
      %select_n3A_101 = arith.constant 0 : i32
      %select_n3A_102 = arith.select %eq3A_100, %select_n3A_101, %select_n3A_98 : i32
      %add3A_103 = arith.addi %select_n3A_102, %mul3A_6 : i32
      "tpu.trace_start"() <{level = 10 : i32, message = "ep_finalize"}> : () -> ()
      %rem3A_104 = arith.constant 2 : i32
      %rem3A_105 = arith.remui %scan3A_67#3, %rem3A_104 : i32
      %mul3A_106 = arith.constant 128 : i32
      %mul3A_107 = arith.muli %mul3A_106, %add3A_76 : i32
      %dma_wait3A = arith.constant 0 : i32
      %dma_wait3A_108 = arith.constant 0 : i32
      %dma_wait3A_109 = tpu.memref_slice %run_scoped3A_8[%rem3A_105, %dma_wait3A, %dma_wait3A_108] : memref<2x128x128xf32, #tpu.memory_space<vmem>> -> memref<1x128x128xf32, #tpu.memory_space<vmem>>
      %dma_wait3A_110 = tpu.memref_squeeze %dma_wait3A_109 : memref<1x128x128xf32, #tpu.memory_space<vmem>> -> memref<128x128xf32, #tpu.memory_space<vmem>>
      %dma_wait3A_111 = arith.constant 0 : i32
      %dma_wait3A_112 = tpu.memref_slice %arg4[%mul3A_107, %dma_wait3A_111] : memref<163840x128xf32, #tpu.memory_space<hbm>> -> memref<128x128xf32, #tpu.memory_space<hbm>>
      %dma_wait3A_113 = tpu.memref_slice %run_scoped3A_9[%rem3A_105] : memref<2x!tpu.dma_semaphore, #tpu.memory_space<semaphore_mem>> -> memref<1x!tpu.dma_semaphore, #tpu.memory_space<semaphore_mem>>
      %dma_wait3A_114 = tpu.memref_squeeze %dma_wait3A_113 : memref<1x!tpu.dma_semaphore, #tpu.memory_space<semaphore_mem>> -> memref<!tpu.dma_semaphore, #tpu.memory_space<semaphore_mem>>
      %dma_wait3A_115 = arith.constant 0 : i32
      %dma_wait3A_116 = tpu.memref_slice %arg4[%mul3A_107, %dma_wait3A_115] : memref<163840x128xf32, #tpu.memory_space<hbm>> -> memref<128x128xf32, #tpu.memory_space<hbm>>
      %dma_wait3A_117 = arith.constant 0 : i32
      %dma_wait3A_118 = arith.constant 0 : i32
      %dma_wait3A_119 = tpu.memref_slice %run_scoped3A_8[%rem3A_105, %dma_wait3A_117, %dma_wait3A_118] : memref<2x128x128xf32, #tpu.memory_space<vmem>> -> memref<1x128x128xf32, #tpu.memory_space<vmem>>
      %dma_wait3A_120 = tpu.memref_squeeze %dma_wait3A_119 : memref<1x128x128xf32, #tpu.memory_space<vmem>> -> memref<128x128xf32, #tpu.memory_space<vmem>>
      tpu.wait_dma2 semaphore(%dma_wait3A_114 : memref<!tpu.dma_semaphore, #tpu.memory_space<semaphore_mem>>) src(%dma_wait3A_120 : memref<128x128xf32, #tpu.memory_space<vmem>>) dst(%dma_wait3A_116 : memref<128x128xf32, #tpu.memory_space<hbm>>)
      "tpu.trace_stop"() : () -> ()
      tpu.yield
    }) : () -> ()
    return
  }
}

#map = affine_map<(d0, d1) -> (0, 0)>
module attributes {stable_mosaic.version = 14 : i64} {
  func.func @k(%arg0: i32, %arg1: i32, %arg2: memref<8192x128xf32, #tpu.memory_space<hbm>>, %arg3: memref<1x163840xi32, #tpu.memory_space<hbm>>, %arg4: memref<163840x128xf32, #tpu.memory_space<hbm>>) attributes {dimension_semantics = [#tpu.dimension_semantics<core_parallel>, #tpu.dimension_semantics<subcore_parallel>], iteration_bounds = array<i64: 2, 16>, scalar_prefetch = 0 : i64, scratch_operands = 0 : i64, tpu.core_type = #tpu.core_type<sc_vector_subcore>, window_params = [{transform_indices = #map}, {transform_indices = #map}, {transform_indices = #map}]} {
    %mul3A = arith.constant 1 : i32
    %mul3A_0 = arith.muli %arg1, %mul3A : i32
    %add3A = arith.constant 0 : i32
    %add3A_1 = arith.addi %add3A, %mul3A_0 : i32
    %mul3A_2 = arith.constant 16 : i32
    %mul3A_3 = arith.muli %arg0, %mul3A_2 : i32
    %add3A_4 = arith.addi %add3A_1, %mul3A_3 : i32
    %mul3A_5 = arith.constant 40 : i32
    %mul3A_6 = arith.muli %add3A_4, %mul3A_5 : i32
    "tpu.region"() ({
      %run_scoped3A = memref.alloca() : memref<2x1x128xi32, #tpu.memory_space<vmem>>
      %run_scoped3A_7 = tpu.sem_alloc : memref<2x!tpu.dma_semaphore, #tpu.memory_space<semaphore_mem>>
      %run_scoped3A_8 = memref.alloca() : memref<2x128x128xf32, #tpu.memory_space<vmem>>
      %run_scoped3A_9 = tpu.sem_alloc : memref<2x!tpu.dma_semaphore, #tpu.memory_space<semaphore_mem>>
      %add3A_10 = arith.constant 0 : i32
      %add3A_11 = arith.addi %add3A_10, %mul3A_6 : i32
      %select_n3A = arith.constant true
      %select_n3A_12 = arith.constant 0 : i32
      %select_n3A_13 = arith.constant -1 : i32
      %select_n3A_14 = arith.select %select_n3A, %select_n3A_13, %select_n3A_12 : i32
      %eq3A = arith.constant -1 : i32
      %eq3A_15 = arith.cmpi eq, %select_n3A_14, %eq3A : i32
      %select_n3A_16 = arith.constant 39 : i32
      %select_n3A_17 = arith.select %eq3A_15, %select_n3A_16, %select_n3A_14 : i32
      %add3A_18 = arith.addi %select_n3A_17, %mul3A_6 : i32
      %select_n3A_19 = arith.constant true
      %select_n3A_20 = arith.constant 0 : i32
      %select_n3A_21 = arith.constant 1 : i32
      %select_n3A_22 = arith.select %select_n3A_19, %select_n3A_21, %select_n3A_20 : i32
      %eq3A_23 = arith.constant 40 : i32
      %eq3A_24 = arith.cmpi eq, %select_n3A_22, %eq3A_23 : i32
      %select_n3A_25 = arith.constant 0 : i32
      %select_n3A_26 = arith.select %eq3A_24, %select_n3A_25, %select_n3A_22 : i32
      %add3A_27 = arith.addi %select_n3A_26, %mul3A_6 : i32
      %add3A_28 = arith.constant 1 : i32
      %add3A_29 = arith.addi %select_n3A_26, %add3A_28 : i32
      %select_n3A_30 = arith.constant true
      %select_n3A_31 = arith.select %select_n3A_30, %add3A_29, %select_n3A_26 : i32
      %eq3A_32 = arith.constant 40 : i32
      %eq3A_33 = arith.cmpi eq, %select_n3A_31, %eq3A_32 : i32
      %select_n3A_34 = arith.constant 0 : i32
      %select_n3A_35 = arith.select %eq3A_33, %select_n3A_34, %select_n3A_31 : i32
      %add3A_36 = arith.addi %select_n3A_35, %mul3A_6 : i32
      "tpu.trace_start"() <{level = 10 : i32, message = "ep_initialize_0"}> : () -> ()
      %rem3A = arith.constant 0 : i32
      %rem3A_37 = arith.constant 2 : i32
      %rem3A_38 = arith.remui %rem3A, %rem3A_37 : i32
      %mul3A_39 = arith.constant 128 : i32
      %mul3A_40 = arith.muli %mul3A_39, %add3A_11 : i32
      %dma_start3A = arith.constant 0 : i32
      %dma_start3A_41 = arith.constant 0 : i32
      %dma_start3A_42 = tpu.memref_slice %run_scoped3A[%rem3A_38, %dma_start3A, %dma_start3A_41] : memref<2x1x128xi32, #tpu.memory_space<vmem>> -> memref<1x1x128xi32, #tpu.memory_space<vmem>>
      %dma_start3A_43 = tpu.memref_squeeze %dma_start3A_42 : memref<1x1x128xi32, #tpu.memory_space<vmem>> -> memref<1x128xi32, #tpu.memory_space<vmem>>
      %dma_start3A_44 = arith.constant 0 : i32
      %dma_start3A_45 = tpu.memref_slice %arg3[%dma_start3A_44, %mul3A_40] : memref<1x163840xi32, #tpu.memory_space<hbm>> -> memref<1x128xi32, #tpu.memory_space<hbm>>
      %dma_start3A_46 = tpu.memref_slice %run_scoped3A_7[%rem3A_38] : memref<2x!tpu.dma_semaphore, #tpu.memory_space<semaphore_mem>> -> memref<1x!tpu.dma_semaphore, #tpu.memory_space<semaphore_mem>>
      %dma_start3A_47 = tpu.memref_squeeze %dma_start3A_46 : memref<1x!tpu.dma_semaphore, #tpu.memory_space<semaphore_mem>> -> memref<!tpu.dma_semaphore, #tpu.memory_space<semaphore_mem>>
      %dma_start3A_48 = arith.constant 0 : i32
      %dma_start3A_49 = arith.constant 0 : i32
      %dma_start3A_50 = tpu.memref_slice %run_scoped3A[%rem3A_38, %dma_start3A_48, %dma_start3A_49] : memref<2x1x128xi32, #tpu.memory_space<vmem>> -> memref<1x1x128xi32, #tpu.memory_space<vmem>>
      %dma_start3A_51 = tpu.memref_squeeze %dma_start3A_50 : memref<1x1x128xi32, #tpu.memory_space<vmem>> -> memref<1x128xi32, #tpu.memory_space<vmem>>
      %dma_start3A_52 = arith.constant 0 : i32
      %dma_start3A_53 = tpu.memref_slice %arg3[%dma_start3A_52, %mul3A_40] : memref<1x163840xi32, #tpu.memory_space<hbm>> -> memref<1x128xi32, #tpu.memory_space<hbm>>
      tpu.enqueue_dma source(%dma_start3A_53 : memref<1x128xi32, #tpu.memory_space<hbm>>) target(%dma_start3A_51 : memref<1x128xi32, #tpu.memory_space<vmem>>) target_semaphore(%dma_start3A_47 : memref<!tpu.dma_semaphore, #tpu.memory_space<semaphore_mem>>)
      %add3A_54 = arith.constant 0 : i32
      %add3A_55 = arith.constant 1 : i32
      %add3A_56 = arith.addi %add3A_54, %add3A_55 : i32
      %select_n3A_57 = arith.constant true
      %select_n3A_58 = arith.constant 0 : i32
      %select_n3A_59 = arith.select %select_n3A_57, %add3A_56, %select_n3A_58 : i32
      "tpu.trace_stop"() : () -> ()
      %scan3A = arith.constant 0 : i32
      %scan3A_60 = arith.constant 0 : i32
      %scan3A_61 = arith.constant 0 : i32
      %scan3A_62 = arith.constant 0 : i32
      %scan3A_63 = arith.constant 0 : i32
      %scan3A_64 = arith.constant 40 : i32
      %scan3A_65 = arith.addi %scan3A_63, %scan3A_64 : i32
      %scan3A_66 = arith.constant 1 : i32
      %scan3A_67:5 = scf.for %scan3A_121 = %scan3A_63 to %scan3A_65 step %scan3A_66 iter_args(%scan3A_122 = %select_n3A_59, %scan3A_123 = %scan3A, %scan3A_124 = %scan3A_60, %scan3A_125 = %scan3A_61, %scan3A_126 = %scan3A_62) -> (i32, i32, i32, i32, i32)  : i32 {
        %eq3A_127 = arith.constant 0 : i32
        %eq3A_128 = arith.cmpi eq, %scan3A_121, %eq3A_127 : i32
        %eq3A_129 = arith.constant 39 : i32
        %eq3A_130 = arith.cmpi eq, %scan3A_121, %eq3A_129 : i32
        %add3A_131 = arith.addi %scan3A_126, %mul3A_6 : i32
        %sub3A_132 = arith.constant 1 : i32
        %sub3A_133 = arith.subi %scan3A_126, %sub3A_132 : i32
        %select_n3A_134 = arith.constant true
        %select_n3A_135 = arith.select %select_n3A_134, %sub3A_133, %scan3A_126 : i32
        %eq3A_136 = arith.constant -1 : i32
        %eq3A_137 = arith.cmpi eq, %select_n3A_135, %eq3A_136 : i32
        %select_n3A_138 = arith.constant 39 : i32
        %select_n3A_139 = arith.select %eq3A_137, %select_n3A_138, %select_n3A_135 : i32
        %add3A_140 = arith.addi %select_n3A_139, %mul3A_6 : i32
        %add3A_141 = arith.constant 1 : i32
        %add3A_142 = arith.addi %scan3A_126, %add3A_141 : i32
        %select_n3A_143 = arith.constant true
        %select_n3A_144 = arith.select %select_n3A_143, %add3A_142, %scan3A_126 : i32
        %eq3A_145 = arith.constant 40 : i32
        %eq3A_146 = arith.cmpi eq, %select_n3A_144, %eq3A_145 : i32
        %select_n3A_147 = arith.constant 0 : i32
        %select_n3A_148 = arith.select %eq3A_146, %select_n3A_147, %select_n3A_144 : i32
        %add3A_149 = arith.addi %select_n3A_148, %mul3A_6 : i32
        %add3A_150 = arith.constant 1 : i32
        %add3A_151 = arith.addi %select_n3A_148, %add3A_150 : i32
        %select_n3A_152 = arith.constant true
        %select_n3A_153 = arith.select %select_n3A_152, %add3A_151, %select_n3A_148 : i32
        %eq3A_154 = arith.constant 40 : i32
        %eq3A_155 = arith.cmpi eq, %select_n3A_153, %eq3A_154 : i32
        %select_n3A_156 = arith.constant 0 : i32
        %select_n3A_157 = arith.select %eq3A_155, %select_n3A_156, %select_n3A_153 : i32
        %add3A_158 = arith.addi %select_n3A_157, %mul3A_6 : i32
        %ne3A = arith.cmpi ne, %add3A_131, %add3A_149 : i32
        %or3A = arith.constant false
        %or3A_159 = arith.ori %or3A, %ne3A : i1
        %ge3A = arith.constant 39 : i32
        %ge3A_160 = arith.cmpi sge, %scan3A_121, %ge3A : i32
        %not3A = arith.constant true
        %not3A_161 = arith.xori %ge3A_160, %not3A : i1
        %and3A = arith.andi %or3A_159, %not3A_161 : i1
        %convert_element_type3A = arith.extui %and3A : i1 to i32
        %cond3A = arith.constant 0 : i32
        %cond3A_162 = arith.cmpi ne, %convert_element_type3A, %cond3A : i32
        scf.if %cond3A_162 {
          "tpu.trace_start"() <{level = 10 : i32, message = "ep_copy_in"}> : () -> ()
          %rem3A_264 = arith.constant 2 : i32
          %rem3A_265 = arith.remui %scan3A_122, %rem3A_264 : i32
          %mul3A_266 = arith.constant 128 : i32
          %mul3A_267 = arith.muli %mul3A_266, %add3A_149 : i32
          %dma_start3A_268 = arith.constant 0 : i32
          %dma_start3A_269 = arith.constant 0 : i32
          %dma_start3A_270 = tpu.memref_slice %run_scoped3A[%rem3A_265, %dma_start3A_268, %dma_start3A_269] : memref<2x1x128xi32, #tpu.memory_space<vmem>> -> memref<1x1x128xi32, #tpu.memory_space<vmem>>
          %dma_start3A_271 = tpu.memref_squeeze %dma_start3A_270 : memref<1x1x128xi32, #tpu.memory_space<vmem>> -> memref<1x128xi32, #tpu.memory_space<vmem>>
          %dma_start3A_272 = arith.constant 0 : i32
          %dma_start3A_273 = tpu.memref_slice %arg3[%dma_start3A_272, %mul3A_267] : memref<1x163840xi32, #tpu.memory_space<hbm>> -> memref<1x128xi32, #tpu.memory_space<hbm>>
          %dma_start3A_274 = tpu.memref_slice %run_scoped3A_7[%rem3A_265] : memref<2x!tpu.dma_semaphore, #tpu.memory_space<semaphore_mem>> -> memref<1x!tpu.dma_semaphore, #tpu.memory_space<semaphore_mem>>
          %dma_start3A_275 = tpu.memref_squeeze %dma_start3A_274 : memref<1x!tpu.dma_semaphore, #tpu.memory_space<semaphore_mem>> -> memref<!tpu.dma_semaphore, #tpu.memory_space<semaphore_mem>>
          %dma_start3A_276 = arith.constant 0 : i32
          %dma_start3A_277 = arith.constant 0 : i32
          %dma_start3A_278 = tpu.memref_slice %run_scoped3A[%rem3A_265, %dma_start3A_276, %dma_start3A_277] : memref<2x1x128xi32, #tpu.memory_space<vmem>> -> memref<1x1x128xi32, #tpu.memory_space<vmem>>
          %dma_start3A_279 = tpu.memref_squeeze %dma_start3A_278 : memref<1x1x128xi32, #tpu.memory_space<vmem>> -> memref<1x128xi32, #tpu.memory_space<vmem>>
          %dma_start3A_280 = arith.constant 0 : i32
          %dma_start3A_281 = tpu.memref_slice %arg3[%dma_start3A_280, %mul3A_267] : memref<1x163840xi32, #tpu.memory_space<hbm>> -> memref<1x128xi32, #tpu.memory_space<hbm>>
          tpu.enqueue_dma source(%dma_start3A_281 : memref<1x128xi32, #tpu.memory_space<hbm>>) target(%dma_start3A_279 : memref<1x128xi32, #tpu.memory_space<vmem>>) target_semaphore(%dma_start3A_275 : memref<!tpu.dma_semaphore, #tpu.memory_space<semaphore_mem>>)
          "tpu.trace_stop"() : () -> ()
        } else {
        }
        %and3A_163 = arith.constant true
        %and3A_164 = arith.andi %and3A, %and3A_163 : i1
        %add3A_165 = arith.constant 1 : i32
        %add3A_166 = arith.addi %scan3A_122, %add3A_165 : i32
        %select_n3A_167 = arith.select %and3A_164, %add3A_166, %scan3A_122 : i32
        %ne3A_168 = arith.cmpi ne, %add3A_131, %add3A_149 : i32
        %or3A_169 = arith.constant false
        %or3A_170 = arith.ori %or3A_169, %ne3A_168 : i1
        %or3A_171 = arith.constant false
        %or3A_172 = arith.ori %or3A_170, %or3A_171 : i1
        %ge3A_173 = arith.constant 39 : i32
        %ge3A_174 = arith.cmpi sge, %scan3A_121, %ge3A_173 : i32
        %not3A_175 = arith.constant true
        %not3A_176 = arith.xori %ge3A_174, %not3A_175 : i1
        %and3A_177 = arith.andi %or3A_172, %not3A_176 : i1
        %ne3A_178 = arith.cmpi ne, %add3A_131, %add3A_140 : i32
        %or3A_179 = arith.constant false
        %or3A_180 = arith.ori %or3A_179, %ne3A_178 : i1
        %or3A_181 = arith.ori %or3A_180, %eq3A_128 : i1
        %convert_element_type3A_182 = arith.extui %or3A_181 : i1 to i32
        %cond3A_183 = arith.constant 0 : i32
        %cond3A_184 = arith.cmpi ne, %convert_element_type3A_182, %cond3A_183 : i32
        scf.if %cond3A_184 {
          "tpu.trace_start"() <{level = 10 : i32, message = "ep_wait_in"}> : () -> ()
          %mul3A_264 = arith.constant 128 : i32
          %mul3A_265 = arith.muli %mul3A_264, %add3A_131 : i32
          %rem3A_266 = arith.constant 2 : i32
          %rem3A_267 = arith.remui %scan3A_123, %rem3A_266 : i32
          %dma_wait3A_268 = arith.constant 0 : i32
          %dma_wait3A_269 = arith.constant 0 : i32
          %dma_wait3A_270 = tpu.memref_slice %run_scoped3A[%rem3A_267, %dma_wait3A_268, %dma_wait3A_269] : memref<2x1x128xi32, #tpu.memory_space<vmem>> -> memref<1x1x128xi32, #tpu.memory_space<vmem>>
          %dma_wait3A_271 = tpu.memref_squeeze %dma_wait3A_270 : memref<1x1x128xi32, #tpu.memory_space<vmem>> -> memref<1x128xi32, #tpu.memory_space<vmem>>
          %dma_wait3A_272 = arith.constant 0 : i32
          %dma_wait3A_273 = tpu.memref_slice %arg3[%dma_wait3A_272, %mul3A_265] : memref<1x163840xi32, #tpu.memory_space<hbm>> -> memref<1x128xi32, #tpu.memory_space<hbm>>
          %dma_wait3A_274 = tpu.memref_slice %run_scoped3A_7[%rem3A_267] : memref<2x!tpu.dma_semaphore, #tpu.memory_space<semaphore_mem>> -> memref<1x!tpu.dma_semaphore, #tpu.memory_space<semaphore_mem>>
          %dma_wait3A_275 = tpu.memref_squeeze %dma_wait3A_274 : memref<1x!tpu.dma_semaphore, #tpu.memory_space<semaphore_mem>> -> memref<!tpu.dma_semaphore, #tpu.memory_space<semaphore_mem>>
          %dma_wait3A_276 = arith.constant 0 : i32
          %dma_wait3A_277 = arith.constant 0 : i32
          %dma_wait3A_278 = tpu.memref_slice %run_scoped3A[%rem3A_267, %dma_wait3A_276, %dma_wait3A_277] : memref<2x1x128xi32, #tpu.memory_space<vmem>> -> memref<1x1x128xi32, #tpu.memory_space<vmem>>
          %dma_wait3A_279 = tpu.memref_squeeze %dma_wait3A_278 : memref<1x1x128xi32, #tpu.memory_space<vmem>> -> memref<1x128xi32, #tpu.memory_space<vmem>>
          %dma_wait3A_280 = arith.constant 0 : i32
          %dma_wait3A_281 = tpu.memref_slice %arg3[%dma_wait3A_280, %mul3A_265] : memref<1x163840xi32, #tpu.memory_space<hbm>> -> memref<1x128xi32, #tpu.memory_space<hbm>>
          tpu.wait_dma2 semaphore(%dma_wait3A_275 : memref<!tpu.dma_semaphore, #tpu.memory_space<semaphore_mem>>) src(%dma_wait3A_281 : memref<1x128xi32, #tpu.memory_space<hbm>>) dst(%dma_wait3A_279 : memref<1x128xi32, #tpu.memory_space<vmem>>)
          "tpu.trace_stop"() : () -> ()
        } else {
        }
        %ne3A_185 = arith.cmpi ne, %add3A_131, %add3A_140 : i32
        %or3A_186 = arith.constant false
        %or3A_187 = arith.ori %or3A_186, %ne3A_185 : i1
        %or3A_188 = arith.constant false
        %or3A_189 = arith.ori %or3A_187, %or3A_188 : i1
        %or3A_190 = arith.ori %or3A_189, %eq3A_128 : i1
        %convert_element_type3A_191 = arith.extui %or3A_190 : i1 to i32
        %cond3A_192 = arith.constant 0 : i32
        %cond3A_193 = arith.cmpi ne, %convert_element_type3A_191, %cond3A_192 : i32
        scf.if %cond3A_193 {
        } else {
        }
        %rem3A_194 = arith.constant 2 : i32
        %rem3A_195 = arith.remui %scan3A_123, %rem3A_194 : i32
        %rem3A_196 = arith.constant 2 : i32
        %rem3A_197 = arith.remui %scan3A_124, %rem3A_196 : i32
        %run_scoped3A_198 = arith.constant 0 : i32
        "tpu.trace_start"() <{level = 10 : i32, message = "ep_run_kernel"}> : () -> ()
        "tpu.region"() ({
          %run_scoped3A_264 = tpu.sem_alloc : memref<!tpu.dma_semaphore, #tpu.memory_space<semaphore_mem>>
          %dma_start3A_265 = arith.constant 0 : i32
          %dma_start3A_266 = arith.constant 0 : i32
          %dma_start3A_267 = tpu.memref_slice %run_scoped3A_8[%rem3A_197, %dma_start3A_265, %dma_start3A_266] : memref<2x128x128xf32, #tpu.memory_space<vmem>> -> memref<1x128x128xf32, #tpu.memory_space<vmem>>
          %dma_start3A_268 = tpu.memref_squeeze %dma_start3A_267 : memref<1x128x128xf32, #tpu.memory_space<vmem>> -> memref<128x128xf32, #tpu.memory_space<vmem>>
          %dma_start3A_269 = arith.constant 0 : i32
          %dma_start3A_270 = arith.constant 0 : i32
          %dma_start3A_271 = tpu.memref_slice %run_scoped3A[%rem3A_195, %dma_start3A_269, %dma_start3A_270] : memref<2x1x128xi32, #tpu.memory_space<vmem>> -> memref<1x1x128xi32, #tpu.memory_space<vmem>>
          %dma_start3A_272 = tpu.memref_squeeze %dma_start3A_271 : memref<1x1x128xi32, #tpu.memory_space<vmem>> -> memref<1x128xi32, #tpu.memory_space<vmem>>
          %dma_start3A_273 = arith.constant 0 : i32
          %dma_start3A_274 = tpu.memref_slice %dma_start3A_272[%run_scoped3A_198, %dma_start3A_273] : memref<1x128xi32, #tpu.memory_space<vmem>> -> memref<1x128xi32, #tpu.memory_space<vmem>>
          %dma_start3A_275 = tpu.memref_squeeze %dma_start3A_274 : memref<1x128xi32, #tpu.memory_space<vmem>> -> memref<128xi32, #tpu.memory_space<vmem>>
          %dma_start3A_276 = arith.constant 0 : i32
          %dma_start3A_277 = arith.constant 0 : i32
          %dma_start3A_278 = tpu.memref_slice %arg2[%dma_start3A_276, %dma_start3A_277] : memref<8192x128xf32, #tpu.memory_space<hbm>> -> memref<8192x128xf32, #tpu.memory_space<hbm>>
          tpu.enqueue_indirect_dma source(%dma_start3A_278 : memref<8192x128xf32, #tpu.memory_space<hbm>>) target(%dma_start3A_268 : memref<128x128xf32, #tpu.memory_space<vmem>>) offsets(%dma_start3A_275 : memref<128xi32, #tpu.memory_space<vmem>>) semaphore(%run_scoped3A_264 : memref<!tpu.dma_semaphore, #tpu.memory_space<semaphore_mem>>)
          %dma_wait3A_279 = arith.constant 0 : i32
          %dma_wait3A_280 = arith.constant 0 : i32
          %dma_wait3A_281 = tpu.memref_slice %run_scoped3A_8[%rem3A_197, %dma_wait3A_279, %dma_wait3A_280] : memref<2x128x128xf32, #tpu.memory_space<vmem>> -> memref<1x128x128xf32, #tpu.memory_space<vmem>>
          %dma_wait3A_282 = tpu.memref_squeeze %dma_wait3A_281 : memref<1x128x128xf32, #tpu.memory_space<vmem>> -> memref<128x128xf32, #tpu.memory_space<vmem>>
          %dma_wait3A_283 = arith.constant 0 : i32
          %dma_wait3A_284 = arith.constant 0 : i32
          %dma_wait3A_285 = tpu.memref_slice %run_scoped3A[%rem3A_195, %dma_wait3A_283, %dma_wait3A_284] : memref<2x1x128xi32, #tpu.memory_space<vmem>> -> memref<1x1x128xi32, #tpu.memory_space<vmem>>
          %dma_wait3A_286 = tpu.memref_squeeze %dma_wait3A_285 : memref<1x1x128xi32, #tpu.memory_space<vmem>> -> memref<1x128xi32, #tpu.memory_space<vmem>>
          %dma_wait3A_287 = arith.constant 0 : i32
          %dma_wait3A_288 = tpu.memref_slice %dma_wait3A_286[%run_scoped3A_198, %dma_wait3A_287] : memref<1x128xi32, #tpu.memory_space<vmem>> -> memref<1x128xi32, #tpu.memory_space<vmem>>
          %dma_wait3A_289 = tpu.memref_squeeze %dma_wait3A_288 : memref<1x128xi32, #tpu.memory_space<vmem>> -> memref<128xi32, #tpu.memory_space<vmem>>
          %dma_wait3A_290 = arith.constant 0 : i32
          %dma_wait3A_291 = arith.constant 0 : i32
          %dma_wait3A_292 = tpu.memref_slice %arg2[%dma_wait3A_290, %dma_wait3A_291] : memref<8192x128xf32, #tpu.memory_space<hbm>> -> memref<8192x128xf32, #tpu.memory_space<hbm>>
          tpu.wait_indirect_dma semaphore(%run_scoped3A_264 : memref<!tpu.dma_semaphore, #tpu.memory_space<semaphore_mem>>) src(%dma_wait3A_292 : memref<8192x128xf32, #tpu.memory_space<hbm>>) dst(%dma_wait3A_282 : memref<128x128xf32, #tpu.memory_space<vmem>>)
          tpu.yield
        }) : () -> ()
        "tpu.trace_stop"() : () -> ()
        %ne3A_199 = arith.cmpi ne, %add3A_131, %add3A_149 : i32
        %or3A_200 = arith.constant false
        %or3A_201 = arith.ori %or3A_200, %ne3A_199 : i1
        %or3A_202 = arith.ori %or3A_201, %eq3A_130 : i1
        %convert_element_type3A_203 = arith.extui %or3A_202 : i1 to i32
        %cond3A_204 = arith.constant 0 : i32
        %cond3A_205 = arith.cmpi ne, %convert_element_type3A_203, %cond3A_204 : i32
        scf.if %cond3A_205 {
        } else {
        }
        %and3A_206 = arith.constant false
        %and3A_207 = arith.andi %or3A_202, %and3A_206 : i1
        %ne3A_208 = arith.cmpi ne, %add3A_131, %add3A_149 : i32
        %or3A_209 = arith.constant false
        %or3A_210 = arith.ori %or3A_209, %ne3A_208 : i1
        %or3A_211 = arith.constant false
        %or3A_212 = arith.ori %or3A_210, %or3A_211 : i1
        %or3A_213 = arith.ori %or3A_212, %eq3A_130 : i1
        %convert_element_type3A_214 = arith.extui %or3A_213 : i1 to i32
        %cond3A_215 = arith.constant 0 : i32
        %cond3A_216 = arith.cmpi ne, %convert_element_type3A_214, %cond3A_215 : i32
        scf.if %cond3A_216 {
          "tpu.trace_start"() <{level = 10 : i32, message = "ep_copy_out"}> : () -> ()
          %rem3A_264 = arith.constant 2 : i32
          %rem3A_265 = arith.remui %scan3A_124, %rem3A_264 : i32
          %mul3A_266 = arith.constant 128 : i32
          %mul3A_267 = arith.muli %mul3A_266, %add3A_131 : i32
          %dma_start3A_268 = arith.constant 0 : i32
          %dma_start3A_269 = arith.constant 0 : i32
          %dma_start3A_270 = tpu.memref_slice %run_scoped3A_8[%rem3A_265, %dma_start3A_268, %dma_start3A_269] : memref<2x128x128xf32, #tpu.memory_space<vmem>> -> memref<1x128x128xf32, #tpu.memory_space<vmem>>
          %dma_start3A_271 = tpu.memref_squeeze %dma_start3A_270 : memref<1x128x128xf32, #tpu.memory_space<vmem>> -> memref<128x128xf32, #tpu.memory_space<vmem>>
          %dma_start3A_272 = arith.constant 0 : i32
          %dma_start3A_273 = tpu.memref_slice %arg4[%mul3A_267, %dma_start3A_272] : memref<163840x128xf32, #tpu.memory_space<hbm>> -> memref<128x128xf32, #tpu.memory_space<hbm>>
          %dma_start3A_274 = tpu.memref_slice %run_scoped3A_9[%rem3A_265] : memref<2x!tpu.dma_semaphore, #tpu.memory_space<semaphore_mem>> -> memref<1x!tpu.dma_semaphore, #tpu.memory_space<semaphore_mem>>
          %dma_start3A_275 = tpu.memref_squeeze %dma_start3A_274 : memref<1x!tpu.dma_semaphore, #tpu.memory_space<semaphore_mem>> -> memref<!tpu.dma_semaphore, #tpu.memory_space<semaphore_mem>>
          %dma_start3A_276 = arith.constant 0 : i32
          %dma_start3A_277 = tpu.memref_slice %arg4[%mul3A_267, %dma_start3A_276] : memref<163840x128xf32, #tpu.memory_space<hbm>> -> memref<128x128xf32, #tpu.memory_space<hbm>>
          %dma_start3A_278 = arith.constant 0 : i32
          %dma_start3A_279 = arith.constant 0 : i32
          %dma_start3A_280 = tpu.memref_slice %run_scoped3A_8[%rem3A_265, %dma_start3A_278, %dma_start3A_279] : memref<2x128x128xf32, #tpu.memory_space<vmem>> -> memref<1x128x128xf32, #tpu.memory_space<vmem>>
          %dma_start3A_281 = tpu.memref_squeeze %dma_start3A_280 : memref<1x128x128xf32, #tpu.memory_space<vmem>> -> memref<128x128xf32, #tpu.memory_space<vmem>>
          tpu.enqueue_dma source(%dma_start3A_281 : memref<128x128xf32, #tpu.memory_space<vmem>>) target(%dma_start3A_277 : memref<128x128xf32, #tpu.memory_space<hbm>>) target_semaphore(%dma_start3A_275 : memref<!tpu.dma_semaphore, #tpu.memory_space<semaphore_mem>>)
          "tpu.trace_stop"() : () -> ()
        } else {
        }
        %and3A_217 = arith.constant true
        %and3A_218 = arith.andi %or3A_213, %and3A_217 : i1
        %add3A_219 = arith.constant 1 : i32
        %add3A_220 = arith.addi %scan3A_124, %add3A_219 : i32
        %select_n3A_221 = arith.select %and3A_218, %add3A_220, %scan3A_124 : i32
        %ne3A_222 = arith.cmpi ne, %add3A_131, %add3A_140 : i32
        %or3A_223 = arith.constant false
        %or3A_224 = arith.ori %or3A_223, %ne3A_222 : i1
        %not3A_225 = arith.constant true
        %not3A_226 = arith.xori %eq3A_128, %not3A_225 : i1
        %and3A_227 = arith.andi %or3A_224, %not3A_226 : i1
        %convert_element_type3A_228 = arith.extui %and3A_227 : i1 to i32
        %cond3A_229 = arith.constant 0 : i32
        %cond3A_230 = arith.cmpi ne, %convert_element_type3A_228, %cond3A_229 : i32
        scf.if %cond3A_230 {
        } else {
        }
        %and3A_231 = arith.constant false
        %and3A_232 = arith.andi %and3A_227, %and3A_231 : i1
        %ne3A_233 = arith.cmpi ne, %add3A_131, %add3A_140 : i32
        %or3A_234 = arith.constant false
        %or3A_235 = arith.ori %or3A_234, %ne3A_233 : i1
        %or3A_236 = arith.constant false
        %or3A_237 = arith.ori %or3A_235, %or3A_236 : i1
        %not3A_238 = arith.constant true
        %not3A_239 = arith.xori %eq3A_128, %not3A_238 : i1
        %and3A_240 = arith.andi %or3A_237, %not3A_239 : i1
        %convert_element_type3A_241 = arith.extui %and3A_240 : i1 to i32
        %cond3A_242 = arith.constant 0 : i32
        %cond3A_243 = arith.cmpi ne, %convert_element_type3A_241, %cond3A_242 : i32
        scf.if %cond3A_243 {
          "tpu.trace_start"() <{level = 10 : i32, message = "ep_wait_out"}> : () -> ()
          %rem3A_264 = arith.constant 2 : i32
          %rem3A_265 = arith.remui %scan3A_125, %rem3A_264 : i32
          %mul3A_266 = arith.constant 128 : i32
          %mul3A_267 = arith.muli %mul3A_266, %add3A_140 : i32
          %dma_wait3A_268 = arith.constant 0 : i32
          %dma_wait3A_269 = arith.constant 0 : i32
          %dma_wait3A_270 = tpu.memref_slice %run_scoped3A_8[%rem3A_265, %dma_wait3A_268, %dma_wait3A_269] : memref<2x128x128xf32, #tpu.memory_space<vmem>> -> memref<1x128x128xf32, #tpu.memory_space<vmem>>
          %dma_wait3A_271 = tpu.memref_squeeze %dma_wait3A_270 : memref<1x128x128xf32, #tpu.memory_space<vmem>> -> memref<128x128xf32, #tpu.memory_space<vmem>>
          %dma_wait3A_272 = arith.constant 0 : i32
          %dma_wait3A_273 = tpu.memref_slice %arg4[%mul3A_267, %dma_wait3A_272] : memref<163840x128xf32, #tpu.memory_space<hbm>> -> memref<128x128xf32, #tpu.memory_space<hbm>>
          %dma_wait3A_274 = tpu.memref_slice %run_scoped3A_9[%rem3A_265] : memref<2x!tpu.dma_semaphore, #tpu.memory_space<semaphore_mem>> -> memref<1x!tpu.dma_semaphore, #tpu.memory_space<semaphore_mem>>
          %dma_wait3A_275 = tpu.memref_squeeze %dma_wait3A_274 : memref<1x!tpu.dma_semaphore, #tpu.memory_space<semaphore_mem>> -> memref<!tpu.dma_semaphore, #tpu.memory_space<semaphore_mem>>
          %dma_wait3A_276 = arith.constant 0 : i32
          %dma_wait3A_277 = tpu.memref_slice %arg4[%mul3A_267, %dma_wait3A_276] : memref<163840x128xf32, #tpu.memory_space<hbm>> -> memref<128x128xf32, #tpu.memory_space<hbm>>
          %dma_wait3A_278 = arith.constant 0 : i32
          %dma_wait3A_279 = arith.constant 0 : i32
          %dma_wait3A_280 = tpu.memref_slice %run_scoped3A_8[%rem3A_265, %dma_wait3A_278, %dma_wait3A_279] : memref<2x128x128xf32, #tpu.memory_space<vmem>> -> memref<1x128x128xf32, #tpu.memory_space<vmem>>
          %dma_wait3A_281 = tpu.memref_squeeze %dma_wait3A_280 : memref<1x128x128xf32, #tpu.memory_space<vmem>> -> memref<128x128xf32, #tpu.memory_space<vmem>>
          tpu.wait_dma2 semaphore(%dma_wait3A_275 : memref<!tpu.dma_semaphore, #tpu.memory_space<semaphore_mem>>) src(%dma_wait3A_281 : memref<128x128xf32, #tpu.memory_space<vmem>>) dst(%dma_wait3A_277 : memref<128x128xf32, #tpu.memory_space<hbm>>)
          "tpu.trace_stop"() : () -> ()
        } else {
        }
        %and3A_244 = arith.constant true
        %and3A_245 = arith.andi %and3A_240, %and3A_244 : i1
        %add3A_246 = arith.constant 1 : i32
        %add3A_247 = arith.addi %scan3A_125, %add3A_246 : i32
        %select_n3A_248 = arith.select %and3A_245, %add3A_247, %scan3A_125 : i32
        %ne3A_249 = arith.cmpi ne, %add3A_131, %add3A_149 : i32
        %or3A_250 = arith.constant false
        %or3A_251 = arith.ori %or3A_250, %ne3A_249 : i1
        %or3A_252 = arith.ori %or3A_251, %eq3A_130 : i1
        %add3A_253 = arith.constant 1 : i32
        %add3A_254 = arith.addi %scan3A_123, %add3A_253 : i32
        %select_n3A_255 = arith.select %or3A_252, %add3A_254, %scan3A_123 : i32
        %add3A_256 = arith.constant 1 : i32
        %add3A_257 = arith.addi %scan3A_126, %add3A_256 : i32
        %select_n3A_258 = arith.constant true
        %select_n3A_259 = arith.select %select_n3A_258, %add3A_257, %scan3A_126 : i32
        %eq3A_260 = arith.constant 40 : i32
        %eq3A_261 = arith.cmpi eq, %select_n3A_259, %eq3A_260 : i32
        %select_n3A_262 = arith.constant 0 : i32
        %select_n3A_263 = arith.select %eq3A_261, %select_n3A_262, %select_n3A_259 : i32
        scf.yield %select_n3A_167, %select_n3A_255, %select_n3A_221, %select_n3A_248, %select_n3A_263 : i32, i32, i32, i32, i32
      }
      %scan3A_68 = arith.constant 40 : i32
      %sub3A = arith.constant 1 : i32
      %sub3A_69 = arith.subi %scan3A_67#4, %sub3A : i32
      %select_n3A_70 = arith.constant true
      %select_n3A_71 = arith.select %select_n3A_70, %sub3A_69, %scan3A_67#4 : i32
      %eq3A_72 = arith.constant -1 : i32
      %eq3A_73 = arith.cmpi eq, %select_n3A_71, %eq3A_72 : i32
      %select_n3A_74 = arith.constant 39 : i32
      %select_n3A_75 = arith.select %eq3A_73, %select_n3A_74, %select_n3A_71 : i32
      %add3A_76 = arith.addi %select_n3A_75, %mul3A_6 : i32
      %sub3A_77 = arith.constant 1 : i32
      %sub3A_78 = arith.subi %select_n3A_75, %sub3A_77 : i32
      %select_n3A_79 = arith.constant true
      %select_n3A_80 = arith.select %select_n3A_79, %sub3A_78, %select_n3A_75 : i32
      %eq3A_81 = arith.constant -1 : i32
      %eq3A_82 = arith.cmpi eq, %select_n3A_80, %eq3A_81 : i32
      %select_n3A_83 = arith.constant 39 : i32
      %select_n3A_84 = arith.select %eq3A_82, %select_n3A_83, %select_n3A_80 : i32
      %add3A_85 = arith.addi %select_n3A_84, %mul3A_6 : i32
      %add3A_86 = arith.constant 1 : i32
      %add3A_87 = arith.addi %select_n3A_75, %add3A_86 : i32
      %select_n3A_88 = arith.constant true
      %select_n3A_89 = arith.select %select_n3A_88, %add3A_87, %select_n3A_75 : i32
      %eq3A_90 = arith.constant 40 : i32
      %eq3A_91 = arith.cmpi eq, %select_n3A_89, %eq3A_90 : i32
      %select_n3A_92 = arith.constant 0 : i32
      %select_n3A_93 = arith.select %eq3A_91, %select_n3A_92, %select_n3A_89 : i32
      %add3A_94 = arith.addi %select_n3A_93, %mul3A_6 : i32
      %add3A_95 = arith.constant 1 : i32
      %add3A_96 = arith.addi %select_n3A_93, %add3A_95 : i32
      %select_n3A_97 = arith.constant true
      %select_n3A_98 = arith.select %select_n3A_97, %add3A_96, %select_n3A_93 : i32
      %eq3A_99 = arith.constant 40 : i32
      %eq3A_100 = arith.cmpi eq, %select_n3A_98, %eq3A_99 : i32
      %select_n3A_101 = arith.constant 0 : i32
      %select_n3A_102 = arith.select %eq3A_100, %select_n3A_101, %select_n3A_98 : i32
      %add3A_103 = arith.addi %select_n3A_102, %mul3A_6 : i32
      "tpu.trace_start"() <{level = 10 : i32, message = "ep_finalize"}> : () -> ()
      %rem3A_104 = arith.constant 2 : i32
      %rem3A_105 = arith.remui %scan3A_67#3, %rem3A_104 : i32
      %mul3A_106 = arith.constant 128 : i32
      %mul3A_107 = arith.muli %mul3A_106, %add3A_76 : i32
      %dma_wait3A = arith.constant 0 : i32
      %dma_wait3A_108 = arith.constant 0 : i32
      %dma_wait3A_109 = tpu.memref_slice %run_scoped3A_8[%rem3A_105, %dma_wait3A, %dma_wait3A_108] : memref<2x128x128xf32, #tpu.memory_space<vmem>> -> memref<1x128x128xf32, #tpu.memory_space<vmem>>
      %dma_wait3A_110 = tpu.memref_squeeze %dma_wait3A_109 : memref<1x128x128xf32, #tpu.memory_space<vmem>> -> memref<128x128xf32, #tpu.memory_space<vmem>>
      %dma_wait3A_111 = arith.constant 0 : i32
      %dma_wait3A_112 = tpu.memref_slice %arg4[%mul3A_107, %dma_wait3A_111] : memref<163840x128xf32, #tpu.memory_space<hbm>> -> memref<128x128xf32, #tpu.memory_space<hbm>>
      %dma_wait3A_113 = tpu.memref_slice %run_scoped3A_9[%rem3A_105] : memref<2x!tpu.dma_semaphore, #tpu.memory_space<semaphore_mem>> -> memref<1x!tpu.dma_semaphore, #tpu.memory_space<semaphore_mem>>
      %dma_wait3A_114 = tpu.memref_squeeze %dma_wait3A_113 : memref<1x!tpu.dma_semaphore, #tpu.memory_space<semaphore_mem>> -> memref<!tpu.dma_semaphore, #tpu.memory_space<semaphore_mem>>
      %dma_wait3A_115 = arith.constant 0 : i32
      %dma_wait3A_116 = tpu.memref_slice %arg4[%mul3A_107, %dma_wait3A_115] : memref<163840x128xf32, #tpu.memory_space<hbm>> -> memref<128x128xf32, #tpu.memory_space<hbm>>
      %dma_wait3A_117 = arith.constant 0 : i32
      %dma_wait3A_118 = arith.constant 0 : i32
      %dma_wait3A_119 = tpu.memref_slice %run_scoped3A_8[%rem3A_105, %dma_wait3A_117, %dma_wait3A_118] : memref<2x128x128xf32, #tpu.memory_space<vmem>> -> memref<1x128x128xf32, #tpu.memory_space<vmem>>
      %dma_wait3A_120 = tpu.memref_squeeze %dma_wait3A_119 : memref<1x128x128xf32, #tpu.memory_space<vmem>> -> memref<128x128xf32, #tpu.memory_space<vmem>>
      tpu.wait_dma2 semaphore(%dma_wait3A_114 : memref<!tpu.dma_semaphore, #tpu.memory_space<semaphore_mem>>) src(%dma_wait3A_120 : memref<128x128xf32, #tpu.memory_space<vmem>>) dst(%dma_wait3A_116 : memref<128x128xf32, #tpu.memory_space<hbm>>)
      "tpu.trace_stop"() : () -> ()
      tpu.yield
    }) : () -> ()
    return
  }
}

module attributes {stable_mosaic.version = 14 : i64} {
  func.func @body(%arg0: i32, %arg1: memref<32xi32, #tpu.memory_space<smem>>, %arg2: memref<8192x3xf32, #tpu.memory_space<vmem>>, %arg3: memref<3x256xf32, #tpu.memory_space<vmem>>, %arg4: memref<1x256xi32, #tpu.memory_space<vmem>>, %arg5: memref<8192x1xi32, #tpu.memory_space<vmem>>, %arg6: memref<32x256xi32, #tpu.memory_space<vmem>>) attributes {dimension_semantics = [#tpu.dimension_semantics<arbitrary>], iteration_bounds = array<i64: 32>, scalar_prefetch = 1 : i64, scratch_operands = 0 : i64, tpu.core_type = #tpu.core_type<tc>, window_params = [{pipeline_mode = #tpu.pipeline_mode<synchronous>, transform_indices = @transform_0, window_bounds = array<i64: 8192, 3>}, {transform_indices = @transform_1, window_bounds = array<i64: 3, 256>}, {transform_indices = @transform_2, window_bounds = array<i64: 1, 256>}, {pipeline_mode = #tpu.pipeline_mode<synchronous>, transform_indices = @transform_3, window_bounds = array<i64: 8192, 1>}, {transform_indices = @transform_4, window_bounds = array<i64: 32, 256>}]} {
    %get3A = arith.index_cast %arg0 : i32 to index
    %get3A_0 = memref.load %arg1[%get3A] : memref<32xi32, #tpu.memory_space<smem>>
    %get3A_1 = arith.index_cast %get3A_0 : i32 to index
    %get3A_2 = arith.constant 0 : index
    %get3A_3 = vector.load %arg2[%get3A_1, %get3A_2] : memref<8192x3xf32, #tpu.memory_space<vmem>>, vector<8192x3xf32>
    %get3A_4 = arith.constant 0 : index
    %get3A_5 = arith.constant 0 : index
    %get3A_6 = vector.load %arg3[%get3A_4, %get3A_5] : memref<3x256xf32, #tpu.memory_space<vmem>>, vector<3x256xf32>
    %dot_general3A = arith.constant dense<0.000000e+00> : vector<8192x256xf32>
    %dot_general3A_7 = tpu.matmul %get3A_3, %get3A_6, %dot_general3A {dimension_numbers = #tpu.dot_dimension_numbers<[1], [0], [0], [1], [0, 0, 1, 1], [], []>, transpose_lhs_hint = false} : vector<8192x3xf32>, vector<3x256xf32>, vector<8192x256xf32> -> vector<8192x256xf32>
    %mul3A = arith.mulf %get3A_3, %get3A_3 : vector<8192x3xf32>
    %reduce_sum3A = arith.constant dense<0.000000e+00> : vector<8192xf32>
    %reduce_sum3A_8 = vector.multi_reduction <add>, %mul3A, %reduce_sum3A [1] : vector<8192x3xf32> to vector<8192xf32>
    %broadcast_in_dim3A = vector.shape_cast %reduce_sum3A_8 : vector<8192xf32> to vector<8192x1xf32>
    %mul3A_9 = arith.mulf %get3A_6, %get3A_6 : vector<3x256xf32>
    %reduce_sum3A_10 = arith.constant dense<0.000000e+00> : vector<256xf32>
    %reduce_sum3A_11 = vector.multi_reduction <add>, %mul3A_9, %reduce_sum3A_10 [0] : vector<3x256xf32> to vector<256xf32>
    %broadcast_in_dim3A_12 = vector.shape_cast %reduce_sum3A_11 : vector<256xf32> to vector<1x256xf32>
    %add3A = vector.broadcast %broadcast_in_dim3A : vector<8192x1xf32> to vector<8192x256xf32>
    %add3A_13 = vector.broadcast %broadcast_in_dim3A_12 : vector<1x256xf32> to vector<8192x256xf32>
    %add3A_14 = arith.addf %add3A, %add3A_13 : vector<8192x256xf32>
    %mul3A_15 = arith.constant 2.000000e+00 : f32
    %mul3A_16 = vector.broadcast %mul3A_15 : f32 to vector<8192x256xf32>
    %mul3A_17 = arith.mulf %mul3A_16, %dot_general3A_7 : vector<8192x256xf32>
    %sub3A = arith.subf %add3A_14, %mul3A_17 : vector<8192x256xf32>
    %iota3A = tpu.iota {dimensions = array<i32: 0>} : vector<8192x256xi32>
    %add3A_18 = vector.broadcast %get3A_0 : i32 to vector<8192x256xi32>
    %add3A_19 = arith.addi %add3A_18, %iota3A : vector<8192x256xi32>
    %mul3A_20 = arith.constant 256 : i32
    %mul3A_21 = arith.muli %arg0, %mul3A_20 : i32
    %iota3A_22 = tpu.iota {dimensions = array<i32: 1>} : vector<8192x256xi32>
    %add3A_23 = vector.broadcast %mul3A_21 : i32 to vector<8192x256xi32>
    %add3A_24 = arith.addi %add3A_23, %iota3A_22 : vector<8192x256xi32>
    %get3A_25 = arith.index_cast %get3A_0 : i32 to index
    %get3A_26 = arith.constant 0 : index
    %get3A_27 = vector.load %arg5[%get3A_25, %get3A_26] : memref<8192x1xi32, #tpu.memory_space<vmem>>, vector<8192x1xi32>
    %get3A_28 = arith.constant 0 : index
    %get3A_29 = arith.constant 0 : index
    %get3A_30 = vector.load %arg4[%get3A_28, %get3A_29] : memref<1x256xi32, #tpu.memory_space<vmem>>, vector<1x256xi32>
    %eq3A = vector.broadcast %get3A_27 : vector<8192x1xi32> to vector<8192x256xi32>
    %eq3A_31 = vector.broadcast %get3A_30 : vector<1x256xi32> to vector<8192x256xi32>
    %eq3A_32 = arith.cmpi eq, %eq3A, %eq3A_31 : vector<8192x256xi32>
    %ne3A = arith.cmpi ne, %add3A_19, %add3A_24 : vector<8192x256xi32>
    %and3A = arith.andi %eq3A_32, %ne3A : vector<8192x256xi1>
    %jit3A = arith.constant 0x7F800000 : f32
    %broadcast_in_dim3A_33 = vector.broadcast %jit3A : f32 to vector<8192x256xf32>
    %select_n3A = arith.select %and3A, %sub3A, %broadcast_in_dim3A_33 : vector<8192x256xi1>, vector<8192x256xf32>
    %scan3A = arith.constant 0 : i32
    %scan3A_34 = arith.constant 20 : i32
    %scan3A_35 = arith.addi %scan3A, %scan3A_34 : i32
    %scan3A_36 = arith.constant 1 : i32
    %scan3A_37 = scf.for %scan3A_39 = %scan3A to %scan3A_35 step %scan3A_36 iter_args(%scan3A_40 = %select_n3A) -> (vector<8192x256xf32>)  : i32 {
      %reduce_min3A = arith.constant dense<0x7F800000> : vector<256xf32>
      %reduce_min3A_41 = vector.multi_reduction <minimumf>, %scan3A_40, %reduce_min3A [0] : vector<8192x256xf32> to vector<256xf32>
      %broadcast_in_dim3A_42 = vector.shape_cast %reduce_min3A_41 : vector<256xf32> to vector<1x256xf32>
      %le3A = vector.broadcast %broadcast_in_dim3A_42 : vector<1x256xf32> to vector<8192x256xf32>
      %le3A_43 = arith.cmpf ole, %scan3A_40, %le3A : vector<8192x256xf32>
      %jit3A_44 = arith.constant 2147483647 : i32
      %broadcast_in_dim3A_45 = vector.broadcast %jit3A_44 : i32 to vector<8192x256xi32>
      %select_n3A_46 = arith.select %le3A_43, %add3A_19, %broadcast_in_dim3A_45 : vector<8192x256xi1>, vector<8192x256xi32>
      %reduce_min3A_47 = arith.constant dense<2147483647> : vector<256xi32>
      %reduce_min3A_48 = vector.multi_reduction <minsi>, %select_n3A_46, %reduce_min3A_47 [0] : vector<8192x256xi32> to vector<256xi32>
      %broadcast_in_dim3A_49 = vector.shape_cast %reduce_min3A_48 : vector<256xi32> to vector<1x256xi32>
      %swap3A = arith.index_cast %scan3A_39 : i32 to index
      %swap3A_50 = arith.constant 0 : index
      %swap3A_51 = vector.load %arg6[%swap3A, %swap3A_50] : memref<32x256xi32, #tpu.memory_space<vmem>>, vector<1x256xi32>
      tpu.vector_store %arg6[%swap3A, %swap3A_50], %broadcast_in_dim3A_49 {strides = array<i32>} : memref<32x256xi32, #tpu.memory_space<vmem>>, vector<1x256xi32>,
      %eq3A_52 = vector.broadcast %broadcast_in_dim3A_49 : vector<1x256xi32> to vector<8192x256xi32>
      %eq3A_53 = arith.cmpi eq, %add3A_19, %eq3A_52 : vector<8192x256xi32>
      %jit3A_54 = arith.constant 0x7F800000 : f32
      %broadcast_in_dim3A_55 = vector.broadcast %jit3A_54 : f32 to vector<8192x256xf32>
      %select_n3A_56 = arith.select %eq3A_53, %broadcast_in_dim3A_55, %scan3A_40 : vector<8192x256xi1>, vector<8192x256xf32>
      scf.yield %select_n3A_56 : vector<8192x256xf32>
    }
    %scan3A_38 = arith.constant 20 : i32
    return
  }
  func.func @transform_0(%arg0: i32, %arg1: memref<32xi32, #tpu.memory_space<smem>>) -> (i32, i32) {
    %c0_i32 = arith.constant 0 : i32
    %c0_i32_0 = arith.constant 0 : i32
    %c0_i32_1 = arith.constant 0 : i32
    return %c0_i32, %c0_i32_0 : i32, i32
  }
  func.func @transform_1(%arg0: i32, %arg1: memref<32xi32, #tpu.memory_space<smem>>) -> (i32, i32) {
    %c0_i32 = arith.constant 0 : i32
    %c0_i32_0 = arith.constant 0 : i32
    return %c0_i32, %arg0 : i32, i32
  }
  func.func @transform_2(%arg0: i32, %arg1: memref<32xi32, #tpu.memory_space<smem>>) -> (i32, i32) {
    %c0_i32 = arith.constant 0 : i32
    %c0_i32_0 = arith.constant 0 : i32
    return %c0_i32, %arg0 : i32, i32
  }
  func.func @transform_3(%arg0: i32, %arg1: memref<32xi32, #tpu.memory_space<smem>>) -> (i32, i32) {
    %c0_i32 = arith.constant 0 : i32
    %c0_i32_0 = arith.constant 0 : i32
    %c0_i32_1 = arith.constant 0 : i32
    return %c0_i32, %c0_i32_0 : i32, i32
  }
  func.func @transform_4(%arg0: i32, %arg1: memref<32xi32, #tpu.memory_space<smem>>) -> (i32, i32) {
    %c0_i32 = arith.constant 0 : i32
    %c0_i32_0 = arith.constant 0 : i32
    return %c0_i32, %arg0 : i32, i32
  }
}

module attributes {stable_mosaic.version = 14 : i64} {
  func.func @body(%arg0: i32, %arg1: memref<32xi32, #tpu.memory_space<smem>>, %arg2: memref<8192x3xf32, #tpu.memory_space<vmem>>, %arg3: memref<3x256xf32, #tpu.memory_space<vmem>>, %arg4: memref<1x256xi32, #tpu.memory_space<vmem>>, %arg5: memref<8192x1xi32, #tpu.memory_space<vmem>>, %arg6: memref<32x256xi32, #tpu.memory_space<vmem>>) attributes {dimension_semantics = [#tpu.dimension_semantics<arbitrary>], iteration_bounds = array<i64: 32>, scalar_prefetch = 1 : i64, scratch_operands = 0 : i64, tpu.core_type = #tpu.core_type<tc>, window_params = [{pipeline_mode = #tpu.pipeline_mode<synchronous>, transform_indices = @transform_0, window_bounds = array<i64: 8192, 3>}, {transform_indices = @transform_1, window_bounds = array<i64: 3, 256>}, {transform_indices = @transform_2, window_bounds = array<i64: 1, 256>}, {pipeline_mode = #tpu.pipeline_mode<synchronous>, transform_indices = @transform_3, window_bounds = array<i64: 8192, 1>}, {transform_indices = @transform_4, window_bounds = array<i64: 32, 256>}]} {
    %get3A = arith.index_cast %arg0 : i32 to index
    %get3A_0 = memref.load %arg1[%get3A] : memref<32xi32, #tpu.memory_space<smem>>
    %get3A_1 = arith.index_cast %get3A_0 : i32 to index
    %get3A_2 = arith.constant 0 : index
    %get3A_3 = vector.load %arg2[%get3A_1, %get3A_2] : memref<8192x3xf32, #tpu.memory_space<vmem>>, vector<1280x3xf32>
    %get3A_4 = arith.constant 0 : index
    %get3A_5 = arith.constant 0 : index
    %get3A_6 = vector.load %arg3[%get3A_4, %get3A_5] : memref<3x256xf32, #tpu.memory_space<vmem>>, vector<3x256xf32>
    %dot_general3A = arith.constant dense<0.000000e+00> : vector<1280x256xf32>
    %dot_general3A_7 = tpu.matmul %get3A_3, %get3A_6, %dot_general3A {dimension_numbers = #tpu.dot_dimension_numbers<[1], [0], [0], [1], [0, 0, 1, 1], [], []>, transpose_lhs_hint = false} : vector<1280x3xf32>, vector<3x256xf32>, vector<1280x256xf32> -> vector<1280x256xf32>
    %mul3A = arith.mulf %get3A_3, %get3A_3 : vector<1280x3xf32>
    %reduce_sum3A = arith.constant dense<0.000000e+00> : vector<1280xf32>
    %reduce_sum3A_8 = vector.multi_reduction <add>, %mul3A, %reduce_sum3A [1] : vector<1280x3xf32> to vector<1280xf32>
    %broadcast_in_dim3A = vector.shape_cast %reduce_sum3A_8 : vector<1280xf32> to vector<1280x1xf32>
    %mul3A_9 = arith.mulf %get3A_6, %get3A_6 : vector<3x256xf32>
    %reduce_sum3A_10 = arith.constant dense<0.000000e+00> : vector<256xf32>
    %reduce_sum3A_11 = vector.multi_reduction <add>, %mul3A_9, %reduce_sum3A_10 [0] : vector<3x256xf32> to vector<256xf32>
    %broadcast_in_dim3A_12 = vector.shape_cast %reduce_sum3A_11 : vector<256xf32> to vector<1x256xf32>
    %add3A = vector.broadcast %broadcast_in_dim3A : vector<1280x1xf32> to vector<1280x256xf32>
    %add3A_13 = vector.broadcast %broadcast_in_dim3A_12 : vector<1x256xf32> to vector<1280x256xf32>
    %add3A_14 = arith.addf %add3A, %add3A_13 : vector<1280x256xf32>
    %mul3A_15 = arith.constant 2.000000e+00 : f32
    %mul3A_16 = vector.broadcast %mul3A_15 : f32 to vector<1280x256xf32>
    %mul3A_17 = arith.mulf %mul3A_16, %dot_general3A_7 : vector<1280x256xf32>
    %sub3A = arith.subf %add3A_14, %mul3A_17 : vector<1280x256xf32>
    %iota3A = tpu.iota {dimensions = array<i32: 0>} : vector<1280x256xi32>
    %add3A_18 = vector.broadcast %get3A_0 : i32 to vector<1280x256xi32>
    %add3A_19 = arith.addi %add3A_18, %iota3A : vector<1280x256xi32>
    %mul3A_20 = arith.constant 256 : i32
    %mul3A_21 = arith.muli %arg0, %mul3A_20 : i32
    %iota3A_22 = tpu.iota {dimensions = array<i32: 1>} : vector<1280x256xi32>
    %add3A_23 = vector.broadcast %mul3A_21 : i32 to vector<1280x256xi32>
    %add3A_24 = arith.addi %add3A_23, %iota3A_22 : vector<1280x256xi32>
    %get3A_25 = arith.index_cast %get3A_0 : i32 to index
    %get3A_26 = arith.constant 0 : index
    %get3A_27 = vector.load %arg5[%get3A_25, %get3A_26] : memref<8192x1xi32, #tpu.memory_space<vmem>>, vector<1280x1xi32>
    %get3A_28 = arith.constant 0 : index
    %get3A_29 = arith.constant 0 : index
    %get3A_30 = vector.load %arg4[%get3A_28, %get3A_29] : memref<1x256xi32, #tpu.memory_space<vmem>>, vector<1x256xi32>
    %eq3A = vector.broadcast %get3A_27 : vector<1280x1xi32> to vector<1280x256xi32>
    %eq3A_31 = vector.broadcast %get3A_30 : vector<1x256xi32> to vector<1280x256xi32>
    %eq3A_32 = arith.cmpi eq, %eq3A, %eq3A_31 : vector<1280x256xi32>
    %ne3A = arith.cmpi ne, %add3A_19, %add3A_24 : vector<1280x256xi32>
    %and3A = arith.andi %eq3A_32, %ne3A : vector<1280x256xi1>
    %jit3A = arith.constant 0x7F800000 : f32
    %broadcast_in_dim3A_33 = vector.broadcast %jit3A : f32 to vector<1280x256xf32>
    %select_n3A = arith.select %and3A, %sub3A, %broadcast_in_dim3A_33 : vector<1280x256xi1>, vector<1280x256xf32>
    %scan3A = arith.constant 0 : i32
    %scan3A_34 = arith.constant 20 : i32
    %scan3A_35 = arith.addi %scan3A, %scan3A_34 : i32
    %scan3A_36 = arith.constant 1 : i32
    %scan3A_37 = scf.for %scan3A_39 = %scan3A to %scan3A_35 step %scan3A_36 iter_args(%scan3A_40 = %select_n3A) -> (vector<1280x256xf32>)  : i32 {
      %reduce_min3A = arith.constant dense<0x7F800000> : vector<256xf32>
      %reduce_min3A_41 = vector.multi_reduction <minimumf>, %scan3A_40, %reduce_min3A [0] : vector<1280x256xf32> to vector<256xf32>
      %broadcast_in_dim3A_42 = vector.shape_cast %reduce_min3A_41 : vector<256xf32> to vector<1x256xf32>
      %le3A = vector.broadcast %broadcast_in_dim3A_42 : vector<1x256xf32> to vector<1280x256xf32>
      %le3A_43 = arith.cmpf ole, %scan3A_40, %le3A : vector<1280x256xf32>
      %jit3A_44 = arith.constant 2147483647 : i32
      %broadcast_in_dim3A_45 = vector.broadcast %jit3A_44 : i32 to vector<1280x256xi32>
      %select_n3A_46 = arith.select %le3A_43, %add3A_19, %broadcast_in_dim3A_45 : vector<1280x256xi1>, vector<1280x256xi32>
      %reduce_min3A_47 = arith.constant dense<2147483647> : vector<256xi32>
      %reduce_min3A_48 = vector.multi_reduction <minsi>, %select_n3A_46, %reduce_min3A_47 [0] : vector<1280x256xi32> to vector<256xi32>
      %broadcast_in_dim3A_49 = vector.shape_cast %reduce_min3A_48 : vector<256xi32> to vector<1x256xi32>
      %swap3A = arith.index_cast %scan3A_39 : i32 to index
      %swap3A_50 = arith.constant 0 : index
      %swap3A_51 = vector.load %arg6[%swap3A, %swap3A_50] : memref<32x256xi32, #tpu.memory_space<vmem>>, vector<1x256xi32>
      tpu.vector_store %arg6[%swap3A, %swap3A_50], %broadcast_in_dim3A_49 {strides = array<i32>} : memref<32x256xi32, #tpu.memory_space<vmem>>, vector<1x256xi32>,
      %eq3A_52 = vector.broadcast %broadcast_in_dim3A_49 : vector<1x256xi32> to vector<1280x256xi32>
      %eq3A_53 = arith.cmpi eq, %add3A_19, %eq3A_52 : vector<1280x256xi32>
      %jit3A_54 = arith.constant 0x7F800000 : f32
      %broadcast_in_dim3A_55 = vector.broadcast %jit3A_54 : f32 to vector<1280x256xf32>
      %select_n3A_56 = arith.select %eq3A_53, %broadcast_in_dim3A_55, %scan3A_40 : vector<1280x256xi1>, vector<1280x256xf32>
      scf.yield %select_n3A_56 : vector<1280x256xf32>
    }
    %scan3A_38 = arith.constant 20 : i32
    return
  }
  func.func @transform_0(%arg0: i32, %arg1: memref<32xi32, #tpu.memory_space<smem>>) -> (i32, i32) {
    %c0_i32 = arith.constant 0 : i32
    %c0_i32_0 = arith.constant 0 : i32
    %c0_i32_1 = arith.constant 0 : i32
    return %c0_i32, %c0_i32_0 : i32, i32
  }
  func.func @transform_1(%arg0: i32, %arg1: memref<32xi32, #tpu.memory_space<smem>>) -> (i32, i32) {
    %c0_i32 = arith.constant 0 : i32
    %c0_i32_0 = arith.constant 0 : i32
    return %c0_i32, %arg0 : i32, i32
  }
  func.func @transform_2(%arg0: i32, %arg1: memref<32xi32, #tpu.memory_space<smem>>) -> (i32, i32) {
    %c0_i32 = arith.constant 0 : i32
    %c0_i32_0 = arith.constant 0 : i32
    return %c0_i32, %arg0 : i32, i32
  }
  func.func @transform_3(%arg0: i32, %arg1: memref<32xi32, #tpu.memory_space<smem>>) -> (i32, i32) {
    %c0_i32 = arith.constant 0 : i32
    %c0_i32_0 = arith.constant 0 : i32
    %c0_i32_1 = arith.constant 0 : i32
    return %c0_i32, %c0_i32_0 : i32, i32
  }
  func.func @transform_4(%arg0: i32, %arg1: memref<32xi32, #tpu.memory_space<smem>>) -> (i32, i32) {
    %c0_i32 = arith.constant 0 : i32
    %c0_i32_0 = arith.constant 0 : i32
    return %c0_i32, %arg0 : i32, i32
  }
}

module attributes {stable_mosaic.version = 14 : i64} {
  func.func @_stats_body(%arg0: i32, %arg1: memref<256x3xf32, #tpu.memory_space<vmem>>, %arg2: memref<20x256x128xf32, #tpu.memory_space<vmem>>, %arg3: memref<6x64xf32, #tpu.memory_space<vmem>>, %arg4: memref<1x64xf32, #tpu.memory_space<vmem>>, %arg5: memref<8x64xf32, #tpu.memory_space<vmem>>) attributes {dimension_semantics = [#tpu.dimension_semantics<arbitrary>], iteration_bounds = array<i64: 32>, scalar_prefetch = 0 : i64, scratch_operands = 0 : i64, tpu.core_type = #tpu.core_type<tc>, window_params = [{transform_indices = @transform_0, window_bounds = array<i64: 256, 3>}, {transform_indices = @transform_1, window_bounds = array<i64: 20, 256, 128>}, {pipeline_mode = #tpu.pipeline_mode<synchronous>, transform_indices = @transform_2, window_bounds = array<i64: 6, 64>}, {pipeline_mode = #tpu.pipeline_mode<synchronous>, transform_indices = @transform_3, window_bounds = array<i64: 1, 64>}, {pipeline_mode = #tpu.pipeline_mode<synchronous>, transform_indices = @transform_4, window_bounds = array<i64: 8, 64>}]} {
    %eq3A = arith.constant 0 : i32
    %eq3A_0 = arith.cmpi eq, %arg0, %eq3A : i32
    %convert_element_type3A = arith.extui %eq3A_0 : i1 to i32
    %cond3A = arith.constant 0 : i32
    %cond3A_1 = arith.cmpi ne, %convert_element_type3A, %cond3A : i32
    scf.if %cond3A_1 {
      %broadcast_in_dim3A_610 = arith.constant 0.000000e+00 : f32
      %broadcast_in_dim3A_611 = vector.broadcast %broadcast_in_dim3A_610 : f32 to vector<8x64xf32>
      %swap3A_612 = arith.constant 0 : index
      %swap3A_613 = arith.constant 0 : index
      %swap3A_614 = vector.load %arg5[%swap3A_612, %swap3A_613] : memref<8x64xf32, #tpu.memory_space<vmem>>, vector<8x64xf32>
      tpu.vector_store %arg5[%swap3A_612, %swap3A_613], %broadcast_in_dim3A_611 {strides = array<i32>} : memref<8x64xf32, #tpu.memory_space<vmem>>, vector<8x64xf32>,
    } else {
    }
    %broadcast_in_dim3A = arith.constant 0.000000e+00 : f32
    %broadcast_in_dim3A_2 = vector.broadcast %broadcast_in_dim3A : f32 to vector<1x64xf32>
    %broadcast_in_dim3A_3 = arith.constant 0.000000e+00 : f32
    %broadcast_in_dim3A_4 = vector.broadcast %broadcast_in_dim3A_3 : f32 to vector<1x64xf32>
    %get3A = arith.constant 0 : index
    %get3A_5 = arith.constant 0 : index
    %get3A_6 = vector.load %arg1[%get3A, %get3A_5] : memref<256x3xf32, #tpu.memory_space<vmem>>, vector<256x3xf32>
    %get3A_7 = arith.constant 0 : index
    %get3A_8 = arith.constant 0 : index
    %get3A_9 = arith.constant 0 : index
    %get3A_10 = vector.load %arg2[%get3A_7, %get3A_8, %get3A_9] : memref<20x256x128xf32, #tpu.memory_space<vmem>>, vector<1x256x128xf32>
    %get3A_11 = vector.shape_cast %get3A_10 : vector<1x256x128xf32> to vector<256x128xf32>
    %slice3A = vector.extract_strided_slice %get3A_11 {offsets = [0, 0], sizes = [256, 3], strides = [1, 1]} : vector<256x128xf32> to vector<256x3xf32>
    %sub3A = arith.subf %slice3A, %get3A_6 : vector<256x3xf32>
    %concatenate3A = tpu.concatenate %get3A_6, %sub3A in 1 : vector<256x3xf32>, vector<256x3xf32> -> vector<256x6xf32>
    %get3A_12 = arith.constant 0 : index
    %get3A_13 = arith.constant 0 : index
    %get3A_14 = vector.load %arg3[%get3A_12, %get3A_13] : memref<6x64xf32, #tpu.memory_space<vmem>>, vector<6x64xf32>
    %dot_general3A = arith.constant dense<0.000000e+00> : vector<256x64xf32>
    %dot_general3A_15 = tpu.matmul %concatenate3A, %get3A_14, %dot_general3A {dimension_numbers = #tpu.dot_dimension_numbers<[1], [0], [0], [1], [0, 0, 1, 1], [], []>, transpose_lhs_hint = false} : vector<256x6xf32>, vector<6x64xf32>, vector<256x64xf32> -> vector<256x64xf32>
    %get3A_16 = arith.constant 0 : index
    %get3A_17 = arith.constant 0 : index
    %get3A_18 = vector.load %arg4[%get3A_16, %get3A_17] : memref<1x64xf32, #tpu.memory_space<vmem>>, vector<1x64xf32>
    %add3A = vector.broadcast %get3A_18 : vector<1x64xf32> to vector<256x64xf32>
    %add3A_19 = arith.addf %dot_general3A_15, %add3A : vector<256x64xf32>
    %reduce_sum3A = arith.constant dense<0.000000e+00> : vector<64xf32>
    %reduce_sum3A_20 = vector.multi_reduction <add>, %add3A_19, %reduce_sum3A [0] : vector<256x64xf32> to vector<64xf32>
    %broadcast_in_dim3A_21 = vector.shape_cast %reduce_sum3A_20 : vector<64xf32> to vector<1x64xf32>
    %add3A_22 = arith.addf %broadcast_in_dim3A_2, %broadcast_in_dim3A_21 : vector<1x64xf32>
    %mul3A = arith.mulf %add3A_19, %add3A_19 : vector<256x64xf32>
    %reduce_sum3A_23 = arith.constant dense<0.000000e+00> : vector<64xf32>
    %reduce_sum3A_24 = vector.multi_reduction <add>, %mul3A, %reduce_sum3A_23 [0] : vector<256x64xf32> to vector<64xf32>
    %broadcast_in_dim3A_25 = vector.shape_cast %reduce_sum3A_24 : vector<64xf32> to vector<1x64xf32>
    %add3A_26 = arith.addf %broadcast_in_dim3A_4, %broadcast_in_dim3A_25 : vector<1x64xf32>
    %get3A_27 = arith.constant 0 : index
    %get3A_28 = arith.constant 0 : index
    %get3A_29 = vector.load %arg1[%get3A_27, %get3A_28] : memref<256x3xf32, #tpu.memory_space<vmem>>, vector<256x3xf32>
    %get3A_30 = arith.constant 1 : index
    %get3A_31 = arith.constant 0 : index
    %get3A_32 = arith.constant 0 : index
    %get3A_33 = vector.load %arg2[%get3A_30, %get3A_31, %get3A_32] : memref<20x256x128xf32, #tpu.memory_space<vmem>>, vector<1x256x128xf32>
    %get3A_34 = vector.shape_cast %get3A_33 : vector<1x256x128xf32> to vector<256x128xf32>
    %slice3A_35 = vector.extract_strided_slice %get3A_34 {offsets = [0, 0], sizes = [256, 3], strides = [1, 1]} : vector<256x128xf32> to vector<256x3xf32>
    %sub3A_36 = arith.subf %slice3A_35, %get3A_29 : vector<256x3xf32>
    %concatenate3A_37 = tpu.concatenate %get3A_29, %sub3A_36 in 1 : vector<256x3xf32>, vector<256x3xf32> -> vector<256x6xf32>
    %get3A_38 = arith.constant 0 : index
    %get3A_39 = arith.constant 0 : index
    %get3A_40 = vector.load %arg3[%get3A_38, %get3A_39] : memref<6x64xf32, #tpu.memory_space<vmem>>, vector<6x64xf32>
    %dot_general3A_41 = arith.constant dense<0.000000e+00> : vector<256x64xf32>
    %dot_general3A_42 = tpu.matmul %concatenate3A_37, %get3A_40, %dot_general3A_41 {dimension_numbers = #tpu.dot_dimension_numbers<[1], [0], [0], [1], [0, 0, 1, 1], [], []>, transpose_lhs_hint = false} : vector<256x6xf32>, vector<6x64xf32>, vector<256x64xf32> -> vector<256x64xf32>
    %get3A_43 = arith.constant 0 : index
    %get3A_44 = arith.constant 0 : index
    %get3A_45 = vector.load %arg4[%get3A_43, %get3A_44] : memref<1x64xf32, #tpu.memory_space<vmem>>, vector<1x64xf32>
    %add3A_46 = vector.broadcast %get3A_45 : vector<1x64xf32> to vector<256x64xf32>
    %add3A_47 = arith.addf %dot_general3A_42, %add3A_46 : vector<256x64xf32>
    %reduce_sum3A_48 = arith.constant dense<0.000000e+00> : vector<64xf32>
    %reduce_sum3A_49 = vector.multi_reduction <add>, %add3A_47, %reduce_sum3A_48 [0] : vector<256x64xf32> to vector<64xf32>
    %broadcast_in_dim3A_50 = vector.shape_cast %reduce_sum3A_49 : vector<64xf32> to vector<1x64xf32>
    %add3A_51 = arith.addf %add3A_22, %broadcast_in_dim3A_50 : vector<1x64xf32>
    %mul3A_52 = arith.mulf %add3A_47, %add3A_47 : vector<256x64xf32>
    %reduce_sum3A_53 = arith.constant dense<0.000000e+00> : vector<64xf32>
    %reduce_sum3A_54 = vector.multi_reduction <add>, %mul3A_52, %reduce_sum3A_53 [0] : vector<256x64xf32> to vector<64xf32>
    %broadcast_in_dim3A_55 = vector.shape_cast %reduce_sum3A_54 : vector<64xf32> to vector<1x64xf32>
    %add3A_56 = arith.addf %add3A_26, %broadcast_in_dim3A_55 : vector<1x64xf32>
    %get3A_57 = arith.constant 0 : index
    %get3A_58 = arith.constant 0 : index
    %get3A_59 = vector.load %arg1[%get3A_57, %get3A_58] : memref<256x3xf32, #tpu.memory_space<vmem>>, vector<256x3xf32>
    %get3A_60 = arith.constant 2 : index
    %get3A_61 = arith.constant 0 : index
    %get3A_62 = arith.constant 0 : index
    %get3A_63 = vector.load %arg2[%get3A_60, %get3A_61, %get3A_62] : memref<20x256x128xf32, #tpu.memory_space<vmem>>, vector<1x256x128xf32>
    %get3A_64 = vector.shape_cast %get3A_63 : vector<1x256x128xf32> to vector<256x128xf32>
    %slice3A_65 = vector.extract_strided_slice %get3A_64 {offsets = [0, 0], sizes = [256, 3], strides = [1, 1]} : vector<256x128xf32> to vector<256x3xf32>
    %sub3A_66 = arith.subf %slice3A_65, %get3A_59 : vector<256x3xf32>
    %concatenate3A_67 = tpu.concatenate %get3A_59, %sub3A_66 in 1 : vector<256x3xf32>, vector<256x3xf32> -> vector<256x6xf32>
    %get3A_68 = arith.constant 0 : index
    %get3A_69 = arith.constant 0 : index
    %get3A_70 = vector.load %arg3[%get3A_68, %get3A_69] : memref<6x64xf32, #tpu.memory_space<vmem>>, vector<6x64xf32>
    %dot_general3A_71 = arith.constant dense<0.000000e+00> : vector<256x64xf32>
    %dot_general3A_72 = tpu.matmul %concatenate3A_67, %get3A_70, %dot_general3A_71 {dimension_numbers = #tpu.dot_dimension_numbers<[1], [0], [0], [1], [0, 0, 1, 1], [], []>, transpose_lhs_hint = false} : vector<256x6xf32>, vector<6x64xf32>, vector<256x64xf32> -> vector<256x64xf32>
    %get3A_73 = arith.constant 0 : index
    %get3A_74 = arith.constant 0 : index
    %get3A_75 = vector.load %arg4[%get3A_73, %get3A_74] : memref<1x64xf32, #tpu.memory_space<vmem>>, vector<1x64xf32>
    %add3A_76 = vector.broadcast %get3A_75 : vector<1x64xf32> to vector<256x64xf32>
    %add3A_77 = arith.addf %dot_general3A_72, %add3A_76 : vector<256x64xf32>
    %reduce_sum3A_78 = arith.constant dense<0.000000e+00> : vector<64xf32>
    %reduce_sum3A_79 = vector.multi_reduction <add>, %add3A_77, %reduce_sum3A_78 [0] : vector<256x64xf32> to vector<64xf32>
    %broadcast_in_dim3A_80 = vector.shape_cast %reduce_sum3A_79 : vector<64xf32> to vector<1x64xf32>
    %add3A_81 = arith.addf %add3A_51, %broadcast_in_dim3A_80 : vector<1x64xf32>
    %mul3A_82 = arith.mulf %add3A_77, %add3A_77 : vector<256x64xf32>
    %reduce_sum3A_83 = arith.constant dense<0.000000e+00> : vector<64xf32>
    %reduce_sum3A_84 = vector.multi_reduction <add>, %mul3A_82, %reduce_sum3A_83 [0] : vector<256x64xf32> to vector<64xf32>
    %broadcast_in_dim3A_85 = vector.shape_cast %reduce_sum3A_84 : vector<64xf32> to vector<1x64xf32>
    %add3A_86 = arith.addf %add3A_56, %broadcast_in_dim3A_85 : vector<1x64xf32>
    %get3A_87 = arith.constant 0 : index
    %get3A_88 = arith.constant 0 : index
    %get3A_89 = vector.load %arg1[%get3A_87, %get3A_88] : memref<256x3xf32, #tpu.memory_space<vmem>>, vector<256x3xf32>
    %get3A_90 = arith.constant 3 : index
    %get3A_91 = arith.constant 0 : index
    %get3A_92 = arith.constant 0 : index
    %get3A_93 = vector.load %arg2[%get3A_90, %get3A_91, %get3A_92] : memref<20x256x128xf32, #tpu.memory_space<vmem>>, vector<1x256x128xf32>
    %get3A_94 = vector.shape_cast %get3A_93 : vector<1x256x128xf32> to vector<256x128xf32>
    %slice3A_95 = vector.extract_strided_slice %get3A_94 {offsets = [0, 0], sizes = [256, 3], strides = [1, 1]} : vector<256x128xf32> to vector<256x3xf32>
    %sub3A_96 = arith.subf %slice3A_95, %get3A_89 : vector<256x3xf32>
    %concatenate3A_97 = tpu.concatenate %get3A_89, %sub3A_96 in 1 : vector<256x3xf32>, vector<256x3xf32> -> vector<256x6xf32>
    %get3A_98 = arith.constant 0 : index
    %get3A_99 = arith.constant 0 : index
    %get3A_100 = vector.load %arg3[%get3A_98, %get3A_99] : memref<6x64xf32, #tpu.memory_space<vmem>>, vector<6x64xf32>
    %dot_general3A_101 = arith.constant dense<0.000000e+00> : vector<256x64xf32>
    %dot_general3A_102 = tpu.matmul %concatenate3A_97, %get3A_100, %dot_general3A_101 {dimension_numbers = #tpu.dot_dimension_numbers<[1], [0], [0], [1], [0, 0, 1, 1], [], []>, transpose_lhs_hint = false} : vector<256x6xf32>, vector<6x64xf32>, vector<256x64xf32> -> vector<256x64xf32>
    %get3A_103 = arith.constant 0 : index
    %get3A_104 = arith.constant 0 : index
    %get3A_105 = vector.load %arg4[%get3A_103, %get3A_104] : memref<1x64xf32, #tpu.memory_space<vmem>>, vector<1x64xf32>
    %add3A_106 = vector.broadcast %get3A_105 : vector<1x64xf32> to vector<256x64xf32>
    %add3A_107 = arith.addf %dot_general3A_102, %add3A_106 : vector<256x64xf32>
    %reduce_sum3A_108 = arith.constant dense<0.000000e+00> : vector<64xf32>
    %reduce_sum3A_109 = vector.multi_reduction <add>, %add3A_107, %reduce_sum3A_108 [0] : vector<256x64xf32> to vector<64xf32>
    %broadcast_in_dim3A_110 = vector.shape_cast %reduce_sum3A_109 : vector<64xf32> to vector<1x64xf32>
    %add3A_111 = arith.addf %add3A_81, %broadcast_in_dim3A_110 : vector<1x64xf32>
    %mul3A_112 = arith.mulf %add3A_107, %add3A_107 : vector<256x64xf32>
    %reduce_sum3A_113 = arith.constant dense<0.000000e+00> : vector<64xf32>
    %reduce_sum3A_114 = vector.multi_reduction <add>, %mul3A_112, %reduce_sum3A_113 [0] : vector<256x64xf32> to vector<64xf32>
    %broadcast_in_dim3A_115 = vector.shape_cast %reduce_sum3A_114 : vector<64xf32> to vector<1x64xf32>
    %add3A_116 = arith.addf %add3A_86, %broadcast_in_dim3A_115 : vector<1x64xf32>
    %get3A_117 = arith.constant 0 : index
    %get3A_118 = arith.constant 0 : index
    %get3A_119 = vector.load %arg1[%get3A_117, %get3A_118] : memref<256x3xf32, #tpu.memory_space<vmem>>, vector<256x3xf32>
    %get3A_120 = arith.constant 4 : index
    %get3A_121 = arith.constant 0 : index
    %get3A_122 = arith.constant 0 : index
    %get3A_123 = vector.load %arg2[%get3A_120, %get3A_121, %get3A_122] : memref<20x256x128xf32, #tpu.memory_space<vmem>>, vector<1x256x128xf32>
    %get3A_124 = vector.shape_cast %get3A_123 : vector<1x256x128xf32> to vector<256x128xf32>
    %slice3A_125 = vector.extract_strided_slice %get3A_124 {offsets = [0, 0], sizes = [256, 3], strides = [1, 1]} : vector<256x128xf32> to vector<256x3xf32>
    %sub3A_126 = arith.subf %slice3A_125, %get3A_119 : vector<256x3xf32>
    %concatenate3A_127 = tpu.concatenate %get3A_119, %sub3A_126 in 1 : vector<256x3xf32>, vector<256x3xf32> -> vector<256x6xf32>
    %get3A_128 = arith.constant 0 : index
    %get3A_129 = arith.constant 0 : index
    %get3A_130 = vector.load %arg3[%get3A_128, %get3A_129] : memref<6x64xf32, #tpu.memory_space<vmem>>, vector<6x64xf32>
    %dot_general3A_131 = arith.constant dense<0.000000e+00> : vector<256x64xf32>
    %dot_general3A_132 = tpu.matmul %concatenate3A_127, %get3A_130, %dot_general3A_131 {dimension_numbers = #tpu.dot_dimension_numbers<[1], [0], [0], [1], [0, 0, 1, 1], [], []>, transpose_lhs_hint = false} : vector<256x6xf32>, vector<6x64xf32>, vector<256x64xf32> -> vector<256x64xf32>
    %get3A_133 = arith.constant 0 : index
    %get3A_134 = arith.constant 0 : index
    %get3A_135 = vector.load %arg4[%get3A_133, %get3A_134] : memref<1x64xf32, #tpu.memory_space<vmem>>, vector<1x64xf32>
    %add3A_136 = vector.broadcast %get3A_135 : vector<1x64xf32> to vector<256x64xf32>
    %add3A_137 = arith.addf %dot_general3A_132, %add3A_136 : vector<256x64xf32>
    %reduce_sum3A_138 = arith.constant dense<0.000000e+00> : vector<64xf32>
    %reduce_sum3A_139 = vector.multi_reduction <add>, %add3A_137, %reduce_sum3A_138 [0] : vector<256x64xf32> to vector<64xf32>
    %broadcast_in_dim3A_140 = vector.shape_cast %reduce_sum3A_139 : vector<64xf32> to vector<1x64xf32>
    %add3A_141 = arith.addf %add3A_111, %broadcast_in_dim3A_140 : vector<1x64xf32>
    %mul3A_142 = arith.mulf %add3A_137, %add3A_137 : vector<256x64xf32>
    %reduce_sum3A_143 = arith.constant dense<0.000000e+00> : vector<64xf32>
    %reduce_sum3A_144 = vector.multi_reduction <add>, %mul3A_142, %reduce_sum3A_143 [0] : vector<256x64xf32> to vector<64xf32>
    %broadcast_in_dim3A_145 = vector.shape_cast %reduce_sum3A_144 : vector<64xf32> to vector<1x64xf32>
    %add3A_146 = arith.addf %add3A_116, %broadcast_in_dim3A_145 : vector<1x64xf32>
    %get3A_147 = arith.constant 0 : index
    %get3A_148 = arith.constant 0 : index
    %get3A_149 = vector.load %arg1[%get3A_147, %get3A_148] : memref<256x3xf32, #tpu.memory_space<vmem>>, vector<256x3xf32>
    %get3A_150 = arith.constant 5 : index
    %get3A_151 = arith.constant 0 : index
    %get3A_152 = arith.constant 0 : index
    %get3A_153 = vector.load %arg2[%get3A_150, %get3A_151, %get3A_152] : memref<20x256x128xf32, #tpu.memory_space<vmem>>, vector<1x256x128xf32>
    %get3A_154 = vector.shape_cast %get3A_153 : vector<1x256x128xf32> to vector<256x128xf32>
    %slice3A_155 = vector.extract_strided_slice %get3A_154 {offsets = [0, 0], sizes = [256, 3], strides = [1, 1]} : vector<256x128xf32> to vector<256x3xf32>
    %sub3A_156 = arith.subf %slice3A_155, %get3A_149 : vector<256x3xf32>
    %concatenate3A_157 = tpu.concatenate %get3A_149, %sub3A_156 in 1 : vector<256x3xf32>, vector<256x3xf32> -> vector<256x6xf32>
    %get3A_158 = arith.constant 0 : index
    %get3A_159 = arith.constant 0 : index
    %get3A_160 = vector.load %arg3[%get3A_158, %get3A_159] : memref<6x64xf32, #tpu.memory_space<vmem>>, vector<6x64xf32>
    %dot_general3A_161 = arith.constant dense<0.000000e+00> : vector<256x64xf32>
    %dot_general3A_162 = tpu.matmul %concatenate3A_157, %get3A_160, %dot_general3A_161 {dimension_numbers = #tpu.dot_dimension_numbers<[1], [0], [0], [1], [0, 0, 1, 1], [], []>, transpose_lhs_hint = false} : vector<256x6xf32>, vector<6x64xf32>, vector<256x64xf32> -> vector<256x64xf32>
    %get3A_163 = arith.constant 0 : index
    %get3A_164 = arith.constant 0 : index
    %get3A_165 = vector.load %arg4[%get3A_163, %get3A_164] : memref<1x64xf32, #tpu.memory_space<vmem>>, vector<1x64xf32>
    %add3A_166 = vector.broadcast %get3A_165 : vector<1x64xf32> to vector<256x64xf32>
    %add3A_167 = arith.addf %dot_general3A_162, %add3A_166 : vector<256x64xf32>
    %reduce_sum3A_168 = arith.constant dense<0.000000e+00> : vector<64xf32>
    %reduce_sum3A_169 = vector.multi_reduction <add>, %add3A_167, %reduce_sum3A_168 [0] : vector<256x64xf32> to vector<64xf32>
    %broadcast_in_dim3A_170 = vector.shape_cast %reduce_sum3A_169 : vector<64xf32> to vector<1x64xf32>
    %add3A_171 = arith.addf %add3A_141, %broadcast_in_dim3A_170 : vector<1x64xf32>
    %mul3A_172 = arith.mulf %add3A_167, %add3A_167 : vector<256x64xf32>
    %reduce_sum3A_173 = arith.constant dense<0.000000e+00> : vector<64xf32>
    %reduce_sum3A_174 = vector.multi_reduction <add>, %mul3A_172, %reduce_sum3A_173 [0] : vector<256x64xf32> to vector<64xf32>
    %broadcast_in_dim3A_175 = vector.shape_cast %reduce_sum3A_174 : vector<64xf32> to vector<1x64xf32>
    %add3A_176 = arith.addf %add3A_146, %broadcast_in_dim3A_175 : vector<1x64xf32>
    %get3A_177 = arith.constant 0 : index
    %get3A_178 = arith.constant 0 : index
    %get3A_179 = vector.load %arg1[%get3A_177, %get3A_178] : memref<256x3xf32, #tpu.memory_space<vmem>>, vector<256x3xf32>
    %get3A_180 = arith.constant 6 : index
    %get3A_181 = arith.constant 0 : index
    %get3A_182 = arith.constant 0 : index
    %get3A_183 = vector.load %arg2[%get3A_180, %get3A_181, %get3A_182] : memref<20x256x128xf32, #tpu.memory_space<vmem>>, vector<1x256x128xf32>
    %get3A_184 = vector.shape_cast %get3A_183 : vector<1x256x128xf32> to vector<256x128xf32>
    %slice3A_185 = vector.extract_strided_slice %get3A_184 {offsets = [0, 0], sizes = [256, 3], strides = [1, 1]} : vector<256x128xf32> to vector<256x3xf32>
    %sub3A_186 = arith.subf %slice3A_185, %get3A_179 : vector<256x3xf32>
    %concatenate3A_187 = tpu.concatenate %get3A_179, %sub3A_186 in 1 : vector<256x3xf32>, vector<256x3xf32> -> vector<256x6xf32>
    %get3A_188 = arith.constant 0 : index
    %get3A_189 = arith.constant 0 : index
    %get3A_190 = vector.load %arg3[%get3A_188, %get3A_189] : memref<6x64xf32, #tpu.memory_space<vmem>>, vector<6x64xf32>
    %dot_general3A_191 = arith.constant dense<0.000000e+00> : vector<256x64xf32>
    %dot_general3A_192 = tpu.matmul %concatenate3A_187, %get3A_190, %dot_general3A_191 {dimension_numbers = #tpu.dot_dimension_numbers<[1], [0], [0], [1], [0, 0, 1, 1], [], []>, transpose_lhs_hint = false} : vector<256x6xf32>, vector<6x64xf32>, vector<256x64xf32> -> vector<256x64xf32>
    %get3A_193 = arith.constant 0 : index
    %get3A_194 = arith.constant 0 : index
    %get3A_195 = vector.load %arg4[%get3A_193, %get3A_194] : memref<1x64xf32, #tpu.memory_space<vmem>>, vector<1x64xf32>
    %add3A_196 = vector.broadcast %get3A_195 : vector<1x64xf32> to vector<256x64xf32>
    %add3A_197 = arith.addf %dot_general3A_192, %add3A_196 : vector<256x64xf32>
    %reduce_sum3A_198 = arith.constant dense<0.000000e+00> : vector<64xf32>
    %reduce_sum3A_199 = vector.multi_reduction <add>, %add3A_197, %reduce_sum3A_198 [0] : vector<256x64xf32> to vector<64xf32>
    %broadcast_in_dim3A_200 = vector.shape_cast %reduce_sum3A_199 : vector<64xf32> to vector<1x64xf32>
    %add3A_201 = arith.addf %add3A_171, %broadcast_in_dim3A_200 : vector<1x64xf32>
    %mul3A_202 = arith.mulf %add3A_197, %add3A_197 : vector<256x64xf32>
    %reduce_sum3A_203 = arith.constant dense<0.000000e+00> : vector<64xf32>
    %reduce_sum3A_204 = vector.multi_reduction <add>, %mul3A_202, %reduce_sum3A_203 [0] : vector<256x64xf32> to vector<64xf32>
    %broadcast_in_dim3A_205 = vector.shape_cast %reduce_sum3A_204 : vector<64xf32> to vector<1x64xf32>
    %add3A_206 = arith.addf %add3A_176, %broadcast_in_dim3A_205 : vector<1x64xf32>
    %get3A_207 = arith.constant 0 : index
    %get3A_208 = arith.constant 0 : index
    %get3A_209 = vector.load %arg1[%get3A_207, %get3A_208] : memref<256x3xf32, #tpu.memory_space<vmem>>, vector<256x3xf32>
    %get3A_210 = arith.constant 7 : index
    %get3A_211 = arith.constant 0 : index
    %get3A_212 = arith.constant 0 : index
    %get3A_213 = vector.load %arg2[%get3A_210, %get3A_211, %get3A_212] : memref<20x256x128xf32, #tpu.memory_space<vmem>>, vector<1x256x128xf32>
    %get3A_214 = vector.shape_cast %get3A_213 : vector<1x256x128xf32> to vector<256x128xf32>
    %slice3A_215 = vector.extract_strided_slice %get3A_214 {offsets = [0, 0], sizes = [256, 3], strides = [1, 1]} : vector<256x128xf32> to vector<256x3xf32>
    %sub3A_216 = arith.subf %slice3A_215, %get3A_209 : vector<256x3xf32>
    %concatenate3A_217 = tpu.concatenate %get3A_209, %sub3A_216 in 1 : vector<256x3xf32>, vector<256x3xf32> -> vector<256x6xf32>
    %get3A_218 = arith.constant 0 : index
    %get3A_219 = arith.constant 0 : index
    %get3A_220 = vector.load %arg3[%get3A_218, %get3A_219] : memref<6x64xf32, #tpu.memory_space<vmem>>, vector<6x64xf32>
    %dot_general3A_221 = arith.constant dense<0.000000e+00> : vector<256x64xf32>
    %dot_general3A_222 = tpu.matmul %concatenate3A_217, %get3A_220, %dot_general3A_221 {dimension_numbers = #tpu.dot_dimension_numbers<[1], [0], [0], [1], [0, 0, 1, 1], [], []>, transpose_lhs_hint = false} : vector<256x6xf32>, vector<6x64xf32>, vector<256x64xf32> -> vector<256x64xf32>
    %get3A_223 = arith.constant 0 : index
    %get3A_224 = arith.constant 0 : index
    %get3A_225 = vector.load %arg4[%get3A_223, %get3A_224] : memref<1x64xf32, #tpu.memory_space<vmem>>, vector<1x64xf32>
    %add3A_226 = vector.broadcast %get3A_225 : vector<1x64xf32> to vector<256x64xf32>
    %add3A_227 = arith.addf %dot_general3A_222, %add3A_226 : vector<256x64xf32>
    %reduce_sum3A_228 = arith.constant dense<0.000000e+00> : vector<64xf32>
    %reduce_sum3A_229 = vector.multi_reduction <add>, %add3A_227, %reduce_sum3A_228 [0] : vector<256x64xf32> to vector<64xf32>
    %broadcast_in_dim3A_230 = vector.shape_cast %reduce_sum3A_229 : vector<64xf32> to vector<1x64xf32>
    %add3A_231 = arith.addf %add3A_201, %broadcast_in_dim3A_230 : vector<1x64xf32>
    %mul3A_232 = arith.mulf %add3A_227, %add3A_227 : vector<256x64xf32>
    %reduce_sum3A_233 = arith.constant dense<0.000000e+00> : vector<64xf32>
    %reduce_sum3A_234 = vector.multi_reduction <add>, %mul3A_232, %reduce_sum3A_233 [0] : vector<256x64xf32> to vector<64xf32>
    %broadcast_in_dim3A_235 = vector.shape_cast %reduce_sum3A_234 : vector<64xf32> to vector<1x64xf32>
    %add3A_236 = arith.addf %add3A_206, %broadcast_in_dim3A_235 : vector<1x64xf32>
    %get3A_237 = arith.constant 0 : index
    %get3A_238 = arith.constant 0 : index
    %get3A_239 = vector.load %arg1[%get3A_237, %get3A_238] : memref<256x3xf32, #tpu.memory_space<vmem>>, vector<256x3xf32>
    %get3A_240 = arith.constant 8 : index
    %get3A_241 = arith.constant 0 : index
    %get3A_242 = arith.constant 0 : index
    %get3A_243 = vector.load %arg2[%get3A_240, %get3A_241, %get3A_242] : memref<20x256x128xf32, #tpu.memory_space<vmem>>, vector<1x256x128xf32>
    %get3A_244 = vector.shape_cast %get3A_243 : vector<1x256x128xf32> to vector<256x128xf32>
    %slice3A_245 = vector.extract_strided_slice %get3A_244 {offsets = [0, 0], sizes = [256, 3], strides = [1, 1]} : vector<256x128xf32> to vector<256x3xf32>
    %sub3A_246 = arith.subf %slice3A_245, %get3A_239 : vector<256x3xf32>
    %concatenate3A_247 = tpu.concatenate %get3A_239, %sub3A_246 in 1 : vector<256x3xf32>, vector<256x3xf32> -> vector<256x6xf32>
    %get3A_248 = arith.constant 0 : index
    %get3A_249 = arith.constant 0 : index
    %get3A_250 = vector.load %arg3[%get3A_248, %get3A_249] : memref<6x64xf32, #tpu.memory_space<vmem>>, vector<6x64xf32>
    %dot_general3A_251 = arith.constant dense<0.000000e+00> : vector<256x64xf32>
    %dot_general3A_252 = tpu.matmul %concatenate3A_247, %get3A_250, %dot_general3A_251 {dimension_numbers = #tpu.dot_dimension_numbers<[1], [0], [0], [1], [0, 0, 1, 1], [], []>, transpose_lhs_hint = false} : vector<256x6xf32>, vector<6x64xf32>, vector<256x64xf32> -> vector<256x64xf32>
    %get3A_253 = arith.constant 0 : index
    %get3A_254 = arith.constant 0 : index
    %get3A_255 = vector.load %arg4[%get3A_253, %get3A_254] : memref<1x64xf32, #tpu.memory_space<vmem>>, vector<1x64xf32>
    %add3A_256 = vector.broadcast %get3A_255 : vector<1x64xf32> to vector<256x64xf32>
    %add3A_257 = arith.addf %dot_general3A_252, %add3A_256 : vector<256x64xf32>
    %reduce_sum3A_258 = arith.constant dense<0.000000e+00> : vector<64xf32>
    %reduce_sum3A_259 = vector.multi_reduction <add>, %add3A_257, %reduce_sum3A_258 [0] : vector<256x64xf32> to vector<64xf32>
    %broadcast_in_dim3A_260 = vector.shape_cast %reduce_sum3A_259 : vector<64xf32> to vector<1x64xf32>
    %add3A_261 = arith.addf %add3A_231, %broadcast_in_dim3A_260 : vector<1x64xf32>
    %mul3A_262 = arith.mulf %add3A_257, %add3A_257 : vector<256x64xf32>
    %reduce_sum3A_263 = arith.constant dense<0.000000e+00> : vector<64xf32>
    %reduce_sum3A_264 = vector.multi_reduction <add>, %mul3A_262, %reduce_sum3A_263 [0] : vector<256x64xf32> to vector<64xf32>
    %broadcast_in_dim3A_265 = vector.shape_cast %reduce_sum3A_264 : vector<64xf32> to vector<1x64xf32>
    %add3A_266 = arith.addf %add3A_236, %broadcast_in_dim3A_265 : vector<1x64xf32>
    %get3A_267 = arith.constant 0 : index
    %get3A_268 = arith.constant 0 : index
    %get3A_269 = vector.load %arg1[%get3A_267, %get3A_268] : memref<256x3xf32, #tpu.memory_space<vmem>>, vector<256x3xf32>
    %get3A_270 = arith.constant 9 : index
    %get3A_271 = arith.constant 0 : index
    %get3A_272 = arith.constant 0 : index
    %get3A_273 = vector.load %arg2[%get3A_270, %get3A_271, %get3A_272] : memref<20x256x128xf32, #tpu.memory_space<vmem>>, vector<1x256x128xf32>
    %get3A_274 = vector.shape_cast %get3A_273 : vector<1x256x128xf32> to vector<256x128xf32>
    %slice3A_275 = vector.extract_strided_slice %get3A_274 {offsets = [0, 0], sizes = [256, 3], strides = [1, 1]} : vector<256x128xf32> to vector<256x3xf32>
    %sub3A_276 = arith.subf %slice3A_275, %get3A_269 : vector<256x3xf32>
    %concatenate3A_277 = tpu.concatenate %get3A_269, %sub3A_276 in 1 : vector<256x3xf32>, vector<256x3xf32> -> vector<256x6xf32>
    %get3A_278 = arith.constant 0 : index
    %get3A_279 = arith.constant 0 : index
    %get3A_280 = vector.load %arg3[%get3A_278, %get3A_279] : memref<6x64xf32, #tpu.memory_space<vmem>>, vector<6x64xf32>
    %dot_general3A_281 = arith.constant dense<0.000000e+00> : vector<256x64xf32>
    %dot_general3A_282 = tpu.matmul %concatenate3A_277, %get3A_280, %dot_general3A_281 {dimension_numbers = #tpu.dot_dimension_numbers<[1], [0], [0], [1], [0, 0, 1, 1], [], []>, transpose_lhs_hint = false} : vector<256x6xf32>, vector<6x64xf32>, vector<256x64xf32> -> vector<256x64xf32>
    %get3A_283 = arith.constant 0 : index
    %get3A_284 = arith.constant 0 : index
    %get3A_285 = vector.load %arg4[%get3A_283, %get3A_284] : memref<1x64xf32, #tpu.memory_space<vmem>>, vector<1x64xf32>
    %add3A_286 = vector.broadcast %get3A_285 : vector<1x64xf32> to vector<256x64xf32>
    %add3A_287 = arith.addf %dot_general3A_282, %add3A_286 : vector<256x64xf32>
    %reduce_sum3A_288 = arith.constant dense<0.000000e+00> : vector<64xf32>
    %reduce_sum3A_289 = vector.multi_reduction <add>, %add3A_287, %reduce_sum3A_288 [0] : vector<256x64xf32> to vector<64xf32>
    %broadcast_in_dim3A_290 = vector.shape_cast %reduce_sum3A_289 : vector<64xf32> to vector<1x64xf32>
    %add3A_291 = arith.addf %add3A_261, %broadcast_in_dim3A_290 : vector<1x64xf32>
    %mul3A_292 = arith.mulf %add3A_287, %add3A_287 : vector<256x64xf32>
    %reduce_sum3A_293 = arith.constant dense<0.000000e+00> : vector<64xf32>
    %reduce_sum3A_294 = vector.multi_reduction <add>, %mul3A_292, %reduce_sum3A_293 [0] : vector<256x64xf32> to vector<64xf32>
    %broadcast_in_dim3A_295 = vector.shape_cast %reduce_sum3A_294 : vector<64xf32> to vector<1x64xf32>
    %add3A_296 = arith.addf %add3A_266, %broadcast_in_dim3A_295 : vector<1x64xf32>
    %get3A_297 = arith.constant 0 : index
    %get3A_298 = arith.constant 0 : index
    %get3A_299 = vector.load %arg1[%get3A_297, %get3A_298] : memref<256x3xf32, #tpu.memory_space<vmem>>, vector<256x3xf32>
    %get3A_300 = arith.constant 10 : index
    %get3A_301 = arith.constant 0 : index
    %get3A_302 = arith.constant 0 : index
    %get3A_303 = vector.load %arg2[%get3A_300, %get3A_301, %get3A_302] : memref<20x256x128xf32, #tpu.memory_space<vmem>>, vector<1x256x128xf32>
    %get3A_304 = vector.shape_cast %get3A_303 : vector<1x256x128xf32> to vector<256x128xf32>
    %slice3A_305 = vector.extract_strided_slice %get3A_304 {offsets = [0, 0], sizes = [256, 3], strides = [1, 1]} : vector<256x128xf32> to vector<256x3xf32>
    %sub3A_306 = arith.subf %slice3A_305, %get3A_299 : vector<256x3xf32>
    %concatenate3A_307 = tpu.concatenate %get3A_299, %sub3A_306 in 1 : vector<256x3xf32>, vector<256x3xf32> -> vector<256x6xf32>
    %get3A_308 = arith.constant 0 : index
    %get3A_309 = arith.constant 0 : index
    %get3A_310 = vector.load %arg3[%get3A_308, %get3A_309] : memref<6x64xf32, #tpu.memory_space<vmem>>, vector<6x64xf32>
    %dot_general3A_311 = arith.constant dense<0.000000e+00> : vector<256x64xf32>
    %dot_general3A_312 = tpu.matmul %concatenate3A_307, %get3A_310, %dot_general3A_311 {dimension_numbers = #tpu.dot_dimension_numbers<[1], [0], [0], [1], [0, 0, 1, 1], [], []>, transpose_lhs_hint = false} : vector<256x6xf32>, vector<6x64xf32>, vector<256x64xf32> -> vector<256x64xf32>
    %get3A_313 = arith.constant 0 : index
    %get3A_314 = arith.constant 0 : index
    %get3A_315 = vector.load %arg4[%get3A_313, %get3A_314] : memref<1x64xf32, #tpu.memory_space<vmem>>, vector<1x64xf32>
    %add3A_316 = vector.broadcast %get3A_315 : vector<1x64xf32> to vector<256x64xf32>
    %add3A_317 = arith.addf %dot_general3A_312, %add3A_316 : vector<256x64xf32>
    %reduce_sum3A_318 = arith.constant dense<0.000000e+00> : vector<64xf32>
    %reduce_sum3A_319 = vector.multi_reduction <add>, %add3A_317, %reduce_sum3A_318 [0] : vector<256x64xf32> to vector<64xf32>
    %broadcast_in_dim3A_320 = vector.shape_cast %reduce_sum3A_319 : vector<64xf32> to vector<1x64xf32>
    %add3A_321 = arith.addf %add3A_291, %broadcast_in_dim3A_320 : vector<1x64xf32>
    %mul3A_322 = arith.mulf %add3A_317, %add3A_317 : vector<256x64xf32>
    %reduce_sum3A_323 = arith.constant dense<0.000000e+00> : vector<64xf32>
    %reduce_sum3A_324 = vector.multi_reduction <add>, %mul3A_322, %reduce_sum3A_323 [0] : vector<256x64xf32> to vector<64xf32>
    %broadcast_in_dim3A_325 = vector.shape_cast %reduce_sum3A_324 : vector<64xf32> to vector<1x64xf32>
    %add3A_326 = arith.addf %add3A_296, %broadcast_in_dim3A_325 : vector<1x64xf32>
    %get3A_327 = arith.constant 0 : index
    %get3A_328 = arith.constant 0 : index
    %get3A_329 = vector.load %arg1[%get3A_327, %get3A_328] : memref<256x3xf32, #tpu.memory_space<vmem>>, vector<256x3xf32>
    %get3A_330 = arith.constant 11 : index
    %get3A_331 = arith.constant 0 : index
    %get3A_332 = arith.constant 0 : index
    %get3A_333 = vector.load %arg2[%get3A_330, %get3A_331, %get3A_332] : memref<20x256x128xf32, #tpu.memory_space<vmem>>, vector<1x256x128xf32>
    %get3A_334 = vector.shape_cast %get3A_333 : vector<1x256x128xf32> to vector<256x128xf32>
    %slice3A_335 = vector.extract_strided_slice %get3A_334 {offsets = [0, 0], sizes = [256, 3], strides = [1, 1]} : vector<256x128xf32> to vector<256x3xf32>
    %sub3A_336 = arith.subf %slice3A_335, %get3A_329 : vector<256x3xf32>
    %concatenate3A_337 = tpu.concatenate %get3A_329, %sub3A_336 in 1 : vector<256x3xf32>, vector<256x3xf32> -> vector<256x6xf32>
    %get3A_338 = arith.constant 0 : index
    %get3A_339 = arith.constant 0 : index
    %get3A_340 = vector.load %arg3[%get3A_338, %get3A_339] : memref<6x64xf32, #tpu.memory_space<vmem>>, vector<6x64xf32>
    %dot_general3A_341 = arith.constant dense<0.000000e+00> : vector<256x64xf32>
    %dot_general3A_342 = tpu.matmul %concatenate3A_337, %get3A_340, %dot_general3A_341 {dimension_numbers = #tpu.dot_dimension_numbers<[1], [0], [0], [1], [0, 0, 1, 1], [], []>, transpose_lhs_hint = false} : vector<256x6xf32>, vector<6x64xf32>, vector<256x64xf32> -> vector<256x64xf32>
    %get3A_343 = arith.constant 0 : index
    %get3A_344 = arith.constant 0 : index
    %get3A_345 = vector.load %arg4[%get3A_343, %get3A_344] : memref<1x64xf32, #tpu.memory_space<vmem>>, vector<1x64xf32>
    %add3A_346 = vector.broadcast %get3A_345 : vector<1x64xf32> to vector<256x64xf32>
    %add3A_347 = arith.addf %dot_general3A_342, %add3A_346 : vector<256x64xf32>
    %reduce_sum3A_348 = arith.constant dense<0.000000e+00> : vector<64xf32>
    %reduce_sum3A_349 = vector.multi_reduction <add>, %add3A_347, %reduce_sum3A_348 [0] : vector<256x64xf32> to vector<64xf32>
    %broadcast_in_dim3A_350 = vector.shape_cast %reduce_sum3A_349 : vector<64xf32> to vector<1x64xf32>
    %add3A_351 = arith.addf %add3A_321, %broadcast_in_dim3A_350 : vector<1x64xf32>
    %mul3A_352 = arith.mulf %add3A_347, %add3A_347 : vector<256x64xf32>
    %reduce_sum3A_353 = arith.constant dense<0.000000e+00> : vector<64xf32>
    %reduce_sum3A_354 = vector.multi_reduction <add>, %mul3A_352, %reduce_sum3A_353 [0] : vector<256x64xf32> to vector<64xf32>
    %broadcast_in_dim3A_355 = vector.shape_cast %reduce_sum3A_354 : vector<64xf32> to vector<1x64xf32>
    %add3A_356 = arith.addf %add3A_326, %broadcast_in_dim3A_355 : vector<1x64xf32>
    %get3A_357 = arith.constant 0 : index
    %get3A_358 = arith.constant 0 : index
    %get3A_359 = vector.load %arg1[%get3A_357, %get3A_358] : memref<256x3xf32, #tpu.memory_space<vmem>>, vector<256x3xf32>
    %get3A_360 = arith.constant 12 : index
    %get3A_361 = arith.constant 0 : index
    %get3A_362 = arith.constant 0 : index
    %get3A_363 = vector.load %arg2[%get3A_360, %get3A_361, %get3A_362] : memref<20x256x128xf32, #tpu.memory_space<vmem>>, vector<1x256x128xf32>
    %get3A_364 = vector.shape_cast %get3A_363 : vector<1x256x128xf32> to vector<256x128xf32>
    %slice3A_365 = vector.extract_strided_slice %get3A_364 {offsets = [0, 0], sizes = [256, 3], strides = [1, 1]} : vector<256x128xf32> to vector<256x3xf32>
    %sub3A_366 = arith.subf %slice3A_365, %get3A_359 : vector<256x3xf32>
    %concatenate3A_367 = tpu.concatenate %get3A_359, %sub3A_366 in 1 : vector<256x3xf32>, vector<256x3xf32> -> vector<256x6xf32>
    %get3A_368 = arith.constant 0 : index
    %get3A_369 = arith.constant 0 : index
    %get3A_370 = vector.load %arg3[%get3A_368, %get3A_369] : memref<6x64xf32, #tpu.memory_space<vmem>>, vector<6x64xf32>
    %dot_general3A_371 = arith.constant dense<0.000000e+00> : vector<256x64xf32>
    %dot_general3A_372 = tpu.matmul %concatenate3A_367, %get3A_370, %dot_general3A_371 {dimension_numbers = #tpu.dot_dimension_numbers<[1], [0], [0], [1], [0, 0, 1, 1], [], []>, transpose_lhs_hint = false} : vector<256x6xf32>, vector<6x64xf32>, vector<256x64xf32> -> vector<256x64xf32>
    %get3A_373 = arith.constant 0 : index
    %get3A_374 = arith.constant 0 : index
    %get3A_375 = vector.load %arg4[%get3A_373, %get3A_374] : memref<1x64xf32, #tpu.memory_space<vmem>>, vector<1x64xf32>
    %add3A_376 = vector.broadcast %get3A_375 : vector<1x64xf32> to vector<256x64xf32>
    %add3A_377 = arith.addf %dot_general3A_372, %add3A_376 : vector<256x64xf32>
    %reduce_sum3A_378 = arith.constant dense<0.000000e+00> : vector<64xf32>
    %reduce_sum3A_379 = vector.multi_reduction <add>, %add3A_377, %reduce_sum3A_378 [0] : vector<256x64xf32> to vector<64xf32>
    %broadcast_in_dim3A_380 = vector.shape_cast %reduce_sum3A_379 : vector<64xf32> to vector<1x64xf32>
    %add3A_381 = arith.addf %add3A_351, %broadcast_in_dim3A_380 : vector<1x64xf32>
    %mul3A_382 = arith.mulf %add3A_377, %add3A_377 : vector<256x64xf32>
    %reduce_sum3A_383 = arith.constant dense<0.000000e+00> : vector<64xf32>
    %reduce_sum3A_384 = vector.multi_reduction <add>, %mul3A_382, %reduce_sum3A_383 [0] : vector<256x64xf32> to vector<64xf32>
    %broadcast_in_dim3A_385 = vector.shape_cast %reduce_sum3A_384 : vector<64xf32> to vector<1x64xf32>
    %add3A_386 = arith.addf %add3A_356, %broadcast_in_dim3A_385 : vector<1x64xf32>
    %get3A_387 = arith.constant 0 : index
    %get3A_388 = arith.constant 0 : index
    %get3A_389 = vector.load %arg1[%get3A_387, %get3A_388] : memref<256x3xf32, #tpu.memory_space<vmem>>, vector<256x3xf32>
    %get3A_390 = arith.constant 13 : index
    %get3A_391 = arith.constant 0 : index
    %get3A_392 = arith.constant 0 : index
    %get3A_393 = vector.load %arg2[%get3A_390, %get3A_391, %get3A_392] : memref<20x256x128xf32, #tpu.memory_space<vmem>>, vector<1x256x128xf32>
    %get3A_394 = vector.shape_cast %get3A_393 : vector<1x256x128xf32> to vector<256x128xf32>
    %slice3A_395 = vector.extract_strided_slice %get3A_394 {offsets = [0, 0], sizes = [256, 3], strides = [1, 1]} : vector<256x128xf32> to vector<256x3xf32>
    %sub3A_396 = arith.subf %slice3A_395, %get3A_389 : vector<256x3xf32>
    %concatenate3A_397 = tpu.concatenate %get3A_389, %sub3A_396 in 1 : vector<256x3xf32>, vector<256x3xf32> -> vector<256x6xf32>
    %get3A_398 = arith.constant 0 : index
    %get3A_399 = arith.constant 0 : index
    %get3A_400 = vector.load %arg3[%get3A_398, %get3A_399] : memref<6x64xf32, #tpu.memory_space<vmem>>, vector<6x64xf32>
    %dot_general3A_401 = arith.constant dense<0.000000e+00> : vector<256x64xf32>
    %dot_general3A_402 = tpu.matmul %concatenate3A_397, %get3A_400, %dot_general3A_401 {dimension_numbers = #tpu.dot_dimension_numbers<[1], [0], [0], [1], [0, 0, 1, 1], [], []>, transpose_lhs_hint = false} : vector<256x6xf32>, vector<6x64xf32>, vector<256x64xf32> -> vector<256x64xf32>
    %get3A_403 = arith.constant 0 : index
    %get3A_404 = arith.constant 0 : index
    %get3A_405 = vector.load %arg4[%get3A_403, %get3A_404] : memref<1x64xf32, #tpu.memory_space<vmem>>, vector<1x64xf32>
    %add3A_406 = vector.broadcast %get3A_405 : vector<1x64xf32> to vector<256x64xf32>
    %add3A_407 = arith.addf %dot_general3A_402, %add3A_406 : vector<256x64xf32>
    %reduce_sum3A_408 = arith.constant dense<0.000000e+00> : vector<64xf32>
    %reduce_sum3A_409 = vector.multi_reduction <add>, %add3A_407, %reduce_sum3A_408 [0] : vector<256x64xf32> to vector<64xf32>
    %broadcast_in_dim3A_410 = vector.shape_cast %reduce_sum3A_409 : vector<64xf32> to vector<1x64xf32>
    %add3A_411 = arith.addf %add3A_381, %broadcast_in_dim3A_410 : vector<1x64xf32>
    %mul3A_412 = arith.mulf %add3A_407, %add3A_407 : vector<256x64xf32>
    %reduce_sum3A_413 = arith.constant dense<0.000000e+00> : vector<64xf32>
    %reduce_sum3A_414 = vector.multi_reduction <add>, %mul3A_412, %reduce_sum3A_413 [0] : vector<256x64xf32> to vector<64xf32>
    %broadcast_in_dim3A_415 = vector.shape_cast %reduce_sum3A_414 : vector<64xf32> to vector<1x64xf32>
    %add3A_416 = arith.addf %add3A_386, %broadcast_in_dim3A_415 : vector<1x64xf32>
    %get3A_417 = arith.constant 0 : index
    %get3A_418 = arith.constant 0 : index
    %get3A_419 = vector.load %arg1[%get3A_417, %get3A_418] : memref<256x3xf32, #tpu.memory_space<vmem>>, vector<256x3xf32>
    %get3A_420 = arith.constant 14 : index
    %get3A_421 = arith.constant 0 : index
    %get3A_422 = arith.constant 0 : index
    %get3A_423 = vector.load %arg2[%get3A_420, %get3A_421, %get3A_422] : memref<20x256x128xf32, #tpu.memory_space<vmem>>, vector<1x256x128xf32>
    %get3A_424 = vector.shape_cast %get3A_423 : vector<1x256x128xf32> to vector<256x128xf32>
    %slice3A_425 = vector.extract_strided_slice %get3A_424 {offsets = [0, 0], sizes = [256, 3], strides = [1, 1]} : vector<256x128xf32> to vector<256x3xf32>
    %sub3A_426 = arith.subf %slice3A_425, %get3A_419 : vector<256x3xf32>
    %concatenate3A_427 = tpu.concatenate %get3A_419, %sub3A_426 in 1 : vector<256x3xf32>, vector<256x3xf32> -> vector<256x6xf32>
    %get3A_428 = arith.constant 0 : index
    %get3A_429 = arith.constant 0 : index
    %get3A_430 = vector.load %arg3[%get3A_428, %get3A_429] : memref<6x64xf32, #tpu.memory_space<vmem>>, vector<6x64xf32>
    %dot_general3A_431 = arith.constant dense<0.000000e+00> : vector<256x64xf32>
    %dot_general3A_432 = tpu.matmul %concatenate3A_427, %get3A_430, %dot_general3A_431 {dimension_numbers = #tpu.dot_dimension_numbers<[1], [0], [0], [1], [0, 0, 1, 1], [], []>, transpose_lhs_hint = false} : vector<256x6xf32>, vector<6x64xf32>, vector<256x64xf32> -> vector<256x64xf32>
    %get3A_433 = arith.constant 0 : index
    %get3A_434 = arith.constant 0 : index
    %get3A_435 = vector.load %arg4[%get3A_433, %get3A_434] : memref<1x64xf32, #tpu.memory_space<vmem>>, vector<1x64xf32>
    %add3A_436 = vector.broadcast %get3A_435 : vector<1x64xf32> to vector<256x64xf32>
    %add3A_437 = arith.addf %dot_general3A_432, %add3A_436 : vector<256x64xf32>
    %reduce_sum3A_438 = arith.constant dense<0.000000e+00> : vector<64xf32>
    %reduce_sum3A_439 = vector.multi_reduction <add>, %add3A_437, %reduce_sum3A_438 [0] : vector<256x64xf32> to vector<64xf32>
    %broadcast_in_dim3A_440 = vector.shape_cast %reduce_sum3A_439 : vector<64xf32> to vector<1x64xf32>
    %add3A_441 = arith.addf %add3A_411, %broadcast_in_dim3A_440 : vector<1x64xf32>
    %mul3A_442 = arith.mulf %add3A_437, %add3A_437 : vector<256x64xf32>
    %reduce_sum3A_443 = arith.constant dense<0.000000e+00> : vector<64xf32>
    %reduce_sum3A_444 = vector.multi_reduction <add>, %mul3A_442, %reduce_sum3A_443 [0] : vector<256x64xf32> to vector<64xf32>
    %broadcast_in_dim3A_445 = vector.shape_cast %reduce_sum3A_444 : vector<64xf32> to vector<1x64xf32>
    %add3A_446 = arith.addf %add3A_416, %broadcast_in_dim3A_445 : vector<1x64xf32>
    %get3A_447 = arith.constant 0 : index
    %get3A_448 = arith.constant 0 : index
    %get3A_449 = vector.load %arg1[%get3A_447, %get3A_448] : memref<256x3xf32, #tpu.memory_space<vmem>>, vector<256x3xf32>
    %get3A_450 = arith.constant 15 : index
    %get3A_451 = arith.constant 0 : index
    %get3A_452 = arith.constant 0 : index
    %get3A_453 = vector.load %arg2[%get3A_450, %get3A_451, %get3A_452] : memref<20x256x128xf32, #tpu.memory_space<vmem>>, vector<1x256x128xf32>
    %get3A_454 = vector.shape_cast %get3A_453 : vector<1x256x128xf32> to vector<256x128xf32>
    %slice3A_455 = vector.extract_strided_slice %get3A_454 {offsets = [0, 0], sizes = [256, 3], strides = [1, 1]} : vector<256x128xf32> to vector<256x3xf32>
    %sub3A_456 = arith.subf %slice3A_455, %get3A_449 : vector<256x3xf32>
    %concatenate3A_457 = tpu.concatenate %get3A_449, %sub3A_456 in 1 : vector<256x3xf32>, vector<256x3xf32> -> vector<256x6xf32>
    %get3A_458 = arith.constant 0 : index
    %get3A_459 = arith.constant 0 : index
    %get3A_460 = vector.load %arg3[%get3A_458, %get3A_459] : memref<6x64xf32, #tpu.memory_space<vmem>>, vector<6x64xf32>
    %dot_general3A_461 = arith.constant dense<0.000000e+00> : vector<256x64xf32>
    %dot_general3A_462 = tpu.matmul %concatenate3A_457, %get3A_460, %dot_general3A_461 {dimension_numbers = #tpu.dot_dimension_numbers<[1], [0], [0], [1], [0, 0, 1, 1], [], []>, transpose_lhs_hint = false} : vector<256x6xf32>, vector<6x64xf32>, vector<256x64xf32> -> vector<256x64xf32>
    %get3A_463 = arith.constant 0 : index
    %get3A_464 = arith.constant 0 : index
    %get3A_465 = vector.load %arg4[%get3A_463, %get3A_464] : memref<1x64xf32, #tpu.memory_space<vmem>>, vector<1x64xf32>
    %add3A_466 = vector.broadcast %get3A_465 : vector<1x64xf32> to vector<256x64xf32>
    %add3A_467 = arith.addf %dot_general3A_462, %add3A_466 : vector<256x64xf32>
    %reduce_sum3A_468 = arith.constant dense<0.000000e+00> : vector<64xf32>
    %reduce_sum3A_469 = vector.multi_reduction <add>, %add3A_467, %reduce_sum3A_468 [0] : vector<256x64xf32> to vector<64xf32>
    %broadcast_in_dim3A_470 = vector.shape_cast %reduce_sum3A_469 : vector<64xf32> to vector<1x64xf32>
    %add3A_471 = arith.addf %add3A_441, %broadcast_in_dim3A_470 : vector<1x64xf32>
    %mul3A_472 = arith.mulf %add3A_467, %add3A_467 : vector<256x64xf32>
    %reduce_sum3A_473 = arith.constant dense<0.000000e+00> : vector<64xf32>
    %reduce_sum3A_474 = vector.multi_reduction <add>, %mul3A_472, %reduce_sum3A_473 [0] : vector<256x64xf32> to vector<64xf32>
    %broadcast_in_dim3A_475 = vector.shape_cast %reduce_sum3A_474 : vector<64xf32> to vector<1x64xf32>
    %add3A_476 = arith.addf %add3A_446, %broadcast_in_dim3A_475 : vector<1x64xf32>
    %get3A_477 = arith.constant 0 : index
    %get3A_478 = arith.constant 0 : index
    %get3A_479 = vector.load %arg1[%get3A_477, %get3A_478] : memref<256x3xf32, #tpu.memory_space<vmem>>, vector<256x3xf32>
    %get3A_480 = arith.constant 16 : index
    %get3A_481 = arith.constant 0 : index
    %get3A_482 = arith.constant 0 : index
    %get3A_483 = vector.load %arg2[%get3A_480, %get3A_481, %get3A_482] : memref<20x256x128xf32, #tpu.memory_space<vmem>>, vector<1x256x128xf32>
    %get3A_484 = vector.shape_cast %get3A_483 : vector<1x256x128xf32> to vector<256x128xf32>
    %slice3A_485 = vector.extract_strided_slice %get3A_484 {offsets = [0, 0], sizes = [256, 3], strides = [1, 1]} : vector<256x128xf32> to vector<256x3xf32>
    %sub3A_486 = arith.subf %slice3A_485, %get3A_479 : vector<256x3xf32>
    %concatenate3A_487 = tpu.concatenate %get3A_479, %sub3A_486 in 1 : vector<256x3xf32>, vector<256x3xf32> -> vector<256x6xf32>
    %get3A_488 = arith.constant 0 : index
    %get3A_489 = arith.constant 0 : index
    %get3A_490 = vector.load %arg3[%get3A_488, %get3A_489] : memref<6x64xf32, #tpu.memory_space<vmem>>, vector<6x64xf32>
    %dot_general3A_491 = arith.constant dense<0.000000e+00> : vector<256x64xf32>
    %dot_general3A_492 = tpu.matmul %concatenate3A_487, %get3A_490, %dot_general3A_491 {dimension_numbers = #tpu.dot_dimension_numbers<[1], [0], [0], [1], [0, 0, 1, 1], [], []>, transpose_lhs_hint = false} : vector<256x6xf32>, vector<6x64xf32>, vector<256x64xf32> -> vector<256x64xf32>
    %get3A_493 = arith.constant 0 : index
    %get3A_494 = arith.constant 0 : index
    %get3A_495 = vector.load %arg4[%get3A_493, %get3A_494] : memref<1x64xf32, #tpu.memory_space<vmem>>, vector<1x64xf32>
    %add3A_496 = vector.broadcast %get3A_495 : vector<1x64xf32> to vector<256x64xf32>
    %add3A_497 = arith.addf %dot_general3A_492, %add3A_496 : vector<256x64xf32>
    %reduce_sum3A_498 = arith.constant dense<0.000000e+00> : vector<64xf32>
    %reduce_sum3A_499 = vector.multi_reduction <add>, %add3A_497, %reduce_sum3A_498 [0] : vector<256x64xf32> to vector<64xf32>
    %broadcast_in_dim3A_500 = vector.shape_cast %reduce_sum3A_499 : vector<64xf32> to vector<1x64xf32>
    %add3A_501 = arith.addf %add3A_471, %broadcast_in_dim3A_500 : vector<1x64xf32>
    %mul3A_502 = arith.mulf %add3A_497, %add3A_497 : vector<256x64xf32>
    %reduce_sum3A_503 = arith.constant dense<0.000000e+00> : vector<64xf32>
    %reduce_sum3A_504 = vector.multi_reduction <add>, %mul3A_502, %reduce_sum3A_503 [0] : vector<256x64xf32> to vector<64xf32>
    %broadcast_in_dim3A_505 = vector.shape_cast %reduce_sum3A_504 : vector<64xf32> to vector<1x64xf32>
    %add3A_506 = arith.addf %add3A_476, %broadcast_in_dim3A_505 : vector<1x64xf32>
    %get3A_507 = arith.constant 0 : index
    %get3A_508 = arith.constant 0 : index
    %get3A_509 = vector.load %arg1[%get3A_507, %get3A_508] : memref<256x3xf32, #tpu.memory_space<vmem>>, vector<256x3xf32>
    %get3A_510 = arith.constant 17 : index
    %get3A_511 = arith.constant 0 : index
    %get3A_512 = arith.constant 0 : index
    %get3A_513 = vector.load %arg2[%get3A_510, %get3A_511, %get3A_512] : memref<20x256x128xf32, #tpu.memory_space<vmem>>, vector<1x256x128xf32>
    %get3A_514 = vector.shape_cast %get3A_513 : vector<1x256x128xf32> to vector<256x128xf32>
    %slice3A_515 = vector.extract_strided_slice %get3A_514 {offsets = [0, 0], sizes = [256, 3], strides = [1, 1]} : vector<256x128xf32> to vector<256x3xf32>
    %sub3A_516 = arith.subf %slice3A_515, %get3A_509 : vector<256x3xf32>
    %concatenate3A_517 = tpu.concatenate %get3A_509, %sub3A_516 in 1 : vector<256x3xf32>, vector<256x3xf32> -> vector<256x6xf32>
    %get3A_518 = arith.constant 0 : index
    %get3A_519 = arith.constant 0 : index
    %get3A_520 = vector.load %arg3[%get3A_518, %get3A_519] : memref<6x64xf32, #tpu.memory_space<vmem>>, vector<6x64xf32>
    %dot_general3A_521 = arith.constant dense<0.000000e+00> : vector<256x64xf32>
    %dot_general3A_522 = tpu.matmul %concatenate3A_517, %get3A_520, %dot_general3A_521 {dimension_numbers = #tpu.dot_dimension_numbers<[1], [0], [0], [1], [0, 0, 1, 1], [], []>, transpose_lhs_hint = false} : vector<256x6xf32>, vector<6x64xf32>, vector<256x64xf32> -> vector<256x64xf32>
    %get3A_523 = arith.constant 0 : index
    %get3A_524 = arith.constant 0 : index
    %get3A_525 = vector.load %arg4[%get3A_523, %get3A_524] : memref<1x64xf32, #tpu.memory_space<vmem>>, vector<1x64xf32>
    %add3A_526 = vector.broadcast %get3A_525 : vector<1x64xf32> to vector<256x64xf32>
    %add3A_527 = arith.addf %dot_general3A_522, %add3A_526 : vector<256x64xf32>
    %reduce_sum3A_528 = arith.constant dense<0.000000e+00> : vector<64xf32>
    %reduce_sum3A_529 = vector.multi_reduction <add>, %add3A_527, %reduce_sum3A_528 [0] : vector<256x64xf32> to vector<64xf32>
    %broadcast_in_dim3A_530 = vector.shape_cast %reduce_sum3A_529 : vector<64xf32> to vector<1x64xf32>
    %add3A_531 = arith.addf %add3A_501, %broadcast_in_dim3A_530 : vector<1x64xf32>
    %mul3A_532 = arith.mulf %add3A_527, %add3A_527 : vector<256x64xf32>
    %reduce_sum3A_533 = arith.constant dense<0.000000e+00> : vector<64xf32>
    %reduce_sum3A_534 = vector.multi_reduction <add>, %mul3A_532, %reduce_sum3A_533 [0] : vector<256x64xf32> to vector<64xf32>
    %broadcast_in_dim3A_535 = vector.shape_cast %reduce_sum3A_534 : vector<64xf32> to vector<1x64xf32>
    %add3A_536 = arith.addf %add3A_506, %broadcast_in_dim3A_535 : vector<1x64xf32>
    %get3A_537 = arith.constant 0 : index
    %get3A_538 = arith.constant 0 : index
    %get3A_539 = vector.load %arg1[%get3A_537, %get3A_538] : memref<256x3xf32, #tpu.memory_space<vmem>>, vector<256x3xf32>
    %get3A_540 = arith.constant 18 : index
    %get3A_541 = arith.constant 0 : index
    %get3A_542 = arith.constant 0 : index
    %get3A_543 = vector.load %arg2[%get3A_540, %get3A_541, %get3A_542] : memref<20x256x128xf32, #tpu.memory_space<vmem>>, vector<1x256x128xf32>
    %get3A_544 = vector.shape_cast %get3A_543 : vector<1x256x128xf32> to vector<256x128xf32>
    %slice3A_545 = vector.extract_strided_slice %get3A_544 {offsets = [0, 0], sizes = [256, 3], strides = [1, 1]} : vector<256x128xf32> to vector<256x3xf32>
    %sub3A_546 = arith.subf %slice3A_545, %get3A_539 : vector<256x3xf32>
    %concatenate3A_547 = tpu.concatenate %get3A_539, %sub3A_546 in 1 : vector<256x3xf32>, vector<256x3xf32> -> vector<256x6xf32>
    %get3A_548 = arith.constant 0 : index
    %get3A_549 = arith.constant 0 : index
    %get3A_550 = vector.load %arg3[%get3A_548, %get3A_549] : memref<6x64xf32, #tpu.memory_space<vmem>>, vector<6x64xf32>
    %dot_general3A_551 = arith.constant dense<0.000000e+00> : vector<256x64xf32>
    %dot_general3A_552 = tpu.matmul %concatenate3A_547, %get3A_550, %dot_general3A_551 {dimension_numbers = #tpu.dot_dimension_numbers<[1], [0], [0], [1], [0, 0, 1, 1], [], []>, transpose_lhs_hint = false} : vector<256x6xf32>, vector<6x64xf32>, vector<256x64xf32> -> vector<256x64xf32>
    %get3A_553 = arith.constant 0 : index
    %get3A_554 = arith.constant 0 : index
    %get3A_555 = vector.load %arg4[%get3A_553, %get3A_554] : memref<1x64xf32, #tpu.memory_space<vmem>>, vector<1x64xf32>
    %add3A_556 = vector.broadcast %get3A_555 : vector<1x64xf32> to vector<256x64xf32>
    %add3A_557 = arith.addf %dot_general3A_552, %add3A_556 : vector<256x64xf32>
    %reduce_sum3A_558 = arith.constant dense<0.000000e+00> : vector<64xf32>
    %reduce_sum3A_559 = vector.multi_reduction <add>, %add3A_557, %reduce_sum3A_558 [0] : vector<256x64xf32> to vector<64xf32>
    %broadcast_in_dim3A_560 = vector.shape_cast %reduce_sum3A_559 : vector<64xf32> to vector<1x64xf32>
    %add3A_561 = arith.addf %add3A_531, %broadcast_in_dim3A_560 : vector<1x64xf32>
    %mul3A_562 = arith.mulf %add3A_557, %add3A_557 : vector<256x64xf32>
    %reduce_sum3A_563 = arith.constant dense<0.000000e+00> : vector<64xf32>
    %reduce_sum3A_564 = vector.multi_reduction <add>, %mul3A_562, %reduce_sum3A_563 [0] : vector<256x64xf32> to vector<64xf32>
    %broadcast_in_dim3A_565 = vector.shape_cast %reduce_sum3A_564 : vector<64xf32> to vector<1x64xf32>
    %add3A_566 = arith.addf %add3A_536, %broadcast_in_dim3A_565 : vector<1x64xf32>
    %get3A_567 = arith.constant 0 : index
    %get3A_568 = arith.constant 0 : index
    %get3A_569 = vector.load %arg1[%get3A_567, %get3A_568] : memref<256x3xf32, #tpu.memory_space<vmem>>, vector<256x3xf32>
    %get3A_570 = arith.constant 19 : index
    %get3A_571 = arith.constant 0 : index
    %get3A_572 = arith.constant 0 : index
    %get3A_573 = vector.load %arg2[%get3A_570, %get3A_571, %get3A_572] : memref<20x256x128xf32, #tpu.memory_space<vmem>>, vector<1x256x128xf32>
    %get3A_574 = vector.shape_cast %get3A_573 : vector<1x256x128xf32> to vector<256x128xf32>
    %slice3A_575 = vector.extract_strided_slice %get3A_574 {offsets = [0, 0], sizes = [256, 3], strides = [1, 1]} : vector<256x128xf32> to vector<256x3xf32>
    %sub3A_576 = arith.subf %slice3A_575, %get3A_569 : vector<256x3xf32>
    %concatenate3A_577 = tpu.concatenate %get3A_569, %sub3A_576 in 1 : vector<256x3xf32>, vector<256x3xf32> -> vector<256x6xf32>
    %get3A_578 = arith.constant 0 : index
    %get3A_579 = arith.constant 0 : index
    %get3A_580 = vector.load %arg3[%get3A_578, %get3A_579] : memref<6x64xf32, #tpu.memory_space<vmem>>, vector<6x64xf32>
    %dot_general3A_581 = arith.constant dense<0.000000e+00> : vector<256x64xf32>
    %dot_general3A_582 = tpu.matmul %concatenate3A_577, %get3A_580, %dot_general3A_581 {dimension_numbers = #tpu.dot_dimension_numbers<[1], [0], [0], [1], [0, 0, 1, 1], [], []>, transpose_lhs_hint = false} : vector<256x6xf32>, vector<6x64xf32>, vector<256x64xf32> -> vector<256x64xf32>
    %get3A_583 = arith.constant 0 : index
    %get3A_584 = arith.constant 0 : index
    %get3A_585 = vector.load %arg4[%get3A_583, %get3A_584] : memref<1x64xf32, #tpu.memory_space<vmem>>, vector<1x64xf32>
    %add3A_586 = vector.broadcast %get3A_585 : vector<1x64xf32> to vector<256x64xf32>
    %add3A_587 = arith.addf %dot_general3A_582, %add3A_586 : vector<256x64xf32>
    %reduce_sum3A_588 = arith.constant dense<0.000000e+00> : vector<64xf32>
    %reduce_sum3A_589 = vector.multi_reduction <add>, %add3A_587, %reduce_sum3A_588 [0] : vector<256x64xf32> to vector<64xf32>
    %broadcast_in_dim3A_590 = vector.shape_cast %reduce_sum3A_589 : vector<64xf32> to vector<1x64xf32>
    %add3A_591 = arith.addf %add3A_561, %broadcast_in_dim3A_590 : vector<1x64xf32>
    %mul3A_592 = arith.mulf %add3A_587, %add3A_587 : vector<256x64xf32>
    %reduce_sum3A_593 = arith.constant dense<0.000000e+00> : vector<64xf32>
    %reduce_sum3A_594 = vector.multi_reduction <add>, %mul3A_592, %reduce_sum3A_593 [0] : vector<256x64xf32> to vector<64xf32>
    %broadcast_in_dim3A_595 = vector.shape_cast %reduce_sum3A_594 : vector<64xf32> to vector<1x64xf32>
    %add3A_596 = arith.addf %add3A_566, %broadcast_in_dim3A_595 : vector<1x64xf32>
    %get3A_597 = arith.constant 0 : index
    %get3A_598 = arith.constant 0 : index
    %get3A_599 = vector.load %arg5[%get3A_597, %get3A_598] : memref<8x64xf32, #tpu.memory_space<vmem>>, vector<1x64xf32>
    %add3A_600 = arith.addf %get3A_599, %add3A_591 : vector<1x64xf32>
    %swap3A = arith.constant 0 : index
    %swap3A_601 = arith.constant 0 : index
    %swap3A_602 = vector.load %arg5[%swap3A, %swap3A_601] : memref<8x64xf32, #tpu.memory_space<vmem>>, vector<1x64xf32>
    tpu.vector_store %arg5[%swap3A, %swap3A_601], %add3A_600 {strides = array<i32>} : memref<8x64xf32, #tpu.memory_space<vmem>>, vector<1x64xf32>,
    %get3A_603 = arith.constant 1 : index
    %get3A_604 = arith.constant 0 : index
    %get3A_605 = vector.load %arg5[%get3A_603, %get3A_604] : memref<8x64xf32, #tpu.memory_space<vmem>>, vector<1x64xf32>
    %add3A_606 = arith.addf %get3A_605, %add3A_596 : vector<1x64xf32>
    %swap3A_607 = arith.constant 1 : index
    %swap3A_608 = arith.constant 0 : index
    %swap3A_609 = vector.load %arg5[%swap3A_607, %swap3A_608] : memref<8x64xf32, #tpu.memory_space<vmem>>, vector<1x64xf32>
    tpu.vector_store %arg5[%swap3A_607, %swap3A_608], %add3A_606 {strides = array<i32>} : memref<8x64xf32, #tpu.memory_space<vmem>>, vector<1x64xf32>,
    return
  }
  func.func @transform_0(%arg0: i32) -> (i32, i32) {
    %c0_i32 = arith.constant 0 : i32
    %c0_i32_0 = arith.constant 0 : i32
    return %arg0, %c0_i32 : i32, i32
  }
  func.func @transform_1(%arg0: i32) -> (i32, i32, i32) {
    %c0_i32 = arith.constant 0 : i32
    %c0_i32_0 = arith.constant 0 : i32
    %c0_i32_1 = arith.constant 0 : i32
    return %c0_i32, %arg0, %c0_i32_0 : i32, i32, i32
  }
  func.func @transform_2(%arg0: i32) -> (i32, i32) {
    %c0_i32 = arith.constant 0 : i32
    %c0_i32_0 = arith.constant 0 : i32
    %c0_i32_1 = arith.constant 0 : i32
    return %c0_i32, %c0_i32_0 : i32, i32
  }
  func.func @transform_3(%arg0: i32) -> (i32, i32) {
    %c0_i32 = arith.constant 0 : i32
    %c0_i32_0 = arith.constant 0 : i32
    %c0_i32_1 = arith.constant 0 : i32
    return %c0_i32, %c0_i32_0 : i32, i32
  }
  func.func @transform_4(%arg0: i32) -> (i32, i32) {
    %c0_i32 = arith.constant 0 : i32
    %c0_i32_0 = arith.constant 0 : i32
    %c0_i32_1 = arith.constant 0 : i32
    return %c0_i32, %c0_i32_0 : i32, i32
  }
}

module attributes {stable_mosaic.version = 14 : i64} {
  func.func @_mlp1_body(%arg0: i32, %arg1: memref<256x3xf32, #tpu.memory_space<vmem>>, %arg2: memref<20x256x128xf32, #tpu.memory_space<vmem>>, %arg3: memref<6x64xf32, #tpu.memory_space<vmem>>, %arg4: memref<1x64xf32, #tpu.memory_space<vmem>>, %arg5: memref<1x64xf32, #tpu.memory_space<vmem>>, %arg6: memref<1x64xf32, #tpu.memory_space<vmem>>, %arg7: memref<1x64xf32, #tpu.memory_space<vmem>>, %arg8: memref<1x64xf32, #tpu.memory_space<vmem>>, %arg9: memref<64x64xf32, #tpu.memory_space<vmem>>, %arg10: memref<1x64xf32, #tpu.memory_space<vmem>>, %arg11: memref<20x256x64xf32, #tpu.memory_space<vmem>>, %arg12: memref<8x64xf32, #tpu.memory_space<vmem>>) attributes {dimension_semantics = [#tpu.dimension_semantics<arbitrary>], iteration_bounds = array<i64: 32>, scalar_prefetch = 0 : i64, scratch_operands = 0 : i64, tpu.core_type = #tpu.core_type<tc>, window_params = [{transform_indices = @transform_0, window_bounds = array<i64: 256, 3>}, {transform_indices = @transform_1, window_bounds = array<i64: 20, 256, 128>}, {pipeline_mode = #tpu.pipeline_mode<synchronous>, transform_indices = @transform_2, window_bounds = array<i64: 6, 64>}, {pipeline_mode = #tpu.pipeline_mode<synchronous>, transform_indices = @transform_3, window_bounds = array<i64: 1, 64>}, {pipeline_mode = #tpu.pipeline_mode<synchronous>, transform_indices = @transform_4, window_bounds = array<i64: 1, 64>}, {pipeline_mode = #tpu.pipeline_mode<synchronous>, transform_indices = @transform_5, window_bounds = array<i64: 1, 64>}, {pipeline_mode = #tpu.pipeline_mode<synchronous>, transform_indices = @transform_6, window_bounds = array<i64: 1, 64>}, {pipeline_mode = #tpu.pipeline_mode<synchronous>, transform_indices = @transform_7, window_bounds = array<i64: 1, 64>}, {pipeline_mode = #tpu.pipeline_mode<synchronous>, transform_indices = @transform_8, window_bounds = array<i64: 64, 64>}, {pipeline_mode = #tpu.pipeline_mode<synchronous>, transform_indices = @transform_9, window_bounds = array<i64: 1, 64>}, {transform_indices = @transform_10, window_bounds = array<i64: 20, 256, 64>}, {pipeline_mode = #tpu.pipeline_mode<synchronous>, transform_indices = @transform_11, window_bounds = array<i64: 8, 64>}]} {
    %eq3A = arith.constant 0 : i32
    %eq3A_0 = arith.cmpi eq, %arg0, %eq3A : i32
    %convert_element_type3A = arith.extui %eq3A_0 : i1 to i32
    %cond3A = arith.constant 0 : i32
    %cond3A_1 = arith.cmpi ne, %convert_element_type3A, %cond3A : i32
    scf.if %cond3A_1 {
      %broadcast_in_dim3A_1046 = arith.constant 0.000000e+00 : f32
      %broadcast_in_dim3A_1047 = vector.broadcast %broadcast_in_dim3A_1046 : f32 to vector<8x64xf32>
      %swap3A_1048 = arith.constant 0 : index
      %swap3A_1049 = arith.constant 0 : index
      %swap3A_1050 = vector.load %arg12[%swap3A_1048, %swap3A_1049] : memref<8x64xf32, #tpu.memory_space<vmem>>, vector<8x64xf32>
      tpu.vector_store %arg12[%swap3A_1048, %swap3A_1049], %broadcast_in_dim3A_1047 {strides = array<i32>} : memref<8x64xf32, #tpu.memory_space<vmem>>, vector<8x64xf32>,
    } else {
    }
    %get3A = arith.constant 0 : index
    %get3A_2 = arith.constant 0 : index
    %get3A_3 = vector.load %arg5[%get3A, %get3A_2] : memref<1x64xf32, #tpu.memory_space<vmem>>, vector<1x64xf32>
    %get3A_4 = arith.constant 0 : index
    %get3A_5 = arith.constant 0 : index
    %get3A_6 = vector.load %arg6[%get3A_4, %get3A_5] : memref<1x64xf32, #tpu.memory_space<vmem>>, vector<1x64xf32>
    %get3A_7 = arith.constant 0 : index
    %get3A_8 = arith.constant 0 : index
    %get3A_9 = vector.load %arg7[%get3A_7, %get3A_8] : memref<1x64xf32, #tpu.memory_space<vmem>>, vector<1x64xf32>
    %get3A_10 = arith.constant 0 : index
    %get3A_11 = arith.constant 0 : index
    %get3A_12 = vector.load %arg8[%get3A_10, %get3A_11] : memref<1x64xf32, #tpu.memory_space<vmem>>, vector<1x64xf32>
    %get3A_13 = arith.constant 0 : index
    %get3A_14 = arith.constant 0 : index
    %get3A_15 = vector.load %arg9[%get3A_13, %get3A_14] : memref<64x64xf32, #tpu.memory_space<vmem>>, vector<64x64xf32>
    %get3A_16 = arith.constant 0 : index
    %get3A_17 = arith.constant 0 : index
    %get3A_18 = vector.load %arg10[%get3A_16, %get3A_17] : memref<1x64xf32, #tpu.memory_space<vmem>>, vector<1x64xf32>
    %broadcast_in_dim3A = arith.constant 0.000000e+00 : f32
    %broadcast_in_dim3A_19 = vector.broadcast %broadcast_in_dim3A : f32 to vector<1x64xf32>
    %broadcast_in_dim3A_20 = arith.constant 0.000000e+00 : f32
    %broadcast_in_dim3A_21 = vector.broadcast %broadcast_in_dim3A_20 : f32 to vector<1x64xf32>
    %get3A_22 = arith.constant 0 : index
    %get3A_23 = arith.constant 0 : index
    %get3A_24 = vector.load %arg1[%get3A_22, %get3A_23] : memref<256x3xf32, #tpu.memory_space<vmem>>, vector<256x3xf32>
    %get3A_25 = arith.constant 0 : index
    %get3A_26 = arith.constant 0 : index
    %get3A_27 = arith.constant 0 : index
    %get3A_28 = vector.load %arg2[%get3A_25, %get3A_26, %get3A_27] : memref<20x256x128xf32, #tpu.memory_space<vmem>>, vector<1x256x128xf32>
    %get3A_29 = vector.shape_cast %get3A_28 : vector<1x256x128xf32> to vector<256x128xf32>
    %slice3A = vector.extract_strided_slice %get3A_29 {offsets = [0, 0], sizes = [256, 3], strides = [1, 1]} : vector<256x128xf32> to vector<256x3xf32>
    %sub3A = arith.subf %slice3A, %get3A_24 : vector<256x3xf32>
    %concatenate3A = tpu.concatenate %get3A_24, %sub3A in 1 : vector<256x3xf32>, vector<256x3xf32> -> vector<256x6xf32>
    %get3A_30 = arith.constant 0 : index
    %get3A_31 = arith.constant 0 : index
    %get3A_32 = vector.load %arg3[%get3A_30, %get3A_31] : memref<6x64xf32, #tpu.memory_space<vmem>>, vector<6x64xf32>
    %dot_general3A = arith.constant dense<0.000000e+00> : vector<256x64xf32>
    %dot_general3A_33 = tpu.matmul %concatenate3A, %get3A_32, %dot_general3A {dimension_numbers = #tpu.dot_dimension_numbers<[1], [0], [0], [1], [0, 0, 1, 1], [], []>, transpose_lhs_hint = false} : vector<256x6xf32>, vector<6x64xf32>, vector<256x64xf32> -> vector<256x64xf32>
    %get3A_34 = arith.constant 0 : index
    %get3A_35 = arith.constant 0 : index
    %get3A_36 = vector.load %arg4[%get3A_34, %get3A_35] : memref<1x64xf32, #tpu.memory_space<vmem>>, vector<1x64xf32>
    %add3A = vector.broadcast %get3A_36 : vector<1x64xf32> to vector<256x64xf32>
    %add3A_37 = arith.addf %dot_general3A_33, %add3A : vector<256x64xf32>
    %sub3A_38 = vector.broadcast %get3A_3 : vector<1x64xf32> to vector<256x64xf32>
    %sub3A_39 = arith.subf %add3A_37, %sub3A_38 : vector<256x64xf32>
    %div3A = vector.broadcast %get3A_6 : vector<1x64xf32> to vector<256x64xf32>
    %div3A_40 = arith.divf %sub3A_39, %div3A : vector<256x64xf32>
    %mul3A = vector.broadcast %get3A_9 : vector<1x64xf32> to vector<256x64xf32>
    %mul3A_41 = arith.mulf %div3A_40, %mul3A : vector<256x64xf32>
    %add3A_42 = vector.broadcast %get3A_12 : vector<1x64xf32> to vector<256x64xf32>
    %add3A_43 = arith.addf %mul3A_41, %add3A_42 : vector<256x64xf32>
    %max3A = arith.constant 0.000000e+00 : f32
    %max3A_44 = vector.broadcast %max3A : f32 to vector<256x64xf32>
    %max3A_45 = arith.maximumf %add3A_43, %max3A_44 : vector<256x64xf32>
    %dot_general3A_46 = arith.constant dense<0.000000e+00> : vector<256x64xf32>
    %dot_general3A_47 = tpu.matmul %max3A_45, %get3A_15, %dot_general3A_46 {dimension_numbers = #tpu.dot_dimension_numbers<[1], [0], [0], [1], [0, 0, 1, 1], [], []>, transpose_lhs_hint = false} : vector<256x64xf32>, vector<64x64xf32>, vector<256x64xf32> -> vector<256x64xf32>
    %add3A_48 = vector.broadcast %get3A_18 : vector<1x64xf32> to vector<256x64xf32>
    %add3A_49 = arith.addf %dot_general3A_47, %add3A_48 : vector<256x64xf32>
    %swap3A = arith.constant 0 : index
    %swap3A_50 = arith.constant 0 : index
    %swap3A_51 = arith.constant 0 : index
    %swap3A_52 = vector.load %arg11[%swap3A, %swap3A_50, %swap3A_51] : memref<20x256x64xf32, #tpu.memory_space<vmem>>, vector<1x256x64xf32>
    %swap3A_53 = vector.shape_cast %swap3A_52 : vector<1x256x64xf32> to vector<256x64xf32>
    %swap3A_54 = vector.shape_cast %add3A_49 : vector<256x64xf32> to vector<1x256x64xf32>
    tpu.vector_store %arg11[%swap3A, %swap3A_50, %swap3A_51], %swap3A_54 {strides = array<i32>} : memref<20x256x64xf32, #tpu.memory_space<vmem>>, vector<1x256x64xf32>,
    %reduce_sum3A = arith.constant dense<0.000000e+00> : vector<64xf32>
    %reduce_sum3A_55 = vector.multi_reduction <add>, %add3A_49, %reduce_sum3A [0] : vector<256x64xf32> to vector<64xf32>
    %broadcast_in_dim3A_56 = vector.shape_cast %reduce_sum3A_55 : vector<64xf32> to vector<1x64xf32>
    %add3A_57 = arith.addf %broadcast_in_dim3A_19, %broadcast_in_dim3A_56 : vector<1x64xf32>
    %mul3A_58 = arith.mulf %add3A_49, %add3A_49 : vector<256x64xf32>
    %reduce_sum3A_59 = arith.constant dense<0.000000e+00> : vector<64xf32>
    %reduce_sum3A_60 = vector.multi_reduction <add>, %mul3A_58, %reduce_sum3A_59 [0] : vector<256x64xf32> to vector<64xf32>
    %broadcast_in_dim3A_61 = vector.shape_cast %reduce_sum3A_60 : vector<64xf32> to vector<1x64xf32>
    %add3A_62 = arith.addf %broadcast_in_dim3A_21, %broadcast_in_dim3A_61 : vector<1x64xf32>
    %get3A_63 = arith.constant 0 : index
    %get3A_64 = arith.constant 0 : index
    %get3A_65 = vector.load %arg1[%get3A_63, %get3A_64] : memref<256x3xf32, #tpu.memory_space<vmem>>, vector<256x3xf32>
    %get3A_66 = arith.constant 1 : index
    %get3A_67 = arith.constant 0 : index
    %get3A_68 = arith.constant 0 : index
    %get3A_69 = vector.load %arg2[%get3A_66, %get3A_67, %get3A_68] : memref<20x256x128xf32, #tpu.memory_space<vmem>>, vector<1x256x128xf32>
    %get3A_70 = vector.shape_cast %get3A_69 : vector<1x256x128xf32> to vector<256x128xf32>
    %slice3A_71 = vector.extract_strided_slice %get3A_70 {offsets = [0, 0], sizes = [256, 3], strides = [1, 1]} : vector<256x128xf32> to vector<256x3xf32>
    %sub3A_72 = arith.subf %slice3A_71, %get3A_65 : vector<256x3xf32>
    %concatenate3A_73 = tpu.concatenate %get3A_65, %sub3A_72 in 1 : vector<256x3xf32>, vector<256x3xf32> -> vector<256x6xf32>
    %get3A_74 = arith.constant 0 : index
    %get3A_75 = arith.constant 0 : index
    %get3A_76 = vector.load %arg3[%get3A_74, %get3A_75] : memref<6x64xf32, #tpu.memory_space<vmem>>, vector<6x64xf32>
    %dot_general3A_77 = arith.constant dense<0.000000e+00> : vector<256x64xf32>
    %dot_general3A_78 = tpu.matmul %concatenate3A_73, %get3A_76, %dot_general3A_77 {dimension_numbers = #tpu.dot_dimension_numbers<[1], [0], [0], [1], [0, 0, 1, 1], [], []>, transpose_lhs_hint = false} : vector<256x6xf32>, vector<6x64xf32>, vector<256x64xf32> -> vector<256x64xf32>
    %get3A_79 = arith.constant 0 : index
    %get3A_80 = arith.constant 0 : index
    %get3A_81 = vector.load %arg4[%get3A_79, %get3A_80] : memref<1x64xf32, #tpu.memory_space<vmem>>, vector<1x64xf32>
    %add3A_82 = vector.broadcast %get3A_81 : vector<1x64xf32> to vector<256x64xf32>
    %add3A_83 = arith.addf %dot_general3A_78, %add3A_82 : vector<256x64xf32>
    %sub3A_84 = vector.broadcast %get3A_3 : vector<1x64xf32> to vector<256x64xf32>
    %sub3A_85 = arith.subf %add3A_83, %sub3A_84 : vector<256x64xf32>
    %div3A_86 = vector.broadcast %get3A_6 : vector<1x64xf32> to vector<256x64xf32>
    %div3A_87 = arith.divf %sub3A_85, %div3A_86 : vector<256x64xf32>
    %mul3A_88 = vector.broadcast %get3A_9 : vector<1x64xf32> to vector<256x64xf32>
    %mul3A_89 = arith.mulf %div3A_87, %mul3A_88 : vector<256x64xf32>
    %add3A_90 = vector.broadcast %get3A_12 : vector<1x64xf32> to vector<256x64xf32>
    %add3A_91 = arith.addf %mul3A_89, %add3A_90 : vector<256x64xf32>
    %max3A_92 = arith.constant 0.000000e+00 : f32
    %max3A_93 = vector.broadcast %max3A_92 : f32 to vector<256x64xf32>
    %max3A_94 = arith.maximumf %add3A_91, %max3A_93 : vector<256x64xf32>
    %dot_general3A_95 = arith.constant dense<0.000000e+00> : vector<256x64xf32>
    %dot_general3A_96 = tpu.matmul %max3A_94, %get3A_15, %dot_general3A_95 {dimension_numbers = #tpu.dot_dimension_numbers<[1], [0], [0], [1], [0, 0, 1, 1], [], []>, transpose_lhs_hint = false} : vector<256x64xf32>, vector<64x64xf32>, vector<256x64xf32> -> vector<256x64xf32>
    %add3A_97 = vector.broadcast %get3A_18 : vector<1x64xf32> to vector<256x64xf32>
    %add3A_98 = arith.addf %dot_general3A_96, %add3A_97 : vector<256x64xf32>
    %swap3A_99 = arith.constant 1 : index
    %swap3A_100 = arith.constant 0 : index
    %swap3A_101 = arith.constant 0 : index
    %swap3A_102 = vector.load %arg11[%swap3A_99, %swap3A_100, %swap3A_101] : memref<20x256x64xf32, #tpu.memory_space<vmem>>, vector<1x256x64xf32>
    %swap3A_103 = vector.shape_cast %swap3A_102 : vector<1x256x64xf32> to vector<256x64xf32>
    %swap3A_104 = vector.shape_cast %add3A_98 : vector<256x64xf32> to vector<1x256x64xf32>
    tpu.vector_store %arg11[%swap3A_99, %swap3A_100, %swap3A_101], %swap3A_104 {strides = array<i32>} : memref<20x256x64xf32, #tpu.memory_space<vmem>>, vector<1x256x64xf32>,
    %reduce_sum3A_105 = arith.constant dense<0.000000e+00> : vector<64xf32>
    %reduce_sum3A_106 = vector.multi_reduction <add>, %add3A_98, %reduce_sum3A_105 [0] : vector<256x64xf32> to vector<64xf32>
    %broadcast_in_dim3A_107 = vector.shape_cast %reduce_sum3A_106 : vector<64xf32> to vector<1x64xf32>
    %add3A_108 = arith.addf %add3A_57, %broadcast_in_dim3A_107 : vector<1x64xf32>
    %mul3A_109 = arith.mulf %add3A_98, %add3A_98 : vector<256x64xf32>
    %reduce_sum3A_110 = arith.constant dense<0.000000e+00> : vector<64xf32>
    %reduce_sum3A_111 = vector.multi_reduction <add>, %mul3A_109, %reduce_sum3A_110 [0] : vector<256x64xf32> to vector<64xf32>
    %broadcast_in_dim3A_112 = vector.shape_cast %reduce_sum3A_111 : vector<64xf32> to vector<1x64xf32>
    %add3A_113 = arith.addf %add3A_62, %broadcast_in_dim3A_112 : vector<1x64xf32>
    %get3A_114 = arith.constant 0 : index
    %get3A_115 = arith.constant 0 : index
    %get3A_116 = vector.load %arg1[%get3A_114, %get3A_115] : memref<256x3xf32, #tpu.memory_space<vmem>>, vector<256x3xf32>
    %get3A_117 = arith.constant 2 : index
    %get3A_118 = arith.constant 0 : index
    %get3A_119 = arith.constant 0 : index
    %get3A_120 = vector.load %arg2[%get3A_117, %get3A_118, %get3A_119] : memref<20x256x128xf32, #tpu.memory_space<vmem>>, vector<1x256x128xf32>
    %get3A_121 = vector.shape_cast %get3A_120 : vector<1x256x128xf32> to vector<256x128xf32>
    %slice3A_122 = vector.extract_strided_slice %get3A_121 {offsets = [0, 0], sizes = [256, 3], strides = [1, 1]} : vector<256x128xf32> to vector<256x3xf32>
    %sub3A_123 = arith.subf %slice3A_122, %get3A_116 : vector<256x3xf32>
    %concatenate3A_124 = tpu.concatenate %get3A_116, %sub3A_123 in 1 : vector<256x3xf32>, vector<256x3xf32> -> vector<256x6xf32>
    %get3A_125 = arith.constant 0 : index
    %get3A_126 = arith.constant 0 : index
    %get3A_127 = vector.load %arg3[%get3A_125, %get3A_126] : memref<6x64xf32, #tpu.memory_space<vmem>>, vector<6x64xf32>
    %dot_general3A_128 = arith.constant dense<0.000000e+00> : vector<256x64xf32>
    %dot_general3A_129 = tpu.matmul %concatenate3A_124, %get3A_127, %dot_general3A_128 {dimension_numbers = #tpu.dot_dimension_numbers<[1], [0], [0], [1], [0, 0, 1, 1], [], []>, transpose_lhs_hint = false} : vector<256x6xf32>, vector<6x64xf32>, vector<256x64xf32> -> vector<256x64xf32>
    %get3A_130 = arith.constant 0 : index
    %get3A_131 = arith.constant 0 : index
    %get3A_132 = vector.load %arg4[%get3A_130, %get3A_131] : memref<1x64xf32, #tpu.memory_space<vmem>>, vector<1x64xf32>
    %add3A_133 = vector.broadcast %get3A_132 : vector<1x64xf32> to vector<256x64xf32>
    %add3A_134 = arith.addf %dot_general3A_129, %add3A_133 : vector<256x64xf32>
    %sub3A_135 = vector.broadcast %get3A_3 : vector<1x64xf32> to vector<256x64xf32>
    %sub3A_136 = arith.subf %add3A_134, %sub3A_135 : vector<256x64xf32>
    %div3A_137 = vector.broadcast %get3A_6 : vector<1x64xf32> to vector<256x64xf32>
    %div3A_138 = arith.divf %sub3A_136, %div3A_137 : vector<256x64xf32>
    %mul3A_139 = vector.broadcast %get3A_9 : vector<1x64xf32> to vector<256x64xf32>
    %mul3A_140 = arith.mulf %div3A_138, %mul3A_139 : vector<256x64xf32>
    %add3A_141 = vector.broadcast %get3A_12 : vector<1x64xf32> to vector<256x64xf32>
    %add3A_142 = arith.addf %mul3A_140, %add3A_141 : vector<256x64xf32>
    %max3A_143 = arith.constant 0.000000e+00 : f32
    %max3A_144 = vector.broadcast %max3A_143 : f32 to vector<256x64xf32>
    %max3A_145 = arith.maximumf %add3A_142, %max3A_144 : vector<256x64xf32>
    %dot_general3A_146 = arith.constant dense<0.000000e+00> : vector<256x64xf32>
    %dot_general3A_147 = tpu.matmul %max3A_145, %get3A_15, %dot_general3A_146 {dimension_numbers = #tpu.dot_dimension_numbers<[1], [0], [0], [1], [0, 0, 1, 1], [], []>, transpose_lhs_hint = false} : vector<256x64xf32>, vector<64x64xf32>, vector<256x64xf32> -> vector<256x64xf32>
    %add3A_148 = vector.broadcast %get3A_18 : vector<1x64xf32> to vector<256x64xf32>
    %add3A_149 = arith.addf %dot_general3A_147, %add3A_148 : vector<256x64xf32>
    %swap3A_150 = arith.constant 2 : index
    %swap3A_151 = arith.constant 0 : index
    %swap3A_152 = arith.constant 0 : index
    %swap3A_153 = vector.load %arg11[%swap3A_150, %swap3A_151, %swap3A_152] : memref<20x256x64xf32, #tpu.memory_space<vmem>>, vector<1x256x64xf32>
    %swap3A_154 = vector.shape_cast %swap3A_153 : vector<1x256x64xf32> to vector<256x64xf32>
    %swap3A_155 = vector.shape_cast %add3A_149 : vector<256x64xf32> to vector<1x256x64xf32>
    tpu.vector_store %arg11[%swap3A_150, %swap3A_151, %swap3A_152], %swap3A_155 {strides = array<i32>} : memref<20x256x64xf32, #tpu.memory_space<vmem>>, vector<1x256x64xf32>,
    %reduce_sum3A_156 = arith.constant dense<0.000000e+00> : vector<64xf32>
    %reduce_sum3A_157 = vector.multi_reduction <add>, %add3A_149, %reduce_sum3A_156 [0] : vector<256x64xf32> to vector<64xf32>
    %broadcast_in_dim3A_158 = vector.shape_cast %reduce_sum3A_157 : vector<64xf32> to vector<1x64xf32>
    %add3A_159 = arith.addf %add3A_108, %broadcast_in_dim3A_158 : vector<1x64xf32>
    %mul3A_160 = arith.mulf %add3A_149, %add3A_149 : vector<256x64xf32>
    %reduce_sum3A_161 = arith.constant dense<0.000000e+00> : vector<64xf32>
    %reduce_sum3A_162 = vector.multi_reduction <add>, %mul3A_160, %reduce_sum3A_161 [0] : vector<256x64xf32> to vector<64xf32>
    %broadcast_in_dim3A_163 = vector.shape_cast %reduce_sum3A_162 : vector<64xf32> to vector<1x64xf32>
    %add3A_164 = arith.addf %add3A_113, %broadcast_in_dim3A_163 : vector<1x64xf32>
    %get3A_165 = arith.constant 0 : index
    %get3A_166 = arith.constant 0 : index
    %get3A_167 = vector.load %arg1[%get3A_165, %get3A_166] : memref<256x3xf32, #tpu.memory_space<vmem>>, vector<256x3xf32>
    %get3A_168 = arith.constant 3 : index
    %get3A_169 = arith.constant 0 : index
    %get3A_170 = arith.constant 0 : index
    %get3A_171 = vector.load %arg2[%get3A_168, %get3A_169, %get3A_170] : memref<20x256x128xf32, #tpu.memory_space<vmem>>, vector<1x256x128xf32>
    %get3A_172 = vector.shape_cast %get3A_171 : vector<1x256x128xf32> to vector<256x128xf32>
    %slice3A_173 = vector.extract_strided_slice %get3A_172 {offsets = [0, 0], sizes = [256, 3], strides = [1, 1]} : vector<256x128xf32> to vector<256x3xf32>
    %sub3A_174 = arith.subf %slice3A_173, %get3A_167 : vector<256x3xf32>
    %concatenate3A_175 = tpu.concatenate %get3A_167, %sub3A_174 in 1 : vector<256x3xf32>, vector<256x3xf32> -> vector<256x6xf32>
    %get3A_176 = arith.constant 0 : index
    %get3A_177 = arith.constant 0 : index
    %get3A_178 = vector.load %arg3[%get3A_176, %get3A_177] : memref<6x64xf32, #tpu.memory_space<vmem>>, vector<6x64xf32>
    %dot_general3A_179 = arith.constant dense<0.000000e+00> : vector<256x64xf32>
    %dot_general3A_180 = tpu.matmul %concatenate3A_175, %get3A_178, %dot_general3A_179 {dimension_numbers = #tpu.dot_dimension_numbers<[1], [0], [0], [1], [0, 0, 1, 1], [], []>, transpose_lhs_hint = false} : vector<256x6xf32>, vector<6x64xf32>, vector<256x64xf32> -> vector<256x64xf32>
    %get3A_181 = arith.constant 0 : index
    %get3A_182 = arith.constant 0 : index
    %get3A_183 = vector.load %arg4[%get3A_181, %get3A_182] : memref<1x64xf32, #tpu.memory_space<vmem>>, vector<1x64xf32>
    %add3A_184 = vector.broadcast %get3A_183 : vector<1x64xf32> to vector<256x64xf32>
    %add3A_185 = arith.addf %dot_general3A_180, %add3A_184 : vector<256x64xf32>
    %sub3A_186 = vector.broadcast %get3A_3 : vector<1x64xf32> to vector<256x64xf32>
    %sub3A_187 = arith.subf %add3A_185, %sub3A_186 : vector<256x64xf32>
    %div3A_188 = vector.broadcast %get3A_6 : vector<1x64xf32> to vector<256x64xf32>
    %div3A_189 = arith.divf %sub3A_187, %div3A_188 : vector<256x64xf32>
    %mul3A_190 = vector.broadcast %get3A_9 : vector<1x64xf32> to vector<256x64xf32>
    %mul3A_191 = arith.mulf %div3A_189, %mul3A_190 : vector<256x64xf32>
    %add3A_192 = vector.broadcast %get3A_12 : vector<1x64xf32> to vector<256x64xf32>
    %add3A_193 = arith.addf %mul3A_191, %add3A_192 : vector<256x64xf32>
    %max3A_194 = arith.constant 0.000000e+00 : f32
    %max3A_195 = vector.broadcast %max3A_194 : f32 to vector<256x64xf32>
    %max3A_196 = arith.maximumf %add3A_193, %max3A_195 : vector<256x64xf32>
    %dot_general3A_197 = arith.constant dense<0.000000e+00> : vector<256x64xf32>
    %dot_general3A_198 = tpu.matmul %max3A_196, %get3A_15, %dot_general3A_197 {dimension_numbers = #tpu.dot_dimension_numbers<[1], [0], [0], [1], [0, 0, 1, 1], [], []>, transpose_lhs_hint = false} : vector<256x64xf32>, vector<64x64xf32>, vector<256x64xf32> -> vector<256x64xf32>
    %add3A_199 = vector.broadcast %get3A_18 : vector<1x64xf32> to vector<256x64xf32>
    %add3A_200 = arith.addf %dot_general3A_198, %add3A_199 : vector<256x64xf32>
    %swap3A_201 = arith.constant 3 : index
    %swap3A_202 = arith.constant 0 : index
    %swap3A_203 = arith.constant 0 : index
    %swap3A_204 = vector.load %arg11[%swap3A_201, %swap3A_202, %swap3A_203] : memref<20x256x64xf32, #tpu.memory_space<vmem>>, vector<1x256x64xf32>
    %swap3A_205 = vector.shape_cast %swap3A_204 : vector<1x256x64xf32> to vector<256x64xf32>
    %swap3A_206 = vector.shape_cast %add3A_200 : vector<256x64xf32> to vector<1x256x64xf32>
    tpu.vector_store %arg11[%swap3A_201, %swap3A_202, %swap3A_203], %swap3A_206 {strides = array<i32>} : memref<20x256x64xf32, #tpu.memory_space<vmem>>, vector<1x256x64xf32>,
    %reduce_sum3A_207 = arith.constant dense<0.000000e+00> : vector<64xf32>
    %reduce_sum3A_208 = vector.multi_reduction <add>, %add3A_200, %reduce_sum3A_207 [0] : vector<256x64xf32> to vector<64xf32>
    %broadcast_in_dim3A_209 = vector.shape_cast %reduce_sum3A_208 : vector<64xf32> to vector<1x64xf32>
    %add3A_210 = arith.addf %add3A_159, %broadcast_in_dim3A_209 : vector<1x64xf32>
    %mul3A_211 = arith.mulf %add3A_200, %add3A_200 : vector<256x64xf32>
    %reduce_sum3A_212 = arith.constant dense<0.000000e+00> : vector<64xf32>
    %reduce_sum3A_213 = vector.multi_reduction <add>, %mul3A_211, %reduce_sum3A_212 [0] : vector<256x64xf32> to vector<64xf32>
    %broadcast_in_dim3A_214 = vector.shape_cast %reduce_sum3A_213 : vector<64xf32> to vector<1x64xf32>
    %add3A_215 = arith.addf %add3A_164, %broadcast_in_dim3A_214 : vector<1x64xf32>
    %get3A_216 = arith.constant 0 : index
    %get3A_217 = arith.constant 0 : index
    %get3A_218 = vector.load %arg1[%get3A_216, %get3A_217] : memref<256x3xf32, #tpu.memory_space<vmem>>, vector<256x3xf32>
    %get3A_219 = arith.constant 4 : index
    %get3A_220 = arith.constant 0 : index
    %get3A_221 = arith.constant 0 : index
    %get3A_222 = vector.load %arg2[%get3A_219, %get3A_220, %get3A_221] : memref<20x256x128xf32, #tpu.memory_space<vmem>>, vector<1x256x128xf32>
    %get3A_223 = vector.shape_cast %get3A_222 : vector<1x256x128xf32> to vector<256x128xf32>
    %slice3A_224 = vector.extract_strided_slice %get3A_223 {offsets = [0, 0], sizes = [256, 3], strides = [1, 1]} : vector<256x128xf32> to vector<256x3xf32>
    %sub3A_225 = arith.subf %slice3A_224, %get3A_218 : vector<256x3xf32>
    %concatenate3A_226 = tpu.concatenate %get3A_218, %sub3A_225 in 1 : vector<256x3xf32>, vector<256x3xf32> -> vector<256x6xf32>
    %get3A_227 = arith.constant 0 : index
    %get3A_228 = arith.constant 0 : index
    %get3A_229 = vector.load %arg3[%get3A_227, %get3A_228] : memref<6x64xf32, #tpu.memory_space<vmem>>, vector<6x64xf32>
    %dot_general3A_230 = arith.constant dense<0.000000e+00> : vector<256x64xf32>
    %dot_general3A_231 = tpu.matmul %concatenate3A_226, %get3A_229, %dot_general3A_230 {dimension_numbers = #tpu.dot_dimension_numbers<[1], [0], [0], [1], [0, 0, 1, 1], [], []>, transpose_lhs_hint = false} : vector<256x6xf32>, vector<6x64xf32>, vector<256x64xf32> -> vector<256x64xf32>
    %get3A_232 = arith.constant 0 : index
    %get3A_233 = arith.constant 0 : index
    %get3A_234 = vector.load %arg4[%get3A_232, %get3A_233] : memref<1x64xf32, #tpu.memory_space<vmem>>, vector<1x64xf32>
    %add3A_235 = vector.broadcast %get3A_234 : vector<1x64xf32> to vector<256x64xf32>
    %add3A_236 = arith.addf %dot_general3A_231, %add3A_235 : vector<256x64xf32>
    %sub3A_237 = vector.broadcast %get3A_3 : vector<1x64xf32> to vector<256x64xf32>
    %sub3A_238 = arith.subf %add3A_236, %sub3A_237 : vector<256x64xf32>
    %div3A_239 = vector.broadcast %get3A_6 : vector<1x64xf32> to vector<256x64xf32>
    %div3A_240 = arith.divf %sub3A_238, %div3A_239 : vector<256x64xf32>
    %mul3A_241 = vector.broadcast %get3A_9 : vector<1x64xf32> to vector<256x64xf32>
    %mul3A_242 = arith.mulf %div3A_240, %mul3A_241 : vector<256x64xf32>
    %add3A_243 = vector.broadcast %get3A_12 : vector<1x64xf32> to vector<256x64xf32>
    %add3A_244 = arith.addf %mul3A_242, %add3A_243 : vector<256x64xf32>
    %max3A_245 = arith.constant 0.000000e+00 : f32
    %max3A_246 = vector.broadcast %max3A_245 : f32 to vector<256x64xf32>
    %max3A_247 = arith.maximumf %add3A_244, %max3A_246 : vector<256x64xf32>
    %dot_general3A_248 = arith.constant dense<0.000000e+00> : vector<256x64xf32>
    %dot_general3A_249 = tpu.matmul %max3A_247, %get3A_15, %dot_general3A_248 {dimension_numbers = #tpu.dot_dimension_numbers<[1], [0], [0], [1], [0, 0, 1, 1], [], []>, transpose_lhs_hint = false} : vector<256x64xf32>, vector<64x64xf32>, vector<256x64xf32> -> vector<256x64xf32>
    %add3A_250 = vector.broadcast %get3A_18 : vector<1x64xf32> to vector<256x64xf32>
    %add3A_251 = arith.addf %dot_general3A_249, %add3A_250 : vector<256x64xf32>
    %swap3A_252 = arith.constant 4 : index
    %swap3A_253 = arith.constant 0 : index
    %swap3A_254 = arith.constant 0 : index
    %swap3A_255 = vector.load %arg11[%swap3A_252, %swap3A_253, %swap3A_254] : memref<20x256x64xf32, #tpu.memory_space<vmem>>, vector<1x256x64xf32>
    %swap3A_256 = vector.shape_cast %swap3A_255 : vector<1x256x64xf32> to vector<256x64xf32>
    %swap3A_257 = vector.shape_cast %add3A_251 : vector<256x64xf32> to vector<1x256x64xf32>
    tpu.vector_store %arg11[%swap3A_252, %swap3A_253, %swap3A_254], %swap3A_257 {strides = array<i32>} : memref<20x256x64xf32, #tpu.memory_space<vmem>>, vector<1x256x64xf32>,
    %reduce_sum3A_258 = arith.constant dense<0.000000e+00> : vector<64xf32>
    %reduce_sum3A_259 = vector.multi_reduction <add>, %add3A_251, %reduce_sum3A_258 [0] : vector<256x64xf32> to vector<64xf32>
    %broadcast_in_dim3A_260 = vector.shape_cast %reduce_sum3A_259 : vector<64xf32> to vector<1x64xf32>
    %add3A_261 = arith.addf %add3A_210, %broadcast_in_dim3A_260 : vector<1x64xf32>
    %mul3A_262 = arith.mulf %add3A_251, %add3A_251 : vector<256x64xf32>
    %reduce_sum3A_263 = arith.constant dense<0.000000e+00> : vector<64xf32>
    %reduce_sum3A_264 = vector.multi_reduction <add>, %mul3A_262, %reduce_sum3A_263 [0] : vector<256x64xf32> to vector<64xf32>
    %broadcast_in_dim3A_265 = vector.shape_cast %reduce_sum3A_264 : vector<64xf32> to vector<1x64xf32>
    %add3A_266 = arith.addf %add3A_215, %broadcast_in_dim3A_265 : vector<1x64xf32>
    %get3A_267 = arith.constant 0 : index
    %get3A_268 = arith.constant 0 : index
    %get3A_269 = vector.load %arg1[%get3A_267, %get3A_268] : memref<256x3xf32, #tpu.memory_space<vmem>>, vector<256x3xf32>
    %get3A_270 = arith.constant 5 : index
    %get3A_271 = arith.constant 0 : index
    %get3A_272 = arith.constant 0 : index
    %get3A_273 = vector.load %arg2[%get3A_270, %get3A_271, %get3A_272] : memref<20x256x128xf32, #tpu.memory_space<vmem>>, vector<1x256x128xf32>
    %get3A_274 = vector.shape_cast %get3A_273 : vector<1x256x128xf32> to vector<256x128xf32>
    %slice3A_275 = vector.extract_strided_slice %get3A_274 {offsets = [0, 0], sizes = [256, 3], strides = [1, 1]} : vector<256x128xf32> to vector<256x3xf32>
    %sub3A_276 = arith.subf %slice3A_275, %get3A_269 : vector<256x3xf32>
    %concatenate3A_277 = tpu.concatenate %get3A_269, %sub3A_276 in 1 : vector<256x3xf32>, vector<256x3xf32> -> vector<256x6xf32>
    %get3A_278 = arith.constant 0 : index
    %get3A_279 = arith.constant 0 : index
    %get3A_280 = vector.load %arg3[%get3A_278, %get3A_279] : memref<6x64xf32, #tpu.memory_space<vmem>>, vector<6x64xf32>
    %dot_general3A_281 = arith.constant dense<0.000000e+00> : vector<256x64xf32>
    %dot_general3A_282 = tpu.matmul %concatenate3A_277, %get3A_280, %dot_general3A_281 {dimension_numbers = #tpu.dot_dimension_numbers<[1], [0], [0], [1], [0, 0, 1, 1], [], []>, transpose_lhs_hint = false} : vector<256x6xf32>, vector<6x64xf32>, vector<256x64xf32> -> vector<256x64xf32>
    %get3A_283 = arith.constant 0 : index
    %get3A_284 = arith.constant 0 : index
    %get3A_285 = vector.load %arg4[%get3A_283, %get3A_284] : memref<1x64xf32, #tpu.memory_space<vmem>>, vector<1x64xf32>
    %add3A_286 = vector.broadcast %get3A_285 : vector<1x64xf32> to vector<256x64xf32>
    %add3A_287 = arith.addf %dot_general3A_282, %add3A_286 : vector<256x64xf32>
    %sub3A_288 = vector.broadcast %get3A_3 : vector<1x64xf32> to vector<256x64xf32>
    %sub3A_289 = arith.subf %add3A_287, %sub3A_288 : vector<256x64xf32>
    %div3A_290 = vector.broadcast %get3A_6 : vector<1x64xf32> to vector<256x64xf32>
    %div3A_291 = arith.divf %sub3A_289, %div3A_290 : vector<256x64xf32>
    %mul3A_292 = vector.broadcast %get3A_9 : vector<1x64xf32> to vector<256x64xf32>
    %mul3A_293 = arith.mulf %div3A_291, %mul3A_292 : vector<256x64xf32>
    %add3A_294 = vector.broadcast %get3A_12 : vector<1x64xf32> to vector<256x64xf32>
    %add3A_295 = arith.addf %mul3A_293, %add3A_294 : vector<256x64xf32>
    %max3A_296 = arith.constant 0.000000e+00 : f32
    %max3A_297 = vector.broadcast %max3A_296 : f32 to vector<256x64xf32>
    %max3A_298 = arith.maximumf %add3A_295, %max3A_297 : vector<256x64xf32>
    %dot_general3A_299 = arith.constant dense<0.000000e+00> : vector<256x64xf32>
    %dot_general3A_300 = tpu.matmul %max3A_298, %get3A_15, %dot_general3A_299 {dimension_numbers = #tpu.dot_dimension_numbers<[1], [0], [0], [1], [0, 0, 1, 1], [], []>, transpose_lhs_hint = false} : vector<256x64xf32>, vector<64x64xf32>, vector<256x64xf32> -> vector<256x64xf32>
    %add3A_301 = vector.broadcast %get3A_18 : vector<1x64xf32> to vector<256x64xf32>
    %add3A_302 = arith.addf %dot_general3A_300, %add3A_301 : vector<256x64xf32>
    %swap3A_303 = arith.constant 5 : index
    %swap3A_304 = arith.constant 0 : index
    %swap3A_305 = arith.constant 0 : index
    %swap3A_306 = vector.load %arg11[%swap3A_303, %swap3A_304, %swap3A_305] : memref<20x256x64xf32, #tpu.memory_space<vmem>>, vector<1x256x64xf32>
    %swap3A_307 = vector.shape_cast %swap3A_306 : vector<1x256x64xf32> to vector<256x64xf32>
    %swap3A_308 = vector.shape_cast %add3A_302 : vector<256x64xf32> to vector<1x256x64xf32>
    tpu.vector_store %arg11[%swap3A_303, %swap3A_304, %swap3A_305], %swap3A_308 {strides = array<i32>} : memref<20x256x64xf32, #tpu.memory_space<vmem>>, vector<1x256x64xf32>,
    %reduce_sum3A_309 = arith.constant dense<0.000000e+00> : vector<64xf32>
    %reduce_sum3A_310 = vector.multi_reduction <add>, %add3A_302, %reduce_sum3A_309 [0] : vector<256x64xf32> to vector<64xf32>
    %broadcast_in_dim3A_311 = vector.shape_cast %reduce_sum3A_310 : vector<64xf32> to vector<1x64xf32>
    %add3A_312 = arith.addf %add3A_261, %broadcast_in_dim3A_311 : vector<1x64xf32>
    %mul3A_313 = arith.mulf %add3A_302, %add3A_302 : vector<256x64xf32>
    %reduce_sum3A_314 = arith.constant dense<0.000000e+00> : vector<64xf32>
    %reduce_sum3A_315 = vector.multi_reduction <add>, %mul3A_313, %reduce_sum3A_314 [0] : vector<256x64xf32> to vector<64xf32>
    %broadcast_in_dim3A_316 = vector.shape_cast %reduce_sum3A_315 : vector<64xf32> to vector<1x64xf32>
    %add3A_317 = arith.addf %add3A_266, %broadcast_in_dim3A_316 : vector<1x64xf32>
    %get3A_318 = arith.constant 0 : index
    %get3A_319 = arith.constant 0 : index
    %get3A_320 = vector.load %arg1[%get3A_318, %get3A_319] : memref<256x3xf32, #tpu.memory_space<vmem>>, vector<256x3xf32>
    %get3A_321 = arith.constant 6 : index
    %get3A_322 = arith.constant 0 : index
    %get3A_323 = arith.constant 0 : index
    %get3A_324 = vector.load %arg2[%get3A_321, %get3A_322, %get3A_323] : memref<20x256x128xf32, #tpu.memory_space<vmem>>, vector<1x256x128xf32>
    %get3A_325 = vector.shape_cast %get3A_324 : vector<1x256x128xf32> to vector<256x128xf32>
    %slice3A_326 = vector.extract_strided_slice %get3A_325 {offsets = [0, 0], sizes = [256, 3], strides = [1, 1]} : vector<256x128xf32> to vector<256x3xf32>
    %sub3A_327 = arith.subf %slice3A_326, %get3A_320 : vector<256x3xf32>
    %concatenate3A_328 = tpu.concatenate %get3A_320, %sub3A_327 in 1 : vector<256x3xf32>, vector<256x3xf32> -> vector<256x6xf32>
    %get3A_329 = arith.constant 0 : index
    %get3A_330 = arith.constant 0 : index
    %get3A_331 = vector.load %arg3[%get3A_329, %get3A_330] : memref<6x64xf32, #tpu.memory_space<vmem>>, vector<6x64xf32>
    %dot_general3A_332 = arith.constant dense<0.000000e+00> : vector<256x64xf32>
    %dot_general3A_333 = tpu.matmul %concatenate3A_328, %get3A_331, %dot_general3A_332 {dimension_numbers = #tpu.dot_dimension_numbers<[1], [0], [0], [1], [0, 0, 1, 1], [], []>, transpose_lhs_hint = false} : vector<256x6xf32>, vector<6x64xf32>, vector<256x64xf32> -> vector<256x64xf32>
    %get3A_334 = arith.constant 0 : index
    %get3A_335 = arith.constant 0 : index
    %get3A_336 = vector.load %arg4[%get3A_334, %get3A_335] : memref<1x64xf32, #tpu.memory_space<vmem>>, vector<1x64xf32>
    %add3A_337 = vector.broadcast %get3A_336 : vector<1x64xf32> to vector<256x64xf32>
    %add3A_338 = arith.addf %dot_general3A_333, %add3A_337 : vector<256x64xf32>
    %sub3A_339 = vector.broadcast %get3A_3 : vector<1x64xf32> to vector<256x64xf32>
    %sub3A_340 = arith.subf %add3A_338, %sub3A_339 : vector<256x64xf32>
    %div3A_341 = vector.broadcast %get3A_6 : vector<1x64xf32> to vector<256x64xf32>
    %div3A_342 = arith.divf %sub3A_340, %div3A_341 : vector<256x64xf32>
    %mul3A_343 = vector.broadcast %get3A_9 : vector<1x64xf32> to vector<256x64xf32>
    %mul3A_344 = arith.mulf %div3A_342, %mul3A_343 : vector<256x64xf32>
    %add3A_345 = vector.broadcast %get3A_12 : vector<1x64xf32> to vector<256x64xf32>
    %add3A_346 = arith.addf %mul3A_344, %add3A_345 : vector<256x64xf32>
    %max3A_347 = arith.constant 0.000000e+00 : f32
    %max3A_348 = vector.broadcast %max3A_347 : f32 to vector<256x64xf32>
    %max3A_349 = arith.maximumf %add3A_346, %max3A_348 : vector<256x64xf32>
    %dot_general3A_350 = arith.constant dense<0.000000e+00> : vector<256x64xf32>
    %dot_general3A_351 = tpu.matmul %max3A_349, %get3A_15, %dot_general3A_350 {dimension_numbers = #tpu.dot_dimension_numbers<[1], [0], [0], [1], [0, 0, 1, 1], [], []>, transpose_lhs_hint = false} : vector<256x64xf32>, vector<64x64xf32>, vector<256x64xf32> -> vector<256x64xf32>
    %add3A_352 = vector.broadcast %get3A_18 : vector<1x64xf32> to vector<256x64xf32>
    %add3A_353 = arith.addf %dot_general3A_351, %add3A_352 : vector<256x64xf32>
    %swap3A_354 = arith.constant 6 : index
    %swap3A_355 = arith.constant 0 : index
    %swap3A_356 = arith.constant 0 : index
    %swap3A_357 = vector.load %arg11[%swap3A_354, %swap3A_355, %swap3A_356] : memref<20x256x64xf32, #tpu.memory_space<vmem>>, vector<1x256x64xf32>
    %swap3A_358 = vector.shape_cast %swap3A_357 : vector<1x256x64xf32> to vector<256x64xf32>
    %swap3A_359 = vector.shape_cast %add3A_353 : vector<256x64xf32> to vector<1x256x64xf32>
    tpu.vector_store %arg11[%swap3A_354, %swap3A_355, %swap3A_356], %swap3A_359 {strides = array<i32>} : memref<20x256x64xf32, #tpu.memory_space<vmem>>, vector<1x256x64xf32>,
    %reduce_sum3A_360 = arith.constant dense<0.000000e+00> : vector<64xf32>
    %reduce_sum3A_361 = vector.multi_reduction <add>, %add3A_353, %reduce_sum3A_360 [0] : vector<256x64xf32> to vector<64xf32>
    %broadcast_in_dim3A_362 = vector.shape_cast %reduce_sum3A_361 : vector<64xf32> to vector<1x64xf32>
    %add3A_363 = arith.addf %add3A_312, %broadcast_in_dim3A_362 : vector<1x64xf32>
    %mul3A_364 = arith.mulf %add3A_353, %add3A_353 : vector<256x64xf32>
    %reduce_sum3A_365 = arith.constant dense<0.000000e+00> : vector<64xf32>
    %reduce_sum3A_366 = vector.multi_reduction <add>, %mul3A_364, %reduce_sum3A_365 [0] : vector<256x64xf32> to vector<64xf32>
    %broadcast_in_dim3A_367 = vector.shape_cast %reduce_sum3A_366 : vector<64xf32> to vector<1x64xf32>
    %add3A_368 = arith.addf %add3A_317, %broadcast_in_dim3A_367 : vector<1x64xf32>
    %get3A_369 = arith.constant 0 : index
    %get3A_370 = arith.constant 0 : index
    %get3A_371 = vector.load %arg1[%get3A_369, %get3A_370] : memref<256x3xf32, #tpu.memory_space<vmem>>, vector<256x3xf32>
    %get3A_372 = arith.constant 7 : index
    %get3A_373 = arith.constant 0 : index
    %get3A_374 = arith.constant 0 : index
    %get3A_375 = vector.load %arg2[%get3A_372, %get3A_373, %get3A_374] : memref<20x256x128xf32, #tpu.memory_space<vmem>>, vector<1x256x128xf32>
    %get3A_376 = vector.shape_cast %get3A_375 : vector<1x256x128xf32> to vector<256x128xf32>
    %slice3A_377 = vector.extract_strided_slice %get3A_376 {offsets = [0, 0], sizes = [256, 3], strides = [1, 1]} : vector<256x128xf32> to vector<256x3xf32>
    %sub3A_378 = arith.subf %slice3A_377, %get3A_371 : vector<256x3xf32>
    %concatenate3A_379 = tpu.concatenate %get3A_371, %sub3A_378 in 1 : vector<256x3xf32>, vector<256x3xf32> -> vector<256x6xf32>
    %get3A_380 = arith.constant 0 : index
    %get3A_381 = arith.constant 0 : index
    %get3A_382 = vector.load %arg3[%get3A_380, %get3A_381] : memref<6x64xf32, #tpu.memory_space<vmem>>, vector<6x64xf32>
    %dot_general3A_383 = arith.constant dense<0.000000e+00> : vector<256x64xf32>
    %dot_general3A_384 = tpu.matmul %concatenate3A_379, %get3A_382, %dot_general3A_383 {dimension_numbers = #tpu.dot_dimension_numbers<[1], [0], [0], [1], [0, 0, 1, 1], [], []>, transpose_lhs_hint = false} : vector<256x6xf32>, vector<6x64xf32>, vector<256x64xf32> -> vector<256x64xf32>
    %get3A_385 = arith.constant 0 : index
    %get3A_386 = arith.constant 0 : index
    %get3A_387 = vector.load %arg4[%get3A_385, %get3A_386] : memref<1x64xf32, #tpu.memory_space<vmem>>, vector<1x64xf32>
    %add3A_388 = vector.broadcast %get3A_387 : vector<1x64xf32> to vector<256x64xf32>
    %add3A_389 = arith.addf %dot_general3A_384, %add3A_388 : vector<256x64xf32>
    %sub3A_390 = vector.broadcast %get3A_3 : vector<1x64xf32> to vector<256x64xf32>
    %sub3A_391 = arith.subf %add3A_389, %sub3A_390 : vector<256x64xf32>
    %div3A_392 = vector.broadcast %get3A_6 : vector<1x64xf32> to vector<256x64xf32>
    %div3A_393 = arith.divf %sub3A_391, %div3A_392 : vector<256x64xf32>
    %mul3A_394 = vector.broadcast %get3A_9 : vector<1x64xf32> to vector<256x64xf32>
    %mul3A_395 = arith.mulf %div3A_393, %mul3A_394 : vector<256x64xf32>
    %add3A_396 = vector.broadcast %get3A_12 : vector<1x64xf32> to vector<256x64xf32>
    %add3A_397 = arith.addf %mul3A_395, %add3A_396 : vector<256x64xf32>
    %max3A_398 = arith.constant 0.000000e+00 : f32
    %max3A_399 = vector.broadcast %max3A_398 : f32 to vector<256x64xf32>
    %max3A_400 = arith.maximumf %add3A_397, %max3A_399 : vector<256x64xf32>
    %dot_general3A_401 = arith.constant dense<0.000000e+00> : vector<256x64xf32>
    %dot_general3A_402 = tpu.matmul %max3A_400, %get3A_15, %dot_general3A_401 {dimension_numbers = #tpu.dot_dimension_numbers<[1], [0], [0], [1], [0, 0, 1, 1], [], []>, transpose_lhs_hint = false} : vector<256x64xf32>, vector<64x64xf32>, vector<256x64xf32> -> vector<256x64xf32>
    %add3A_403 = vector.broadcast %get3A_18 : vector<1x64xf32> to vector<256x64xf32>
    %add3A_404 = arith.addf %dot_general3A_402, %add3A_403 : vector<256x64xf32>
    %swap3A_405 = arith.constant 7 : index
    %swap3A_406 = arith.constant 0 : index
    %swap3A_407 = arith.constant 0 : index
    %swap3A_408 = vector.load %arg11[%swap3A_405, %swap3A_406, %swap3A_407] : memref<20x256x64xf32, #tpu.memory_space<vmem>>, vector<1x256x64xf32>
    %swap3A_409 = vector.shape_cast %swap3A_408 : vector<1x256x64xf32> to vector<256x64xf32>
    %swap3A_410 = vector.shape_cast %add3A_404 : vector<256x64xf32> to vector<1x256x64xf32>
    tpu.vector_store %arg11[%swap3A_405, %swap3A_406, %swap3A_407], %swap3A_410 {strides = array<i32>} : memref<20x256x64xf32, #tpu.memory_space<vmem>>, vector<1x256x64xf32>,
    %reduce_sum3A_411 = arith.constant dense<0.000000e+00> : vector<64xf32>
    %reduce_sum3A_412 = vector.multi_reduction <add>, %add3A_404, %reduce_sum3A_411 [0] : vector<256x64xf32> to vector<64xf32>
    %broadcast_in_dim3A_413 = vector.shape_cast %reduce_sum3A_412 : vector<64xf32> to vector<1x64xf32>
    %add3A_414 = arith.addf %add3A_363, %broadcast_in_dim3A_413 : vector<1x64xf32>
    %mul3A_415 = arith.mulf %add3A_404, %add3A_404 : vector<256x64xf32>
    %reduce_sum3A_416 = arith.constant dense<0.000000e+00> : vector<64xf32>
    %reduce_sum3A_417 = vector.multi_reduction <add>, %mul3A_415, %reduce_sum3A_416 [0] : vector<256x64xf32> to vector<64xf32>
    %broadcast_in_dim3A_418 = vector.shape_cast %reduce_sum3A_417 : vector<64xf32> to vector<1x64xf32>
    %add3A_419 = arith.addf %add3A_368, %broadcast_in_dim3A_418 : vector<1x64xf32>
    %get3A_420 = arith.constant 0 : index
    %get3A_421 = arith.constant 0 : index
    %get3A_422 = vector.load %arg1[%get3A_420, %get3A_421] : memref<256x3xf32, #tpu.memory_space<vmem>>, vector<256x3xf32>
    %get3A_423 = arith.constant 8 : index
    %get3A_424 = arith.constant 0 : index
    %get3A_425 = arith.constant 0 : index
    %get3A_426 = vector.load %arg2[%get3A_423, %get3A_424, %get3A_425] : memref<20x256x128xf32, #tpu.memory_space<vmem>>, vector<1x256x128xf32>
    %get3A_427 = vector.shape_cast %get3A_426 : vector<1x256x128xf32> to vector<256x128xf32>
    %slice3A_428 = vector.extract_strided_slice %get3A_427 {offsets = [0, 0], sizes = [256, 3], strides = [1, 1]} : vector<256x128xf32> to vector<256x3xf32>
    %sub3A_429 = arith.subf %slice3A_428, %get3A_422 : vector<256x3xf32>
    %concatenate3A_430 = tpu.concatenate %get3A_422, %sub3A_429 in 1 : vector<256x3xf32>, vector<256x3xf32> -> vector<256x6xf32>
    %get3A_431 = arith.constant 0 : index
    %get3A_432 = arith.constant 0 : index
    %get3A_433 = vector.load %arg3[%get3A_431, %get3A_432] : memref<6x64xf32, #tpu.memory_space<vmem>>, vector<6x64xf32>
    %dot_general3A_434 = arith.constant dense<0.000000e+00> : vector<256x64xf32>
    %dot_general3A_435 = tpu.matmul %concatenate3A_430, %get3A_433, %dot_general3A_434 {dimension_numbers = #tpu.dot_dimension_numbers<[1], [0], [0], [1], [0, 0, 1, 1], [], []>, transpose_lhs_hint = false} : vector<256x6xf32>, vector<6x64xf32>, vector<256x64xf32> -> vector<256x64xf32>
    %get3A_436 = arith.constant 0 : index
    %get3A_437 = arith.constant 0 : index
    %get3A_438 = vector.load %arg4[%get3A_436, %get3A_437] : memref<1x64xf32, #tpu.memory_space<vmem>>, vector<1x64xf32>
    %add3A_439 = vector.broadcast %get3A_438 : vector<1x64xf32> to vector<256x64xf32>
    %add3A_440 = arith.addf %dot_general3A_435, %add3A_439 : vector<256x64xf32>
    %sub3A_441 = vector.broadcast %get3A_3 : vector<1x64xf32> to vector<256x64xf32>
    %sub3A_442 = arith.subf %add3A_440, %sub3A_441 : vector<256x64xf32>
    %div3A_443 = vector.broadcast %get3A_6 : vector<1x64xf32> to vector<256x64xf32>
    %div3A_444 = arith.divf %sub3A_442, %div3A_443 : vector<256x64xf32>
    %mul3A_445 = vector.broadcast %get3A_9 : vector<1x64xf32> to vector<256x64xf32>
    %mul3A_446 = arith.mulf %div3A_444, %mul3A_445 : vector<256x64xf32>
    %add3A_447 = vector.broadcast %get3A_12 : vector<1x64xf32> to vector<256x64xf32>
    %add3A_448 = arith.addf %mul3A_446, %add3A_447 : vector<256x64xf32>
    %max3A_449 = arith.constant 0.000000e+00 : f32
    %max3A_450 = vector.broadcast %max3A_449 : f32 to vector<256x64xf32>
    %max3A_451 = arith.maximumf %add3A_448, %max3A_450 : vector<256x64xf32>
    %dot_general3A_452 = arith.constant dense<0.000000e+00> : vector<256x64xf32>
    %dot_general3A_453 = tpu.matmul %max3A_451, %get3A_15, %dot_general3A_452 {dimension_numbers = #tpu.dot_dimension_numbers<[1], [0], [0], [1], [0, 0, 1, 1], [], []>, transpose_lhs_hint = false} : vector<256x64xf32>, vector<64x64xf32>, vector<256x64xf32> -> vector<256x64xf32>
    %add3A_454 = vector.broadcast %get3A_18 : vector<1x64xf32> to vector<256x64xf32>
    %add3A_455 = arith.addf %dot_general3A_453, %add3A_454 : vector<256x64xf32>
    %swap3A_456 = arith.constant 8 : index
    %swap3A_457 = arith.constant 0 : index
    %swap3A_458 = arith.constant 0 : index
    %swap3A_459 = vector.load %arg11[%swap3A_456, %swap3A_457, %swap3A_458] : memref<20x256x64xf32, #tpu.memory_space<vmem>>, vector<1x256x64xf32>
    %swap3A_460 = vector.shape_cast %swap3A_459 : vector<1x256x64xf32> to vector<256x64xf32>
    %swap3A_461 = vector.shape_cast %add3A_455 : vector<256x64xf32> to vector<1x256x64xf32>
    tpu.vector_store %arg11[%swap3A_456, %swap3A_457, %swap3A_458], %swap3A_461 {strides = array<i32>} : memref<20x256x64xf32, #tpu.memory_space<vmem>>, vector<1x256x64xf32>,
    %reduce_sum3A_462 = arith.constant dense<0.000000e+00> : vector<64xf32>
    %reduce_sum3A_463 = vector.multi_reduction <add>, %add3A_455, %reduce_sum3A_462 [0] : vector<256x64xf32> to vector<64xf32>
    %broadcast_in_dim3A_464 = vector.shape_cast %reduce_sum3A_463 : vector<64xf32> to vector<1x64xf32>
    %add3A_465 = arith.addf %add3A_414, %broadcast_in_dim3A_464 : vector<1x64xf32>
    %mul3A_466 = arith.mulf %add3A_455, %add3A_455 : vector<256x64xf32>
    %reduce_sum3A_467 = arith.constant dense<0.000000e+00> : vector<64xf32>
    %reduce_sum3A_468 = vector.multi_reduction <add>, %mul3A_466, %reduce_sum3A_467 [0] : vector<256x64xf32> to vector<64xf32>
    %broadcast_in_dim3A_469 = vector.shape_cast %reduce_sum3A_468 : vector<64xf32> to vector<1x64xf32>
    %add3A_470 = arith.addf %add3A_419, %broadcast_in_dim3A_469 : vector<1x64xf32>
    %get3A_471 = arith.constant 0 : index
    %get3A_472 = arith.constant 0 : index
    %get3A_473 = vector.load %arg1[%get3A_471, %get3A_472] : memref<256x3xf32, #tpu.memory_space<vmem>>, vector<256x3xf32>
    %get3A_474 = arith.constant 9 : index
    %get3A_475 = arith.constant 0 : index
    %get3A_476 = arith.constant 0 : index
    %get3A_477 = vector.load %arg2[%get3A_474, %get3A_475, %get3A_476] : memref<20x256x128xf32, #tpu.memory_space<vmem>>, vector<1x256x128xf32>
    %get3A_478 = vector.shape_cast %get3A_477 : vector<1x256x128xf32> to vector<256x128xf32>
    %slice3A_479 = vector.extract_strided_slice %get3A_478 {offsets = [0, 0], sizes = [256, 3], strides = [1, 1]} : vector<256x128xf32> to vector<256x3xf32>
    %sub3A_480 = arith.subf %slice3A_479, %get3A_473 : vector<256x3xf32>
    %concatenate3A_481 = tpu.concatenate %get3A_473, %sub3A_480 in 1 : vector<256x3xf32>, vector<256x3xf32> -> vector<256x6xf32>
    %get3A_482 = arith.constant 0 : index
    %get3A_483 = arith.constant 0 : index
    %get3A_484 = vector.load %arg3[%get3A_482, %get3A_483] : memref<6x64xf32, #tpu.memory_space<vmem>>, vector<6x64xf32>
    %dot_general3A_485 = arith.constant dense<0.000000e+00> : vector<256x64xf32>
    %dot_general3A_486 = tpu.matmul %concatenate3A_481, %get3A_484, %dot_general3A_485 {dimension_numbers = #tpu.dot_dimension_numbers<[1], [0], [0], [1], [0, 0, 1, 1], [], []>, transpose_lhs_hint = false} : vector<256x6xf32>, vector<6x64xf32>, vector<256x64xf32> -> vector<256x64xf32>
    %get3A_487 = arith.constant 0 : index
    %get3A_488 = arith.constant 0 : index
    %get3A_489 = vector.load %arg4[%get3A_487, %get3A_488] : memref<1x64xf32, #tpu.memory_space<vmem>>, vector<1x64xf32>
    %add3A_490 = vector.broadcast %get3A_489 : vector<1x64xf32> to vector<256x64xf32>
    %add3A_491 = arith.addf %dot_general3A_486, %add3A_490 : vector<256x64xf32>
    %sub3A_492 = vector.broadcast %get3A_3 : vector<1x64xf32> to vector<256x64xf32>
    %sub3A_493 = arith.subf %add3A_491, %sub3A_492 : vector<256x64xf32>
    %div3A_494 = vector.broadcast %get3A_6 : vector<1x64xf32> to vector<256x64xf32>
    %div3A_495 = arith.divf %sub3A_493, %div3A_494 : vector<256x64xf32>
    %mul3A_496 = vector.broadcast %get3A_9 : vector<1x64xf32> to vector<256x64xf32>
    %mul3A_497 = arith.mulf %div3A_495, %mul3A_496 : vector<256x64xf32>
    %add3A_498 = vector.broadcast %get3A_12 : vector<1x64xf32> to vector<256x64xf32>
    %add3A_499 = arith.addf %mul3A_497, %add3A_498 : vector<256x64xf32>
    %max3A_500 = arith.constant 0.000000e+00 : f32
    %max3A_501 = vector.broadcast %max3A_500 : f32 to vector<256x64xf32>
    %max3A_502 = arith.maximumf %add3A_499, %max3A_501 : vector<256x64xf32>
    %dot_general3A_503 = arith.constant dense<0.000000e+00> : vector<256x64xf32>
    %dot_general3A_504 = tpu.matmul %max3A_502, %get3A_15, %dot_general3A_503 {dimension_numbers = #tpu.dot_dimension_numbers<[1], [0], [0], [1], [0, 0, 1, 1], [], []>, transpose_lhs_hint = false} : vector<256x64xf32>, vector<64x64xf32>, vector<256x64xf32> -> vector<256x64xf32>
    %add3A_505 = vector.broadcast %get3A_18 : vector<1x64xf32> to vector<256x64xf32>
    %add3A_506 = arith.addf %dot_general3A_504, %add3A_505 : vector<256x64xf32>
    %swap3A_507 = arith.constant 9 : index
    %swap3A_508 = arith.constant 0 : index
    %swap3A_509 = arith.constant 0 : index
    %swap3A_510 = vector.load %arg11[%swap3A_507, %swap3A_508, %swap3A_509] : memref<20x256x64xf32, #tpu.memory_space<vmem>>, vector<1x256x64xf32>
    %swap3A_511 = vector.shape_cast %swap3A_510 : vector<1x256x64xf32> to vector<256x64xf32>
    %swap3A_512 = vector.shape_cast %add3A_506 : vector<256x64xf32> to vector<1x256x64xf32>
    tpu.vector_store %arg11[%swap3A_507, %swap3A_508, %swap3A_509], %swap3A_512 {strides = array<i32>} : memref<20x256x64xf32, #tpu.memory_space<vmem>>, vector<1x256x64xf32>,
    %reduce_sum3A_513 = arith.constant dense<0.000000e+00> : vector<64xf32>
    %reduce_sum3A_514 = vector.multi_reduction <add>, %add3A_506, %reduce_sum3A_513 [0] : vector<256x64xf32> to vector<64xf32>
    %broadcast_in_dim3A_515 = vector.shape_cast %reduce_sum3A_514 : vector<64xf32> to vector<1x64xf32>
    %add3A_516 = arith.addf %add3A_465, %broadcast_in_dim3A_515 : vector<1x64xf32>
    %mul3A_517 = arith.mulf %add3A_506, %add3A_506 : vector<256x64xf32>
    %reduce_sum3A_518 = arith.constant dense<0.000000e+00> : vector<64xf32>
    %reduce_sum3A_519 = vector.multi_reduction <add>, %mul3A_517, %reduce_sum3A_518 [0] : vector<256x64xf32> to vector<64xf32>
    %broadcast_in_dim3A_520 = vector.shape_cast %reduce_sum3A_519 : vector<64xf32> to vector<1x64xf32>
    %add3A_521 = arith.addf %add3A_470, %broadcast_in_dim3A_520 : vector<1x64xf32>
    %get3A_522 = arith.constant 0 : index
    %get3A_523 = arith.constant 0 : index
    %get3A_524 = vector.load %arg1[%get3A_522, %get3A_523] : memref<256x3xf32, #tpu.memory_space<vmem>>, vector<256x3xf32>
    %get3A_525 = arith.constant 10 : index
    %get3A_526 = arith.constant 0 : index
    %get3A_527 = arith.constant 0 : index
    %get3A_528 = vector.load %arg2[%get3A_525, %get3A_526, %get3A_527] : memref<20x256x128xf32, #tpu.memory_space<vmem>>, vector<1x256x128xf32>
    %get3A_529 = vector.shape_cast %get3A_528 : vector<1x256x128xf32> to vector<256x128xf32>
    %slice3A_530 = vector.extract_strided_slice %get3A_529 {offsets = [0, 0], sizes = [256, 3], strides = [1, 1]} : vector<256x128xf32> to vector<256x3xf32>
    %sub3A_531 = arith.subf %slice3A_530, %get3A_524 : vector<256x3xf32>
    %concatenate3A_532 = tpu.concatenate %get3A_524, %sub3A_531 in 1 : vector<256x3xf32>, vector<256x3xf32> -> vector<256x6xf32>
    %get3A_533 = arith.constant 0 : index
    %get3A_534 = arith.constant 0 : index
    %get3A_535 = vector.load %arg3[%get3A_533, %get3A_534] : memref<6x64xf32, #tpu.memory_space<vmem>>, vector<6x64xf32>
    %dot_general3A_536 = arith.constant dense<0.000000e+00> : vector<256x64xf32>
    %dot_general3A_537 = tpu.matmul %concatenate3A_532, %get3A_535, %dot_general3A_536 {dimension_numbers = #tpu.dot_dimension_numbers<[1], [0], [0], [1], [0, 0, 1, 1], [], []>, transpose_lhs_hint = false} : vector<256x6xf32>, vector<6x64xf32>, vector<256x64xf32> -> vector<256x64xf32>
    %get3A_538 = arith.constant 0 : index
    %get3A_539 = arith.constant 0 : index
    %get3A_540 = vector.load %arg4[%get3A_538, %get3A_539] : memref<1x64xf32, #tpu.memory_space<vmem>>, vector<1x64xf32>
    %add3A_541 = vector.broadcast %get3A_540 : vector<1x64xf32> to vector<256x64xf32>
    %add3A_542 = arith.addf %dot_general3A_537, %add3A_541 : vector<256x64xf32>
    %sub3A_543 = vector.broadcast %get3A_3 : vector<1x64xf32> to vector<256x64xf32>
    %sub3A_544 = arith.subf %add3A_542, %sub3A_543 : vector<256x64xf32>
    %div3A_545 = vector.broadcast %get3A_6 : vector<1x64xf32> to vector<256x64xf32>
    %div3A_546 = arith.divf %sub3A_544, %div3A_545 : vector<256x64xf32>
    %mul3A_547 = vector.broadcast %get3A_9 : vector<1x64xf32> to vector<256x64xf32>
    %mul3A_548 = arith.mulf %div3A_546, %mul3A_547 : vector<256x64xf32>
    %add3A_549 = vector.broadcast %get3A_12 : vector<1x64xf32> to vector<256x64xf32>
    %add3A_550 = arith.addf %mul3A_548, %add3A_549 : vector<256x64xf32>
    %max3A_551 = arith.constant 0.000000e+00 : f32
    %max3A_552 = vector.broadcast %max3A_551 : f32 to vector<256x64xf32>
    %max3A_553 = arith.maximumf %add3A_550, %max3A_552 : vector<256x64xf32>
    %dot_general3A_554 = arith.constant dense<0.000000e+00> : vector<256x64xf32>
    %dot_general3A_555 = tpu.matmul %max3A_553, %get3A_15, %dot_general3A_554 {dimension_numbers = #tpu.dot_dimension_numbers<[1], [0], [0], [1], [0, 0, 1, 1], [], []>, transpose_lhs_hint = false} : vector<256x64xf32>, vector<64x64xf32>, vector<256x64xf32> -> vector<256x64xf32>
    %add3A_556 = vector.broadcast %get3A_18 : vector<1x64xf32> to vector<256x64xf32>
    %add3A_557 = arith.addf %dot_general3A_555, %add3A_556 : vector<256x64xf32>
    %swap3A_558 = arith.constant 10 : index
    %swap3A_559 = arith.constant 0 : index
    %swap3A_560 = arith.constant 0 : index
    %swap3A_561 = vector.load %arg11[%swap3A_558, %swap3A_559, %swap3A_560] : memref<20x256x64xf32, #tpu.memory_space<vmem>>, vector<1x256x64xf32>
    %swap3A_562 = vector.shape_cast %swap3A_561 : vector<1x256x64xf32> to vector<256x64xf32>
    %swap3A_563 = vector.shape_cast %add3A_557 : vector<256x64xf32> to vector<1x256x64xf32>
    tpu.vector_store %arg11[%swap3A_558, %swap3A_559, %swap3A_560], %swap3A_563 {strides = array<i32>} : memref<20x256x64xf32, #tpu.memory_space<vmem>>, vector<1x256x64xf32>,
    %reduce_sum3A_564 = arith.constant dense<0.000000e+00> : vector<64xf32>
    %reduce_sum3A_565 = vector.multi_reduction <add>, %add3A_557, %reduce_sum3A_564 [0] : vector<256x64xf32> to vector<64xf32>
    %broadcast_in_dim3A_566 = vector.shape_cast %reduce_sum3A_565 : vector<64xf32> to vector<1x64xf32>
    %add3A_567 = arith.addf %add3A_516, %broadcast_in_dim3A_566 : vector<1x64xf32>
    %mul3A_568 = arith.mulf %add3A_557, %add3A_557 : vector<256x64xf32>
    %reduce_sum3A_569 = arith.constant dense<0.000000e+00> : vector<64xf32>
    %reduce_sum3A_570 = vector.multi_reduction <add>, %mul3A_568, %reduce_sum3A_569 [0] : vector<256x64xf32> to vector<64xf32>
    %broadcast_in_dim3A_571 = vector.shape_cast %reduce_sum3A_570 : vector<64xf32> to vector<1x64xf32>
    %add3A_572 = arith.addf %add3A_521, %broadcast_in_dim3A_571 : vector<1x64xf32>
    %get3A_573 = arith.constant 0 : index
    %get3A_574 = arith.constant 0 : index
    %get3A_575 = vector.load %arg1[%get3A_573, %get3A_574] : memref<256x3xf32, #tpu.memory_space<vmem>>, vector<256x3xf32>
    %get3A_576 = arith.constant 11 : index
    %get3A_577 = arith.constant 0 : index
    %get3A_578 = arith.constant 0 : index
    %get3A_579 = vector.load %arg2[%get3A_576, %get3A_577, %get3A_578] : memref<20x256x128xf32, #tpu.memory_space<vmem>>, vector<1x256x128xf32>
    %get3A_580 = vector.shape_cast %get3A_579 : vector<1x256x128xf32> to vector<256x128xf32>
    %slice3A_581 = vector.extract_strided_slice %get3A_580 {offsets = [0, 0], sizes = [256, 3], strides = [1, 1]} : vector<256x128xf32> to vector<256x3xf32>
    %sub3A_582 = arith.subf %slice3A_581, %get3A_575 : vector<256x3xf32>
    %concatenate3A_583 = tpu.concatenate %get3A_575, %sub3A_582 in 1 : vector<256x3xf32>, vector<256x3xf32> -> vector<256x6xf32>
    %get3A_584 = arith.constant 0 : index
    %get3A_585 = arith.constant 0 : index
    %get3A_586 = vector.load %arg3[%get3A_584, %get3A_585] : memref<6x64xf32, #tpu.memory_space<vmem>>, vector<6x64xf32>
    %dot_general3A_587 = arith.constant dense<0.000000e+00> : vector<256x64xf32>
    %dot_general3A_588 = tpu.matmul %concatenate3A_583, %get3A_586, %dot_general3A_587 {dimension_numbers = #tpu.dot_dimension_numbers<[1], [0], [0], [1], [0, 0, 1, 1], [], []>, transpose_lhs_hint = false} : vector<256x6xf32>, vector<6x64xf32>, vector<256x64xf32> -> vector<256x64xf32>
    %get3A_589 = arith.constant 0 : index
    %get3A_590 = arith.constant 0 : index
    %get3A_591 = vector.load %arg4[%get3A_589, %get3A_590] : memref<1x64xf32, #tpu.memory_space<vmem>>, vector<1x64xf32>
    %add3A_592 = vector.broadcast %get3A_591 : vector<1x64xf32> to vector<256x64xf32>
    %add3A_593 = arith.addf %dot_general3A_588, %add3A_592 : vector<256x64xf32>
    %sub3A_594 = vector.broadcast %get3A_3 : vector<1x64xf32> to vector<256x64xf32>
    %sub3A_595 = arith.subf %add3A_593, %sub3A_594 : vector<256x64xf32>
    %div3A_596 = vector.broadcast %get3A_6 : vector<1x64xf32> to vector<256x64xf32>
    %div3A_597 = arith.divf %sub3A_595, %div3A_596 : vector<256x64xf32>
    %mul3A_598 = vector.broadcast %get3A_9 : vector<1x64xf32> to vector<256x64xf32>
    %mul3A_599 = arith.mulf %div3A_597, %mul3A_598 : vector<256x64xf32>
    %add3A_600 = vector.broadcast %get3A_12 : vector<1x64xf32> to vector<256x64xf32>
    %add3A_601 = arith.addf %mul3A_599, %add3A_600 : vector<256x64xf32>
    %max3A_602 = arith.constant 0.000000e+00 : f32
    %max3A_603 = vector.broadcast %max3A_602 : f32 to vector<256x64xf32>
    %max3A_604 = arith.maximumf %add3A_601, %max3A_603 : vector<256x64xf32>
    %dot_general3A_605 = arith.constant dense<0.000000e+00> : vector<256x64xf32>
    %dot_general3A_606 = tpu.matmul %max3A_604, %get3A_15, %dot_general3A_605 {dimension_numbers = #tpu.dot_dimension_numbers<[1], [0], [0], [1], [0, 0, 1, 1], [], []>, transpose_lhs_hint = false} : vector<256x64xf32>, vector<64x64xf32>, vector<256x64xf32> -> vector<256x64xf32>
    %add3A_607 = vector.broadcast %get3A_18 : vector<1x64xf32> to vector<256x64xf32>
    %add3A_608 = arith.addf %dot_general3A_606, %add3A_607 : vector<256x64xf32>
    %swap3A_609 = arith.constant 11 : index
    %swap3A_610 = arith.constant 0 : index
    %swap3A_611 = arith.constant 0 : index
    %swap3A_612 = vector.load %arg11[%swap3A_609, %swap3A_610, %swap3A_611] : memref<20x256x64xf32, #tpu.memory_space<vmem>>, vector<1x256x64xf32>
    %swap3A_613 = vector.shape_cast %swap3A_612 : vector<1x256x64xf32> to vector<256x64xf32>
    %swap3A_614 = vector.shape_cast %add3A_608 : vector<256x64xf32> to vector<1x256x64xf32>
    tpu.vector_store %arg11[%swap3A_609, %swap3A_610, %swap3A_611], %swap3A_614 {strides = array<i32>} : memref<20x256x64xf32, #tpu.memory_space<vmem>>, vector<1x256x64xf32>,
    %reduce_sum3A_615 = arith.constant dense<0.000000e+00> : vector<64xf32>
    %reduce_sum3A_616 = vector.multi_reduction <add>, %add3A_608, %reduce_sum3A_615 [0] : vector<256x64xf32> to vector<64xf32>
    %broadcast_in_dim3A_617 = vector.shape_cast %reduce_sum3A_616 : vector<64xf32> to vector<1x64xf32>
    %add3A_618 = arith.addf %add3A_567, %broadcast_in_dim3A_617 : vector<1x64xf32>
    %mul3A_619 = arith.mulf %add3A_608, %add3A_608 : vector<256x64xf32>
    %reduce_sum3A_620 = arith.constant dense<0.000000e+00> : vector<64xf32>
    %reduce_sum3A_621 = vector.multi_reduction <add>, %mul3A_619, %reduce_sum3A_620 [0] : vector<256x64xf32> to vector<64xf32>
    %broadcast_in_dim3A_622 = vector.shape_cast %reduce_sum3A_621 : vector<64xf32> to vector<1x64xf32>
    %add3A_623 = arith.addf %add3A_572, %broadcast_in_dim3A_622 : vector<1x64xf32>
    %get3A_624 = arith.constant 0 : index
    %get3A_625 = arith.constant 0 : index
    %get3A_626 = vector.load %arg1[%get3A_624, %get3A_625] : memref<256x3xf32, #tpu.memory_space<vmem>>, vector<256x3xf32>
    %get3A_627 = arith.constant 12 : index
    %get3A_628 = arith.constant 0 : index
    %get3A_629 = arith.constant 0 : index
    %get3A_630 = vector.load %arg2[%get3A_627, %get3A_628, %get3A_629] : memref<20x256x128xf32, #tpu.memory_space<vmem>>, vector<1x256x128xf32>
    %get3A_631 = vector.shape_cast %get3A_630 : vector<1x256x128xf32> to vector<256x128xf32>
    %slice3A_632 = vector.extract_strided_slice %get3A_631 {offsets = [0, 0], sizes = [256, 3], strides = [1, 1]} : vector<256x128xf32> to vector<256x3xf32>
    %sub3A_633 = arith.subf %slice3A_632, %get3A_626 : vector<256x3xf32>
    %concatenate3A_634 = tpu.concatenate %get3A_626, %sub3A_633 in 1 : vector<256x3xf32>, vector<256x3xf32> -> vector<256x6xf32>
    %get3A_635 = arith.constant 0 : index
    %get3A_636 = arith.constant 0 : index
    %get3A_637 = vector.load %arg3[%get3A_635, %get3A_636] : memref<6x64xf32, #tpu.memory_space<vmem>>, vector<6x64xf32>
    %dot_general3A_638 = arith.constant dense<0.000000e+00> : vector<256x64xf32>
    %dot_general3A_639 = tpu.matmul %concatenate3A_634, %get3A_637, %dot_general3A_638 {dimension_numbers = #tpu.dot_dimension_numbers<[1], [0], [0], [1], [0, 0, 1, 1], [], []>, transpose_lhs_hint = false} : vector<256x6xf32>, vector<6x64xf32>, vector<256x64xf32> -> vector<256x64xf32>
    %get3A_640 = arith.constant 0 : index
    %get3A_641 = arith.constant 0 : index
    %get3A_642 = vector.load %arg4[%get3A_640, %get3A_641] : memref<1x64xf32, #tpu.memory_space<vmem>>, vector<1x64xf32>
    %add3A_643 = vector.broadcast %get3A_642 : vector<1x64xf32> to vector<256x64xf32>
    %add3A_644 = arith.addf %dot_general3A_639, %add3A_643 : vector<256x64xf32>
    %sub3A_645 = vector.broadcast %get3A_3 : vector<1x64xf32> to vector<256x64xf32>
    %sub3A_646 = arith.subf %add3A_644, %sub3A_645 : vector<256x64xf32>
    %div3A_647 = vector.broadcast %get3A_6 : vector<1x64xf32> to vector<256x64xf32>
    %div3A_648 = arith.divf %sub3A_646, %div3A_647 : vector<256x64xf32>
    %mul3A_649 = vector.broadcast %get3A_9 : vector<1x64xf32> to vector<256x64xf32>
    %mul3A_650 = arith.mulf %div3A_648, %mul3A_649 : vector<256x64xf32>
    %add3A_651 = vector.broadcast %get3A_12 : vector<1x64xf32> to vector<256x64xf32>
    %add3A_652 = arith.addf %mul3A_650, %add3A_651 : vector<256x64xf32>
    %max3A_653 = arith.constant 0.000000e+00 : f32
    %max3A_654 = vector.broadcast %max3A_653 : f32 to vector<256x64xf32>
    %max3A_655 = arith.maximumf %add3A_652, %max3A_654 : vector<256x64xf32>
    %dot_general3A_656 = arith.constant dense<0.000000e+00> : vector<256x64xf32>
    %dot_general3A_657 = tpu.matmul %max3A_655, %get3A_15, %dot_general3A_656 {dimension_numbers = #tpu.dot_dimension_numbers<[1], [0], [0], [1], [0, 0, 1, 1], [], []>, transpose_lhs_hint = false} : vector<256x64xf32>, vector<64x64xf32>, vector<256x64xf32> -> vector<256x64xf32>
    %add3A_658 = vector.broadcast %get3A_18 : vector<1x64xf32> to vector<256x64xf32>
    %add3A_659 = arith.addf %dot_general3A_657, %add3A_658 : vector<256x64xf32>
    %swap3A_660 = arith.constant 12 : index
    %swap3A_661 = arith.constant 0 : index
    %swap3A_662 = arith.constant 0 : index
    %swap3A_663 = vector.load %arg11[%swap3A_660, %swap3A_661, %swap3A_662] : memref<20x256x64xf32, #tpu.memory_space<vmem>>, vector<1x256x64xf32>
    %swap3A_664 = vector.shape_cast %swap3A_663 : vector<1x256x64xf32> to vector<256x64xf32>
    %swap3A_665 = vector.shape_cast %add3A_659 : vector<256x64xf32> to vector<1x256x64xf32>
    tpu.vector_store %arg11[%swap3A_660, %swap3A_661, %swap3A_662], %swap3A_665 {strides = array<i32>} : memref<20x256x64xf32, #tpu.memory_space<vmem>>, vector<1x256x64xf32>,
    %reduce_sum3A_666 = arith.constant dense<0.000000e+00> : vector<64xf32>
    %reduce_sum3A_667 = vector.multi_reduction <add>, %add3A_659, %reduce_sum3A_666 [0] : vector<256x64xf32> to vector<64xf32>
    %broadcast_in_dim3A_668 = vector.shape_cast %reduce_sum3A_667 : vector<64xf32> to vector<1x64xf32>
    %add3A_669 = arith.addf %add3A_618, %broadcast_in_dim3A_668 : vector<1x64xf32>
    %mul3A_670 = arith.mulf %add3A_659, %add3A_659 : vector<256x64xf32>
    %reduce_sum3A_671 = arith.constant dense<0.000000e+00> : vector<64xf32>
    %reduce_sum3A_672 = vector.multi_reduction <add>, %mul3A_670, %reduce_sum3A_671 [0] : vector<256x64xf32> to vector<64xf32>
    %broadcast_in_dim3A_673 = vector.shape_cast %reduce_sum3A_672 : vector<64xf32> to vector<1x64xf32>
    %add3A_674 = arith.addf %add3A_623, %broadcast_in_dim3A_673 : vector<1x64xf32>
    %get3A_675 = arith.constant 0 : index
    %get3A_676 = arith.constant 0 : index
    %get3A_677 = vector.load %arg1[%get3A_675, %get3A_676] : memref<256x3xf32, #tpu.memory_space<vmem>>, vector<256x3xf32>
    %get3A_678 = arith.constant 13 : index
    %get3A_679 = arith.constant 0 : index
    %get3A_680 = arith.constant 0 : index
    %get3A_681 = vector.load %arg2[%get3A_678, %get3A_679, %get3A_680] : memref<20x256x128xf32, #tpu.memory_space<vmem>>, vector<1x256x128xf32>
    %get3A_682 = vector.shape_cast %get3A_681 : vector<1x256x128xf32> to vector<256x128xf32>
    %slice3A_683 = vector.extract_strided_slice %get3A_682 {offsets = [0, 0], sizes = [256, 3], strides = [1, 1]} : vector<256x128xf32> to vector<256x3xf32>
    %sub3A_684 = arith.subf %slice3A_683, %get3A_677 : vector<256x3xf32>
    %concatenate3A_685 = tpu.concatenate %get3A_677, %sub3A_684 in 1 : vector<256x3xf32>, vector<256x3xf32> -> vector<256x6xf32>
    %get3A_686 = arith.constant 0 : index
    %get3A_687 = arith.constant 0 : index
    %get3A_688 = vector.load %arg3[%get3A_686, %get3A_687] : memref<6x64xf32, #tpu.memory_space<vmem>>, vector<6x64xf32>
    %dot_general3A_689 = arith.constant dense<0.000000e+00> : vector<256x64xf32>
    %dot_general3A_690 = tpu.matmul %concatenate3A_685, %get3A_688, %dot_general3A_689 {dimension_numbers = #tpu.dot_dimension_numbers<[1], [0], [0], [1], [0, 0, 1, 1], [], []>, transpose_lhs_hint = false} : vector<256x6xf32>, vector<6x64xf32>, vector<256x64xf32> -> vector<256x64xf32>
    %get3A_691 = arith.constant 0 : index
    %get3A_692 = arith.constant 0 : index
    %get3A_693 = vector.load %arg4[%get3A_691, %get3A_692] : memref<1x64xf32, #tpu.memory_space<vmem>>, vector<1x64xf32>
    %add3A_694 = vector.broadcast %get3A_693 : vector<1x64xf32> to vector<256x64xf32>
    %add3A_695 = arith.addf %dot_general3A_690, %add3A_694 : vector<256x64xf32>
    %sub3A_696 = vector.broadcast %get3A_3 : vector<1x64xf32> to vector<256x64xf32>
    %sub3A_697 = arith.subf %add3A_695, %sub3A_696 : vector<256x64xf32>
    %div3A_698 = vector.broadcast %get3A_6 : vector<1x64xf32> to vector<256x64xf32>
    %div3A_699 = arith.divf %sub3A_697, %div3A_698 : vector<256x64xf32>
    %mul3A_700 = vector.broadcast %get3A_9 : vector<1x64xf32> to vector<256x64xf32>
    %mul3A_701 = arith.mulf %div3A_699, %mul3A_700 : vector<256x64xf32>
    %add3A_702 = vector.broadcast %get3A_12 : vector<1x64xf32> to vector<256x64xf32>
    %add3A_703 = arith.addf %mul3A_701, %add3A_702 : vector<256x64xf32>
    %max3A_704 = arith.constant 0.000000e+00 : f32
    %max3A_705 = vector.broadcast %max3A_704 : f32 to vector<256x64xf32>
    %max3A_706 = arith.maximumf %add3A_703, %max3A_705 : vector<256x64xf32>
    %dot_general3A_707 = arith.constant dense<0.000000e+00> : vector<256x64xf32>
    %dot_general3A_708 = tpu.matmul %max3A_706, %get3A_15, %dot_general3A_707 {dimension_numbers = #tpu.dot_dimension_numbers<[1], [0], [0], [1], [0, 0, 1, 1], [], []>, transpose_lhs_hint = false} : vector<256x64xf32>, vector<64x64xf32>, vector<256x64xf32> -> vector<256x64xf32>
    %add3A_709 = vector.broadcast %get3A_18 : vector<1x64xf32> to vector<256x64xf32>
    %add3A_710 = arith.addf %dot_general3A_708, %add3A_709 : vector<256x64xf32>
    %swap3A_711 = arith.constant 13 : index
    %swap3A_712 = arith.constant 0 : index
    %swap3A_713 = arith.constant 0 : index
    %swap3A_714 = vector.load %arg11[%swap3A_711, %swap3A_712, %swap3A_713] : memref<20x256x64xf32, #tpu.memory_space<vmem>>, vector<1x256x64xf32>
    %swap3A_715 = vector.shape_cast %swap3A_714 : vector<1x256x64xf32> to vector<256x64xf32>
    %swap3A_716 = vector.shape_cast %add3A_710 : vector<256x64xf32> to vector<1x256x64xf32>
    tpu.vector_store %arg11[%swap3A_711, %swap3A_712, %swap3A_713], %swap3A_716 {strides = array<i32>} : memref<20x256x64xf32, #tpu.memory_space<vmem>>, vector<1x256x64xf32>,
    %reduce_sum3A_717 = arith.constant dense<0.000000e+00> : vector<64xf32>
    %reduce_sum3A_718 = vector.multi_reduction <add>, %add3A_710, %reduce_sum3A_717 [0] : vector<256x64xf32> to vector<64xf32>
    %broadcast_in_dim3A_719 = vector.shape_cast %reduce_sum3A_718 : vector<64xf32> to vector<1x64xf32>
    %add3A_720 = arith.addf %add3A_669, %broadcast_in_dim3A_719 : vector<1x64xf32>
    %mul3A_721 = arith.mulf %add3A_710, %add3A_710 : vector<256x64xf32>
    %reduce_sum3A_722 = arith.constant dense<0.000000e+00> : vector<64xf32>
    %reduce_sum3A_723 = vector.multi_reduction <add>, %mul3A_721, %reduce_sum3A_722 [0] : vector<256x64xf32> to vector<64xf32>
    %broadcast_in_dim3A_724 = vector.shape_cast %reduce_sum3A_723 : vector<64xf32> to vector<1x64xf32>
    %add3A_725 = arith.addf %add3A_674, %broadcast_in_dim3A_724 : vector<1x64xf32>
    %get3A_726 = arith.constant 0 : index
    %get3A_727 = arith.constant 0 : index
    %get3A_728 = vector.load %arg1[%get3A_726, %get3A_727] : memref<256x3xf32, #tpu.memory_space<vmem>>, vector<256x3xf32>
    %get3A_729 = arith.constant 14 : index
    %get3A_730 = arith.constant 0 : index
    %get3A_731 = arith.constant 0 : index
    %get3A_732 = vector.load %arg2[%get3A_729, %get3A_730, %get3A_731] : memref<20x256x128xf32, #tpu.memory_space<vmem>>, vector<1x256x128xf32>
    %get3A_733 = vector.shape_cast %get3A_732 : vector<1x256x128xf32> to vector<256x128xf32>
    %slice3A_734 = vector.extract_strided_slice %get3A_733 {offsets = [0, 0], sizes = [256, 3], strides = [1, 1]} : vector<256x128xf32> to vector<256x3xf32>
    %sub3A_735 = arith.subf %slice3A_734, %get3A_728 : vector<256x3xf32>
    %concatenate3A_736 = tpu.concatenate %get3A_728, %sub3A_735 in 1 : vector<256x3xf32>, vector<256x3xf32> -> vector<256x6xf32>
    %get3A_737 = arith.constant 0 : index
    %get3A_738 = arith.constant 0 : index
    %get3A_739 = vector.load %arg3[%get3A_737, %get3A_738] : memref<6x64xf32, #tpu.memory_space<vmem>>, vector<6x64xf32>
    %dot_general3A_740 = arith.constant dense<0.000000e+00> : vector<256x64xf32>
    %dot_general3A_741 = tpu.matmul %concatenate3A_736, %get3A_739, %dot_general3A_740 {dimension_numbers = #tpu.dot_dimension_numbers<[1], [0], [0], [1], [0, 0, 1, 1], [], []>, transpose_lhs_hint = false} : vector<256x6xf32>, vector<6x64xf32>, vector<256x64xf32> -> vector<256x64xf32>
    %get3A_742 = arith.constant 0 : index
    %get3A_743 = arith.constant 0 : index
    %get3A_744 = vector.load %arg4[%get3A_742, %get3A_743] : memref<1x64xf32, #tpu.memory_space<vmem>>, vector<1x64xf32>
    %add3A_745 = vector.broadcast %get3A_744 : vector<1x64xf32> to vector<256x64xf32>
    %add3A_746 = arith.addf %dot_general3A_741, %add3A_745 : vector<256x64xf32>
    %sub3A_747 = vector.broadcast %get3A_3 : vector<1x64xf32> to vector<256x64xf32>
    %sub3A_748 = arith.subf %add3A_746, %sub3A_747 : vector<256x64xf32>
    %div3A_749 = vector.broadcast %get3A_6 : vector<1x64xf32> to vector<256x64xf32>
    %div3A_750 = arith.divf %sub3A_748, %div3A_749 : vector<256x64xf32>
    %mul3A_751 = vector.broadcast %get3A_9 : vector<1x64xf32> to vector<256x64xf32>
    %mul3A_752 = arith.mulf %div3A_750, %mul3A_751 : vector<256x64xf32>
    %add3A_753 = vector.broadcast %get3A_12 : vector<1x64xf32> to vector<256x64xf32>
    %add3A_754 = arith.addf %mul3A_752, %add3A_753 : vector<256x64xf32>
    %max3A_755 = arith.constant 0.000000e+00 : f32
    %max3A_756 = vector.broadcast %max3A_755 : f32 to vector<256x64xf32>
    %max3A_757 = arith.maximumf %add3A_754, %max3A_756 : vector<256x64xf32>
    %dot_general3A_758 = arith.constant dense<0.000000e+00> : vector<256x64xf32>
    %dot_general3A_759 = tpu.matmul %max3A_757, %get3A_15, %dot_general3A_758 {dimension_numbers = #tpu.dot_dimension_numbers<[1], [0], [0], [1], [0, 0, 1, 1], [], []>, transpose_lhs_hint = false} : vector<256x64xf32>, vector<64x64xf32>, vector<256x64xf32> -> vector<256x64xf32>
    %add3A_760 = vector.broadcast %get3A_18 : vector<1x64xf32> to vector<256x64xf32>
    %add3A_761 = arith.addf %dot_general3A_759, %add3A_760 : vector<256x64xf32>
    %swap3A_762 = arith.constant 14 : index
    %swap3A_763 = arith.constant 0 : index
    %swap3A_764 = arith.constant 0 : index
    %swap3A_765 = vector.load %arg11[%swap3A_762, %swap3A_763, %swap3A_764] : memref<20x256x64xf32, #tpu.memory_space<vmem>>, vector<1x256x64xf32>
    %swap3A_766 = vector.shape_cast %swap3A_765 : vector<1x256x64xf32> to vector<256x64xf32>
    %swap3A_767 = vector.shape_cast %add3A_761 : vector<256x64xf32> to vector<1x256x64xf32>
    tpu.vector_store %arg11[%swap3A_762, %swap3A_763, %swap3A_764], %swap3A_767 {strides = array<i32>} : memref<20x256x64xf32, #tpu.memory_space<vmem>>, vector<1x256x64xf32>,
    %reduce_sum3A_768 = arith.constant dense<0.000000e+00> : vector<64xf32>
    %reduce_sum3A_769 = vector.multi_reduction <add>, %add3A_761, %reduce_sum3A_768 [0] : vector<256x64xf32> to vector<64xf32>
    %broadcast_in_dim3A_770 = vector.shape_cast %reduce_sum3A_769 : vector<64xf32> to vector<1x64xf32>
    %add3A_771 = arith.addf %add3A_720, %broadcast_in_dim3A_770 : vector<1x64xf32>
    %mul3A_772 = arith.mulf %add3A_761, %add3A_761 : vector<256x64xf32>
    %reduce_sum3A_773 = arith.constant dense<0.000000e+00> : vector<64xf32>
    %reduce_sum3A_774 = vector.multi_reduction <add>, %mul3A_772, %reduce_sum3A_773 [0] : vector<256x64xf32> to vector<64xf32>
    %broadcast_in_dim3A_775 = vector.shape_cast %reduce_sum3A_774 : vector<64xf32> to vector<1x64xf32>
    %add3A_776 = arith.addf %add3A_725, %broadcast_in_dim3A_775 : vector<1x64xf32>
    %get3A_777 = arith.constant 0 : index
    %get3A_778 = arith.constant 0 : index
    %get3A_779 = vector.load %arg1[%get3A_777, %get3A_778] : memref<256x3xf32, #tpu.memory_space<vmem>>, vector<256x3xf32>
    %get3A_780 = arith.constant 15 : index
    %get3A_781 = arith.constant 0 : index
    %get3A_782 = arith.constant 0 : index
    %get3A_783 = vector.load %arg2[%get3A_780, %get3A_781, %get3A_782] : memref<20x256x128xf32, #tpu.memory_space<vmem>>, vector<1x256x128xf32>
    %get3A_784 = vector.shape_cast %get3A_783 : vector<1x256x128xf32> to vector<256x128xf32>
    %slice3A_785 = vector.extract_strided_slice %get3A_784 {offsets = [0, 0], sizes = [256, 3], strides = [1, 1]} : vector<256x128xf32> to vector<256x3xf32>
    %sub3A_786 = arith.subf %slice3A_785, %get3A_779 : vector<256x3xf32>
    %concatenate3A_787 = tpu.concatenate %get3A_779, %sub3A_786 in 1 : vector<256x3xf32>, vector<256x3xf32> -> vector<256x6xf32>
    %get3A_788 = arith.constant 0 : index
    %get3A_789 = arith.constant 0 : index
    %get3A_790 = vector.load %arg3[%get3A_788, %get3A_789] : memref<6x64xf32, #tpu.memory_space<vmem>>, vector<6x64xf32>
    %dot_general3A_791 = arith.constant dense<0.000000e+00> : vector<256x64xf32>
    %dot_general3A_792 = tpu.matmul %concatenate3A_787, %get3A_790, %dot_general3A_791 {dimension_numbers = #tpu.dot_dimension_numbers<[1], [0], [0], [1], [0, 0, 1, 1], [], []>, transpose_lhs_hint = false} : vector<256x6xf32>, vector<6x64xf32>, vector<256x64xf32> -> vector<256x64xf32>
    %get3A_793 = arith.constant 0 : index
    %get3A_794 = arith.constant 0 : index
    %get3A_795 = vector.load %arg4[%get3A_793, %get3A_794] : memref<1x64xf32, #tpu.memory_space<vmem>>, vector<1x64xf32>
    %add3A_796 = vector.broadcast %get3A_795 : vector<1x64xf32> to vector<256x64xf32>
    %add3A_797 = arith.addf %dot_general3A_792, %add3A_796 : vector<256x64xf32>
    %sub3A_798 = vector.broadcast %get3A_3 : vector<1x64xf32> to vector<256x64xf32>
    %sub3A_799 = arith.subf %add3A_797, %sub3A_798 : vector<256x64xf32>
    %div3A_800 = vector.broadcast %get3A_6 : vector<1x64xf32> to vector<256x64xf32>
    %div3A_801 = arith.divf %sub3A_799, %div3A_800 : vector<256x64xf32>
    %mul3A_802 = vector.broadcast %get3A_9 : vector<1x64xf32> to vector<256x64xf32>
    %mul3A_803 = arith.mulf %div3A_801, %mul3A_802 : vector<256x64xf32>
    %add3A_804 = vector.broadcast %get3A_12 : vector<1x64xf32> to vector<256x64xf32>
    %add3A_805 = arith.addf %mul3A_803, %add3A_804 : vector<256x64xf32>
    %max3A_806 = arith.constant 0.000000e+00 : f32
    %max3A_807 = vector.broadcast %max3A_806 : f32 to vector<256x64xf32>
    %max3A_808 = arith.maximumf %add3A_805, %max3A_807 : vector<256x64xf32>
    %dot_general3A_809 = arith.constant dense<0.000000e+00> : vector<256x64xf32>
    %dot_general3A_810 = tpu.matmul %max3A_808, %get3A_15, %dot_general3A_809 {dimension_numbers = #tpu.dot_dimension_numbers<[1], [0], [0], [1], [0, 0, 1, 1], [], []>, transpose_lhs_hint = false} : vector<256x64xf32>, vector<64x64xf32>, vector<256x64xf32> -> vector<256x64xf32>
    %add3A_811 = vector.broadcast %get3A_18 : vector<1x64xf32> to vector<256x64xf32>
    %add3A_812 = arith.addf %dot_general3A_810, %add3A_811 : vector<256x64xf32>
    %swap3A_813 = arith.constant 15 : index
    %swap3A_814 = arith.constant 0 : index
    %swap3A_815 = arith.constant 0 : index
    %swap3A_816 = vector.load %arg11[%swap3A_813, %swap3A_814, %swap3A_815] : memref<20x256x64xf32, #tpu.memory_space<vmem>>, vector<1x256x64xf32>
    %swap3A_817 = vector.shape_cast %swap3A_816 : vector<1x256x64xf32> to vector<256x64xf32>
    %swap3A_818 = vector.shape_cast %add3A_812 : vector<256x64xf32> to vector<1x256x64xf32>
    tpu.vector_store %arg11[%swap3A_813, %swap3A_814, %swap3A_815], %swap3A_818 {strides = array<i32>} : memref<20x256x64xf32, #tpu.memory_space<vmem>>, vector<1x256x64xf32>,
    %reduce_sum3A_819 = arith.constant dense<0.000000e+00> : vector<64xf32>
    %reduce_sum3A_820 = vector.multi_reduction <add>, %add3A_812, %reduce_sum3A_819 [0] : vector<256x64xf32> to vector<64xf32>
    %broadcast_in_dim3A_821 = vector.shape_cast %reduce_sum3A_820 : vector<64xf32> to vector<1x64xf32>
    %add3A_822 = arith.addf %add3A_771, %broadcast_in_dim3A_821 : vector<1x64xf32>
    %mul3A_823 = arith.mulf %add3A_812, %add3A_812 : vector<256x64xf32>
    %reduce_sum3A_824 = arith.constant dense<0.000000e+00> : vector<64xf32>
    %reduce_sum3A_825 = vector.multi_reduction <add>, %mul3A_823, %reduce_sum3A_824 [0] : vector<256x64xf32> to vector<64xf32>
    %broadcast_in_dim3A_826 = vector.shape_cast %reduce_sum3A_825 : vector<64xf32> to vector<1x64xf32>
    %add3A_827 = arith.addf %add3A_776, %broadcast_in_dim3A_826 : vector<1x64xf32>
    %get3A_828 = arith.constant 0 : index
    %get3A_829 = arith.constant 0 : index
    %get3A_830 = vector.load %arg1[%get3A_828, %get3A_829] : memref<256x3xf32, #tpu.memory_space<vmem>>, vector<256x3xf32>
    %get3A_831 = arith.constant 16 : index
    %get3A_832 = arith.constant 0 : index
    %get3A_833 = arith.constant 0 : index
    %get3A_834 = vector.load %arg2[%get3A_831, %get3A_832, %get3A_833] : memref<20x256x128xf32, #tpu.memory_space<vmem>>, vector<1x256x128xf32>
    %get3A_835 = vector.shape_cast %get3A_834 : vector<1x256x128xf32> to vector<256x128xf32>
    %slice3A_836 = vector.extract_strided_slice %get3A_835 {offsets = [0, 0], sizes = [256, 3], strides = [1, 1]} : vector<256x128xf32> to vector<256x3xf32>
    %sub3A_837 = arith.subf %slice3A_836, %get3A_830 : vector<256x3xf32>
    %concatenate3A_838 = tpu.concatenate %get3A_830, %sub3A_837 in 1 : vector<256x3xf32>, vector<256x3xf32> -> vector<256x6xf32>
    %get3A_839 = arith.constant 0 : index
    %get3A_840 = arith.constant 0 : index
    %get3A_841 = vector.load %arg3[%get3A_839, %get3A_840] : memref<6x64xf32, #tpu.memory_space<vmem>>, vector<6x64xf32>
    %dot_general3A_842 = arith.constant dense<0.000000e+00> : vector<256x64xf32>
    %dot_general3A_843 = tpu.matmul %concatenate3A_838, %get3A_841, %dot_general3A_842 {dimension_numbers = #tpu.dot_dimension_numbers<[1], [0], [0], [1], [0, 0, 1, 1], [], []>, transpose_lhs_hint = false} : vector<256x6xf32>, vector<6x64xf32>, vector<256x64xf32> -> vector<256x64xf32>
    %get3A_844 = arith.constant 0 : index
    %get3A_845 = arith.constant 0 : index
    %get3A_846 = vector.load %arg4[%get3A_844, %get3A_845] : memref<1x64xf32, #tpu.memory_space<vmem>>, vector<1x64xf32>
    %add3A_847 = vector.broadcast %get3A_846 : vector<1x64xf32> to vector<256x64xf32>
    %add3A_848 = arith.addf %dot_general3A_843, %add3A_847 : vector<256x64xf32>
    %sub3A_849 = vector.broadcast %get3A_3 : vector<1x64xf32> to vector<256x64xf32>
    %sub3A_850 = arith.subf %add3A_848, %sub3A_849 : vector<256x64xf32>
    %div3A_851 = vector.broadcast %get3A_6 : vector<1x64xf32> to vector<256x64xf32>
    %div3A_852 = arith.divf %sub3A_850, %div3A_851 : vector<256x64xf32>
    %mul3A_853 = vector.broadcast %get3A_9 : vector<1x64xf32> to vector<256x64xf32>
    %mul3A_854 = arith.mulf %div3A_852, %mul3A_853 : vector<256x64xf32>
    %add3A_855 = vector.broadcast %get3A_12 : vector<1x64xf32> to vector<256x64xf32>
    %add3A_856 = arith.addf %mul3A_854, %add3A_855 : vector<256x64xf32>
    %max3A_857 = arith.constant 0.000000e+00 : f32
    %max3A_858 = vector.broadcast %max3A_857 : f32 to vector<256x64xf32>
    %max3A_859 = arith.maximumf %add3A_856, %max3A_858 : vector<256x64xf32>
    %dot_general3A_860 = arith.constant dense<0.000000e+00> : vector<256x64xf32>
    %dot_general3A_861 = tpu.matmul %max3A_859, %get3A_15, %dot_general3A_860 {dimension_numbers = #tpu.dot_dimension_numbers<[1], [0], [0], [1], [0, 0, 1, 1], [], []>, transpose_lhs_hint = false} : vector<256x64xf32>, vector<64x64xf32>, vector<256x64xf32> -> vector<256x64xf32>
    %add3A_862 = vector.broadcast %get3A_18 : vector<1x64xf32> to vector<256x64xf32>
    %add3A_863 = arith.addf %dot_general3A_861, %add3A_862 : vector<256x64xf32>
    %swap3A_864 = arith.constant 16 : index
    %swap3A_865 = arith.constant 0 : index
    %swap3A_866 = arith.constant 0 : index
    %swap3A_867 = vector.load %arg11[%swap3A_864, %swap3A_865, %swap3A_866] : memref<20x256x64xf32, #tpu.memory_space<vmem>>, vector<1x256x64xf32>
    %swap3A_868 = vector.shape_cast %swap3A_867 : vector<1x256x64xf32> to vector<256x64xf32>
    %swap3A_869 = vector.shape_cast %add3A_863 : vector<256x64xf32> to vector<1x256x64xf32>
    tpu.vector_store %arg11[%swap3A_864, %swap3A_865, %swap3A_866], %swap3A_869 {strides = array<i32>} : memref<20x256x64xf32, #tpu.memory_space<vmem>>, vector<1x256x64xf32>,
    %reduce_sum3A_870 = arith.constant dense<0.000000e+00> : vector<64xf32>
    %reduce_sum3A_871 = vector.multi_reduction <add>, %add3A_863, %reduce_sum3A_870 [0] : vector<256x64xf32> to vector<64xf32>
    %broadcast_in_dim3A_872 = vector.shape_cast %reduce_sum3A_871 : vector<64xf32> to vector<1x64xf32>
    %add3A_873 = arith.addf %add3A_822, %broadcast_in_dim3A_872 : vector<1x64xf32>
    %mul3A_874 = arith.mulf %add3A_863, %add3A_863 : vector<256x64xf32>
    %reduce_sum3A_875 = arith.constant dense<0.000000e+00> : vector<64xf32>
    %reduce_sum3A_876 = vector.multi_reduction <add>, %mul3A_874, %reduce_sum3A_875 [0] : vector<256x64xf32> to vector<64xf32>
    %broadcast_in_dim3A_877 = vector.shape_cast %reduce_sum3A_876 : vector<64xf32> to vector<1x64xf32>
    %add3A_878 = arith.addf %add3A_827, %broadcast_in_dim3A_877 : vector<1x64xf32>
    %get3A_879 = arith.constant 0 : index
    %get3A_880 = arith.constant 0 : index
    %get3A_881 = vector.load %arg1[%get3A_879, %get3A_880] : memref<256x3xf32, #tpu.memory_space<vmem>>, vector<256x3xf32>
    %get3A_882 = arith.constant 17 : index
    %get3A_883 = arith.constant 0 : index
    %get3A_884 = arith.constant 0 : index
    %get3A_885 = vector.load %arg2[%get3A_882, %get3A_883, %get3A_884] : memref<20x256x128xf32, #tpu.memory_space<vmem>>, vector<1x256x128xf32>
    %get3A_886 = vector.shape_cast %get3A_885 : vector<1x256x128xf32> to vector<256x128xf32>
    %slice3A_887 = vector.extract_strided_slice %get3A_886 {offsets = [0, 0], sizes = [256, 3], strides = [1, 1]} : vector<256x128xf32> to vector<256x3xf32>
    %sub3A_888 = arith.subf %slice3A_887, %get3A_881 : vector<256x3xf32>
    %concatenate3A_889 = tpu.concatenate %get3A_881, %sub3A_888 in 1 : vector<256x3xf32>, vector<256x3xf32> -> vector<256x6xf32>
    %get3A_890 = arith.constant 0 : index
    %get3A_891 = arith.constant 0 : index
    %get3A_892 = vector.load %arg3[%get3A_890, %get3A_891] : memref<6x64xf32, #tpu.memory_space<vmem>>, vector<6x64xf32>
    %dot_general3A_893 = arith.constant dense<0.000000e+00> : vector<256x64xf32>
    %dot_general3A_894 = tpu.matmul %concatenate3A_889, %get3A_892, %dot_general3A_893 {dimension_numbers = #tpu.dot_dimension_numbers<[1], [0], [0], [1], [0, 0, 1, 1], [], []>, transpose_lhs_hint = false} : vector<256x6xf32>, vector<6x64xf32>, vector<256x64xf32> -> vector<256x64xf32>
    %get3A_895 = arith.constant 0 : index
    %get3A_896 = arith.constant 0 : index
    %get3A_897 = vector.load %arg4[%get3A_895, %get3A_896] : memref<1x64xf32, #tpu.memory_space<vmem>>, vector<1x64xf32>
    %add3A_898 = vector.broadcast %get3A_897 : vector<1x64xf32> to vector<256x64xf32>
    %add3A_899 = arith.addf %dot_general3A_894, %add3A_898 : vector<256x64xf32>
    %sub3A_900 = vector.broadcast %get3A_3 : vector<1x64xf32> to vector<256x64xf32>
    %sub3A_901 = arith.subf %add3A_899, %sub3A_900 : vector<256x64xf32>
    %div3A_902 = vector.broadcast %get3A_6 : vector<1x64xf32> to vector<256x64xf32>
    %div3A_903 = arith.divf %sub3A_901, %div3A_902 : vector<256x64xf32>
    %mul3A_904 = vector.broadcast %get3A_9 : vector<1x64xf32> to vector<256x64xf32>
    %mul3A_905 = arith.mulf %div3A_903, %mul3A_904 : vector<256x64xf32>
    %add3A_906 = vector.broadcast %get3A_12 : vector<1x64xf32> to vector<256x64xf32>
    %add3A_907 = arith.addf %mul3A_905, %add3A_906 : vector<256x64xf32>
    %max3A_908 = arith.constant 0.000000e+00 : f32
    %max3A_909 = vector.broadcast %max3A_908 : f32 to vector<256x64xf32>
    %max3A_910 = arith.maximumf %add3A_907, %max3A_909 : vector<256x64xf32>
    %dot_general3A_911 = arith.constant dense<0.000000e+00> : vector<256x64xf32>
    %dot_general3A_912 = tpu.matmul %max3A_910, %get3A_15, %dot_general3A_911 {dimension_numbers = #tpu.dot_dimension_numbers<[1], [0], [0], [1], [0, 0, 1, 1], [], []>, transpose_lhs_hint = false} : vector<256x64xf32>, vector<64x64xf32>, vector<256x64xf32> -> vector<256x64xf32>
    %add3A_913 = vector.broadcast %get3A_18 : vector<1x64xf32> to vector<256x64xf32>
    %add3A_914 = arith.addf %dot_general3A_912, %add3A_913 : vector<256x64xf32>
    %swap3A_915 = arith.constant 17 : index
    %swap3A_916 = arith.constant 0 : index
    %swap3A_917 = arith.constant 0 : index
    %swap3A_918 = vector.load %arg11[%swap3A_915, %swap3A_916, %swap3A_917] : memref<20x256x64xf32, #tpu.memory_space<vmem>>, vector<1x256x64xf32>
    %swap3A_919 = vector.shape_cast %swap3A_918 : vector<1x256x64xf32> to vector<256x64xf32>
    %swap3A_920 = vector.shape_cast %add3A_914 : vector<256x64xf32> to vector<1x256x64xf32>
    tpu.vector_store %arg11[%swap3A_915, %swap3A_916, %swap3A_917], %swap3A_920 {strides = array<i32>} : memref<20x256x64xf32, #tpu.memory_space<vmem>>, vector<1x256x64xf32>,
    %reduce_sum3A_921 = arith.constant dense<0.000000e+00> : vector<64xf32>
    %reduce_sum3A_922 = vector.multi_reduction <add>, %add3A_914, %reduce_sum3A_921 [0] : vector<256x64xf32> to vector<64xf32>
    %broadcast_in_dim3A_923 = vector.shape_cast %reduce_sum3A_922 : vector<64xf32> to vector<1x64xf32>
    %add3A_924 = arith.addf %add3A_873, %broadcast_in_dim3A_923 : vector<1x64xf32>
    %mul3A_925 = arith.mulf %add3A_914, %add3A_914 : vector<256x64xf32>
    %reduce_sum3A_926 = arith.constant dense<0.000000e+00> : vector<64xf32>
    %reduce_sum3A_927 = vector.multi_reduction <add>, %mul3A_925, %reduce_sum3A_926 [0] : vector<256x64xf32> to vector<64xf32>
    %broadcast_in_dim3A_928 = vector.shape_cast %reduce_sum3A_927 : vector<64xf32> to vector<1x64xf32>
    %add3A_929 = arith.addf %add3A_878, %broadcast_in_dim3A_928 : vector<1x64xf32>
    %get3A_930 = arith.constant 0 : index
    %get3A_931 = arith.constant 0 : index
    %get3A_932 = vector.load %arg1[%get3A_930, %get3A_931] : memref<256x3xf32, #tpu.memory_space<vmem>>, vector<256x3xf32>
    %get3A_933 = arith.constant 18 : index
    %get3A_934 = arith.constant 0 : index
    %get3A_935 = arith.constant 0 : index
    %get3A_936 = vector.load %arg2[%get3A_933, %get3A_934, %get3A_935] : memref<20x256x128xf32, #tpu.memory_space<vmem>>, vector<1x256x128xf32>
    %get3A_937 = vector.shape_cast %get3A_936 : vector<1x256x128xf32> to vector<256x128xf32>
    %slice3A_938 = vector.extract_strided_slice %get3A_937 {offsets = [0, 0], sizes = [256, 3], strides = [1, 1]} : vector<256x128xf32> to vector<256x3xf32>
    %sub3A_939 = arith.subf %slice3A_938, %get3A_932 : vector<256x3xf32>
    %concatenate3A_940 = tpu.concatenate %get3A_932, %sub3A_939 in 1 : vector<256x3xf32>, vector<256x3xf32> -> vector<256x6xf32>
    %get3A_941 = arith.constant 0 : index
    %get3A_942 = arith.constant 0 : index
    %get3A_943 = vector.load %arg3[%get3A_941, %get3A_942] : memref<6x64xf32, #tpu.memory_space<vmem>>, vector<6x64xf32>
    %dot_general3A_944 = arith.constant dense<0.000000e+00> : vector<256x64xf32>
    %dot_general3A_945 = tpu.matmul %concatenate3A_940, %get3A_943, %dot_general3A_944 {dimension_numbers = #tpu.dot_dimension_numbers<[1], [0], [0], [1], [0, 0, 1, 1], [], []>, transpose_lhs_hint = false} : vector<256x6xf32>, vector<6x64xf32>, vector<256x64xf32> -> vector<256x64xf32>
    %get3A_946 = arith.constant 0 : index
    %get3A_947 = arith.constant 0 : index
    %get3A_948 = vector.load %arg4[%get3A_946, %get3A_947] : memref<1x64xf32, #tpu.memory_space<vmem>>, vector<1x64xf32>
    %add3A_949 = vector.broadcast %get3A_948 : vector<1x64xf32> to vector<256x64xf32>
    %add3A_950 = arith.addf %dot_general3A_945, %add3A_949 : vector<256x64xf32>
    %sub3A_951 = vector.broadcast %get3A_3 : vector<1x64xf32> to vector<256x64xf32>
    %sub3A_952 = arith.subf %add3A_950, %sub3A_951 : vector<256x64xf32>
    %div3A_953 = vector.broadcast %get3A_6 : vector<1x64xf32> to vector<256x64xf32>
    %div3A_954 = arith.divf %sub3A_952, %div3A_953 : vector<256x64xf32>
    %mul3A_955 = vector.broadcast %get3A_9 : vector<1x64xf32> to vector<256x64xf32>
    %mul3A_956 = arith.mulf %div3A_954, %mul3A_955 : vector<256x64xf32>
    %add3A_957 = vector.broadcast %get3A_12 : vector<1x64xf32> to vector<256x64xf32>
    %add3A_958 = arith.addf %mul3A_956, %add3A_957 : vector<256x64xf32>
    %max3A_959 = arith.constant 0.000000e+00 : f32
    %max3A_960 = vector.broadcast %max3A_959 : f32 to vector<256x64xf32>
    %max3A_961 = arith.maximumf %add3A_958, %max3A_960 : vector<256x64xf32>
    %dot_general3A_962 = arith.constant dense<0.000000e+00> : vector<256x64xf32>
    %dot_general3A_963 = tpu.matmul %max3A_961, %get3A_15, %dot_general3A_962 {dimension_numbers = #tpu.dot_dimension_numbers<[1], [0], [0], [1], [0, 0, 1, 1], [], []>, transpose_lhs_hint = false} : vector<256x64xf32>, vector<64x64xf32>, vector<256x64xf32> -> vector<256x64xf32>
    %add3A_964 = vector.broadcast %get3A_18 : vector<1x64xf32> to vector<256x64xf32>
    %add3A_965 = arith.addf %dot_general3A_963, %add3A_964 : vector<256x64xf32>
    %swap3A_966 = arith.constant 18 : index
    %swap3A_967 = arith.constant 0 : index
    %swap3A_968 = arith.constant 0 : index
    %swap3A_969 = vector.load %arg11[%swap3A_966, %swap3A_967, %swap3A_968] : memref<20x256x64xf32, #tpu.memory_space<vmem>>, vector<1x256x64xf32>
    %swap3A_970 = vector.shape_cast %swap3A_969 : vector<1x256x64xf32> to vector<256x64xf32>
    %swap3A_971 = vector.shape_cast %add3A_965 : vector<256x64xf32> to vector<1x256x64xf32>
    tpu.vector_store %arg11[%swap3A_966, %swap3A_967, %swap3A_968], %swap3A_971 {strides = array<i32>} : memref<20x256x64xf32, #tpu.memory_space<vmem>>, vector<1x256x64xf32>,
    %reduce_sum3A_972 = arith.constant dense<0.000000e+00> : vector<64xf32>
    %reduce_sum3A_973 = vector.multi_reduction <add>, %add3A_965, %reduce_sum3A_972 [0] : vector<256x64xf32> to vector<64xf32>
    %broadcast_in_dim3A_974 = vector.shape_cast %reduce_sum3A_973 : vector<64xf32> to vector<1x64xf32>
    %add3A_975 = arith.addf %add3A_924, %broadcast_in_dim3A_974 : vector<1x64xf32>
    %mul3A_976 = arith.mulf %add3A_965, %add3A_965 : vector<256x64xf32>
    %reduce_sum3A_977 = arith.constant dense<0.000000e+00> : vector<64xf32>
    %reduce_sum3A_978 = vector.multi_reduction <add>, %mul3A_976, %reduce_sum3A_977 [0] : vector<256x64xf32> to vector<64xf32>
    %broadcast_in_dim3A_979 = vector.shape_cast %reduce_sum3A_978 : vector<64xf32> to vector<1x64xf32>
    %add3A_980 = arith.addf %add3A_929, %broadcast_in_dim3A_979 : vector<1x64xf32>
    %get3A_981 = arith.constant 0 : index
    %get3A_982 = arith.constant 0 : index
    %get3A_983 = vector.load %arg1[%get3A_981, %get3A_982] : memref<256x3xf32, #tpu.memory_space<vmem>>, vector<256x3xf32>
    %get3A_984 = arith.constant 19 : index
    %get3A_985 = arith.constant 0 : index
    %get3A_986 = arith.constant 0 : index
    %get3A_987 = vector.load %arg2[%get3A_984, %get3A_985, %get3A_986] : memref<20x256x128xf32, #tpu.memory_space<vmem>>, vector<1x256x128xf32>
    %get3A_988 = vector.shape_cast %get3A_987 : vector<1x256x128xf32> to vector<256x128xf32>
    %slice3A_989 = vector.extract_strided_slice %get3A_988 {offsets = [0, 0], sizes = [256, 3], strides = [1, 1]} : vector<256x128xf32> to vector<256x3xf32>
    %sub3A_990 = arith.subf %slice3A_989, %get3A_983 : vector<256x3xf32>
    %concatenate3A_991 = tpu.concatenate %get3A_983, %sub3A_990 in 1 : vector<256x3xf32>, vector<256x3xf32> -> vector<256x6xf32>
    %get3A_992 = arith.constant 0 : index
    %get3A_993 = arith.constant 0 : index
    %get3A_994 = vector.load %arg3[%get3A_992, %get3A_993] : memref<6x64xf32, #tpu.memory_space<vmem>>, vector<6x64xf32>
    %dot_general3A_995 = arith.constant dense<0.000000e+00> : vector<256x64xf32>
    %dot_general3A_996 = tpu.matmul %concatenate3A_991, %get3A_994, %dot_general3A_995 {dimension_numbers = #tpu.dot_dimension_numbers<[1], [0], [0], [1], [0, 0, 1, 1], [], []>, transpose_lhs_hint = false} : vector<256x6xf32>, vector<6x64xf32>, vector<256x64xf32> -> vector<256x64xf32>
    %get3A_997 = arith.constant 0 : index
    %get3A_998 = arith.constant 0 : index
    %get3A_999 = vector.load %arg4[%get3A_997, %get3A_998] : memref<1x64xf32, #tpu.memory_space<vmem>>, vector<1x64xf32>
    %add3A_1000 = vector.broadcast %get3A_999 : vector<1x64xf32> to vector<256x64xf32>
    %add3A_1001 = arith.addf %dot_general3A_996, %add3A_1000 : vector<256x64xf32>
    %sub3A_1002 = vector.broadcast %get3A_3 : vector<1x64xf32> to vector<256x64xf32>
    %sub3A_1003 = arith.subf %add3A_1001, %sub3A_1002 : vector<256x64xf32>
    %div3A_1004 = vector.broadcast %get3A_6 : vector<1x64xf32> to vector<256x64xf32>
    %div3A_1005 = arith.divf %sub3A_1003, %div3A_1004 : vector<256x64xf32>
    %mul3A_1006 = vector.broadcast %get3A_9 : vector<1x64xf32> to vector<256x64xf32>
    %mul3A_1007 = arith.mulf %div3A_1005, %mul3A_1006 : vector<256x64xf32>
    %add3A_1008 = vector.broadcast %get3A_12 : vector<1x64xf32> to vector<256x64xf32>
    %add3A_1009 = arith.addf %mul3A_1007, %add3A_1008 : vector<256x64xf32>
    %max3A_1010 = arith.constant 0.000000e+00 : f32
    %max3A_1011 = vector.broadcast %max3A_1010 : f32 to vector<256x64xf32>
    %max3A_1012 = arith.maximumf %add3A_1009, %max3A_1011 : vector<256x64xf32>
    %dot_general3A_1013 = arith.constant dense<0.000000e+00> : vector<256x64xf32>
    %dot_general3A_1014 = tpu.matmul %max3A_1012, %get3A_15, %dot_general3A_1013 {dimension_numbers = #tpu.dot_dimension_numbers<[1], [0], [0], [1], [0, 0, 1, 1], [], []>, transpose_lhs_hint = false} : vector<256x64xf32>, vector<64x64xf32>, vector<256x64xf32> -> vector<256x64xf32>
    %add3A_1015 = vector.broadcast %get3A_18 : vector<1x64xf32> to vector<256x64xf32>
    %add3A_1016 = arith.addf %dot_general3A_1014, %add3A_1015 : vector<256x64xf32>
    %swap3A_1017 = arith.constant 19 : index
    %swap3A_1018 = arith.constant 0 : index
    %swap3A_1019 = arith.constant 0 : index
    %swap3A_1020 = vector.load %arg11[%swap3A_1017, %swap3A_1018, %swap3A_1019] : memref<20x256x64xf32, #tpu.memory_space<vmem>>, vector<1x256x64xf32>
    %swap3A_1021 = vector.shape_cast %swap3A_1020 : vector<1x256x64xf32> to vector<256x64xf32>
    %swap3A_1022 = vector.shape_cast %add3A_1016 : vector<256x64xf32> to vector<1x256x64xf32>
    tpu.vector_store %arg11[%swap3A_1017, %swap3A_1018, %swap3A_1019], %swap3A_1022 {strides = array<i32>} : memref<20x256x64xf32, #tpu.memory_space<vmem>>, vector<1x256x64xf32>,
    %reduce_sum3A_1023 = arith.constant dense<0.000000e+00> : vector<64xf32>
    %reduce_sum3A_1024 = vector.multi_reduction <add>, %add3A_1016, %reduce_sum3A_1023 [0] : vector<256x64xf32> to vector<64xf32>
    %broadcast_in_dim3A_1025 = vector.shape_cast %reduce_sum3A_1024 : vector<64xf32> to vector<1x64xf32>
    %add3A_1026 = arith.addf %add3A_975, %broadcast_in_dim3A_1025 : vector<1x64xf32>
    %mul3A_1027 = arith.mulf %add3A_1016, %add3A_1016 : vector<256x64xf32>
    %reduce_sum3A_1028 = arith.constant dense<0.000000e+00> : vector<64xf32>
    %reduce_sum3A_1029 = vector.multi_reduction <add>, %mul3A_1027, %reduce_sum3A_1028 [0] : vector<256x64xf32> to vector<64xf32>
    %broadcast_in_dim3A_1030 = vector.shape_cast %reduce_sum3A_1029 : vector<64xf32> to vector<1x64xf32>
    %add3A_1031 = arith.addf %add3A_980, %broadcast_in_dim3A_1030 : vector<1x64xf32>
    %get3A_1032 = arith.constant 0 : index
    %get3A_1033 = arith.constant 0 : index
    %get3A_1034 = vector.load %arg12[%get3A_1032, %get3A_1033] : memref<8x64xf32, #tpu.memory_space<vmem>>, vector<1x64xf32>
    %add3A_1035 = arith.addf %get3A_1034, %add3A_1026 : vector<1x64xf32>
    %swap3A_1036 = arith.constant 0 : index
    %swap3A_1037 = arith.constant 0 : index
    %swap3A_1038 = vector.load %arg12[%swap3A_1036, %swap3A_1037] : memref<8x64xf32, #tpu.memory_space<vmem>>, vector<1x64xf32>
    tpu.vector_store %arg12[%swap3A_1036, %swap3A_1037], %add3A_1035 {strides = array<i32>} : memref<8x64xf32, #tpu.memory_space<vmem>>, vector<1x64xf32>,
    %get3A_1039 = arith.constant 1 : index
    %get3A_1040 = arith.constant 0 : index
    %get3A_1041 = vector.load %arg12[%get3A_1039, %get3A_1040] : memref<8x64xf32, #tpu.memory_space<vmem>>, vector<1x64xf32>
    %add3A_1042 = arith.addf %get3A_1041, %add3A_1031 : vector<1x64xf32>
    %swap3A_1043 = arith.constant 1 : index
    %swap3A_1044 = arith.constant 0 : index
    %swap3A_1045 = vector.load %arg12[%swap3A_1043, %swap3A_1044] : memref<8x64xf32, #tpu.memory_space<vmem>>, vector<1x64xf32>
    tpu.vector_store %arg12[%swap3A_1043, %swap3A_1044], %add3A_1042 {strides = array<i32>} : memref<8x64xf32, #tpu.memory_space<vmem>>, vector<1x64xf32>,
    return
  }
  func.func @transform_0(%arg0: i32) -> (i32, i32) {
    %c0_i32 = arith.constant 0 : i32
    %c0_i32_0 = arith.constant 0 : i32
    return %arg0, %c0_i32 : i32, i32
  }
  func.func @transform_1(%arg0: i32) -> (i32, i32, i32) {
    %c0_i32 = arith.constant 0 : i32
    %c0_i32_0 = arith.constant 0 : i32
    %c0_i32_1 = arith.constant 0 : i32
    return %c0_i32, %arg0, %c0_i32_0 : i32, i32, i32
  }
  func.func @transform_2(%arg0: i32) -> (i32, i32) {
    %c0_i32 = arith.constant 0 : i32
    %c0_i32_0 = arith.constant 0 : i32
    %c0_i32_1 = arith.constant 0 : i32
    return %c0_i32, %c0_i32_0 : i32, i32
  }
  func.func @transform_3(%arg0: i32) -> (i32, i32) {
    %c0_i32 = arith.constant 0 : i32
    %c0_i32_0 = arith.constant 0 : i32
    %c0_i32_1 = arith.constant 0 : i32
    return %c0_i32, %c0_i32_0 : i32, i32
  }
  func.func @transform_4(%arg0: i32) -> (i32, i32) {
    %c0_i32 = arith.constant 0 : i32
    %c0_i32_0 = arith.constant 0 : i32
    %c0_i32_1 = arith.constant 0 : i32
    return %c0_i32, %c0_i32_0 : i32, i32
  }
  func.func @transform_5(%arg0: i32) -> (i32, i32) {
    %c0_i32 = arith.constant 0 : i32
    %c0_i32_0 = arith.constant 0 : i32
    %c0_i32_1 = arith.constant 0 : i32
    return %c0_i32, %c0_i32_0 : i32, i32
  }
  func.func @transform_6(%arg0: i32) -> (i32, i32) {
    %c0_i32 = arith.constant 0 : i32
    %c0_i32_0 = arith.constant 0 : i32
    %c0_i32_1 = arith.constant 0 : i32
    return %c0_i32, %c0_i32_0 : i32, i32
  }
  func.func @transform_7(%arg0: i32) -> (i32, i32) {
    %c0_i32 = arith.constant 0 : i32
    %c0_i32_0 = arith.constant 0 : i32
    %c0_i32_1 = arith.constant 0 : i32
    return %c0_i32, %c0_i32_0 : i32, i32
  }
  func.func @transform_8(%arg0: i32) -> (i32, i32) {
    %c0_i32 = arith.constant 0 : i32
    %c0_i32_0 = arith.constant 0 : i32
    %c0_i32_1 = arith.constant 0 : i32
    return %c0_i32, %c0_i32_0 : i32, i32
  }
  func.func @transform_9(%arg0: i32) -> (i32, i32) {
    %c0_i32 = arith.constant 0 : i32
    %c0_i32_0 = arith.constant 0 : i32
    %c0_i32_1 = arith.constant 0 : i32
    return %c0_i32, %c0_i32_0 : i32, i32
  }
  func.func @transform_10(%arg0: i32) -> (i32, i32, i32) {
    %c0_i32 = arith.constant 0 : i32
    %c0_i32_0 = arith.constant 0 : i32
    %c0_i32_1 = arith.constant 0 : i32
    return %c0_i32, %arg0, %c0_i32_0 : i32, i32, i32
  }
  func.func @transform_11(%arg0: i32) -> (i32, i32) {
    %c0_i32 = arith.constant 0 : i32
    %c0_i32_0 = arith.constant 0 : i32
    %c0_i32_1 = arith.constant 0 : i32
    return %c0_i32, %c0_i32_0 : i32, i32
  }
}

module attributes {stable_mosaic.version = 14 : i64} {
  func.func @_mlp2max_body(%arg0: i32, %arg1: memref<20x256x64xf32, #tpu.memory_space<vmem>>, %arg2: memref<1x64xf32, #tpu.memory_space<vmem>>, %arg3: memref<1x64xf32, #tpu.memory_space<vmem>>, %arg4: memref<1x64xf32, #tpu.memory_space<vmem>>, %arg5: memref<1x64xf32, #tpu.memory_space<vmem>>, %arg6: memref<64x64xf32, #tpu.memory_space<vmem>>, %arg7: memref<1x64xf32, #tpu.memory_space<vmem>>, %arg8: memref<256x128xf32, #tpu.memory_space<vmem>>) attributes {dimension_semantics = [#tpu.dimension_semantics<arbitrary>], iteration_bounds = array<i64: 32>, scalar_prefetch = 0 : i64, scratch_operands = 0 : i64, tpu.core_type = #tpu.core_type<tc>, window_params = [{transform_indices = @transform_0, window_bounds = array<i64: 20, 256, 64>}, {pipeline_mode = #tpu.pipeline_mode<synchronous>, transform_indices = @transform_1, window_bounds = array<i64: 1, 64>}, {pipeline_mode = #tpu.pipeline_mode<synchronous>, transform_indices = @transform_2, window_bounds = array<i64: 1, 64>}, {pipeline_mode = #tpu.pipeline_mode<synchronous>, transform_indices = @transform_3, window_bounds = array<i64: 1, 64>}, {pipeline_mode = #tpu.pipeline_mode<synchronous>, transform_indices = @transform_4, window_bounds = array<i64: 1, 64>}, {pipeline_mode = #tpu.pipeline_mode<synchronous>, transform_indices = @transform_5, window_bounds = array<i64: 64, 64>}, {pipeline_mode = #tpu.pipeline_mode<synchronous>, transform_indices = @transform_6, window_bounds = array<i64: 1, 64>}, {transform_indices = @transform_7, window_bounds = array<i64: 256, 128>}]} {
    %get3A = arith.constant 0 : index
    %get3A_0 = arith.constant 0 : index
    %get3A_1 = vector.load %arg2[%get3A, %get3A_0] : memref<1x64xf32, #tpu.memory_space<vmem>>, vector<1x64xf32>
    %get3A_2 = arith.constant 0 : index
    %get3A_3 = arith.constant 0 : index
    %get3A_4 = vector.load %arg3[%get3A_2, %get3A_3] : memref<1x64xf32, #tpu.memory_space<vmem>>, vector<1x64xf32>
    %get3A_5 = arith.constant 0 : index
    %get3A_6 = arith.constant 0 : index
    %get3A_7 = vector.load %arg4[%get3A_5, %get3A_6] : memref<1x64xf32, #tpu.memory_space<vmem>>, vector<1x64xf32>
    %get3A_8 = arith.constant 0 : index
    %get3A_9 = arith.constant 0 : index
    %get3A_10 = vector.load %arg5[%get3A_8, %get3A_9] : memref<1x64xf32, #tpu.memory_space<vmem>>, vector<1x64xf32>
    %get3A_11 = arith.constant 0 : index
    %get3A_12 = arith.constant 0 : index
    %get3A_13 = vector.load %arg6[%get3A_11, %get3A_12] : memref<64x64xf32, #tpu.memory_space<vmem>>, vector<64x64xf32>
    %get3A_14 = arith.constant 0 : index
    %get3A_15 = arith.constant 0 : index
    %get3A_16 = vector.load %arg7[%get3A_14, %get3A_15] : memref<1x64xf32, #tpu.memory_space<vmem>>, vector<1x64xf32>
    %get3A_17 = arith.constant 0 : index
    %get3A_18 = arith.constant 0 : index
    %get3A_19 = arith.constant 0 : index
    %get3A_20 = vector.load %arg1[%get3A_17, %get3A_18, %get3A_19] : memref<20x256x64xf32, #tpu.memory_space<vmem>>, vector<1x256x64xf32>
    %get3A_21 = vector.shape_cast %get3A_20 : vector<1x256x64xf32> to vector<256x64xf32>
    %sub3A = vector.broadcast %get3A_1 : vector<1x64xf32> to vector<256x64xf32>
    %sub3A_22 = arith.subf %get3A_21, %sub3A : vector<256x64xf32>
    %div3A = vector.broadcast %get3A_4 : vector<1x64xf32> to vector<256x64xf32>
    %div3A_23 = arith.divf %sub3A_22, %div3A : vector<256x64xf32>
    %mul3A = vector.broadcast %get3A_7 : vector<1x64xf32> to vector<256x64xf32>
    %mul3A_24 = arith.mulf %div3A_23, %mul3A : vector<256x64xf32>
    %add3A = vector.broadcast %get3A_10 : vector<1x64xf32> to vector<256x64xf32>
    %add3A_25 = arith.addf %mul3A_24, %add3A : vector<256x64xf32>
    %max3A = arith.constant 0.000000e+00 : f32
    %max3A_26 = vector.broadcast %max3A : f32 to vector<256x64xf32>
    %max3A_27 = arith.maximumf %add3A_25, %max3A_26 : vector<256x64xf32>
    %dot_general3A = arith.constant dense<0.000000e+00> : vector<256x64xf32>
    %dot_general3A_28 = tpu.matmul %max3A_27, %get3A_13, %dot_general3A {dimension_numbers = #tpu.dot_dimension_numbers<[1], [0], [0], [1], [0, 0, 1, 1], [], []>, transpose_lhs_hint = false} : vector<256x64xf32>, vector<64x64xf32>, vector<256x64xf32> -> vector<256x64xf32>
    %add3A_29 = vector.broadcast %get3A_16 : vector<1x64xf32> to vector<256x64xf32>
    %add3A_30 = arith.addf %dot_general3A_28, %add3A_29 : vector<256x64xf32>
    %get3A_31 = arith.constant 1 : index
    %get3A_32 = arith.constant 0 : index
    %get3A_33 = arith.constant 0 : index
    %get3A_34 = vector.load %arg1[%get3A_31, %get3A_32, %get3A_33] : memref<20x256x64xf32, #tpu.memory_space<vmem>>, vector<1x256x64xf32>
    %get3A_35 = vector.shape_cast %get3A_34 : vector<1x256x64xf32> to vector<256x64xf32>
    %sub3A_36 = vector.broadcast %get3A_1 : vector<1x64xf32> to vector<256x64xf32>
    %sub3A_37 = arith.subf %get3A_35, %sub3A_36 : vector<256x64xf32>
    %div3A_38 = vector.broadcast %get3A_4 : vector<1x64xf32> to vector<256x64xf32>
    %div3A_39 = arith.divf %sub3A_37, %div3A_38 : vector<256x64xf32>
    %mul3A_40 = vector.broadcast %get3A_7 : vector<1x64xf32> to vector<256x64xf32>
    %mul3A_41 = arith.mulf %div3A_39, %mul3A_40 : vector<256x64xf32>
    %add3A_42 = vector.broadcast %get3A_10 : vector<1x64xf32> to vector<256x64xf32>
    %add3A_43 = arith.addf %mul3A_41, %add3A_42 : vector<256x64xf32>
    %max3A_44 = arith.constant 0.000000e+00 : f32
    %max3A_45 = vector.broadcast %max3A_44 : f32 to vector<256x64xf32>
    %max3A_46 = arith.maximumf %add3A_43, %max3A_45 : vector<256x64xf32>
    %dot_general3A_47 = arith.constant dense<0.000000e+00> : vector<256x64xf32>
    %dot_general3A_48 = tpu.matmul %max3A_46, %get3A_13, %dot_general3A_47 {dimension_numbers = #tpu.dot_dimension_numbers<[1], [0], [0], [1], [0, 0, 1, 1], [], []>, transpose_lhs_hint = false} : vector<256x64xf32>, vector<64x64xf32>, vector<256x64xf32> -> vector<256x64xf32>
    %add3A_49 = vector.broadcast %get3A_16 : vector<1x64xf32> to vector<256x64xf32>
    %add3A_50 = arith.addf %dot_general3A_48, %add3A_49 : vector<256x64xf32>
    %max3A_51 = arith.maximumf %add3A_30, %add3A_50 : vector<256x64xf32>
    %get3A_52 = arith.constant 2 : index
    %get3A_53 = arith.constant 0 : index
    %get3A_54 = arith.constant 0 : index
    %get3A_55 = vector.load %arg1[%get3A_52, %get3A_53, %get3A_54] : memref<20x256x64xf32, #tpu.memory_space<vmem>>, vector<1x256x64xf32>
    %get3A_56 = vector.shape_cast %get3A_55 : vector<1x256x64xf32> to vector<256x64xf32>
    %sub3A_57 = vector.broadcast %get3A_1 : vector<1x64xf32> to vector<256x64xf32>
    %sub3A_58 = arith.subf %get3A_56, %sub3A_57 : vector<256x64xf32>
    %div3A_59 = vector.broadcast %get3A_4 : vector<1x64xf32> to vector<256x64xf32>
    %div3A_60 = arith.divf %sub3A_58, %div3A_59 : vector<256x64xf32>
    %mul3A_61 = vector.broadcast %get3A_7 : vector<1x64xf32> to vector<256x64xf32>
    %mul3A_62 = arith.mulf %div3A_60, %mul3A_61 : vector<256x64xf32>
    %add3A_63 = vector.broadcast %get3A_10 : vector<1x64xf32> to vector<256x64xf32>
    %add3A_64 = arith.addf %mul3A_62, %add3A_63 : vector<256x64xf32>
    %max3A_65 = arith.constant 0.000000e+00 : f32
    %max3A_66 = vector.broadcast %max3A_65 : f32 to vector<256x64xf32>
    %max3A_67 = arith.maximumf %add3A_64, %max3A_66 : vector<256x64xf32>
    %dot_general3A_68 = arith.constant dense<0.000000e+00> : vector<256x64xf32>
    %dot_general3A_69 = tpu.matmul %max3A_67, %get3A_13, %dot_general3A_68 {dimension_numbers = #tpu.dot_dimension_numbers<[1], [0], [0], [1], [0, 0, 1, 1], [], []>, transpose_lhs_hint = false} : vector<256x64xf32>, vector<64x64xf32>, vector<256x64xf32> -> vector<256x64xf32>
    %add3A_70 = vector.broadcast %get3A_16 : vector<1x64xf32> to vector<256x64xf32>
    %add3A_71 = arith.addf %dot_general3A_69, %add3A_70 : vector<256x64xf32>
    %max3A_72 = arith.maximumf %max3A_51, %add3A_71 : vector<256x64xf32>
    %get3A_73 = arith.constant 3 : index
    %get3A_74 = arith.constant 0 : index
    %get3A_75 = arith.constant 0 : index
    %get3A_76 = vector.load %arg1[%get3A_73, %get3A_74, %get3A_75] : memref<20x256x64xf32, #tpu.memory_space<vmem>>, vector<1x256x64xf32>
    %get3A_77 = vector.shape_cast %get3A_76 : vector<1x256x64xf32> to vector<256x64xf32>
    %sub3A_78 = vector.broadcast %get3A_1 : vector<1x64xf32> to vector<256x64xf32>
    %sub3A_79 = arith.subf %get3A_77, %sub3A_78 : vector<256x64xf32>
    %div3A_80 = vector.broadcast %get3A_4 : vector<1x64xf32> to vector<256x64xf32>
    %div3A_81 = arith.divf %sub3A_79, %div3A_80 : vector<256x64xf32>
    %mul3A_82 = vector.broadcast %get3A_7 : vector<1x64xf32> to vector<256x64xf32>
    %mul3A_83 = arith.mulf %div3A_81, %mul3A_82 : vector<256x64xf32>
    %add3A_84 = vector.broadcast %get3A_10 : vector<1x64xf32> to vector<256x64xf32>
    %add3A_85 = arith.addf %mul3A_83, %add3A_84 : vector<256x64xf32>
    %max3A_86 = arith.constant 0.000000e+00 : f32
    %max3A_87 = vector.broadcast %max3A_86 : f32 to vector<256x64xf32>
    %max3A_88 = arith.maximumf %add3A_85, %max3A_87 : vector<256x64xf32>
    %dot_general3A_89 = arith.constant dense<0.000000e+00> : vector<256x64xf32>
    %dot_general3A_90 = tpu.matmul %max3A_88, %get3A_13, %dot_general3A_89 {dimension_numbers = #tpu.dot_dimension_numbers<[1], [0], [0], [1], [0, 0, 1, 1], [], []>, transpose_lhs_hint = false} : vector<256x64xf32>, vector<64x64xf32>, vector<256x64xf32> -> vector<256x64xf32>
    %add3A_91 = vector.broadcast %get3A_16 : vector<1x64xf32> to vector<256x64xf32>
    %add3A_92 = arith.addf %dot_general3A_90, %add3A_91 : vector<256x64xf32>
    %max3A_93 = arith.maximumf %max3A_72, %add3A_92 : vector<256x64xf32>
    %get3A_94 = arith.constant 4 : index
    %get3A_95 = arith.constant 0 : index
    %get3A_96 = arith.constant 0 : index
    %get3A_97 = vector.load %arg1[%get3A_94, %get3A_95, %get3A_96] : memref<20x256x64xf32, #tpu.memory_space<vmem>>, vector<1x256x64xf32>
    %get3A_98 = vector.shape_cast %get3A_97 : vector<1x256x64xf32> to vector<256x64xf32>
    %sub3A_99 = vector.broadcast %get3A_1 : vector<1x64xf32> to vector<256x64xf32>
    %sub3A_100 = arith.subf %get3A_98, %sub3A_99 : vector<256x64xf32>
    %div3A_101 = vector.broadcast %get3A_4 : vector<1x64xf32> to vector<256x64xf32>
    %div3A_102 = arith.divf %sub3A_100, %div3A_101 : vector<256x64xf32>
    %mul3A_103 = vector.broadcast %get3A_7 : vector<1x64xf32> to vector<256x64xf32>
    %mul3A_104 = arith.mulf %div3A_102, %mul3A_103 : vector<256x64xf32>
    %add3A_105 = vector.broadcast %get3A_10 : vector<1x64xf32> to vector<256x64xf32>
    %add3A_106 = arith.addf %mul3A_104, %add3A_105 : vector<256x64xf32>
    %max3A_107 = arith.constant 0.000000e+00 : f32
    %max3A_108 = vector.broadcast %max3A_107 : f32 to vector<256x64xf32>
    %max3A_109 = arith.maximumf %add3A_106, %max3A_108 : vector<256x64xf32>
    %dot_general3A_110 = arith.constant dense<0.000000e+00> : vector<256x64xf32>
    %dot_general3A_111 = tpu.matmul %max3A_109, %get3A_13, %dot_general3A_110 {dimension_numbers = #tpu.dot_dimension_numbers<[1], [0], [0], [1], [0, 0, 1, 1], [], []>, transpose_lhs_hint = false} : vector<256x64xf32>, vector<64x64xf32>, vector<256x64xf32> -> vector<256x64xf32>
    %add3A_112 = vector.broadcast %get3A_16 : vector<1x64xf32> to vector<256x64xf32>
    %add3A_113 = arith.addf %dot_general3A_111, %add3A_112 : vector<256x64xf32>
    %max3A_114 = arith.maximumf %max3A_93, %add3A_113 : vector<256x64xf32>
    %get3A_115 = arith.constant 5 : index
    %get3A_116 = arith.constant 0 : index
    %get3A_117 = arith.constant 0 : index
    %get3A_118 = vector.load %arg1[%get3A_115, %get3A_116, %get3A_117] : memref<20x256x64xf32, #tpu.memory_space<vmem>>, vector<1x256x64xf32>
    %get3A_119 = vector.shape_cast %get3A_118 : vector<1x256x64xf32> to vector<256x64xf32>
    %sub3A_120 = vector.broadcast %get3A_1 : vector<1x64xf32> to vector<256x64xf32>
    %sub3A_121 = arith.subf %get3A_119, %sub3A_120 : vector<256x64xf32>
    %div3A_122 = vector.broadcast %get3A_4 : vector<1x64xf32> to vector<256x64xf32>
    %div3A_123 = arith.divf %sub3A_121, %div3A_122 : vector<256x64xf32>
    %mul3A_124 = vector.broadcast %get3A_7 : vector<1x64xf32> to vector<256x64xf32>
    %mul3A_125 = arith.mulf %div3A_123, %mul3A_124 : vector<256x64xf32>
    %add3A_126 = vector.broadcast %get3A_10 : vector<1x64xf32> to vector<256x64xf32>
    %add3A_127 = arith.addf %mul3A_125, %add3A_126 : vector<256x64xf32>
    %max3A_128 = arith.constant 0.000000e+00 : f32
    %max3A_129 = vector.broadcast %max3A_128 : f32 to vector<256x64xf32>
    %max3A_130 = arith.maximumf %add3A_127, %max3A_129 : vector<256x64xf32>
    %dot_general3A_131 = arith.constant dense<0.000000e+00> : vector<256x64xf32>
    %dot_general3A_132 = tpu.matmul %max3A_130, %get3A_13, %dot_general3A_131 {dimension_numbers = #tpu.dot_dimension_numbers<[1], [0], [0], [1], [0, 0, 1, 1], [], []>, transpose_lhs_hint = false} : vector<256x64xf32>, vector<64x64xf32>, vector<256x64xf32> -> vector<256x64xf32>
    %add3A_133 = vector.broadcast %get3A_16 : vector<1x64xf32> to vector<256x64xf32>
    %add3A_134 = arith.addf %dot_general3A_132, %add3A_133 : vector<256x64xf32>
    %max3A_135 = arith.maximumf %max3A_114, %add3A_134 : vector<256x64xf32>
    %get3A_136 = arith.constant 6 : index
    %get3A_137 = arith.constant 0 : index
    %get3A_138 = arith.constant 0 : index
    %get3A_139 = vector.load %arg1[%get3A_136, %get3A_137, %get3A_138] : memref<20x256x64xf32, #tpu.memory_space<vmem>>, vector<1x256x64xf32>
    %get3A_140 = vector.shape_cast %get3A_139 : vector<1x256x64xf32> to vector<256x64xf32>
    %sub3A_141 = vector.broadcast %get3A_1 : vector<1x64xf32> to vector<256x64xf32>
    %sub3A_142 = arith.subf %get3A_140, %sub3A_141 : vector<256x64xf32>
    %div3A_143 = vector.broadcast %get3A_4 : vector<1x64xf32> to vector<256x64xf32>
    %div3A_144 = arith.divf %sub3A_142, %div3A_143 : vector<256x64xf32>
    %mul3A_145 = vector.broadcast %get3A_7 : vector<1x64xf32> to vector<256x64xf32>
    %mul3A_146 = arith.mulf %div3A_144, %mul3A_145 : vector<256x64xf32>
    %add3A_147 = vector.broadcast %get3A_10 : vector<1x64xf32> to vector<256x64xf32>
    %add3A_148 = arith.addf %mul3A_146, %add3A_147 : vector<256x64xf32>
    %max3A_149 = arith.constant 0.000000e+00 : f32
    %max3A_150 = vector.broadcast %max3A_149 : f32 to vector<256x64xf32>
    %max3A_151 = arith.maximumf %add3A_148, %max3A_150 : vector<256x64xf32>
    %dot_general3A_152 = arith.constant dense<0.000000e+00> : vector<256x64xf32>
    %dot_general3A_153 = tpu.matmul %max3A_151, %get3A_13, %dot_general3A_152 {dimension_numbers = #tpu.dot_dimension_numbers<[1], [0], [0], [1], [0, 0, 1, 1], [], []>, transpose_lhs_hint = false} : vector<256x64xf32>, vector<64x64xf32>, vector<256x64xf32> -> vector<256x64xf32>
    %add3A_154 = vector.broadcast %get3A_16 : vector<1x64xf32> to vector<256x64xf32>
    %add3A_155 = arith.addf %dot_general3A_153, %add3A_154 : vector<256x64xf32>
    %max3A_156 = arith.maximumf %max3A_135, %add3A_155 : vector<256x64xf32>
    %get3A_157 = arith.constant 7 : index
    %get3A_158 = arith.constant 0 : index
    %get3A_159 = arith.constant 0 : index
    %get3A_160 = vector.load %arg1[%get3A_157, %get3A_158, %get3A_159] : memref<20x256x64xf32, #tpu.memory_space<vmem>>, vector<1x256x64xf32>
    %get3A_161 = vector.shape_cast %get3A_160 : vector<1x256x64xf32> to vector<256x64xf32>
    %sub3A_162 = vector.broadcast %get3A_1 : vector<1x64xf32> to vector<256x64xf32>
    %sub3A_163 = arith.subf %get3A_161, %sub3A_162 : vector<256x64xf32>
    %div3A_164 = vector.broadcast %get3A_4 : vector<1x64xf32> to vector<256x64xf32>
    %div3A_165 = arith.divf %sub3A_163, %div3A_164 : vector<256x64xf32>
    %mul3A_166 = vector.broadcast %get3A_7 : vector<1x64xf32> to vector<256x64xf32>
    %mul3A_167 = arith.mulf %div3A_165, %mul3A_166 : vector<256x64xf32>
    %add3A_168 = vector.broadcast %get3A_10 : vector<1x64xf32> to vector<256x64xf32>
    %add3A_169 = arith.addf %mul3A_167, %add3A_168 : vector<256x64xf32>
    %max3A_170 = arith.constant 0.000000e+00 : f32
    %max3A_171 = vector.broadcast %max3A_170 : f32 to vector<256x64xf32>
    %max3A_172 = arith.maximumf %add3A_169, %max3A_171 : vector<256x64xf32>
    %dot_general3A_173 = arith.constant dense<0.000000e+00> : vector<256x64xf32>
    %dot_general3A_174 = tpu.matmul %max3A_172, %get3A_13, %dot_general3A_173 {dimension_numbers = #tpu.dot_dimension_numbers<[1], [0], [0], [1], [0, 0, 1, 1], [], []>, transpose_lhs_hint = false} : vector<256x64xf32>, vector<64x64xf32>, vector<256x64xf32> -> vector<256x64xf32>
    %add3A_175 = vector.broadcast %get3A_16 : vector<1x64xf32> to vector<256x64xf32>
    %add3A_176 = arith.addf %dot_general3A_174, %add3A_175 : vector<256x64xf32>
    %max3A_177 = arith.maximumf %max3A_156, %add3A_176 : vector<256x64xf32>
    %get3A_178 = arith.constant 8 : index
    %get3A_179 = arith.constant 0 : index
    %get3A_180 = arith.constant 0 : index
    %get3A_181 = vector.load %arg1[%get3A_178, %get3A_179, %get3A_180] : memref<20x256x64xf32, #tpu.memory_space<vmem>>, vector<1x256x64xf32>
    %get3A_182 = vector.shape_cast %get3A_181 : vector<1x256x64xf32> to vector<256x64xf32>
    %sub3A_183 = vector.broadcast %get3A_1 : vector<1x64xf32> to vector<256x64xf32>
    %sub3A_184 = arith.subf %get3A_182, %sub3A_183 : vector<256x64xf32>
    %div3A_185 = vector.broadcast %get3A_4 : vector<1x64xf32> to vector<256x64xf32>
    %div3A_186 = arith.divf %sub3A_184, %div3A_185 : vector<256x64xf32>
    %mul3A_187 = vector.broadcast %get3A_7 : vector<1x64xf32> to vector<256x64xf32>
    %mul3A_188 = arith.mulf %div3A_186, %mul3A_187 : vector<256x64xf32>
    %add3A_189 = vector.broadcast %get3A_10 : vector<1x64xf32> to vector<256x64xf32>
    %add3A_190 = arith.addf %mul3A_188, %add3A_189 : vector<256x64xf32>
    %max3A_191 = arith.constant 0.000000e+00 : f32
    %max3A_192 = vector.broadcast %max3A_191 : f32 to vector<256x64xf32>
    %max3A_193 = arith.maximumf %add3A_190, %max3A_192 : vector<256x64xf32>
    %dot_general3A_194 = arith.constant dense<0.000000e+00> : vector<256x64xf32>
    %dot_general3A_195 = tpu.matmul %max3A_193, %get3A_13, %dot_general3A_194 {dimension_numbers = #tpu.dot_dimension_numbers<[1], [0], [0], [1], [0, 0, 1, 1], [], []>, transpose_lhs_hint = false} : vector<256x64xf32>, vector<64x64xf32>, vector<256x64xf32> -> vector<256x64xf32>
    %add3A_196 = vector.broadcast %get3A_16 : vector<1x64xf32> to vector<256x64xf32>
    %add3A_197 = arith.addf %dot_general3A_195, %add3A_196 : vector<256x64xf32>
    %max3A_198 = arith.maximumf %max3A_177, %add3A_197 : vector<256x64xf32>
    %get3A_199 = arith.constant 9 : index
    %get3A_200 = arith.constant 0 : index
    %get3A_201 = arith.constant 0 : index
    %get3A_202 = vector.load %arg1[%get3A_199, %get3A_200, %get3A_201] : memref<20x256x64xf32, #tpu.memory_space<vmem>>, vector<1x256x64xf32>
    %get3A_203 = vector.shape_cast %get3A_202 : vector<1x256x64xf32> to vector<256x64xf32>
    %sub3A_204 = vector.broadcast %get3A_1 : vector<1x64xf32> to vector<256x64xf32>
    %sub3A_205 = arith.subf %get3A_203, %sub3A_204 : vector<256x64xf32>
    %div3A_206 = vector.broadcast %get3A_4 : vector<1x64xf32> to vector<256x64xf32>
    %div3A_207 = arith.divf %sub3A_205, %div3A_206 : vector<256x64xf32>
    %mul3A_208 = vector.broadcast %get3A_7 : vector<1x64xf32> to vector<256x64xf32>
    %mul3A_209 = arith.mulf %div3A_207, %mul3A_208 : vector<256x64xf32>
    %add3A_210 = vector.broadcast %get3A_10 : vector<1x64xf32> to vector<256x64xf32>
    %add3A_211 = arith.addf %mul3A_209, %add3A_210 : vector<256x64xf32>
    %max3A_212 = arith.constant 0.000000e+00 : f32
    %max3A_213 = vector.broadcast %max3A_212 : f32 to vector<256x64xf32>
    %max3A_214 = arith.maximumf %add3A_211, %max3A_213 : vector<256x64xf32>
    %dot_general3A_215 = arith.constant dense<0.000000e+00> : vector<256x64xf32>
    %dot_general3A_216 = tpu.matmul %max3A_214, %get3A_13, %dot_general3A_215 {dimension_numbers = #tpu.dot_dimension_numbers<[1], [0], [0], [1], [0, 0, 1, 1], [], []>, transpose_lhs_hint = false} : vector<256x64xf32>, vector<64x64xf32>, vector<256x64xf32> -> vector<256x64xf32>
    %add3A_217 = vector.broadcast %get3A_16 : vector<1x64xf32> to vector<256x64xf32>
    %add3A_218 = arith.addf %dot_general3A_216, %add3A_217 : vector<256x64xf32>
    %max3A_219 = arith.maximumf %max3A_198, %add3A_218 : vector<256x64xf32>
    %get3A_220 = arith.constant 10 : index
    %get3A_221 = arith.constant 0 : index
    %get3A_222 = arith.constant 0 : index
    %get3A_223 = vector.load %arg1[%get3A_220, %get3A_221, %get3A_222] : memref<20x256x64xf32, #tpu.memory_space<vmem>>, vector<1x256x64xf32>
    %get3A_224 = vector.shape_cast %get3A_223 : vector<1x256x64xf32> to vector<256x64xf32>
    %sub3A_225 = vector.broadcast %get3A_1 : vector<1x64xf32> to vector<256x64xf32>
    %sub3A_226 = arith.subf %get3A_224, %sub3A_225 : vector<256x64xf32>
    %div3A_227 = vector.broadcast %get3A_4 : vector<1x64xf32> to vector<256x64xf32>
    %div3A_228 = arith.divf %sub3A_226, %div3A_227 : vector<256x64xf32>
    %mul3A_229 = vector.broadcast %get3A_7 : vector<1x64xf32> to vector<256x64xf32>
    %mul3A_230 = arith.mulf %div3A_228, %mul3A_229 : vector<256x64xf32>
    %add3A_231 = vector.broadcast %get3A_10 : vector<1x64xf32> to vector<256x64xf32>
    %add3A_232 = arith.addf %mul3A_230, %add3A_231 : vector<256x64xf32>
    %max3A_233 = arith.constant 0.000000e+00 : f32
    %max3A_234 = vector.broadcast %max3A_233 : f32 to vector<256x64xf32>
    %max3A_235 = arith.maximumf %add3A_232, %max3A_234 : vector<256x64xf32>
    %dot_general3A_236 = arith.constant dense<0.000000e+00> : vector<256x64xf32>
    %dot_general3A_237 = tpu.matmul %max3A_235, %get3A_13, %dot_general3A_236 {dimension_numbers = #tpu.dot_dimension_numbers<[1], [0], [0], [1], [0, 0, 1, 1], [], []>, transpose_lhs_hint = false} : vector<256x64xf32>, vector<64x64xf32>, vector<256x64xf32> -> vector<256x64xf32>
    %add3A_238 = vector.broadcast %get3A_16 : vector<1x64xf32> to vector<256x64xf32>
    %add3A_239 = arith.addf %dot_general3A_237, %add3A_238 : vector<256x64xf32>
    %max3A_240 = arith.maximumf %max3A_219, %add3A_239 : vector<256x64xf32>
    %get3A_241 = arith.constant 11 : index
    %get3A_242 = arith.constant 0 : index
    %get3A_243 = arith.constant 0 : index
    %get3A_244 = vector.load %arg1[%get3A_241, %get3A_242, %get3A_243] : memref<20x256x64xf32, #tpu.memory_space<vmem>>, vector<1x256x64xf32>
    %get3A_245 = vector.shape_cast %get3A_244 : vector<1x256x64xf32> to vector<256x64xf32>
    %sub3A_246 = vector.broadcast %get3A_1 : vector<1x64xf32> to vector<256x64xf32>
    %sub3A_247 = arith.subf %get3A_245, %sub3A_246 : vector<256x64xf32>
    %div3A_248 = vector.broadcast %get3A_4 : vector<1x64xf32> to vector<256x64xf32>
    %div3A_249 = arith.divf %sub3A_247, %div3A_248 : vector<256x64xf32>
    %mul3A_250 = vector.broadcast %get3A_7 : vector<1x64xf32> to vector<256x64xf32>
    %mul3A_251 = arith.mulf %div3A_249, %mul3A_250 : vector<256x64xf32>
    %add3A_252 = vector.broadcast %get3A_10 : vector<1x64xf32> to vector<256x64xf32>
    %add3A_253 = arith.addf %mul3A_251, %add3A_252 : vector<256x64xf32>
    %max3A_254 = arith.constant 0.000000e+00 : f32
    %max3A_255 = vector.broadcast %max3A_254 : f32 to vector<256x64xf32>
    %max3A_256 = arith.maximumf %add3A_253, %max3A_255 : vector<256x64xf32>
    %dot_general3A_257 = arith.constant dense<0.000000e+00> : vector<256x64xf32>
    %dot_general3A_258 = tpu.matmul %max3A_256, %get3A_13, %dot_general3A_257 {dimension_numbers = #tpu.dot_dimension_numbers<[1], [0], [0], [1], [0, 0, 1, 1], [], []>, transpose_lhs_hint = false} : vector<256x64xf32>, vector<64x64xf32>, vector<256x64xf32> -> vector<256x64xf32>
    %add3A_259 = vector.broadcast %get3A_16 : vector<1x64xf32> to vector<256x64xf32>
    %add3A_260 = arith.addf %dot_general3A_258, %add3A_259 : vector<256x64xf32>
    %max3A_261 = arith.maximumf %max3A_240, %add3A_260 : vector<256x64xf32>
    %get3A_262 = arith.constant 12 : index
    %get3A_263 = arith.constant 0 : index
    %get3A_264 = arith.constant 0 : index
    %get3A_265 = vector.load %arg1[%get3A_262, %get3A_263, %get3A_264] : memref<20x256x64xf32, #tpu.memory_space<vmem>>, vector<1x256x64xf32>
    %get3A_266 = vector.shape_cast %get3A_265 : vector<1x256x64xf32> to vector<256x64xf32>
    %sub3A_267 = vector.broadcast %get3A_1 : vector<1x64xf32> to vector<256x64xf32>
    %sub3A_268 = arith.subf %get3A_266, %sub3A_267 : vector<256x64xf32>
    %div3A_269 = vector.broadcast %get3A_4 : vector<1x64xf32> to vector<256x64xf32>
    %div3A_270 = arith.divf %sub3A_268, %div3A_269 : vector<256x64xf32>
    %mul3A_271 = vector.broadcast %get3A_7 : vector<1x64xf32> to vector<256x64xf32>
    %mul3A_272 = arith.mulf %div3A_270, %mul3A_271 : vector<256x64xf32>
    %add3A_273 = vector.broadcast %get3A_10 : vector<1x64xf32> to vector<256x64xf32>
    %add3A_274 = arith.addf %mul3A_272, %add3A_273 : vector<256x64xf32>
    %max3A_275 = arith.constant 0.000000e+00 : f32
    %max3A_276 = vector.broadcast %max3A_275 : f32 to vector<256x64xf32>
    %max3A_277 = arith.maximumf %add3A_274, %max3A_276 : vector<256x64xf32>
    %dot_general3A_278 = arith.constant dense<0.000000e+00> : vector<256x64xf32>
    %dot_general3A_279 = tpu.matmul %max3A_277, %get3A_13, %dot_general3A_278 {dimension_numbers = #tpu.dot_dimension_numbers<[1], [0], [0], [1], [0, 0, 1, 1], [], []>, transpose_lhs_hint = false} : vector<256x64xf32>, vector<64x64xf32>, vector<256x64xf32> -> vector<256x64xf32>
    %add3A_280 = vector.broadcast %get3A_16 : vector<1x64xf32> to vector<256x64xf32>
    %add3A_281 = arith.addf %dot_general3A_279, %add3A_280 : vector<256x64xf32>
    %max3A_282 = arith.maximumf %max3A_261, %add3A_281 : vector<256x64xf32>
    %get3A_283 = arith.constant 13 : index
    %get3A_284 = arith.constant 0 : index
    %get3A_285 = arith.constant 0 : index
    %get3A_286 = vector.load %arg1[%get3A_283, %get3A_284, %get3A_285] : memref<20x256x64xf32, #tpu.memory_space<vmem>>, vector<1x256x64xf32>
    %get3A_287 = vector.shape_cast %get3A_286 : vector<1x256x64xf32> to vector<256x64xf32>
    %sub3A_288 = vector.broadcast %get3A_1 : vector<1x64xf32> to vector<256x64xf32>
    %sub3A_289 = arith.subf %get3A_287, %sub3A_288 : vector<256x64xf32>
    %div3A_290 = vector.broadcast %get3A_4 : vector<1x64xf32> to vector<256x64xf32>
    %div3A_291 = arith.divf %sub3A_289, %div3A_290 : vector<256x64xf32>
    %mul3A_292 = vector.broadcast %get3A_7 : vector<1x64xf32> to vector<256x64xf32>
    %mul3A_293 = arith.mulf %div3A_291, %mul3A_292 : vector<256x64xf32>
    %add3A_294 = vector.broadcast %get3A_10 : vector<1x64xf32> to vector<256x64xf32>
    %add3A_295 = arith.addf %mul3A_293, %add3A_294 : vector<256x64xf32>
    %max3A_296 = arith.constant 0.000000e+00 : f32
    %max3A_297 = vector.broadcast %max3A_296 : f32 to vector<256x64xf32>
    %max3A_298 = arith.maximumf %add3A_295, %max3A_297 : vector<256x64xf32>
    %dot_general3A_299 = arith.constant dense<0.000000e+00> : vector<256x64xf32>
    %dot_general3A_300 = tpu.matmul %max3A_298, %get3A_13, %dot_general3A_299 {dimension_numbers = #tpu.dot_dimension_numbers<[1], [0], [0], [1], [0, 0, 1, 1], [], []>, transpose_lhs_hint = false} : vector<256x64xf32>, vector<64x64xf32>, vector<256x64xf32> -> vector<256x64xf32>
    %add3A_301 = vector.broadcast %get3A_16 : vector<1x64xf32> to vector<256x64xf32>
    %add3A_302 = arith.addf %dot_general3A_300, %add3A_301 : vector<256x64xf32>
    %max3A_303 = arith.maximumf %max3A_282, %add3A_302 : vector<256x64xf32>
    %get3A_304 = arith.constant 14 : index
    %get3A_305 = arith.constant 0 : index
    %get3A_306 = arith.constant 0 : index
    %get3A_307 = vector.load %arg1[%get3A_304, %get3A_305, %get3A_306] : memref<20x256x64xf32, #tpu.memory_space<vmem>>, vector<1x256x64xf32>
    %get3A_308 = vector.shape_cast %get3A_307 : vector<1x256x64xf32> to vector<256x64xf32>
    %sub3A_309 = vector.broadcast %get3A_1 : vector<1x64xf32> to vector<256x64xf32>
    %sub3A_310 = arith.subf %get3A_308, %sub3A_309 : vector<256x64xf32>
    %div3A_311 = vector.broadcast %get3A_4 : vector<1x64xf32> to vector<256x64xf32>
    %div3A_312 = arith.divf %sub3A_310, %div3A_311 : vector<256x64xf32>
    %mul3A_313 = vector.broadcast %get3A_7 : vector<1x64xf32> to vector<256x64xf32>
    %mul3A_314 = arith.mulf %div3A_312, %mul3A_313 : vector<256x64xf32>
    %add3A_315 = vector.broadcast %get3A_10 : vector<1x64xf32> to vector<256x64xf32>
    %add3A_316 = arith.addf %mul3A_314, %add3A_315 : vector<256x64xf32>
    %max3A_317 = arith.constant 0.000000e+00 : f32
    %max3A_318 = vector.broadcast %max3A_317 : f32 to vector<256x64xf32>
    %max3A_319 = arith.maximumf %add3A_316, %max3A_318 : vector<256x64xf32>
    %dot_general3A_320 = arith.constant dense<0.000000e+00> : vector<256x64xf32>
    %dot_general3A_321 = tpu.matmul %max3A_319, %get3A_13, %dot_general3A_320 {dimension_numbers = #tpu.dot_dimension_numbers<[1], [0], [0], [1], [0, 0, 1, 1], [], []>, transpose_lhs_hint = false} : vector<256x64xf32>, vector<64x64xf32>, vector<256x64xf32> -> vector<256x64xf32>
    %add3A_322 = vector.broadcast %get3A_16 : vector<1x64xf32> to vector<256x64xf32>
    %add3A_323 = arith.addf %dot_general3A_321, %add3A_322 : vector<256x64xf32>
    %max3A_324 = arith.maximumf %max3A_303, %add3A_323 : vector<256x64xf32>
    %get3A_325 = arith.constant 15 : index
    %get3A_326 = arith.constant 0 : index
    %get3A_327 = arith.constant 0 : index
    %get3A_328 = vector.load %arg1[%get3A_325, %get3A_326, %get3A_327] : memref<20x256x64xf32, #tpu.memory_space<vmem>>, vector<1x256x64xf32>
    %get3A_329 = vector.shape_cast %get3A_328 : vector<1x256x64xf32> to vector<256x64xf32>
    %sub3A_330 = vector.broadcast %get3A_1 : vector<1x64xf32> to vector<256x64xf32>
    %sub3A_331 = arith.subf %get3A_329, %sub3A_330 : vector<256x64xf32>
    %div3A_332 = vector.broadcast %get3A_4 : vector<1x64xf32> to vector<256x64xf32>
    %div3A_333 = arith.divf %sub3A_331, %div3A_332 : vector<256x64xf32>
    %mul3A_334 = vector.broadcast %get3A_7 : vector<1x64xf32> to vector<256x64xf32>
    %mul3A_335 = arith.mulf %div3A_333, %mul3A_334 : vector<256x64xf32>
    %add3A_336 = vector.broadcast %get3A_10 : vector<1x64xf32> to vector<256x64xf32>
    %add3A_337 = arith.addf %mul3A_335, %add3A_336 : vector<256x64xf32>
    %max3A_338 = arith.constant 0.000000e+00 : f32
    %max3A_339 = vector.broadcast %max3A_338 : f32 to vector<256x64xf32>
    %max3A_340 = arith.maximumf %add3A_337, %max3A_339 : vector<256x64xf32>
    %dot_general3A_341 = arith.constant dense<0.000000e+00> : vector<256x64xf32>
    %dot_general3A_342 = tpu.matmul %max3A_340, %get3A_13, %dot_general3A_341 {dimension_numbers = #tpu.dot_dimension_numbers<[1], [0], [0], [1], [0, 0, 1, 1], [], []>, transpose_lhs_hint = false} : vector<256x64xf32>, vector<64x64xf32>, vector<256x64xf32> -> vector<256x64xf32>
    %add3A_343 = vector.broadcast %get3A_16 : vector<1x64xf32> to vector<256x64xf32>
    %add3A_344 = arith.addf %dot_general3A_342, %add3A_343 : vector<256x64xf32>
    %max3A_345 = arith.maximumf %max3A_324, %add3A_344 : vector<256x64xf32>
    %get3A_346 = arith.constant 16 : index
    %get3A_347 = arith.constant 0 : index
    %get3A_348 = arith.constant 0 : index
    %get3A_349 = vector.load %arg1[%get3A_346, %get3A_347, %get3A_348] : memref<20x256x64xf32, #tpu.memory_space<vmem>>, vector<1x256x64xf32>
    %get3A_350 = vector.shape_cast %get3A_349 : vector<1x256x64xf32> to vector<256x64xf32>
    %sub3A_351 = vector.broadcast %get3A_1 : vector<1x64xf32> to vector<256x64xf32>
    %sub3A_352 = arith.subf %get3A_350, %sub3A_351 : vector<256x64xf32>
    %div3A_353 = vector.broadcast %get3A_4 : vector<1x64xf32> to vector<256x64xf32>
    %div3A_354 = arith.divf %sub3A_352, %div3A_353 : vector<256x64xf32>
    %mul3A_355 = vector.broadcast %get3A_7 : vector<1x64xf32> to vector<256x64xf32>
    %mul3A_356 = arith.mulf %div3A_354, %mul3A_355 : vector<256x64xf32>
    %add3A_357 = vector.broadcast %get3A_10 : vector<1x64xf32> to vector<256x64xf32>
    %add3A_358 = arith.addf %mul3A_356, %add3A_357 : vector<256x64xf32>
    %max3A_359 = arith.constant 0.000000e+00 : f32
    %max3A_360 = vector.broadcast %max3A_359 : f32 to vector<256x64xf32>
    %max3A_361 = arith.maximumf %add3A_358, %max3A_360 : vector<256x64xf32>
    %dot_general3A_362 = arith.constant dense<0.000000e+00> : vector<256x64xf32>
    %dot_general3A_363 = tpu.matmul %max3A_361, %get3A_13, %dot_general3A_362 {dimension_numbers = #tpu.dot_dimension_numbers<[1], [0], [0], [1], [0, 0, 1, 1], [], []>, transpose_lhs_hint = false} : vector<256x64xf32>, vector<64x64xf32>, vector<256x64xf32> -> vector<256x64xf32>
    %add3A_364 = vector.broadcast %get3A_16 : vector<1x64xf32> to vector<256x64xf32>
    %add3A_365 = arith.addf %dot_general3A_363, %add3A_364 : vector<256x64xf32>
    %max3A_366 = arith.maximumf %max3A_345, %add3A_365 : vector<256x64xf32>
    %get3A_367 = arith.constant 17 : index
    %get3A_368 = arith.constant 0 : index
    %get3A_369 = arith.constant 0 : index
    %get3A_370 = vector.load %arg1[%get3A_367, %get3A_368, %get3A_369] : memref<20x256x64xf32, #tpu.memory_space<vmem>>, vector<1x256x64xf32>
    %get3A_371 = vector.shape_cast %get3A_370 : vector<1x256x64xf32> to vector<256x64xf32>
    %sub3A_372 = vector.broadcast %get3A_1 : vector<1x64xf32> to vector<256x64xf32>
    %sub3A_373 = arith.subf %get3A_371, %sub3A_372 : vector<256x64xf32>
    %div3A_374 = vector.broadcast %get3A_4 : vector<1x64xf32> to vector<256x64xf32>
    %div3A_375 = arith.divf %sub3A_373, %div3A_374 : vector<256x64xf32>
    %mul3A_376 = vector.broadcast %get3A_7 : vector<1x64xf32> to vector<256x64xf32>
    %mul3A_377 = arith.mulf %div3A_375, %mul3A_376 : vector<256x64xf32>
    %add3A_378 = vector.broadcast %get3A_10 : vector<1x64xf32> to vector<256x64xf32>
    %add3A_379 = arith.addf %mul3A_377, %add3A_378 : vector<256x64xf32>
    %max3A_380 = arith.constant 0.000000e+00 : f32
    %max3A_381 = vector.broadcast %max3A_380 : f32 to vector<256x64xf32>
    %max3A_382 = arith.maximumf %add3A_379, %max3A_381 : vector<256x64xf32>
    %dot_general3A_383 = arith.constant dense<0.000000e+00> : vector<256x64xf32>
    %dot_general3A_384 = tpu.matmul %max3A_382, %get3A_13, %dot_general3A_383 {dimension_numbers = #tpu.dot_dimension_numbers<[1], [0], [0], [1], [0, 0, 1, 1], [], []>, transpose_lhs_hint = false} : vector<256x64xf32>, vector<64x64xf32>, vector<256x64xf32> -> vector<256x64xf32>
    %add3A_385 = vector.broadcast %get3A_16 : vector<1x64xf32> to vector<256x64xf32>
    %add3A_386 = arith.addf %dot_general3A_384, %add3A_385 : vector<256x64xf32>
    %max3A_387 = arith.maximumf %max3A_366, %add3A_386 : vector<256x64xf32>
    %get3A_388 = arith.constant 18 : index
    %get3A_389 = arith.constant 0 : index
    %get3A_390 = arith.constant 0 : index
    %get3A_391 = vector.load %arg1[%get3A_388, %get3A_389, %get3A_390] : memref<20x256x64xf32, #tpu.memory_space<vmem>>, vector<1x256x64xf32>
    %get3A_392 = vector.shape_cast %get3A_391 : vector<1x256x64xf32> to vector<256x64xf32>
    %sub3A_393 = vector.broadcast %get3A_1 : vector<1x64xf32> to vector<256x64xf32>
    %sub3A_394 = arith.subf %get3A_392, %sub3A_393 : vector<256x64xf32>
    %div3A_395 = vector.broadcast %get3A_4 : vector<1x64xf32> to vector<256x64xf32>
    %div3A_396 = arith.divf %sub3A_394, %div3A_395 : vector<256x64xf32>
    %mul3A_397 = vector.broadcast %get3A_7 : vector<1x64xf32> to vector<256x64xf32>
    %mul3A_398 = arith.mulf %div3A_396, %mul3A_397 : vector<256x64xf32>
    %add3A_399 = vector.broadcast %get3A_10 : vector<1x64xf32> to vector<256x64xf32>
    %add3A_400 = arith.addf %mul3A_398, %add3A_399 : vector<256x64xf32>
    %max3A_401 = arith.constant 0.000000e+00 : f32
    %max3A_402 = vector.broadcast %max3A_401 : f32 to vector<256x64xf32>
    %max3A_403 = arith.maximumf %add3A_400, %max3A_402 : vector<256x64xf32>
    %dot_general3A_404 = arith.constant dense<0.000000e+00> : vector<256x64xf32>
    %dot_general3A_405 = tpu.matmul %max3A_403, %get3A_13, %dot_general3A_404 {dimension_numbers = #tpu.dot_dimension_numbers<[1], [0], [0], [1], [0, 0, 1, 1], [], []>, transpose_lhs_hint = false} : vector<256x64xf32>, vector<64x64xf32>, vector<256x64xf32> -> vector<256x64xf32>
    %add3A_406 = vector.broadcast %get3A_16 : vector<1x64xf32> to vector<256x64xf32>
    %add3A_407 = arith.addf %dot_general3A_405, %add3A_406 : vector<256x64xf32>
    %max3A_408 = arith.maximumf %max3A_387, %add3A_407 : vector<256x64xf32>
    %get3A_409 = arith.constant 19 : index
    %get3A_410 = arith.constant 0 : index
    %get3A_411 = arith.constant 0 : index
    %get3A_412 = vector.load %arg1[%get3A_409, %get3A_410, %get3A_411] : memref<20x256x64xf32, #tpu.memory_space<vmem>>, vector<1x256x64xf32>
    %get3A_413 = vector.shape_cast %get3A_412 : vector<1x256x64xf32> to vector<256x64xf32>
    %sub3A_414 = vector.broadcast %get3A_1 : vector<1x64xf32> to vector<256x64xf32>
    %sub3A_415 = arith.subf %get3A_413, %sub3A_414 : vector<256x64xf32>
    %div3A_416 = vector.broadcast %get3A_4 : vector<1x64xf32> to vector<256x64xf32>
    %div3A_417 = arith.divf %sub3A_415, %div3A_416 : vector<256x64xf32>
    %mul3A_418 = vector.broadcast %get3A_7 : vector<1x64xf32> to vector<256x64xf32>
    %mul3A_419 = arith.mulf %div3A_417, %mul3A_418 : vector<256x64xf32>
    %add3A_420 = vector.broadcast %get3A_10 : vector<1x64xf32> to vector<256x64xf32>
    %add3A_421 = arith.addf %mul3A_419, %add3A_420 : vector<256x64xf32>
    %max3A_422 = arith.constant 0.000000e+00 : f32
    %max3A_423 = vector.broadcast %max3A_422 : f32 to vector<256x64xf32>
    %max3A_424 = arith.maximumf %add3A_421, %max3A_423 : vector<256x64xf32>
    %dot_general3A_425 = arith.constant dense<0.000000e+00> : vector<256x64xf32>
    %dot_general3A_426 = tpu.matmul %max3A_424, %get3A_13, %dot_general3A_425 {dimension_numbers = #tpu.dot_dimension_numbers<[1], [0], [0], [1], [0, 0, 1, 1], [], []>, transpose_lhs_hint = false} : vector<256x64xf32>, vector<64x64xf32>, vector<256x64xf32> -> vector<256x64xf32>
    %add3A_427 = vector.broadcast %get3A_16 : vector<1x64xf32> to vector<256x64xf32>
    %add3A_428 = arith.addf %dot_general3A_426, %add3A_427 : vector<256x64xf32>
    %max3A_429 = arith.maximumf %max3A_408, %add3A_428 : vector<256x64xf32>
    %broadcast_in_dim3A = arith.constant 0.000000e+00 : f32
    %broadcast_in_dim3A_430 = vector.broadcast %broadcast_in_dim3A : f32 to vector<256x64xf32>
    %concatenate3A = tpu.concatenate %max3A_429, %broadcast_in_dim3A_430 in 1 : vector<256x64xf32>, vector<256x64xf32> -> vector<256x128xf32>
    %swap3A = arith.constant 0 : index
    %swap3A_431 = arith.constant 0 : index
    %swap3A_432 = vector.load %arg8[%swap3A, %swap3A_431] : memref<256x128xf32, #tpu.memory_space<vmem>>, vector<256x128xf32>
    tpu.vector_store %arg8[%swap3A, %swap3A_431], %concatenate3A {strides = array<i32>} : memref<256x128xf32, #tpu.memory_space<vmem>>, vector<256x128xf32>,
    return
  }
  func.func @transform_0(%arg0: i32) -> (i32, i32, i32) {
    %c0_i32 = arith.constant 0 : i32
    %c0_i32_0 = arith.constant 0 : i32
    %c0_i32_1 = arith.constant 0 : i32
    return %c0_i32, %arg0, %c0_i32_0 : i32, i32, i32
  }
  func.func @transform_1(%arg0: i32) -> (i32, i32) {
    %c0_i32 = arith.constant 0 : i32
    %c0_i32_0 = arith.constant 0 : i32
    %c0_i32_1 = arith.constant 0 : i32
    return %c0_i32, %c0_i32_0 : i32, i32
  }
  func.func @transform_2(%arg0: i32) -> (i32, i32) {
    %c0_i32 = arith.constant 0 : i32
    %c0_i32_0 = arith.constant 0 : i32
    %c0_i32_1 = arith.constant 0 : i32
    return %c0_i32, %c0_i32_0 : i32, i32
  }
  func.func @transform_3(%arg0: i32) -> (i32, i32) {
    %c0_i32 = arith.constant 0 : i32
    %c0_i32_0 = arith.constant 0 : i32
    %c0_i32_1 = arith.constant 0 : i32
    return %c0_i32, %c0_i32_0 : i32, i32
  }
  func.func @transform_4(%arg0: i32) -> (i32, i32) {
    %c0_i32 = arith.constant 0 : i32
    %c0_i32_0 = arith.constant 0 : i32
    %c0_i32_1 = arith.constant 0 : i32
    return %c0_i32, %c0_i32_0 : i32, i32
  }
  func.func @transform_5(%arg0: i32) -> (i32, i32) {
    %c0_i32 = arith.constant 0 : i32
    %c0_i32_0 = arith.constant 0 : i32
    %c0_i32_1 = arith.constant 0 : i32
    return %c0_i32, %c0_i32_0 : i32, i32
  }
  func.func @transform_6(%arg0: i32) -> (i32, i32) {
    %c0_i32 = arith.constant 0 : i32
    %c0_i32_0 = arith.constant 0 : i32
    %c0_i32_1 = arith.constant 0 : i32
    return %c0_i32, %c0_i32_0 : i32, i32
  }
  func.func @transform_7(%arg0: i32) -> (i32, i32) {
    %c0_i32 = arith.constant 0 : i32
    %c0_i32_0 = arith.constant 0 : i32
    return %arg0, %c0_i32 : i32, i32
  }
}

module attributes {stable_mosaic.version = 14 : i64} {
  func.func @body(%arg0: i32, %arg1: memref<32xi32, #tpu.memory_space<smem>>, %arg2: memref<8192x128xf32, #tpu.memory_space<vmem>>, %arg3: memref<128x256xf32, #tpu.memory_space<vmem>>, %arg4: memref<1x256xi32, #tpu.memory_space<vmem>>, %arg5: memref<8192x1xi32, #tpu.memory_space<vmem>>, %arg6: memref<32x256xi32, #tpu.memory_space<vmem>>) attributes {dimension_semantics = [#tpu.dimension_semantics<arbitrary>], iteration_bounds = array<i64: 32>, scalar_prefetch = 1 : i64, scratch_operands = 0 : i64, tpu.core_type = #tpu.core_type<tc>, window_params = [{pipeline_mode = #tpu.pipeline_mode<synchronous>, transform_indices = @transform_0, window_bounds = array<i64: 8192, 128>}, {transform_indices = @transform_1, window_bounds = array<i64: 128, 256>}, {transform_indices = @transform_2, window_bounds = array<i64: 1, 256>}, {pipeline_mode = #tpu.pipeline_mode<synchronous>, transform_indices = @transform_3, window_bounds = array<i64: 8192, 1>}, {transform_indices = @transform_4, window_bounds = array<i64: 32, 256>}]} {
    %get3A = arith.index_cast %arg0 : i32 to index
    %get3A_0 = memref.load %arg1[%get3A] : memref<32xi32, #tpu.memory_space<smem>>
    %get3A_1 = arith.index_cast %get3A_0 : i32 to index
    %get3A_2 = arith.constant 0 : index
    %get3A_3 = vector.load %arg2[%get3A_1, %get3A_2] : memref<8192x128xf32, #tpu.memory_space<vmem>>, vector<8192x128xf32>
    %get3A_4 = arith.constant 0 : index
    %get3A_5 = arith.constant 0 : index
    %get3A_6 = vector.load %arg3[%get3A_4, %get3A_5] : memref<128x256xf32, #tpu.memory_space<vmem>>, vector<128x256xf32>
    %dot_general3A = arith.constant dense<0.000000e+00> : vector<8192x256xf32>
    %dot_general3A_7 = tpu.matmul %get3A_3, %get3A_6, %dot_general3A {dimension_numbers = #tpu.dot_dimension_numbers<[1], [0], [0], [1], [0, 0, 1, 1], [], []>, transpose_lhs_hint = false} : vector<8192x128xf32>, vector<128x256xf32>, vector<8192x256xf32> -> vector<8192x256xf32>
    %mul3A = arith.mulf %get3A_3, %get3A_3 : vector<8192x128xf32>
    %reduce_sum3A = arith.constant dense<0.000000e+00> : vector<8192xf32>
    %reduce_sum3A_8 = vector.multi_reduction <add>, %mul3A, %reduce_sum3A [1] : vector<8192x128xf32> to vector<8192xf32>
    %broadcast_in_dim3A = vector.shape_cast %reduce_sum3A_8 : vector<8192xf32> to vector<8192x1xf32>
    %mul3A_9 = arith.mulf %get3A_6, %get3A_6 : vector<128x256xf32>
    %reduce_sum3A_10 = arith.constant dense<0.000000e+00> : vector<256xf32>
    %reduce_sum3A_11 = vector.multi_reduction <add>, %mul3A_9, %reduce_sum3A_10 [0] : vector<128x256xf32> to vector<256xf32>
    %broadcast_in_dim3A_12 = vector.shape_cast %reduce_sum3A_11 : vector<256xf32> to vector<1x256xf32>
    %add3A = vector.broadcast %broadcast_in_dim3A : vector<8192x1xf32> to vector<8192x256xf32>
    %add3A_13 = vector.broadcast %broadcast_in_dim3A_12 : vector<1x256xf32> to vector<8192x256xf32>
    %add3A_14 = arith.addf %add3A, %add3A_13 : vector<8192x256xf32>
    %mul3A_15 = arith.constant 2.000000e+00 : f32
    %mul3A_16 = vector.broadcast %mul3A_15 : f32 to vector<8192x256xf32>
    %mul3A_17 = arith.mulf %mul3A_16, %dot_general3A_7 : vector<8192x256xf32>
    %sub3A = arith.subf %add3A_14, %mul3A_17 : vector<8192x256xf32>
    %iota3A = tpu.iota {dimensions = array<i32: 0>} : vector<8192x256xi32>
    %add3A_18 = vector.broadcast %get3A_0 : i32 to vector<8192x256xi32>
    %add3A_19 = arith.addi %add3A_18, %iota3A : vector<8192x256xi32>
    %mul3A_20 = arith.constant 256 : i32
    %mul3A_21 = arith.muli %arg0, %mul3A_20 : i32
    %iota3A_22 = tpu.iota {dimensions = array<i32: 1>} : vector<8192x256xi32>
    %add3A_23 = vector.broadcast %mul3A_21 : i32 to vector<8192x256xi32>
    %add3A_24 = arith.addi %add3A_23, %iota3A_22 : vector<8192x256xi32>
    %get3A_25 = arith.index_cast %get3A_0 : i32 to index
    %get3A_26 = arith.constant 0 : index
    %get3A_27 = vector.load %arg5[%get3A_25, %get3A_26] : memref<8192x1xi32, #tpu.memory_space<vmem>>, vector<8192x1xi32>
    %get3A_28 = arith.constant 0 : index
    %get3A_29 = arith.constant 0 : index
    %get3A_30 = vector.load %arg4[%get3A_28, %get3A_29] : memref<1x256xi32, #tpu.memory_space<vmem>>, vector<1x256xi32>
    %eq3A = vector.broadcast %get3A_27 : vector<8192x1xi32> to vector<8192x256xi32>
    %eq3A_31 = vector.broadcast %get3A_30 : vector<1x256xi32> to vector<8192x256xi32>
    %eq3A_32 = arith.cmpi eq, %eq3A, %eq3A_31 : vector<8192x256xi32>
    %ne3A = arith.cmpi ne, %add3A_19, %add3A_24 : vector<8192x256xi32>
    %and3A = arith.andi %eq3A_32, %ne3A : vector<8192x256xi1>
    %jit3A = arith.constant 0x7F800000 : f32
    %broadcast_in_dim3A_33 = vector.broadcast %jit3A : f32 to vector<8192x256xf32>
    %select_n3A = arith.select %and3A, %sub3A, %broadcast_in_dim3A_33 : vector<8192x256xi1>, vector<8192x256xf32>
    %scan3A = arith.constant 0 : i32
    %scan3A_34 = arith.constant 20 : i32
    %scan3A_35 = arith.addi %scan3A, %scan3A_34 : i32
    %scan3A_36 = arith.constant 1 : i32
    %scan3A_37 = scf.for %scan3A_39 = %scan3A to %scan3A_35 step %scan3A_36 iter_args(%scan3A_40 = %select_n3A) -> (vector<8192x256xf32>)  : i32 {
      %reduce_min3A = arith.constant dense<0x7F800000> : vector<256xf32>
      %reduce_min3A_41 = vector.multi_reduction <minimumf>, %scan3A_40, %reduce_min3A [0] : vector<8192x256xf32> to vector<256xf32>
      %broadcast_in_dim3A_42 = vector.shape_cast %reduce_min3A_41 : vector<256xf32> to vector<1x256xf32>
      %le3A = vector.broadcast %broadcast_in_dim3A_42 : vector<1x256xf32> to vector<8192x256xf32>
      %le3A_43 = arith.cmpf ole, %scan3A_40, %le3A : vector<8192x256xf32>
      %jit3A_44 = arith.constant 2147483647 : i32
      %broadcast_in_dim3A_45 = vector.broadcast %jit3A_44 : i32 to vector<8192x256xi32>
      %select_n3A_46 = arith.select %le3A_43, %add3A_19, %broadcast_in_dim3A_45 : vector<8192x256xi1>, vector<8192x256xi32>
      %reduce_min3A_47 = arith.constant dense<2147483647> : vector<256xi32>
      %reduce_min3A_48 = vector.multi_reduction <minsi>, %select_n3A_46, %reduce_min3A_47 [0] : vector<8192x256xi32> to vector<256xi32>
      %broadcast_in_dim3A_49 = vector.shape_cast %reduce_min3A_48 : vector<256xi32> to vector<1x256xi32>
      %swap3A = arith.index_cast %scan3A_39 : i32 to index
      %swap3A_50 = arith.constant 0 : index
      %swap3A_51 = vector.load %arg6[%swap3A, %swap3A_50] : memref<32x256xi32, #tpu.memory_space<vmem>>, vector<1x256xi32>
      tpu.vector_store %arg6[%swap3A, %swap3A_50], %broadcast_in_dim3A_49 {strides = array<i32>} : memref<32x256xi32, #tpu.memory_space<vmem>>, vector<1x256xi32>,
      %eq3A_52 = vector.broadcast %broadcast_in_dim3A_49 : vector<1x256xi32> to vector<8192x256xi32>
      %eq3A_53 = arith.cmpi eq, %add3A_19, %eq3A_52 : vector<8192x256xi32>
      %jit3A_54 = arith.constant 0x7F800000 : f32
      %broadcast_in_dim3A_55 = vector.broadcast %jit3A_54 : f32 to vector<8192x256xf32>
      %select_n3A_56 = arith.select %eq3A_53, %broadcast_in_dim3A_55, %scan3A_40 : vector<8192x256xi1>, vector<8192x256xf32>
      scf.yield %select_n3A_56 : vector<8192x256xf32>
    }
    %scan3A_38 = arith.constant 20 : i32
    return
  }
  func.func @transform_0(%arg0: i32, %arg1: memref<32xi32, #tpu.memory_space<smem>>) -> (i32, i32) {
    %c0_i32 = arith.constant 0 : i32
    %c0_i32_0 = arith.constant 0 : i32
    %c0_i32_1 = arith.constant 0 : i32
    return %c0_i32, %c0_i32_0 : i32, i32
  }
  func.func @transform_1(%arg0: i32, %arg1: memref<32xi32, #tpu.memory_space<smem>>) -> (i32, i32) {
    %c0_i32 = arith.constant 0 : i32
    %c0_i32_0 = arith.constant 0 : i32
    return %c0_i32, %arg0 : i32, i32
  }
  func.func @transform_2(%arg0: i32, %arg1: memref<32xi32, #tpu.memory_space<smem>>) -> (i32, i32) {
    %c0_i32 = arith.constant 0 : i32
    %c0_i32_0 = arith.constant 0 : i32
    return %c0_i32, %arg0 : i32, i32
  }
  func.func @transform_3(%arg0: i32, %arg1: memref<32xi32, #tpu.memory_space<smem>>) -> (i32, i32) {
    %c0_i32 = arith.constant 0 : i32
    %c0_i32_0 = arith.constant 0 : i32
    %c0_i32_1 = arith.constant 0 : i32
    return %c0_i32, %c0_i32_0 : i32, i32
  }
  func.func @transform_4(%arg0: i32, %arg1: memref<32xi32, #tpu.memory_space<smem>>) -> (i32, i32) {
    %c0_i32 = arith.constant 0 : i32
    %c0_i32_0 = arith.constant 0 : i32
    return %c0_i32, %arg0 : i32, i32
  }
}

module attributes {stable_mosaic.version = 14 : i64} {
  func.func @body(%arg0: i32, %arg1: memref<32xi32, #tpu.memory_space<smem>>, %arg2: memref<8192x128xf32, #tpu.memory_space<vmem>>, %arg3: memref<128x256xf32, #tpu.memory_space<vmem>>, %arg4: memref<1x256xi32, #tpu.memory_space<vmem>>, %arg5: memref<8192x1xi32, #tpu.memory_space<vmem>>, %arg6: memref<32x256xi32, #tpu.memory_space<vmem>>) attributes {dimension_semantics = [#tpu.dimension_semantics<arbitrary>], iteration_bounds = array<i64: 32>, scalar_prefetch = 1 : i64, scratch_operands = 0 : i64, tpu.core_type = #tpu.core_type<tc>, window_params = [{pipeline_mode = #tpu.pipeline_mode<synchronous>, transform_indices = @transform_0, window_bounds = array<i64: 8192, 128>}, {transform_indices = @transform_1, window_bounds = array<i64: 128, 256>}, {transform_indices = @transform_2, window_bounds = array<i64: 1, 256>}, {pipeline_mode = #tpu.pipeline_mode<synchronous>, transform_indices = @transform_3, window_bounds = array<i64: 8192, 1>}, {transform_indices = @transform_4, window_bounds = array<i64: 32, 256>}]} {
    %get3A = arith.index_cast %arg0 : i32 to index
    %get3A_0 = memref.load %arg1[%get3A] : memref<32xi32, #tpu.memory_space<smem>>
    %get3A_1 = arith.index_cast %get3A_0 : i32 to index
    %get3A_2 = arith.constant 0 : index
    %get3A_3 = vector.load %arg2[%get3A_1, %get3A_2] : memref<8192x128xf32, #tpu.memory_space<vmem>>, vector<1280x128xf32>
    %get3A_4 = arith.constant 0 : index
    %get3A_5 = arith.constant 0 : index
    %get3A_6 = vector.load %arg3[%get3A_4, %get3A_5] : memref<128x256xf32, #tpu.memory_space<vmem>>, vector<128x256xf32>
    %dot_general3A = arith.constant dense<0.000000e+00> : vector<1280x256xf32>
    %dot_general3A_7 = tpu.matmul %get3A_3, %get3A_6, %dot_general3A {dimension_numbers = #tpu.dot_dimension_numbers<[1], [0], [0], [1], [0, 0, 1, 1], [], []>, transpose_lhs_hint = false} : vector<1280x128xf32>, vector<128x256xf32>, vector<1280x256xf32> -> vector<1280x256xf32>
    %mul3A = arith.mulf %get3A_3, %get3A_3 : vector<1280x128xf32>
    %reduce_sum3A = arith.constant dense<0.000000e+00> : vector<1280xf32>
    %reduce_sum3A_8 = vector.multi_reduction <add>, %mul3A, %reduce_sum3A [1] : vector<1280x128xf32> to vector<1280xf32>
    %broadcast_in_dim3A = vector.shape_cast %reduce_sum3A_8 : vector<1280xf32> to vector<1280x1xf32>
    %mul3A_9 = arith.mulf %get3A_6, %get3A_6 : vector<128x256xf32>
    %reduce_sum3A_10 = arith.constant dense<0.000000e+00> : vector<256xf32>
    %reduce_sum3A_11 = vector.multi_reduction <add>, %mul3A_9, %reduce_sum3A_10 [0] : vector<128x256xf32> to vector<256xf32>
    %broadcast_in_dim3A_12 = vector.shape_cast %reduce_sum3A_11 : vector<256xf32> to vector<1x256xf32>
    %add3A = vector.broadcast %broadcast_in_dim3A : vector<1280x1xf32> to vector<1280x256xf32>
    %add3A_13 = vector.broadcast %broadcast_in_dim3A_12 : vector<1x256xf32> to vector<1280x256xf32>
    %add3A_14 = arith.addf %add3A, %add3A_13 : vector<1280x256xf32>
    %mul3A_15 = arith.constant 2.000000e+00 : f32
    %mul3A_16 = vector.broadcast %mul3A_15 : f32 to vector<1280x256xf32>
    %mul3A_17 = arith.mulf %mul3A_16, %dot_general3A_7 : vector<1280x256xf32>
    %sub3A = arith.subf %add3A_14, %mul3A_17 : vector<1280x256xf32>
    %iota3A = tpu.iota {dimensions = array<i32: 0>} : vector<1280x256xi32>
    %add3A_18 = vector.broadcast %get3A_0 : i32 to vector<1280x256xi32>
    %add3A_19 = arith.addi %add3A_18, %iota3A : vector<1280x256xi32>
    %mul3A_20 = arith.constant 256 : i32
    %mul3A_21 = arith.muli %arg0, %mul3A_20 : i32
    %iota3A_22 = tpu.iota {dimensions = array<i32: 1>} : vector<1280x256xi32>
    %add3A_23 = vector.broadcast %mul3A_21 : i32 to vector<1280x256xi32>
    %add3A_24 = arith.addi %add3A_23, %iota3A_22 : vector<1280x256xi32>
    %get3A_25 = arith.index_cast %get3A_0 : i32 to index
    %get3A_26 = arith.constant 0 : index
    %get3A_27 = vector.load %arg5[%get3A_25, %get3A_26] : memref<8192x1xi32, #tpu.memory_space<vmem>>, vector<1280x1xi32>
    %get3A_28 = arith.constant 0 : index
    %get3A_29 = arith.constant 0 : index
    %get3A_30 = vector.load %arg4[%get3A_28, %get3A_29] : memref<1x256xi32, #tpu.memory_space<vmem>>, vector<1x256xi32>
    %eq3A = vector.broadcast %get3A_27 : vector<1280x1xi32> to vector<1280x256xi32>
    %eq3A_31 = vector.broadcast %get3A_30 : vector<1x256xi32> to vector<1280x256xi32>
    %eq3A_32 = arith.cmpi eq, %eq3A, %eq3A_31 : vector<1280x256xi32>
    %ne3A = arith.cmpi ne, %add3A_19, %add3A_24 : vector<1280x256xi32>
    %and3A = arith.andi %eq3A_32, %ne3A : vector<1280x256xi1>
    %jit3A = arith.constant 0x7F800000 : f32
    %broadcast_in_dim3A_33 = vector.broadcast %jit3A : f32 to vector<1280x256xf32>
    %select_n3A = arith.select %and3A, %sub3A, %broadcast_in_dim3A_33 : vector<1280x256xi1>, vector<1280x256xf32>
    %scan3A = arith.constant 0 : i32
    %scan3A_34 = arith.constant 20 : i32
    %scan3A_35 = arith.addi %scan3A, %scan3A_34 : i32
    %scan3A_36 = arith.constant 1 : i32
    %scan3A_37 = scf.for %scan3A_39 = %scan3A to %scan3A_35 step %scan3A_36 iter_args(%scan3A_40 = %select_n3A) -> (vector<1280x256xf32>)  : i32 {
      %reduce_min3A = arith.constant dense<0x7F800000> : vector<256xf32>
      %reduce_min3A_41 = vector.multi_reduction <minimumf>, %scan3A_40, %reduce_min3A [0] : vector<1280x256xf32> to vector<256xf32>
      %broadcast_in_dim3A_42 = vector.shape_cast %reduce_min3A_41 : vector<256xf32> to vector<1x256xf32>
      %le3A = vector.broadcast %broadcast_in_dim3A_42 : vector<1x256xf32> to vector<1280x256xf32>
      %le3A_43 = arith.cmpf ole, %scan3A_40, %le3A : vector<1280x256xf32>
      %jit3A_44 = arith.constant 2147483647 : i32
      %broadcast_in_dim3A_45 = vector.broadcast %jit3A_44 : i32 to vector<1280x256xi32>
      %select_n3A_46 = arith.select %le3A_43, %add3A_19, %broadcast_in_dim3A_45 : vector<1280x256xi1>, vector<1280x256xi32>
      %reduce_min3A_47 = arith.constant dense<2147483647> : vector<256xi32>
      %reduce_min3A_48 = vector.multi_reduction <minsi>, %select_n3A_46, %reduce_min3A_47 [0] : vector<1280x256xi32> to vector<256xi32>
      %broadcast_in_dim3A_49 = vector.shape_cast %reduce_min3A_48 : vector<256xi32> to vector<1x256xi32>
      %swap3A = arith.index_cast %scan3A_39 : i32 to index
      %swap3A_50 = arith.constant 0 : index
      %swap3A_51 = vector.load %arg6[%swap3A, %swap3A_50] : memref<32x256xi32, #tpu.memory_space<vmem>>, vector<1x256xi32>
      tpu.vector_store %arg6[%swap3A, %swap3A_50], %broadcast_in_dim3A_49 {strides = array<i32>} : memref<32x256xi32, #tpu.memory_space<vmem>>, vector<1x256xi32>,
      %eq3A_52 = vector.broadcast %broadcast_in_dim3A_49 : vector<1x256xi32> to vector<1280x256xi32>
      %eq3A_53 = arith.cmpi eq, %add3A_19, %eq3A_52 : vector<1280x256xi32>
      %jit3A_54 = arith.constant 0x7F800000 : f32
      %broadcast_in_dim3A_55 = vector.broadcast %jit3A_54 : f32 to vector<1280x256xf32>
      %select_n3A_56 = arith.select %eq3A_53, %broadcast_in_dim3A_55, %scan3A_40 : vector<1280x256xi1>, vector<1280x256xf32>
      scf.yield %select_n3A_56 : vector<1280x256xf32>
    }
    %scan3A_38 = arith.constant 20 : i32
    return
  }
  func.func @transform_0(%arg0: i32, %arg1: memref<32xi32, #tpu.memory_space<smem>>) -> (i32, i32) {
    %c0_i32 = arith.constant 0 : i32
    %c0_i32_0 = arith.constant 0 : i32
    %c0_i32_1 = arith.constant 0 : i32
    return %c0_i32, %c0_i32_0 : i32, i32
  }
  func.func @transform_1(%arg0: i32, %arg1: memref<32xi32, #tpu.memory_space<smem>>) -> (i32, i32) {
    %c0_i32 = arith.constant 0 : i32
    %c0_i32_0 = arith.constant 0 : i32
    return %c0_i32, %arg0 : i32, i32
  }
  func.func @transform_2(%arg0: i32, %arg1: memref<32xi32, #tpu.memory_space<smem>>) -> (i32, i32) {
    %c0_i32 = arith.constant 0 : i32
    %c0_i32_0 = arith.constant 0 : i32
    return %c0_i32, %arg0 : i32, i32
  }
  func.func @transform_3(%arg0: i32, %arg1: memref<32xi32, #tpu.memory_space<smem>>) -> (i32, i32) {
    %c0_i32 = arith.constant 0 : i32
    %c0_i32_0 = arith.constant 0 : i32
    %c0_i32_1 = arith.constant 0 : i32
    return %c0_i32, %c0_i32_0 : i32, i32
  }
  func.func @transform_4(%arg0: i32, %arg1: memref<32xi32, #tpu.memory_space<smem>>) -> (i32, i32) {
    %c0_i32 = arith.constant 0 : i32
    %c0_i32_0 = arith.constant 0 : i32
    return %c0_i32, %arg0 : i32, i32
  }
}

module attributes {stable_mosaic.version = 14 : i64} {
  func.func @_l1segmax_body(%arg0: i32, %arg1: memref<256x128xf32, #tpu.memory_space<vmem>>, %arg2: memref<20x256x128xf32, #tpu.memory_space<vmem>>, %arg3: memref<128x128xf32, #tpu.memory_space<vmem>>, %arg4: memref<1x128xf32, #tpu.memory_space<vmem>>, %arg5: memref<256x1xi32, #tpu.memory_space<vmem>>, %arg6: memref<192x1024xf32, #tpu.memory_space<vmem>>, %arg7: memref<1x1024xf32, #tpu.memory_space<vmem>>, %arg8: memref<16x1024xf32, #tpu.memory_space<vmem>>) attributes {dimension_semantics = [#tpu.dimension_semantics<arbitrary>], iteration_bounds = array<i64: 32>, scalar_prefetch = 0 : i64, scratch_operands = 0 : i64, tpu.core_type = #tpu.core_type<tc>, window_params = [{transform_indices = @transform_0, window_bounds = array<i64: 256, 128>}, {transform_indices = @transform_1, window_bounds = array<i64: 20, 256, 128>}, {pipeline_mode = #tpu.pipeline_mode<synchronous>, transform_indices = @transform_2, window_bounds = array<i64: 128, 128>}, {pipeline_mode = #tpu.pipeline_mode<synchronous>, transform_indices = @transform_3, window_bounds = array<i64: 1, 128>}, {transform_indices = @transform_4, window_bounds = array<i64: 256, 1>}, {pipeline_mode = #tpu.pipeline_mode<synchronous>, transform_indices = @transform_5, window_bounds = array<i64: 192, 1024>}, {pipeline_mode = #tpu.pipeline_mode<synchronous>, transform_indices = @transform_6, window_bounds = array<i64: 1, 1024>}, {pipeline_mode = #tpu.pipeline_mode<synchronous>, transform_indices = @transform_7, window_bounds = array<i64: 16, 1024>}]} {
    %eq3A = arith.constant 0 : i32
    %eq3A_0 = arith.cmpi eq, %arg0, %eq3A : i32
    %convert_element_type3A = arith.extui %eq3A_0 : i1 to i32
    %cond3A = arith.constant 0 : i32
    %cond3A_1 = arith.cmpi ne, %convert_element_type3A, %cond3A : i32
    scf.if %cond3A_1 {
      %broadcast_in_dim3A_561 = arith.constant 0xFF800000 : f32
      %broadcast_in_dim3A_562 = vector.broadcast %broadcast_in_dim3A_561 : f32 to vector<16x1024xf32>
      %swap3A_563 = arith.constant 0 : index
      %swap3A_564 = arith.constant 0 : index
      %swap3A_565 = vector.load %arg8[%swap3A_563, %swap3A_564] : memref<16x1024xf32, #tpu.memory_space<vmem>>, vector<16x1024xf32>
      tpu.vector_store %arg8[%swap3A_563, %swap3A_564], %broadcast_in_dim3A_562 {strides = array<i32>} : memref<16x1024xf32, #tpu.memory_space<vmem>>, vector<16x1024xf32>,
    } else {
    }
    %get3A = arith.constant 0 : index
    %get3A_2 = arith.constant 0 : index
    %get3A_3 = vector.load %arg1[%get3A, %get3A_2] : memref<256x128xf32, #tpu.memory_space<vmem>>, vector<256x128xf32>
    %slice3A = vector.extract_strided_slice %get3A_3 {offsets = [0, 0], sizes = [256, 64], strides = [1, 1]} : vector<256x128xf32> to vector<256x64xf32>
    %get3A_4 = arith.constant 0 : index
    %get3A_5 = arith.constant 0 : index
    %get3A_6 = vector.load %arg3[%get3A_4, %get3A_5] : memref<128x128xf32, #tpu.memory_space<vmem>>, vector<128x128xf32>
    %get3A_7 = arith.constant 0 : index
    %get3A_8 = arith.constant 0 : index
    %get3A_9 = vector.load %arg4[%get3A_7, %get3A_8] : memref<1x128xf32, #tpu.memory_space<vmem>>, vector<1x128xf32>
    %get3A_10 = arith.constant 0 : index
    %get3A_11 = arith.constant 0 : index
    %get3A_12 = arith.constant 0 : index
    %get3A_13 = vector.load %arg2[%get3A_10, %get3A_11, %get3A_12] : memref<20x256x128xf32, #tpu.memory_space<vmem>>, vector<1x256x128xf32>
    %get3A_14 = vector.shape_cast %get3A_13 : vector<1x256x128xf32> to vector<256x128xf32>
    %slice3A_15 = vector.extract_strided_slice %get3A_14 {offsets = [0, 0], sizes = [256, 64], strides = [1, 1]} : vector<256x128xf32> to vector<256x64xf32>
    %sub3A = arith.subf %slice3A_15, %slice3A : vector<256x64xf32>
    %concatenate3A = tpu.concatenate %slice3A, %sub3A in 1 : vector<256x64xf32>, vector<256x64xf32> -> vector<256x128xf32>
    %dot_general3A = arith.constant dense<0.000000e+00> : vector<256x128xf32>
    %dot_general3A_16 = tpu.matmul %concatenate3A, %get3A_6, %dot_general3A {dimension_numbers = #tpu.dot_dimension_numbers<[1], [0], [0], [1], [0, 0, 1, 1], [], []>, transpose_lhs_hint = false} : vector<256x128xf32>, vector<128x128xf32>, vector<256x128xf32> -> vector<256x128xf32>
    %add3A = vector.broadcast %get3A_9 : vector<1x128xf32> to vector<256x128xf32>
    %add3A_17 = arith.addf %dot_general3A_16, %add3A : vector<256x128xf32>
    %get3A_18 = arith.constant 1 : index
    %get3A_19 = arith.constant 0 : index
    %get3A_20 = arith.constant 0 : index
    %get3A_21 = vector.load %arg2[%get3A_18, %get3A_19, %get3A_20] : memref<20x256x128xf32, #tpu.memory_space<vmem>>, vector<1x256x128xf32>
    %get3A_22 = vector.shape_cast %get3A_21 : vector<1x256x128xf32> to vector<256x128xf32>
    %slice3A_23 = vector.extract_strided_slice %get3A_22 {offsets = [0, 0], sizes = [256, 64], strides = [1, 1]} : vector<256x128xf32> to vector<256x64xf32>
    %sub3A_24 = arith.subf %slice3A_23, %slice3A : vector<256x64xf32>
    %concatenate3A_25 = tpu.concatenate %slice3A, %sub3A_24 in 1 : vector<256x64xf32>, vector<256x64xf32> -> vector<256x128xf32>
    %dot_general3A_26 = arith.constant dense<0.000000e+00> : vector<256x128xf32>
    %dot_general3A_27 = tpu.matmul %concatenate3A_25, %get3A_6, %dot_general3A_26 {dimension_numbers = #tpu.dot_dimension_numbers<[1], [0], [0], [1], [0, 0, 1, 1], [], []>, transpose_lhs_hint = false} : vector<256x128xf32>, vector<128x128xf32>, vector<256x128xf32> -> vector<256x128xf32>
    %add3A_28 = vector.broadcast %get3A_9 : vector<1x128xf32> to vector<256x128xf32>
    %add3A_29 = arith.addf %dot_general3A_27, %add3A_28 : vector<256x128xf32>
    %max3A = arith.maximumf %add3A_17, %add3A_29 : vector<256x128xf32>
    %get3A_30 = arith.constant 2 : index
    %get3A_31 = arith.constant 0 : index
    %get3A_32 = arith.constant 0 : index
    %get3A_33 = vector.load %arg2[%get3A_30, %get3A_31, %get3A_32] : memref<20x256x128xf32, #tpu.memory_space<vmem>>, vector<1x256x128xf32>
    %get3A_34 = vector.shape_cast %get3A_33 : vector<1x256x128xf32> to vector<256x128xf32>
    %slice3A_35 = vector.extract_strided_slice %get3A_34 {offsets = [0, 0], sizes = [256, 64], strides = [1, 1]} : vector<256x128xf32> to vector<256x64xf32>
    %sub3A_36 = arith.subf %slice3A_35, %slice3A : vector<256x64xf32>
    %concatenate3A_37 = tpu.concatenate %slice3A, %sub3A_36 in 1 : vector<256x64xf32>, vector<256x64xf32> -> vector<256x128xf32>
    %dot_general3A_38 = arith.constant dense<0.000000e+00> : vector<256x128xf32>
    %dot_general3A_39 = tpu.matmul %concatenate3A_37, %get3A_6, %dot_general3A_38 {dimension_numbers = #tpu.dot_dimension_numbers<[1], [0], [0], [1], [0, 0, 1, 1], [], []>, transpose_lhs_hint = false} : vector<256x128xf32>, vector<128x128xf32>, vector<256x128xf32> -> vector<256x128xf32>
    %add3A_40 = vector.broadcast %get3A_9 : vector<1x128xf32> to vector<256x128xf32>
    %add3A_41 = arith.addf %dot_general3A_39, %add3A_40 : vector<256x128xf32>
    %max3A_42 = arith.maximumf %max3A, %add3A_41 : vector<256x128xf32>
    %get3A_43 = arith.constant 3 : index
    %get3A_44 = arith.constant 0 : index
    %get3A_45 = arith.constant 0 : index
    %get3A_46 = vector.load %arg2[%get3A_43, %get3A_44, %get3A_45] : memref<20x256x128xf32, #tpu.memory_space<vmem>>, vector<1x256x128xf32>
    %get3A_47 = vector.shape_cast %get3A_46 : vector<1x256x128xf32> to vector<256x128xf32>
    %slice3A_48 = vector.extract_strided_slice %get3A_47 {offsets = [0, 0], sizes = [256, 64], strides = [1, 1]} : vector<256x128xf32> to vector<256x64xf32>
    %sub3A_49 = arith.subf %slice3A_48, %slice3A : vector<256x64xf32>
    %concatenate3A_50 = tpu.concatenate %slice3A, %sub3A_49 in 1 : vector<256x64xf32>, vector<256x64xf32> -> vector<256x128xf32>
    %dot_general3A_51 = arith.constant dense<0.000000e+00> : vector<256x128xf32>
    %dot_general3A_52 = tpu.matmul %concatenate3A_50, %get3A_6, %dot_general3A_51 {dimension_numbers = #tpu.dot_dimension_numbers<[1], [0], [0], [1], [0, 0, 1, 1], [], []>, transpose_lhs_hint = false} : vector<256x128xf32>, vector<128x128xf32>, vector<256x128xf32> -> vector<256x128xf32>
    %add3A_53 = vector.broadcast %get3A_9 : vector<1x128xf32> to vector<256x128xf32>
    %add3A_54 = arith.addf %dot_general3A_52, %add3A_53 : vector<256x128xf32>
    %max3A_55 = arith.maximumf %max3A_42, %add3A_54 : vector<256x128xf32>
    %get3A_56 = arith.constant 4 : index
    %get3A_57 = arith.constant 0 : index
    %get3A_58 = arith.constant 0 : index
    %get3A_59 = vector.load %arg2[%get3A_56, %get3A_57, %get3A_58] : memref<20x256x128xf32, #tpu.memory_space<vmem>>, vector<1x256x128xf32>
    %get3A_60 = vector.shape_cast %get3A_59 : vector<1x256x128xf32> to vector<256x128xf32>
    %slice3A_61 = vector.extract_strided_slice %get3A_60 {offsets = [0, 0], sizes = [256, 64], strides = [1, 1]} : vector<256x128xf32> to vector<256x64xf32>
    %sub3A_62 = arith.subf %slice3A_61, %slice3A : vector<256x64xf32>
    %concatenate3A_63 = tpu.concatenate %slice3A, %sub3A_62 in 1 : vector<256x64xf32>, vector<256x64xf32> -> vector<256x128xf32>
    %dot_general3A_64 = arith.constant dense<0.000000e+00> : vector<256x128xf32>
    %dot_general3A_65 = tpu.matmul %concatenate3A_63, %get3A_6, %dot_general3A_64 {dimension_numbers = #tpu.dot_dimension_numbers<[1], [0], [0], [1], [0, 0, 1, 1], [], []>, transpose_lhs_hint = false} : vector<256x128xf32>, vector<128x128xf32>, vector<256x128xf32> -> vector<256x128xf32>
    %add3A_66 = vector.broadcast %get3A_9 : vector<1x128xf32> to vector<256x128xf32>
    %add3A_67 = arith.addf %dot_general3A_65, %add3A_66 : vector<256x128xf32>
    %max3A_68 = arith.maximumf %max3A_55, %add3A_67 : vector<256x128xf32>
    %get3A_69 = arith.constant 5 : index
    %get3A_70 = arith.constant 0 : index
    %get3A_71 = arith.constant 0 : index
    %get3A_72 = vector.load %arg2[%get3A_69, %get3A_70, %get3A_71] : memref<20x256x128xf32, #tpu.memory_space<vmem>>, vector<1x256x128xf32>
    %get3A_73 = vector.shape_cast %get3A_72 : vector<1x256x128xf32> to vector<256x128xf32>
    %slice3A_74 = vector.extract_strided_slice %get3A_73 {offsets = [0, 0], sizes = [256, 64], strides = [1, 1]} : vector<256x128xf32> to vector<256x64xf32>
    %sub3A_75 = arith.subf %slice3A_74, %slice3A : vector<256x64xf32>
    %concatenate3A_76 = tpu.concatenate %slice3A, %sub3A_75 in 1 : vector<256x64xf32>, vector<256x64xf32> -> vector<256x128xf32>
    %dot_general3A_77 = arith.constant dense<0.000000e+00> : vector<256x128xf32>
    %dot_general3A_78 = tpu.matmul %concatenate3A_76, %get3A_6, %dot_general3A_77 {dimension_numbers = #tpu.dot_dimension_numbers<[1], [0], [0], [1], [0, 0, 1, 1], [], []>, transpose_lhs_hint = false} : vector<256x128xf32>, vector<128x128xf32>, vector<256x128xf32> -> vector<256x128xf32>
    %add3A_79 = vector.broadcast %get3A_9 : vector<1x128xf32> to vector<256x128xf32>
    %add3A_80 = arith.addf %dot_general3A_78, %add3A_79 : vector<256x128xf32>
    %max3A_81 = arith.maximumf %max3A_68, %add3A_80 : vector<256x128xf32>
    %get3A_82 = arith.constant 6 : index
    %get3A_83 = arith.constant 0 : index
    %get3A_84 = arith.constant 0 : index
    %get3A_85 = vector.load %arg2[%get3A_82, %get3A_83, %get3A_84] : memref<20x256x128xf32, #tpu.memory_space<vmem>>, vector<1x256x128xf32>
    %get3A_86 = vector.shape_cast %get3A_85 : vector<1x256x128xf32> to vector<256x128xf32>
    %slice3A_87 = vector.extract_strided_slice %get3A_86 {offsets = [0, 0], sizes = [256, 64], strides = [1, 1]} : vector<256x128xf32> to vector<256x64xf32>
    %sub3A_88 = arith.subf %slice3A_87, %slice3A : vector<256x64xf32>
    %concatenate3A_89 = tpu.concatenate %slice3A, %sub3A_88 in 1 : vector<256x64xf32>, vector<256x64xf32> -> vector<256x128xf32>
    %dot_general3A_90 = arith.constant dense<0.000000e+00> : vector<256x128xf32>
    %dot_general3A_91 = tpu.matmul %concatenate3A_89, %get3A_6, %dot_general3A_90 {dimension_numbers = #tpu.dot_dimension_numbers<[1], [0], [0], [1], [0, 0, 1, 1], [], []>, transpose_lhs_hint = false} : vector<256x128xf32>, vector<128x128xf32>, vector<256x128xf32> -> vector<256x128xf32>
    %add3A_92 = vector.broadcast %get3A_9 : vector<1x128xf32> to vector<256x128xf32>
    %add3A_93 = arith.addf %dot_general3A_91, %add3A_92 : vector<256x128xf32>
    %max3A_94 = arith.maximumf %max3A_81, %add3A_93 : vector<256x128xf32>
    %get3A_95 = arith.constant 7 : index
    %get3A_96 = arith.constant 0 : index
    %get3A_97 = arith.constant 0 : index
    %get3A_98 = vector.load %arg2[%get3A_95, %get3A_96, %get3A_97] : memref<20x256x128xf32, #tpu.memory_space<vmem>>, vector<1x256x128xf32>
    %get3A_99 = vector.shape_cast %get3A_98 : vector<1x256x128xf32> to vector<256x128xf32>
    %slice3A_100 = vector.extract_strided_slice %get3A_99 {offsets = [0, 0], sizes = [256, 64], strides = [1, 1]} : vector<256x128xf32> to vector<256x64xf32>
    %sub3A_101 = arith.subf %slice3A_100, %slice3A : vector<256x64xf32>
    %concatenate3A_102 = tpu.concatenate %slice3A, %sub3A_101 in 1 : vector<256x64xf32>, vector<256x64xf32> -> vector<256x128xf32>
    %dot_general3A_103 = arith.constant dense<0.000000e+00> : vector<256x128xf32>
    %dot_general3A_104 = tpu.matmul %concatenate3A_102, %get3A_6, %dot_general3A_103 {dimension_numbers = #tpu.dot_dimension_numbers<[1], [0], [0], [1], [0, 0, 1, 1], [], []>, transpose_lhs_hint = false} : vector<256x128xf32>, vector<128x128xf32>, vector<256x128xf32> -> vector<256x128xf32>
    %add3A_105 = vector.broadcast %get3A_9 : vector<1x128xf32> to vector<256x128xf32>
    %add3A_106 = arith.addf %dot_general3A_104, %add3A_105 : vector<256x128xf32>
    %max3A_107 = arith.maximumf %max3A_94, %add3A_106 : vector<256x128xf32>
    %get3A_108 = arith.constant 8 : index
    %get3A_109 = arith.constant 0 : index
    %get3A_110 = arith.constant 0 : index
    %get3A_111 = vector.load %arg2[%get3A_108, %get3A_109, %get3A_110] : memref<20x256x128xf32, #tpu.memory_space<vmem>>, vector<1x256x128xf32>
    %get3A_112 = vector.shape_cast %get3A_111 : vector<1x256x128xf32> to vector<256x128xf32>
    %slice3A_113 = vector.extract_strided_slice %get3A_112 {offsets = [0, 0], sizes = [256, 64], strides = [1, 1]} : vector<256x128xf32> to vector<256x64xf32>
    %sub3A_114 = arith.subf %slice3A_113, %slice3A : vector<256x64xf32>
    %concatenate3A_115 = tpu.concatenate %slice3A, %sub3A_114 in 1 : vector<256x64xf32>, vector<256x64xf32> -> vector<256x128xf32>
    %dot_general3A_116 = arith.constant dense<0.000000e+00> : vector<256x128xf32>
    %dot_general3A_117 = tpu.matmul %concatenate3A_115, %get3A_6, %dot_general3A_116 {dimension_numbers = #tpu.dot_dimension_numbers<[1], [0], [0], [1], [0, 0, 1, 1], [], []>, transpose_lhs_hint = false} : vector<256x128xf32>, vector<128x128xf32>, vector<256x128xf32> -> vector<256x128xf32>
    %add3A_118 = vector.broadcast %get3A_9 : vector<1x128xf32> to vector<256x128xf32>
    %add3A_119 = arith.addf %dot_general3A_117, %add3A_118 : vector<256x128xf32>
    %max3A_120 = arith.maximumf %max3A_107, %add3A_119 : vector<256x128xf32>
    %get3A_121 = arith.constant 9 : index
    %get3A_122 = arith.constant 0 : index
    %get3A_123 = arith.constant 0 : index
    %get3A_124 = vector.load %arg2[%get3A_121, %get3A_122, %get3A_123] : memref<20x256x128xf32, #tpu.memory_space<vmem>>, vector<1x256x128xf32>
    %get3A_125 = vector.shape_cast %get3A_124 : vector<1x256x128xf32> to vector<256x128xf32>
    %slice3A_126 = vector.extract_strided_slice %get3A_125 {offsets = [0, 0], sizes = [256, 64], strides = [1, 1]} : vector<256x128xf32> to vector<256x64xf32>
    %sub3A_127 = arith.subf %slice3A_126, %slice3A : vector<256x64xf32>
    %concatenate3A_128 = tpu.concatenate %slice3A, %sub3A_127 in 1 : vector<256x64xf32>, vector<256x64xf32> -> vector<256x128xf32>
    %dot_general3A_129 = arith.constant dense<0.000000e+00> : vector<256x128xf32>
    %dot_general3A_130 = tpu.matmul %concatenate3A_128, %get3A_6, %dot_general3A_129 {dimension_numbers = #tpu.dot_dimension_numbers<[1], [0], [0], [1], [0, 0, 1, 1], [], []>, transpose_lhs_hint = false} : vector<256x128xf32>, vector<128x128xf32>, vector<256x128xf32> -> vector<256x128xf32>
    %add3A_131 = vector.broadcast %get3A_9 : vector<1x128xf32> to vector<256x128xf32>
    %add3A_132 = arith.addf %dot_general3A_130, %add3A_131 : vector<256x128xf32>
    %max3A_133 = arith.maximumf %max3A_120, %add3A_132 : vector<256x128xf32>
    %get3A_134 = arith.constant 10 : index
    %get3A_135 = arith.constant 0 : index
    %get3A_136 = arith.constant 0 : index
    %get3A_137 = vector.load %arg2[%get3A_134, %get3A_135, %get3A_136] : memref<20x256x128xf32, #tpu.memory_space<vmem>>, vector<1x256x128xf32>
    %get3A_138 = vector.shape_cast %get3A_137 : vector<1x256x128xf32> to vector<256x128xf32>
    %slice3A_139 = vector.extract_strided_slice %get3A_138 {offsets = [0, 0], sizes = [256, 64], strides = [1, 1]} : vector<256x128xf32> to vector<256x64xf32>
    %sub3A_140 = arith.subf %slice3A_139, %slice3A : vector<256x64xf32>
    %concatenate3A_141 = tpu.concatenate %slice3A, %sub3A_140 in 1 : vector<256x64xf32>, vector<256x64xf32> -> vector<256x128xf32>
    %dot_general3A_142 = arith.constant dense<0.000000e+00> : vector<256x128xf32>
    %dot_general3A_143 = tpu.matmul %concatenate3A_141, %get3A_6, %dot_general3A_142 {dimension_numbers = #tpu.dot_dimension_numbers<[1], [0], [0], [1], [0, 0, 1, 1], [], []>, transpose_lhs_hint = false} : vector<256x128xf32>, vector<128x128xf32>, vector<256x128xf32> -> vector<256x128xf32>
    %add3A_144 = vector.broadcast %get3A_9 : vector<1x128xf32> to vector<256x128xf32>
    %add3A_145 = arith.addf %dot_general3A_143, %add3A_144 : vector<256x128xf32>
    %max3A_146 = arith.maximumf %max3A_133, %add3A_145 : vector<256x128xf32>
    %get3A_147 = arith.constant 11 : index
    %get3A_148 = arith.constant 0 : index
    %get3A_149 = arith.constant 0 : index
    %get3A_150 = vector.load %arg2[%get3A_147, %get3A_148, %get3A_149] : memref<20x256x128xf32, #tpu.memory_space<vmem>>, vector<1x256x128xf32>
    %get3A_151 = vector.shape_cast %get3A_150 : vector<1x256x128xf32> to vector<256x128xf32>
    %slice3A_152 = vector.extract_strided_slice %get3A_151 {offsets = [0, 0], sizes = [256, 64], strides = [1, 1]} : vector<256x128xf32> to vector<256x64xf32>
    %sub3A_153 = arith.subf %slice3A_152, %slice3A : vector<256x64xf32>
    %concatenate3A_154 = tpu.concatenate %slice3A, %sub3A_153 in 1 : vector<256x64xf32>, vector<256x64xf32> -> vector<256x128xf32>
    %dot_general3A_155 = arith.constant dense<0.000000e+00> : vector<256x128xf32>
    %dot_general3A_156 = tpu.matmul %concatenate3A_154, %get3A_6, %dot_general3A_155 {dimension_numbers = #tpu.dot_dimension_numbers<[1], [0], [0], [1], [0, 0, 1, 1], [], []>, transpose_lhs_hint = false} : vector<256x128xf32>, vector<128x128xf32>, vector<256x128xf32> -> vector<256x128xf32>
    %add3A_157 = vector.broadcast %get3A_9 : vector<1x128xf32> to vector<256x128xf32>
    %add3A_158 = arith.addf %dot_general3A_156, %add3A_157 : vector<256x128xf32>
    %max3A_159 = arith.maximumf %max3A_146, %add3A_158 : vector<256x128xf32>
    %get3A_160 = arith.constant 12 : index
    %get3A_161 = arith.constant 0 : index
    %get3A_162 = arith.constant 0 : index
    %get3A_163 = vector.load %arg2[%get3A_160, %get3A_161, %get3A_162] : memref<20x256x128xf32, #tpu.memory_space<vmem>>, vector<1x256x128xf32>
    %get3A_164 = vector.shape_cast %get3A_163 : vector<1x256x128xf32> to vector<256x128xf32>
    %slice3A_165 = vector.extract_strided_slice %get3A_164 {offsets = [0, 0], sizes = [256, 64], strides = [1, 1]} : vector<256x128xf32> to vector<256x64xf32>
    %sub3A_166 = arith.subf %slice3A_165, %slice3A : vector<256x64xf32>
    %concatenate3A_167 = tpu.concatenate %slice3A, %sub3A_166 in 1 : vector<256x64xf32>, vector<256x64xf32> -> vector<256x128xf32>
    %dot_general3A_168 = arith.constant dense<0.000000e+00> : vector<256x128xf32>
    %dot_general3A_169 = tpu.matmul %concatenate3A_167, %get3A_6, %dot_general3A_168 {dimension_numbers = #tpu.dot_dimension_numbers<[1], [0], [0], [1], [0, 0, 1, 1], [], []>, transpose_lhs_hint = false} : vector<256x128xf32>, vector<128x128xf32>, vector<256x128xf32> -> vector<256x128xf32>
    %add3A_170 = vector.broadcast %get3A_9 : vector<1x128xf32> to vector<256x128xf32>
    %add3A_171 = arith.addf %dot_general3A_169, %add3A_170 : vector<256x128xf32>
    %max3A_172 = arith.maximumf %max3A_159, %add3A_171 : vector<256x128xf32>
    %get3A_173 = arith.constant 13 : index
    %get3A_174 = arith.constant 0 : index
    %get3A_175 = arith.constant 0 : index
    %get3A_176 = vector.load %arg2[%get3A_173, %get3A_174, %get3A_175] : memref<20x256x128xf32, #tpu.memory_space<vmem>>, vector<1x256x128xf32>
    %get3A_177 = vector.shape_cast %get3A_176 : vector<1x256x128xf32> to vector<256x128xf32>
    %slice3A_178 = vector.extract_strided_slice %get3A_177 {offsets = [0, 0], sizes = [256, 64], strides = [1, 1]} : vector<256x128xf32> to vector<256x64xf32>
    %sub3A_179 = arith.subf %slice3A_178, %slice3A : vector<256x64xf32>
    %concatenate3A_180 = tpu.concatenate %slice3A, %sub3A_179 in 1 : vector<256x64xf32>, vector<256x64xf32> -> vector<256x128xf32>
    %dot_general3A_181 = arith.constant dense<0.000000e+00> : vector<256x128xf32>
    %dot_general3A_182 = tpu.matmul %concatenate3A_180, %get3A_6, %dot_general3A_181 {dimension_numbers = #tpu.dot_dimension_numbers<[1], [0], [0], [1], [0, 0, 1, 1], [], []>, transpose_lhs_hint = false} : vector<256x128xf32>, vector<128x128xf32>, vector<256x128xf32> -> vector<256x128xf32>
    %add3A_183 = vector.broadcast %get3A_9 : vector<1x128xf32> to vector<256x128xf32>
    %add3A_184 = arith.addf %dot_general3A_182, %add3A_183 : vector<256x128xf32>
    %max3A_185 = arith.maximumf %max3A_172, %add3A_184 : vector<256x128xf32>
    %get3A_186 = arith.constant 14 : index
    %get3A_187 = arith.constant 0 : index
    %get3A_188 = arith.constant 0 : index
    %get3A_189 = vector.load %arg2[%get3A_186, %get3A_187, %get3A_188] : memref<20x256x128xf32, #tpu.memory_space<vmem>>, vector<1x256x128xf32>
    %get3A_190 = vector.shape_cast %get3A_189 : vector<1x256x128xf32> to vector<256x128xf32>
    %slice3A_191 = vector.extract_strided_slice %get3A_190 {offsets = [0, 0], sizes = [256, 64], strides = [1, 1]} : vector<256x128xf32> to vector<256x64xf32>
    %sub3A_192 = arith.subf %slice3A_191, %slice3A : vector<256x64xf32>
    %concatenate3A_193 = tpu.concatenate %slice3A, %sub3A_192 in 1 : vector<256x64xf32>, vector<256x64xf32> -> vector<256x128xf32>
    %dot_general3A_194 = arith.constant dense<0.000000e+00> : vector<256x128xf32>
    %dot_general3A_195 = tpu.matmul %concatenate3A_193, %get3A_6, %dot_general3A_194 {dimension_numbers = #tpu.dot_dimension_numbers<[1], [0], [0], [1], [0, 0, 1, 1], [], []>, transpose_lhs_hint = false} : vector<256x128xf32>, vector<128x128xf32>, vector<256x128xf32> -> vector<256x128xf32>
    %add3A_196 = vector.broadcast %get3A_9 : vector<1x128xf32> to vector<256x128xf32>
    %add3A_197 = arith.addf %dot_general3A_195, %add3A_196 : vector<256x128xf32>
    %max3A_198 = arith.maximumf %max3A_185, %add3A_197 : vector<256x128xf32>
    %get3A_199 = arith.constant 15 : index
    %get3A_200 = arith.constant 0 : index
    %get3A_201 = arith.constant 0 : index
    %get3A_202 = vector.load %arg2[%get3A_199, %get3A_200, %get3A_201] : memref<20x256x128xf32, #tpu.memory_space<vmem>>, vector<1x256x128xf32>
    %get3A_203 = vector.shape_cast %get3A_202 : vector<1x256x128xf32> to vector<256x128xf32>
    %slice3A_204 = vector.extract_strided_slice %get3A_203 {offsets = [0, 0], sizes = [256, 64], strides = [1, 1]} : vector<256x128xf32> to vector<256x64xf32>
    %sub3A_205 = arith.subf %slice3A_204, %slice3A : vector<256x64xf32>
    %concatenate3A_206 = tpu.concatenate %slice3A, %sub3A_205 in 1 : vector<256x64xf32>, vector<256x64xf32> -> vector<256x128xf32>
    %dot_general3A_207 = arith.constant dense<0.000000e+00> : vector<256x128xf32>
    %dot_general3A_208 = tpu.matmul %concatenate3A_206, %get3A_6, %dot_general3A_207 {dimension_numbers = #tpu.dot_dimension_numbers<[1], [0], [0], [1], [0, 0, 1, 1], [], []>, transpose_lhs_hint = false} : vector<256x128xf32>, vector<128x128xf32>, vector<256x128xf32> -> vector<256x128xf32>
    %add3A_209 = vector.broadcast %get3A_9 : vector<1x128xf32> to vector<256x128xf32>
    %add3A_210 = arith.addf %dot_general3A_208, %add3A_209 : vector<256x128xf32>
    %max3A_211 = arith.maximumf %max3A_198, %add3A_210 : vector<256x128xf32>
    %get3A_212 = arith.constant 16 : index
    %get3A_213 = arith.constant 0 : index
    %get3A_214 = arith.constant 0 : index
    %get3A_215 = vector.load %arg2[%get3A_212, %get3A_213, %get3A_214] : memref<20x256x128xf32, #tpu.memory_space<vmem>>, vector<1x256x128xf32>
    %get3A_216 = vector.shape_cast %get3A_215 : vector<1x256x128xf32> to vector<256x128xf32>
    %slice3A_217 = vector.extract_strided_slice %get3A_216 {offsets = [0, 0], sizes = [256, 64], strides = [1, 1]} : vector<256x128xf32> to vector<256x64xf32>
    %sub3A_218 = arith.subf %slice3A_217, %slice3A : vector<256x64xf32>
    %concatenate3A_219 = tpu.concatenate %slice3A, %sub3A_218 in 1 : vector<256x64xf32>, vector<256x64xf32> -> vector<256x128xf32>
    %dot_general3A_220 = arith.constant dense<0.000000e+00> : vector<256x128xf32>
    %dot_general3A_221 = tpu.matmul %concatenate3A_219, %get3A_6, %dot_general3A_220 {dimension_numbers = #tpu.dot_dimension_numbers<[1], [0], [0], [1], [0, 0, 1, 1], [], []>, transpose_lhs_hint = false} : vector<256x128xf32>, vector<128x128xf32>, vector<256x128xf32> -> vector<256x128xf32>
    %add3A_222 = vector.broadcast %get3A_9 : vector<1x128xf32> to vector<256x128xf32>
    %add3A_223 = arith.addf %dot_general3A_221, %add3A_222 : vector<256x128xf32>
    %max3A_224 = arith.maximumf %max3A_211, %add3A_223 : vector<256x128xf32>
    %get3A_225 = arith.constant 17 : index
    %get3A_226 = arith.constant 0 : index
    %get3A_227 = arith.constant 0 : index
    %get3A_228 = vector.load %arg2[%get3A_225, %get3A_226, %get3A_227] : memref<20x256x128xf32, #tpu.memory_space<vmem>>, vector<1x256x128xf32>
    %get3A_229 = vector.shape_cast %get3A_228 : vector<1x256x128xf32> to vector<256x128xf32>
    %slice3A_230 = vector.extract_strided_slice %get3A_229 {offsets = [0, 0], sizes = [256, 64], strides = [1, 1]} : vector<256x128xf32> to vector<256x64xf32>
    %sub3A_231 = arith.subf %slice3A_230, %slice3A : vector<256x64xf32>
    %concatenate3A_232 = tpu.concatenate %slice3A, %sub3A_231 in 1 : vector<256x64xf32>, vector<256x64xf32> -> vector<256x128xf32>
    %dot_general3A_233 = arith.constant dense<0.000000e+00> : vector<256x128xf32>
    %dot_general3A_234 = tpu.matmul %concatenate3A_232, %get3A_6, %dot_general3A_233 {dimension_numbers = #tpu.dot_dimension_numbers<[1], [0], [0], [1], [0, 0, 1, 1], [], []>, transpose_lhs_hint = false} : vector<256x128xf32>, vector<128x128xf32>, vector<256x128xf32> -> vector<256x128xf32>
    %add3A_235 = vector.broadcast %get3A_9 : vector<1x128xf32> to vector<256x128xf32>
    %add3A_236 = arith.addf %dot_general3A_234, %add3A_235 : vector<256x128xf32>
    %max3A_237 = arith.maximumf %max3A_224, %add3A_236 : vector<256x128xf32>
    %get3A_238 = arith.constant 18 : index
    %get3A_239 = arith.constant 0 : index
    %get3A_240 = arith.constant 0 : index
    %get3A_241 = vector.load %arg2[%get3A_238, %get3A_239, %get3A_240] : memref<20x256x128xf32, #tpu.memory_space<vmem>>, vector<1x256x128xf32>
    %get3A_242 = vector.shape_cast %get3A_241 : vector<1x256x128xf32> to vector<256x128xf32>
    %slice3A_243 = vector.extract_strided_slice %get3A_242 {offsets = [0, 0], sizes = [256, 64], strides = [1, 1]} : vector<256x128xf32> to vector<256x64xf32>
    %sub3A_244 = arith.subf %slice3A_243, %slice3A : vector<256x64xf32>
    %concatenate3A_245 = tpu.concatenate %slice3A, %sub3A_244 in 1 : vector<256x64xf32>, vector<256x64xf32> -> vector<256x128xf32>
    %dot_general3A_246 = arith.constant dense<0.000000e+00> : vector<256x128xf32>
    %dot_general3A_247 = tpu.matmul %concatenate3A_245, %get3A_6, %dot_general3A_246 {dimension_numbers = #tpu.dot_dimension_numbers<[1], [0], [0], [1], [0, 0, 1, 1], [], []>, transpose_lhs_hint = false} : vector<256x128xf32>, vector<128x128xf32>, vector<256x128xf32> -> vector<256x128xf32>
    %add3A_248 = vector.broadcast %get3A_9 : vector<1x128xf32> to vector<256x128xf32>
    %add3A_249 = arith.addf %dot_general3A_247, %add3A_248 : vector<256x128xf32>
    %max3A_250 = arith.maximumf %max3A_237, %add3A_249 : vector<256x128xf32>
    %get3A_251 = arith.constant 19 : index
    %get3A_252 = arith.constant 0 : index
    %get3A_253 = arith.constant 0 : index
    %get3A_254 = vector.load %arg2[%get3A_251, %get3A_252, %get3A_253] : memref<20x256x128xf32, #tpu.memory_space<vmem>>, vector<1x256x128xf32>
    %get3A_255 = vector.shape_cast %get3A_254 : vector<1x256x128xf32> to vector<256x128xf32>
    %slice3A_256 = vector.extract_strided_slice %get3A_255 {offsets = [0, 0], sizes = [256, 64], strides = [1, 1]} : vector<256x128xf32> to vector<256x64xf32>
    %sub3A_257 = arith.subf %slice3A_256, %slice3A : vector<256x64xf32>
    %concatenate3A_258 = tpu.concatenate %slice3A, %sub3A_257 in 1 : vector<256x64xf32>, vector<256x64xf32> -> vector<256x128xf32>
    %dot_general3A_259 = arith.constant dense<0.000000e+00> : vector<256x128xf32>
    %dot_general3A_260 = tpu.matmul %concatenate3A_258, %get3A_6, %dot_general3A_259 {dimension_numbers = #tpu.dot_dimension_numbers<[1], [0], [0], [1], [0, 0, 1, 1], [], []>, transpose_lhs_hint = false} : vector<256x128xf32>, vector<128x128xf32>, vector<256x128xf32> -> vector<256x128xf32>
    %add3A_261 = vector.broadcast %get3A_9 : vector<1x128xf32> to vector<256x128xf32>
    %add3A_262 = arith.addf %dot_general3A_260, %add3A_261 : vector<256x128xf32>
    %max3A_263 = arith.maximumf %max3A_250, %add3A_262 : vector<256x128xf32>
    %concatenate3A_264 = tpu.concatenate %slice3A, %max3A_263 in 1 : vector<256x64xf32>, vector<256x128xf32> -> vector<256x192xf32>
    %get3A_265 = arith.constant 0 : index
    %get3A_266 = arith.constant 0 : index
    %get3A_267 = vector.load %arg6[%get3A_265, %get3A_266] : memref<192x1024xf32, #tpu.memory_space<vmem>>, vector<192x1024xf32>
    %dot_general3A_268 = arith.constant dense<0.000000e+00> : vector<256x1024xf32>
    %dot_general3A_269 = tpu.matmul %concatenate3A_264, %get3A_267, %dot_general3A_268 {dimension_numbers = #tpu.dot_dimension_numbers<[1], [0], [0], [1], [0, 0, 1, 1], [], []>, transpose_lhs_hint = false} : vector<256x192xf32>, vector<192x1024xf32>, vector<256x1024xf32> -> vector<256x1024xf32>
    %get3A_270 = arith.constant 0 : index
    %get3A_271 = arith.constant 0 : index
    %get3A_272 = vector.load %arg7[%get3A_270, %get3A_271] : memref<1x1024xf32, #tpu.memory_space<vmem>>, vector<1x1024xf32>
    %add3A_273 = vector.broadcast %get3A_272 : vector<1x1024xf32> to vector<256x1024xf32>
    %add3A_274 = arith.addf %dot_general3A_269, %add3A_273 : vector<256x1024xf32>
    %get3A_275 = arith.constant 0 : index
    %get3A_276 = arith.constant 0 : index
    %get3A_277 = vector.load %arg5[%get3A_275, %get3A_276] : memref<256x1xi32, #tpu.memory_space<vmem>>, vector<256x1xi32>
    %eq3A_278 = arith.constant 0 : i32
    %eq3A_279 = vector.broadcast %eq3A_278 : i32 to vector<256x1xi32>
    %eq3A_280 = arith.cmpi eq, %get3A_277, %eq3A_279 : vector<256x1xi32>
    %jit3A = arith.constant 0xFF800000 : f32
    %broadcast_in_dim3A = vector.shape_cast %eq3A_280 : vector<256x1xi1> to vector<256x1xi1>
    %broadcast_in_dim3A_281 = vector.broadcast %broadcast_in_dim3A : vector<256x1xi1> to vector<256x1024xi1>
    %broadcast_in_dim3A_282 = vector.broadcast %jit3A : f32 to vector<256x1024xf32>
    %select_n3A = arith.select %broadcast_in_dim3A_281, %add3A_274, %broadcast_in_dim3A_282 : vector<256x1024xi1>, vector<256x1024xf32>
    %reduce_max3A = arith.constant dense<0xFF800000> : vector<1024xf32>
    %reduce_max3A_283 = vector.multi_reduction <maximumf>, %select_n3A, %reduce_max3A [0] : vector<256x1024xf32> to vector<1024xf32>
    %broadcast_in_dim3A_284 = vector.shape_cast %reduce_max3A_283 : vector<1024xf32> to vector<1x1024xf32>
    %get3A_285 = arith.constant 0 : index
    %get3A_286 = arith.constant 0 : index
    %get3A_287 = vector.load %arg8[%get3A_285, %get3A_286] : memref<16x1024xf32, #tpu.memory_space<vmem>>, vector<1x1024xf32>
    %max3A_288 = arith.maximumf %get3A_287, %broadcast_in_dim3A_284 : vector<1x1024xf32>
    %swap3A = arith.constant 0 : index
    %swap3A_289 = arith.constant 0 : index
    %swap3A_290 = vector.load %arg8[%swap3A, %swap3A_289] : memref<16x1024xf32, #tpu.memory_space<vmem>>, vector<1x1024xf32>
    tpu.vector_store %arg8[%swap3A, %swap3A_289], %max3A_288 {strides = array<i32>} : memref<16x1024xf32, #tpu.memory_space<vmem>>, vector<1x1024xf32>,
    %eq3A_291 = arith.constant 1 : i32
    %eq3A_292 = vector.broadcast %eq3A_291 : i32 to vector<256x1xi32>
    %eq3A_293 = arith.cmpi eq, %get3A_277, %eq3A_292 : vector<256x1xi32>
    %jit3A_294 = arith.constant 0xFF800000 : f32
    %broadcast_in_dim3A_295 = vector.shape_cast %eq3A_293 : vector<256x1xi1> to vector<256x1xi1>
    %broadcast_in_dim3A_296 = vector.broadcast %broadcast_in_dim3A_295 : vector<256x1xi1> to vector<256x1024xi1>
    %broadcast_in_dim3A_297 = vector.broadcast %jit3A_294 : f32 to vector<256x1024xf32>
    %select_n3A_298 = arith.select %broadcast_in_dim3A_296, %add3A_274, %broadcast_in_dim3A_297 : vector<256x1024xi1>, vector<256x1024xf32>
    %reduce_max3A_299 = arith.constant dense<0xFF800000> : vector<1024xf32>
    %reduce_max3A_300 = vector.multi_reduction <maximumf>, %select_n3A_298, %reduce_max3A_299 [0] : vector<256x1024xf32> to vector<1024xf32>
    %broadcast_in_dim3A_301 = vector.shape_cast %reduce_max3A_300 : vector<1024xf32> to vector<1x1024xf32>
    %get3A_302 = arith.constant 1 : index
    %get3A_303 = arith.constant 0 : index
    %get3A_304 = vector.load %arg8[%get3A_302, %get3A_303] : memref<16x1024xf32, #tpu.memory_space<vmem>>, vector<1x1024xf32>
    %max3A_305 = arith.maximumf %get3A_304, %broadcast_in_dim3A_301 : vector<1x1024xf32>
    %swap3A_306 = arith.constant 1 : index
    %swap3A_307 = arith.constant 0 : index
    %swap3A_308 = vector.load %arg8[%swap3A_306, %swap3A_307] : memref<16x1024xf32, #tpu.memory_space<vmem>>, vector<1x1024xf32>
    tpu.vector_store %arg8[%swap3A_306, %swap3A_307], %max3A_305 {strides = array<i32>} : memref<16x1024xf32, #tpu.memory_space<vmem>>, vector<1x1024xf32>,
    %eq3A_309 = arith.constant 2 : i32
    %eq3A_310 = vector.broadcast %eq3A_309 : i32 to vector<256x1xi32>
    %eq3A_311 = arith.cmpi eq, %get3A_277, %eq3A_310 : vector<256x1xi32>
    %jit3A_312 = arith.constant 0xFF800000 : f32
    %broadcast_in_dim3A_313 = vector.shape_cast %eq3A_311 : vector<256x1xi1> to vector<256x1xi1>
    %broadcast_in_dim3A_314 = vector.broadcast %broadcast_in_dim3A_313 : vector<256x1xi1> to vector<256x1024xi1>
    %broadcast_in_dim3A_315 = vector.broadcast %jit3A_312 : f32 to vector<256x1024xf32>
    %select_n3A_316 = arith.select %broadcast_in_dim3A_314, %add3A_274, %broadcast_in_dim3A_315 : vector<256x1024xi1>, vector<256x1024xf32>
    %reduce_max3A_317 = arith.constant dense<0xFF800000> : vector<1024xf32>
    %reduce_max3A_318 = vector.multi_reduction <maximumf>, %select_n3A_316, %reduce_max3A_317 [0] : vector<256x1024xf32> to vector<1024xf32>
    %broadcast_in_dim3A_319 = vector.shape_cast %reduce_max3A_318 : vector<1024xf32> to vector<1x1024xf32>
    %get3A_320 = arith.constant 2 : index
    %get3A_321 = arith.constant 0 : index
    %get3A_322 = vector.load %arg8[%get3A_320, %get3A_321] : memref<16x1024xf32, #tpu.memory_space<vmem>>, vector<1x1024xf32>
    %max3A_323 = arith.maximumf %get3A_322, %broadcast_in_dim3A_319 : vector<1x1024xf32>
    %swap3A_324 = arith.constant 2 : index
    %swap3A_325 = arith.constant 0 : index
    %swap3A_326 = vector.load %arg8[%swap3A_324, %swap3A_325] : memref<16x1024xf32, #tpu.memory_space<vmem>>, vector<1x1024xf32>
    tpu.vector_store %arg8[%swap3A_324, %swap3A_325], %max3A_323 {strides = array<i32>} : memref<16x1024xf32, #tpu.memory_space<vmem>>, vector<1x1024xf32>,
    %eq3A_327 = arith.constant 3 : i32
    %eq3A_328 = vector.broadcast %eq3A_327 : i32 to vector<256x1xi32>
    %eq3A_329 = arith.cmpi eq, %get3A_277, %eq3A_328 : vector<256x1xi32>
    %jit3A_330 = arith.constant 0xFF800000 : f32
    %broadcast_in_dim3A_331 = vector.shape_cast %eq3A_329 : vector<256x1xi1> to vector<256x1xi1>
    %broadcast_in_dim3A_332 = vector.broadcast %broadcast_in_dim3A_331 : vector<256x1xi1> to vector<256x1024xi1>
    %broadcast_in_dim3A_333 = vector.broadcast %jit3A_330 : f32 to vector<256x1024xf32>
    %select_n3A_334 = arith.select %broadcast_in_dim3A_332, %add3A_274, %broadcast_in_dim3A_333 : vector<256x1024xi1>, vector<256x1024xf32>
    %reduce_max3A_335 = arith.constant dense<0xFF800000> : vector<1024xf32>
    %reduce_max3A_336 = vector.multi_reduction <maximumf>, %select_n3A_334, %reduce_max3A_335 [0] : vector<256x1024xf32> to vector<1024xf32>
    %broadcast_in_dim3A_337 = vector.shape_cast %reduce_max3A_336 : vector<1024xf32> to vector<1x1024xf32>
    %get3A_338 = arith.constant 3 : index
    %get3A_339 = arith.constant 0 : index
    %get3A_340 = vector.load %arg8[%get3A_338, %get3A_339] : memref<16x1024xf32, #tpu.memory_space<vmem>>, vector<1x1024xf32>
    %max3A_341 = arith.maximumf %get3A_340, %broadcast_in_dim3A_337 : vector<1x1024xf32>
    %swap3A_342 = arith.constant 3 : index
    %swap3A_343 = arith.constant 0 : index
    %swap3A_344 = vector.load %arg8[%swap3A_342, %swap3A_343] : memref<16x1024xf32, #tpu.memory_space<vmem>>, vector<1x1024xf32>
    tpu.vector_store %arg8[%swap3A_342, %swap3A_343], %max3A_341 {strides = array<i32>} : memref<16x1024xf32, #tpu.memory_space<vmem>>, vector<1x1024xf32>,
    %eq3A_345 = arith.constant 4 : i32
    %eq3A_346 = vector.broadcast %eq3A_345 : i32 to vector<256x1xi32>
    %eq3A_347 = arith.cmpi eq, %get3A_277, %eq3A_346 : vector<256x1xi32>
    %jit3A_348 = arith.constant 0xFF800000 : f32
    %broadcast_in_dim3A_349 = vector.shape_cast %eq3A_347 : vector<256x1xi1> to vector<256x1xi1>
    %broadcast_in_dim3A_350 = vector.broadcast %broadcast_in_dim3A_349 : vector<256x1xi1> to vector<256x1024xi1>
    %broadcast_in_dim3A_351 = vector.broadcast %jit3A_348 : f32 to vector<256x1024xf32>
    %select_n3A_352 = arith.select %broadcast_in_dim3A_350, %add3A_274, %broadcast_in_dim3A_351 : vector<256x1024xi1>, vector<256x1024xf32>
    %reduce_max3A_353 = arith.constant dense<0xFF800000> : vector<1024xf32>
    %reduce_max3A_354 = vector.multi_reduction <maximumf>, %select_n3A_352, %reduce_max3A_353 [0] : vector<256x1024xf32> to vector<1024xf32>
    %broadcast_in_dim3A_355 = vector.shape_cast %reduce_max3A_354 : vector<1024xf32> to vector<1x1024xf32>
    %get3A_356 = arith.constant 4 : index
    %get3A_357 = arith.constant 0 : index
    %get3A_358 = vector.load %arg8[%get3A_356, %get3A_357] : memref<16x1024xf32, #tpu.memory_space<vmem>>, vector<1x1024xf32>
    %max3A_359 = arith.maximumf %get3A_358, %broadcast_in_dim3A_355 : vector<1x1024xf32>
    %swap3A_360 = arith.constant 4 : index
    %swap3A_361 = arith.constant 0 : index
    %swap3A_362 = vector.load %arg8[%swap3A_360, %swap3A_361] : memref<16x1024xf32, #tpu.memory_space<vmem>>, vector<1x1024xf32>
    tpu.vector_store %arg8[%swap3A_360, %swap3A_361], %max3A_359 {strides = array<i32>} : memref<16x1024xf32, #tpu.memory_space<vmem>>, vector<1x1024xf32>,
    %eq3A_363 = arith.constant 5 : i32
    %eq3A_364 = vector.broadcast %eq3A_363 : i32 to vector<256x1xi32>
    %eq3A_365 = arith.cmpi eq, %get3A_277, %eq3A_364 : vector<256x1xi32>
    %jit3A_366 = arith.constant 0xFF800000 : f32
    %broadcast_in_dim3A_367 = vector.shape_cast %eq3A_365 : vector<256x1xi1> to vector<256x1xi1>
    %broadcast_in_dim3A_368 = vector.broadcast %broadcast_in_dim3A_367 : vector<256x1xi1> to vector<256x1024xi1>
    %broadcast_in_dim3A_369 = vector.broadcast %jit3A_366 : f32 to vector<256x1024xf32>
    %select_n3A_370 = arith.select %broadcast_in_dim3A_368, %add3A_274, %broadcast_in_dim3A_369 : vector<256x1024xi1>, vector<256x1024xf32>
    %reduce_max3A_371 = arith.constant dense<0xFF800000> : vector<1024xf32>
    %reduce_max3A_372 = vector.multi_reduction <maximumf>, %select_n3A_370, %reduce_max3A_371 [0] : vector<256x1024xf32> to vector<1024xf32>
    %broadcast_in_dim3A_373 = vector.shape_cast %reduce_max3A_372 : vector<1024xf32> to vector<1x1024xf32>
    %get3A_374 = arith.constant 5 : index
    %get3A_375 = arith.constant 0 : index
    %get3A_376 = vector.load %arg8[%get3A_374, %get3A_375] : memref<16x1024xf32, #tpu.memory_space<vmem>>, vector<1x1024xf32>
    %max3A_377 = arith.maximumf %get3A_376, %broadcast_in_dim3A_373 : vector<1x1024xf32>
    %swap3A_378 = arith.constant 5 : index
    %swap3A_379 = arith.constant 0 : index
    %swap3A_380 = vector.load %arg8[%swap3A_378, %swap3A_379] : memref<16x1024xf32, #tpu.memory_space<vmem>>, vector<1x1024xf32>
    tpu.vector_store %arg8[%swap3A_378, %swap3A_379], %max3A_377 {strides = array<i32>} : memref<16x1024xf32, #tpu.memory_space<vmem>>, vector<1x1024xf32>,
    %eq3A_381 = arith.constant 6 : i32
    %eq3A_382 = vector.broadcast %eq3A_381 : i32 to vector<256x1xi32>
    %eq3A_383 = arith.cmpi eq, %get3A_277, %eq3A_382 : vector<256x1xi32>
    %jit3A_384 = arith.constant 0xFF800000 : f32
    %broadcast_in_dim3A_385 = vector.shape_cast %eq3A_383 : vector<256x1xi1> to vector<256x1xi1>
    %broadcast_in_dim3A_386 = vector.broadcast %broadcast_in_dim3A_385 : vector<256x1xi1> to vector<256x1024xi1>
    %broadcast_in_dim3A_387 = vector.broadcast %jit3A_384 : f32 to vector<256x1024xf32>
    %select_n3A_388 = arith.select %broadcast_in_dim3A_386, %add3A_274, %broadcast_in_dim3A_387 : vector<256x1024xi1>, vector<256x1024xf32>
    %reduce_max3A_389 = arith.constant dense<0xFF800000> : vector<1024xf32>
    %reduce_max3A_390 = vector.multi_reduction <maximumf>, %select_n3A_388, %reduce_max3A_389 [0] : vector<256x1024xf32> to vector<1024xf32>
    %broadcast_in_dim3A_391 = vector.shape_cast %reduce_max3A_390 : vector<1024xf32> to vector<1x1024xf32>
    %get3A_392 = arith.constant 6 : index
    %get3A_393 = arith.constant 0 : index
    %get3A_394 = vector.load %arg8[%get3A_392, %get3A_393] : memref<16x1024xf32, #tpu.memory_space<vmem>>, vector<1x1024xf32>
    %max3A_395 = arith.maximumf %get3A_394, %broadcast_in_dim3A_391 : vector<1x1024xf32>
    %swap3A_396 = arith.constant 6 : index
    %swap3A_397 = arith.constant 0 : index
    %swap3A_398 = vector.load %arg8[%swap3A_396, %swap3A_397] : memref<16x1024xf32, #tpu.memory_space<vmem>>, vector<1x1024xf32>
    tpu.vector_store %arg8[%swap3A_396, %swap3A_397], %max3A_395 {strides = array<i32>} : memref<16x1024xf32, #tpu.memory_space<vmem>>, vector<1x1024xf32>,
    %eq3A_399 = arith.constant 7 : i32
    %eq3A_400 = vector.broadcast %eq3A_399 : i32 to vector<256x1xi32>
    %eq3A_401 = arith.cmpi eq, %get3A_277, %eq3A_400 : vector<256x1xi32>
    %jit3A_402 = arith.constant 0xFF800000 : f32
    %broadcast_in_dim3A_403 = vector.shape_cast %eq3A_401 : vector<256x1xi1> to vector<256x1xi1>
    %broadcast_in_dim3A_404 = vector.broadcast %broadcast_in_dim3A_403 : vector<256x1xi1> to vector<256x1024xi1>
    %broadcast_in_dim3A_405 = vector.broadcast %jit3A_402 : f32 to vector<256x1024xf32>
    %select_n3A_406 = arith.select %broadcast_in_dim3A_404, %add3A_274, %broadcast_in_dim3A_405 : vector<256x1024xi1>, vector<256x1024xf32>
    %reduce_max3A_407 = arith.constant dense<0xFF800000> : vector<1024xf32>
    %reduce_max3A_408 = vector.multi_reduction <maximumf>, %select_n3A_406, %reduce_max3A_407 [0] : vector<256x1024xf32> to vector<1024xf32>
    %broadcast_in_dim3A_409 = vector.shape_cast %reduce_max3A_408 : vector<1024xf32> to vector<1x1024xf32>
    %get3A_410 = arith.constant 7 : index
    %get3A_411 = arith.constant 0 : index
    %get3A_412 = vector.load %arg8[%get3A_410, %get3A_411] : memref<16x1024xf32, #tpu.memory_space<vmem>>, vector<1x1024xf32>
    %max3A_413 = arith.maximumf %get3A_412, %broadcast_in_dim3A_409 : vector<1x1024xf32>
    %swap3A_414 = arith.constant 7 : index
    %swap3A_415 = arith.constant 0 : index
    %swap3A_416 = vector.load %arg8[%swap3A_414, %swap3A_415] : memref<16x1024xf32, #tpu.memory_space<vmem>>, vector<1x1024xf32>
    tpu.vector_store %arg8[%swap3A_414, %swap3A_415], %max3A_413 {strides = array<i32>} : memref<16x1024xf32, #tpu.memory_space<vmem>>, vector<1x1024xf32>,
    %eq3A_417 = arith.constant 8 : i32
    %eq3A_418 = vector.broadcast %eq3A_417 : i32 to vector<256x1xi32>
    %eq3A_419 = arith.cmpi eq, %get3A_277, %eq3A_418 : vector<256x1xi32>
    %jit3A_420 = arith.constant 0xFF800000 : f32
    %broadcast_in_dim3A_421 = vector.shape_cast %eq3A_419 : vector<256x1xi1> to vector<256x1xi1>
    %broadcast_in_dim3A_422 = vector.broadcast %broadcast_in_dim3A_421 : vector<256x1xi1> to vector<256x1024xi1>
    %broadcast_in_dim3A_423 = vector.broadcast %jit3A_420 : f32 to vector<256x1024xf32>
    %select_n3A_424 = arith.select %broadcast_in_dim3A_422, %add3A_274, %broadcast_in_dim3A_423 : vector<256x1024xi1>, vector<256x1024xf32>
    %reduce_max3A_425 = arith.constant dense<0xFF800000> : vector<1024xf32>
    %reduce_max3A_426 = vector.multi_reduction <maximumf>, %select_n3A_424, %reduce_max3A_425 [0] : vector<256x1024xf32> to vector<1024xf32>
    %broadcast_in_dim3A_427 = vector.shape_cast %reduce_max3A_426 : vector<1024xf32> to vector<1x1024xf32>
    %get3A_428 = arith.constant 8 : index
    %get3A_429 = arith.constant 0 : index
    %get3A_430 = vector.load %arg8[%get3A_428, %get3A_429] : memref<16x1024xf32, #tpu.memory_space<vmem>>, vector<1x1024xf32>
    %max3A_431 = arith.maximumf %get3A_430, %broadcast_in_dim3A_427 : vector<1x1024xf32>
    %swap3A_432 = arith.constant 8 : index
    %swap3A_433 = arith.constant 0 : index
    %swap3A_434 = vector.load %arg8[%swap3A_432, %swap3A_433] : memref<16x1024xf32, #tpu.memory_space<vmem>>, vector<1x1024xf32>
    tpu.vector_store %arg8[%swap3A_432, %swap3A_433], %max3A_431 {strides = array<i32>} : memref<16x1024xf32, #tpu.memory_space<vmem>>, vector<1x1024xf32>,
    %eq3A_435 = arith.constant 9 : i32
    %eq3A_436 = vector.broadcast %eq3A_435 : i32 to vector<256x1xi32>
    %eq3A_437 = arith.cmpi eq, %get3A_277, %eq3A_436 : vector<256x1xi32>
    %jit3A_438 = arith.constant 0xFF800000 : f32
    %broadcast_in_dim3A_439 = vector.shape_cast %eq3A_437 : vector<256x1xi1> to vector<256x1xi1>
    %broadcast_in_dim3A_440 = vector.broadcast %broadcast_in_dim3A_439 : vector<256x1xi1> to vector<256x1024xi1>
    %broadcast_in_dim3A_441 = vector.broadcast %jit3A_438 : f32 to vector<256x1024xf32>
    %select_n3A_442 = arith.select %broadcast_in_dim3A_440, %add3A_274, %broadcast_in_dim3A_441 : vector<256x1024xi1>, vector<256x1024xf32>
    %reduce_max3A_443 = arith.constant dense<0xFF800000> : vector<1024xf32>
    %reduce_max3A_444 = vector.multi_reduction <maximumf>, %select_n3A_442, %reduce_max3A_443 [0] : vector<256x1024xf32> to vector<1024xf32>
    %broadcast_in_dim3A_445 = vector.shape_cast %reduce_max3A_444 : vector<1024xf32> to vector<1x1024xf32>
    %get3A_446 = arith.constant 9 : index
    %get3A_447 = arith.constant 0 : index
    %get3A_448 = vector.load %arg8[%get3A_446, %get3A_447] : memref<16x1024xf32, #tpu.memory_space<vmem>>, vector<1x1024xf32>
    %max3A_449 = arith.maximumf %get3A_448, %broadcast_in_dim3A_445 : vector<1x1024xf32>
    %swap3A_450 = arith.constant 9 : index
    %swap3A_451 = arith.constant 0 : index
    %swap3A_452 = vector.load %arg8[%swap3A_450, %swap3A_451] : memref<16x1024xf32, #tpu.memory_space<vmem>>, vector<1x1024xf32>
    tpu.vector_store %arg8[%swap3A_450, %swap3A_451], %max3A_449 {strides = array<i32>} : memref<16x1024xf32, #tpu.memory_space<vmem>>, vector<1x1024xf32>,
    %eq3A_453 = arith.constant 10 : i32
    %eq3A_454 = vector.broadcast %eq3A_453 : i32 to vector<256x1xi32>
    %eq3A_455 = arith.cmpi eq, %get3A_277, %eq3A_454 : vector<256x1xi32>
    %jit3A_456 = arith.constant 0xFF800000 : f32
    %broadcast_in_dim3A_457 = vector.shape_cast %eq3A_455 : vector<256x1xi1> to vector<256x1xi1>
    %broadcast_in_dim3A_458 = vector.broadcast %broadcast_in_dim3A_457 : vector<256x1xi1> to vector<256x1024xi1>
    %broadcast_in_dim3A_459 = vector.broadcast %jit3A_456 : f32 to vector<256x1024xf32>
    %select_n3A_460 = arith.select %broadcast_in_dim3A_458, %add3A_274, %broadcast_in_dim3A_459 : vector<256x1024xi1>, vector<256x1024xf32>
    %reduce_max3A_461 = arith.constant dense<0xFF800000> : vector<1024xf32>
    %reduce_max3A_462 = vector.multi_reduction <maximumf>, %select_n3A_460, %reduce_max3A_461 [0] : vector<256x1024xf32> to vector<1024xf32>
    %broadcast_in_dim3A_463 = vector.shape_cast %reduce_max3A_462 : vector<1024xf32> to vector<1x1024xf32>
    %get3A_464 = arith.constant 10 : index
    %get3A_465 = arith.constant 0 : index
    %get3A_466 = vector.load %arg8[%get3A_464, %get3A_465] : memref<16x1024xf32, #tpu.memory_space<vmem>>, vector<1x1024xf32>
    %max3A_467 = arith.maximumf %get3A_466, %broadcast_in_dim3A_463 : vector<1x1024xf32>
    %swap3A_468 = arith.constant 10 : index
    %swap3A_469 = arith.constant 0 : index
    %swap3A_470 = vector.load %arg8[%swap3A_468, %swap3A_469] : memref<16x1024xf32, #tpu.memory_space<vmem>>, vector<1x1024xf32>
    tpu.vector_store %arg8[%swap3A_468, %swap3A_469], %max3A_467 {strides = array<i32>} : memref<16x1024xf32, #tpu.memory_space<vmem>>, vector<1x1024xf32>,
    %eq3A_471 = arith.constant 11 : i32
    %eq3A_472 = vector.broadcast %eq3A_471 : i32 to vector<256x1xi32>
    %eq3A_473 = arith.cmpi eq, %get3A_277, %eq3A_472 : vector<256x1xi32>
    %jit3A_474 = arith.constant 0xFF800000 : f32
    %broadcast_in_dim3A_475 = vector.shape_cast %eq3A_473 : vector<256x1xi1> to vector<256x1xi1>
    %broadcast_in_dim3A_476 = vector.broadcast %broadcast_in_dim3A_475 : vector<256x1xi1> to vector<256x1024xi1>
    %broadcast_in_dim3A_477 = vector.broadcast %jit3A_474 : f32 to vector<256x1024xf32>
    %select_n3A_478 = arith.select %broadcast_in_dim3A_476, %add3A_274, %broadcast_in_dim3A_477 : vector<256x1024xi1>, vector<256x1024xf32>
    %reduce_max3A_479 = arith.constant dense<0xFF800000> : vector<1024xf32>
    %reduce_max3A_480 = vector.multi_reduction <maximumf>, %select_n3A_478, %reduce_max3A_479 [0] : vector<256x1024xf32> to vector<1024xf32>
    %broadcast_in_dim3A_481 = vector.shape_cast %reduce_max3A_480 : vector<1024xf32> to vector<1x1024xf32>
    %get3A_482 = arith.constant 11 : index
    %get3A_483 = arith.constant 0 : index
    %get3A_484 = vector.load %arg8[%get3A_482, %get3A_483] : memref<16x1024xf32, #tpu.memory_space<vmem>>, vector<1x1024xf32>
    %max3A_485 = arith.maximumf %get3A_484, %broadcast_in_dim3A_481 : vector<1x1024xf32>
    %swap3A_486 = arith.constant 11 : index
    %swap3A_487 = arith.constant 0 : index
    %swap3A_488 = vector.load %arg8[%swap3A_486, %swap3A_487] : memref<16x1024xf32, #tpu.memory_space<vmem>>, vector<1x1024xf32>
    tpu.vector_store %arg8[%swap3A_486, %swap3A_487], %max3A_485 {strides = array<i32>} : memref<16x1024xf32, #tpu.memory_space<vmem>>, vector<1x1024xf32>,
    %eq3A_489 = arith.constant 12 : i32
    %eq3A_490 = vector.broadcast %eq3A_489 : i32 to vector<256x1xi32>
    %eq3A_491 = arith.cmpi eq, %get3A_277, %eq3A_490 : vector<256x1xi32>
    %jit3A_492 = arith.constant 0xFF800000 : f32
    %broadcast_in_dim3A_493 = vector.shape_cast %eq3A_491 : vector<256x1xi1> to vector<256x1xi1>
    %broadcast_in_dim3A_494 = vector.broadcast %broadcast_in_dim3A_493 : vector<256x1xi1> to vector<256x1024xi1>
    %broadcast_in_dim3A_495 = vector.broadcast %jit3A_492 : f32 to vector<256x1024xf32>
    %select_n3A_496 = arith.select %broadcast_in_dim3A_494, %add3A_274, %broadcast_in_dim3A_495 : vector<256x1024xi1>, vector<256x1024xf32>
    %reduce_max3A_497 = arith.constant dense<0xFF800000> : vector<1024xf32>
    %reduce_max3A_498 = vector.multi_reduction <maximumf>, %select_n3A_496, %reduce_max3A_497 [0] : vector<256x1024xf32> to vector<1024xf32>
    %broadcast_in_dim3A_499 = vector.shape_cast %reduce_max3A_498 : vector<1024xf32> to vector<1x1024xf32>
    %get3A_500 = arith.constant 12 : index
    %get3A_501 = arith.constant 0 : index
    %get3A_502 = vector.load %arg8[%get3A_500, %get3A_501] : memref<16x1024xf32, #tpu.memory_space<vmem>>, vector<1x1024xf32>
    %max3A_503 = arith.maximumf %get3A_502, %broadcast_in_dim3A_499 : vector<1x1024xf32>
    %swap3A_504 = arith.constant 12 : index
    %swap3A_505 = arith.constant 0 : index
    %swap3A_506 = vector.load %arg8[%swap3A_504, %swap3A_505] : memref<16x1024xf32, #tpu.memory_space<vmem>>, vector<1x1024xf32>
    tpu.vector_store %arg8[%swap3A_504, %swap3A_505], %max3A_503 {strides = array<i32>} : memref<16x1024xf32, #tpu.memory_space<vmem>>, vector<1x1024xf32>,
    %eq3A_507 = arith.constant 13 : i32
    %eq3A_508 = vector.broadcast %eq3A_507 : i32 to vector<256x1xi32>
    %eq3A_509 = arith.cmpi eq, %get3A_277, %eq3A_508 : vector<256x1xi32>
    %jit3A_510 = arith.constant 0xFF800000 : f32
    %broadcast_in_dim3A_511 = vector.shape_cast %eq3A_509 : vector<256x1xi1> to vector<256x1xi1>
    %broadcast_in_dim3A_512 = vector.broadcast %broadcast_in_dim3A_511 : vector<256x1xi1> to vector<256x1024xi1>
    %broadcast_in_dim3A_513 = vector.broadcast %jit3A_510 : f32 to vector<256x1024xf32>
    %select_n3A_514 = arith.select %broadcast_in_dim3A_512, %add3A_274, %broadcast_in_dim3A_513 : vector<256x1024xi1>, vector<256x1024xf32>
    %reduce_max3A_515 = arith.constant dense<0xFF800000> : vector<1024xf32>
    %reduce_max3A_516 = vector.multi_reduction <maximumf>, %select_n3A_514, %reduce_max3A_515 [0] : vector<256x1024xf32> to vector<1024xf32>
    %broadcast_in_dim3A_517 = vector.shape_cast %reduce_max3A_516 : vector<1024xf32> to vector<1x1024xf32>
    %get3A_518 = arith.constant 13 : index
    %get3A_519 = arith.constant 0 : index
    %get3A_520 = vector.load %arg8[%get3A_518, %get3A_519] : memref<16x1024xf32, #tpu.memory_space<vmem>>, vector<1x1024xf32>
    %max3A_521 = arith.maximumf %get3A_520, %broadcast_in_dim3A_517 : vector<1x1024xf32>
    %swap3A_522 = arith.constant 13 : index
    %swap3A_523 = arith.constant 0 : index
    %swap3A_524 = vector.load %arg8[%swap3A_522, %swap3A_523] : memref<16x1024xf32, #tpu.memory_space<vmem>>, vector<1x1024xf32>
    tpu.vector_store %arg8[%swap3A_522, %swap3A_523], %max3A_521 {strides = array<i32>} : memref<16x1024xf32, #tpu.memory_space<vmem>>, vector<1x1024xf32>,
    %eq3A_525 = arith.constant 14 : i32
    %eq3A_526 = vector.broadcast %eq3A_525 : i32 to vector<256x1xi32>
    %eq3A_527 = arith.cmpi eq, %get3A_277, %eq3A_526 : vector<256x1xi32>
    %jit3A_528 = arith.constant 0xFF800000 : f32
    %broadcast_in_dim3A_529 = vector.shape_cast %eq3A_527 : vector<256x1xi1> to vector<256x1xi1>
    %broadcast_in_dim3A_530 = vector.broadcast %broadcast_in_dim3A_529 : vector<256x1xi1> to vector<256x1024xi1>
    %broadcast_in_dim3A_531 = vector.broadcast %jit3A_528 : f32 to vector<256x1024xf32>
    %select_n3A_532 = arith.select %broadcast_in_dim3A_530, %add3A_274, %broadcast_in_dim3A_531 : vector<256x1024xi1>, vector<256x1024xf32>
    %reduce_max3A_533 = arith.constant dense<0xFF800000> : vector<1024xf32>
    %reduce_max3A_534 = vector.multi_reduction <maximumf>, %select_n3A_532, %reduce_max3A_533 [0] : vector<256x1024xf32> to vector<1024xf32>
    %broadcast_in_dim3A_535 = vector.shape_cast %reduce_max3A_534 : vector<1024xf32> to vector<1x1024xf32>
    %get3A_536 = arith.constant 14 : index
    %get3A_537 = arith.constant 0 : index
    %get3A_538 = vector.load %arg8[%get3A_536, %get3A_537] : memref<16x1024xf32, #tpu.memory_space<vmem>>, vector<1x1024xf32>
    %max3A_539 = arith.maximumf %get3A_538, %broadcast_in_dim3A_535 : vector<1x1024xf32>
    %swap3A_540 = arith.constant 14 : index
    %swap3A_541 = arith.constant 0 : index
    %swap3A_542 = vector.load %arg8[%swap3A_540, %swap3A_541] : memref<16x1024xf32, #tpu.memory_space<vmem>>, vector<1x1024xf32>
    tpu.vector_store %arg8[%swap3A_540, %swap3A_541], %max3A_539 {strides = array<i32>} : memref<16x1024xf32, #tpu.memory_space<vmem>>, vector<1x1024xf32>,
    %eq3A_543 = arith.constant 15 : i32
    %eq3A_544 = vector.broadcast %eq3A_543 : i32 to vector<256x1xi32>
    %eq3A_545 = arith.cmpi eq, %get3A_277, %eq3A_544 : vector<256x1xi32>
    %jit3A_546 = arith.constant 0xFF800000 : f32
    %broadcast_in_dim3A_547 = vector.shape_cast %eq3A_545 : vector<256x1xi1> to vector<256x1xi1>
    %broadcast_in_dim3A_548 = vector.broadcast %broadcast_in_dim3A_547 : vector<256x1xi1> to vector<256x1024xi1>
    %broadcast_in_dim3A_549 = vector.broadcast %jit3A_546 : f32 to vector<256x1024xf32>
    %select_n3A_550 = arith.select %broadcast_in_dim3A_548, %add3A_274, %broadcast_in_dim3A_549 : vector<256x1024xi1>, vector<256x1024xf32>
    %reduce_max3A_551 = arith.constant dense<0xFF800000> : vector<1024xf32>
    %reduce_max3A_552 = vector.multi_reduction <maximumf>, %select_n3A_550, %reduce_max3A_551 [0] : vector<256x1024xf32> to vector<1024xf32>
    %broadcast_in_dim3A_553 = vector.shape_cast %reduce_max3A_552 : vector<1024xf32> to vector<1x1024xf32>
    %get3A_554 = arith.constant 15 : index
    %get3A_555 = arith.constant 0 : index
    %get3A_556 = vector.load %arg8[%get3A_554, %get3A_555] : memref<16x1024xf32, #tpu.memory_space<vmem>>, vector<1x1024xf32>
    %max3A_557 = arith.maximumf %get3A_556, %broadcast_in_dim3A_553 : vector<1x1024xf32>
    %swap3A_558 = arith.constant 15 : index
    %swap3A_559 = arith.constant 0 : index
    %swap3A_560 = vector.load %arg8[%swap3A_558, %swap3A_559] : memref<16x1024xf32, #tpu.memory_space<vmem>>, vector<1x1024xf32>
    tpu.vector_store %arg8[%swap3A_558, %swap3A_559], %max3A_557 {strides = array<i32>} : memref<16x1024xf32, #tpu.memory_space<vmem>>, vector<1x1024xf32>,
    return
  }
  func.func @transform_0(%arg0: i32) -> (i32, i32) {
    %c0_i32 = arith.constant 0 : i32
    %c0_i32_0 = arith.constant 0 : i32
    return %arg0, %c0_i32 : i32, i32
  }
  func.func @transform_1(%arg0: i32) -> (i32, i32, i32) {
    %c0_i32 = arith.constant 0 : i32
    %c0_i32_0 = arith.constant 0 : i32
    %c0_i32_1 = arith.constant 0 : i32
    return %c0_i32, %arg0, %c0_i32_0 : i32, i32, i32
  }
  func.func @transform_2(%arg0: i32) -> (i32, i32) {
    %c0_i32 = arith.constant 0 : i32
    %c0_i32_0 = arith.constant 0 : i32
    %c0_i32_1 = arith.constant 0 : i32
    return %c0_i32, %c0_i32_0 : i32, i32
  }
  func.func @transform_3(%arg0: i32) -> (i32, i32) {
    %c0_i32 = arith.constant 0 : i32
    %c0_i32_0 = arith.constant 0 : i32
    %c0_i32_1 = arith.constant 0 : i32
    return %c0_i32, %c0_i32_0 : i32, i32
  }
  func.func @transform_4(%arg0: i32) -> (i32, i32) {
    %c0_i32 = arith.constant 0 : i32
    %c0_i32_0 = arith.constant 0 : i32
    return %arg0, %c0_i32 : i32, i32
  }
  func.func @transform_5(%arg0: i32) -> (i32, i32) {
    %c0_i32 = arith.constant 0 : i32
    %c0_i32_0 = arith.constant 0 : i32
    %c0_i32_1 = arith.constant 0 : i32
    return %c0_i32, %c0_i32_0 : i32, i32
  }
  func.func @transform_6(%arg0: i32) -> (i32, i32) {
    %c0_i32 = arith.constant 0 : i32
    %c0_i32_0 = arith.constant 0 : i32
    %c0_i32_1 = arith.constant 0 : i32
    return %c0_i32, %c0_i32_0 : i32, i32
  }
  func.func @transform_7(%arg0: i32) -> (i32, i32) {
    %c0_i32 = arith.constant 0 : i32
    %c0_i32_0 = arith.constant 0 : i32
    %c0_i32_1 = arith.constant 0 : i32
    return %c0_i32, %c0_i32_0 : i32, i32
  }
}

module attributes {stable_mosaic.version = 14 : i64} {
  func.func @_head_body(%arg0: memref<16x1024xf32, #tpu.memory_space<vmem>>, %arg1: memref<1024x512xf32, #tpu.memory_space<vmem>>, %arg2: memref<1x512xf32, #tpu.memory_space<vmem>>, %arg3: memref<512x256xf32, #tpu.memory_space<vmem>>, %arg4: memref<1x256xf32, #tpu.memory_space<vmem>>, %arg5: memref<256x40xf32, #tpu.memory_space<vmem>>, %arg6: memref<1x40xf32, #tpu.memory_space<vmem>>, %arg7: memref<16x40xf32, #tpu.memory_space<vmem>>) attributes {dimension_semantics = [], scalar_prefetch = 0 : i64, scratch_operands = 0 : i64, tpu.core_type = #tpu.core_type<tc>} {
    %get3A = arith.constant 0 : index
    %get3A_0 = arith.constant 0 : index
    %get3A_1 = vector.load %arg0[%get3A, %get3A_0] : memref<16x1024xf32, #tpu.memory_space<vmem>>, vector<16x1024xf32>
    %get3A_2 = arith.constant 0 : index
    %get3A_3 = arith.constant 0 : index
    %get3A_4 = vector.load %arg1[%get3A_2, %get3A_3] : memref<1024x512xf32, #tpu.memory_space<vmem>>, vector<1024x512xf32>
    %dot_general3A = arith.constant dense<0.000000e+00> : vector<16x512xf32>
    %dot_general3A_5 = tpu.matmul %get3A_1, %get3A_4, %dot_general3A {dimension_numbers = #tpu.dot_dimension_numbers<[1], [0], [0], [1], [0, 0, 1, 1], [], []>, transpose_lhs_hint = false} : vector<16x1024xf32>, vector<1024x512xf32>, vector<16x512xf32> -> vector<16x512xf32>
    %get3A_6 = arith.constant 0 : index
    %get3A_7 = arith.constant 0 : index
    %get3A_8 = vector.load %arg2[%get3A_6, %get3A_7] : memref<1x512xf32, #tpu.memory_space<vmem>>, vector<1x512xf32>
    %add3A = vector.broadcast %get3A_8 : vector<1x512xf32> to vector<16x512xf32>
    %add3A_9 = arith.addf %dot_general3A_5, %add3A : vector<16x512xf32>
    %get3A_10 = arith.constant 0 : index
    %get3A_11 = arith.constant 0 : index
    %get3A_12 = vector.load %arg3[%get3A_10, %get3A_11] : memref<512x256xf32, #tpu.memory_space<vmem>>, vector<512x256xf32>
    %dot_general3A_13 = arith.constant dense<0.000000e+00> : vector<16x256xf32>
    %dot_general3A_14 = tpu.matmul %add3A_9, %get3A_12, %dot_general3A_13 {dimension_numbers = #tpu.dot_dimension_numbers<[1], [0], [0], [1], [0, 0, 1, 1], [], []>, transpose_lhs_hint = false} : vector<16x512xf32>, vector<512x256xf32>, vector<16x256xf32> -> vector<16x256xf32>
    %get3A_15 = arith.constant 0 : index
    %get3A_16 = arith.constant 0 : index
    %get3A_17 = vector.load %arg4[%get3A_15, %get3A_16] : memref<1x256xf32, #tpu.memory_space<vmem>>, vector<1x256xf32>
    %add3A_18 = vector.broadcast %get3A_17 : vector<1x256xf32> to vector<16x256xf32>
    %add3A_19 = arith.addf %dot_general3A_14, %add3A_18 : vector<16x256xf32>
    %get3A_20 = arith.constant 0 : index
    %get3A_21 = arith.constant 0 : index
    %get3A_22 = vector.load %arg5[%get3A_20, %get3A_21] : memref<256x40xf32, #tpu.memory_space<vmem>>, vector<256x40xf32>
    %dot_general3A_23 = arith.constant dense<0.000000e+00> : vector<16x40xf32>
    %dot_general3A_24 = tpu.matmul %add3A_19, %get3A_22, %dot_general3A_23 {dimension_numbers = #tpu.dot_dimension_numbers<[1], [0], [0], [1], [0, 0, 1, 1], [], []>, transpose_lhs_hint = false} : vector<16x256xf32>, vector<256x40xf32>, vector<16x40xf32> -> vector<16x40xf32>
    %get3A_25 = arith.constant 0 : index
    %get3A_26 = arith.constant 0 : index
    %get3A_27 = vector.load %arg6[%get3A_25, %get3A_26] : memref<1x40xf32, #tpu.memory_space<vmem>>, vector<1x40xf32>
    %add3A_28 = vector.broadcast %get3A_27 : vector<1x40xf32> to vector<16x40xf32>
    %add3A_29 = arith.addf %dot_general3A_24, %add3A_28 : vector<16x40xf32>
    %swap3A = arith.constant 0 : index
    %swap3A_30 = arith.constant 0 : index
    %swap3A_31 = vector.load %arg7[%swap3A, %swap3A_30] : memref<16x40xf32, #tpu.memory_space<vmem>>, vector<16x40xf32>
    tpu.vector_store %arg7[%swap3A, %swap3A_30], %add3A_29 {strides = array<i32>} : memref<16x40xf32, #tpu.memory_space<vmem>>, vector<16x40xf32>,
    return
  }
}

</mosaic_0001>

<sc_bundles>
// kernel: kernel.12.cloned.1.call-start
scs
__scs_entry_jumppad:
0x0: {  	(pc) =	sbr.rel $0x88, $3  }
0x1: {  	(tag) =	ssettag $0x0;
	lr =	simm.s32 $0x1  }
0x2: {  	[smem:$0x3F8B] =	sst lr;
	_ =	strace $0xD0000000  }
0x3: {  	_ = 	snop  }
0x4: {  	_ = 	snop  }
0x5: {  	_ = 	snop  }
0x6: {  	_ = 	snop  }
0x7: {  	_ = 	snop  }
__scs_overlays_trampoline_lowered:
0x8: {  	[smem:$0x3F9A] =	sst s0  }
0x9: {  	[smem:$0x3F9B] =	sst s1  }
0xa: {  	[smem:$0x3F9C] =	sst s2  }
0xb: {  	[smem:$0x3F9D] =	sst s3  }
0xc: {  	[smem:$0x3F9E] =	sst s4  }
0xd: {  	[smem:$0x3F9F] =	sst s5  }
0xe: {  	[smem:$0x3FA0] =	sst s6  }
0xf: {  	[smem:$0x3FA1] =	sst s7  }
0x10: {  	[smem:$0x3FA2] =	sst s8  }
0x11: {  	[smem:$0x3FA3] =	sst s9;
	s0 =	simm.s32 @!p0 $0x0  }
0x12: {  	s1 =	sld [smem:$0x3F89];
	s0 =	simm.s32 @p0 $0x1  }
0x13: {  	[smem:$0x3FA4] =	sst s0;
	s0 =	simm.s32 @!p1 $0x0  }
0x14: {  	s2 =	sld [smem:$0x3F88];
	s0 =	simm.s32 @p1 $0x1  }
0x15: {  	[smem:$0x3FA5] =	sst s0;
	s0 =	simm.s32 @!p2 $0x0  }
0x16: {  	s3 =	sld [smem:$0x3FDB];
	s0 =	simm.s32 @p2 $0x1  }
0x17: {  	s4 =	simm.s32 $0x1BF5;
	[smem:$0x3FA7] =	sst s0  }
0x18: {  	s0 =	sld [smem:$0x3F8A];
	_ =	swait.ge [sflag:s4], $0x0  }
0x19: {  	s7 =	sld [smem:$0x3F8B]  }
0x1a: {  	s8 =	sadd.s32 $0xFFFFE003, lr  }
0x1b: {  	s9 =	sadd.s32 $0xFFFFFEF7, lr;
	s5 =	simm.s32 $0xFFFFFFFF;
	p2 =	slt.u32 s8, $0xFFFFF086  }
0x1c: {  	p1 =	slt.u32 s9, $0xF7A;
	s5 =	simm.s32 @!p2 $0x0  }
0x1d: {  	s5 =	simm.s32 @p1 $0x1;
	p0 =	seq.s32 s7, s2  }
0x1e: {  	s7 =	smul.u32 @!p0 $0xF7A, s2;
	p2 =	seq.s32 @!p0 s5, $0x0  }
0x1f: {  	s9 =	smul.u32 $0xF7A, s1;
	s8 =	simm.s32 @!p0 $0x1BF5;
	p2 =	por !p2, p0  }
0x20: {  	[sflag:s8] =	ssyncset.s32 @!p0 $0xFFFFF086;
	s6 =	sadd.s32 @!p0 s3, s7;
	s7 =	simm.s32 @!p0 $0x108  }
0x21: {  	s3 =	sadd.s32 s3, s9;
	s6 =	sadd.s32 @!p0 $0x88, s6;
	s7 =	simm.s32 @p2 $0x1082  }
0x22: {  	[simem:s7], [sflag:s8] =	dma.local @!p0 [hbm:s6], $0xF7A  }
0x23: {  	s9 =	sor.u32 $0xD0000000, s2;
	s6 =	simm.s32 $0x108;
	_ =	swait.ge @!p0 [sflag:s8], $0x0  }
0x24: {  	s3 =	sadd.s32 $0x88, s3;
	s6 =	simm.s32 @!p1 $0x1082;
	[sflag:s4] =	ssyncset.s32 $0xFFFFF086  }
0x25: {  	[simem:s6], [sflag:s4] =	dma.local [hbm:s3], $0xF7A  }
0x26: {  	[smem:$0x3F8B] =	sst s1;
	(tag) =	ssettag s2;
	_ =	strace s9  }
0x27: {  	s1 =	sld [smem:$0x3F9B]  }
0x28: {  	s2 =	sld [smem:$0x3F9C]  }
0x29: {  	s4 =	sld [smem:$0x3F9E]  }
0x2a: {  	p0 =	seq.s32 s5, $0x0;
	s5 =	sld [smem:$0x3F9F]  }
0x2b: {  	s6 =	sld [smem:$0x3FA0]  }
0x2c: {  	s7 =	sld [smem:$0x3FA1]  }
0x2d: {  	s3 =	simm.s32 $0x108;
	s8 =	sld [smem:$0x3FA2]  }
0x2e: {  	s3 =	simm.s32 @!p0 $0x1082;
	s9 =	sld [smem:$0x3FA3]  }
0x2f: {  	lr =	sadd.s32 s0, s3;
	s0 =	sld [smem:$0x3F9A]  }
0x30: {  	s3 =	sld [smem:$0x3F9D]  }
0x31: {  	[smem:$0x3FA6] =	sst s10  }
0x32: {  	s10 =	sld [smem:$0x3FA4];
	_ =	sdelay $0x3  }
0x33: {  	p0 =	seq.s32 s10, $0x1;
	s10 =	sld [smem:$0x3FA6];
	_ =	sdelay $0x3  }
0x34: {  	[smem:$0x3FA6] =	sst s10  }
0x35: {  	s10 =	sld [smem:$0x3FA5];
	_ =	sdelay $0x3  }
0x36: {  	p1 =	seq.s32 s10, $0x1;
	s10 =	sld [smem:$0x3FA6];
	_ =	sdelay $0x3  }
0x37: {  	[smem:$0x3FA6] =	sst s10  }
0x38: {  	s10 =	sld [smem:$0x3FA7]  }
0x39: {  	_ = 	snop;
	(pc) =	sbr.ind lr, $3  }
0x3a: {  	_ = 	snop  }
0x3b: {  	_ = 	snop  }
0x3c: {  	p2 =	seq.s32 s10, $0x1;
	s10 =	sld [smem:$0x3FA6]  }
0x3d: {  	_ =	shalt  }
0x3e: {  	_ =	shalt  }
0x3f: {  	_ =	shalt  }
0x40: {  	_ =	shalt  }
0x41: {  	_ =	shalt  }
0x42: {  	_ =	shalt  }
0x43: {  	_ =	shalt  }
0x44: {  	_ =	shalt  }
0x45: {  	_ =	shalt  }
0x46: {  	_ =	shalt  }
0x47: {  	_ =	shalt  }
0x48: {  	_ =	shalt  }
0x49: {  	_ =	shalt  }
0x4a: {  	_ =	shalt  }
0x4b: {  	_ =	shalt  }
0x4c: {  	_ =	shalt  }
0x4d: {  	_ =	shalt  }
0x4e: {  	_ =	shalt  }
0x4f: {  	_ =	shalt  }
0x50: {  	_ =	shalt  }
0x51: {  	_ =	shalt  }
0x52: {  	_ =	shalt  }
0x53: {  	_ =	shalt  }
0x54: {  	_ =	shalt  }
0x55: {  	_ =	shalt  }
0x56: {  	_ =	shalt  }
0x57: {  	_ =	shalt  }
0x58: {  	_ =	shalt  }
0x59: {  	_ =	shalt  }
0x5a: {  	_ =	shalt  }
0x5b: {  	_ =	shalt  }
0x5c: {  	_ =	shalt  }
0x5d: {  	_ =	shalt  }
0x5e: {  	_ =	shalt  }
0x5f: {  	_ =	shalt  }
0x60: {  	_ =	shalt  }
0x61: {  	_ =	shalt  }
0x62: {  	_ =	shalt  }
0x63: {  	_ =	shalt  }
0x64: {  	_ =	shalt  }
0x65: {  	_ =	shalt  }
0x66: {  	_ =	shalt  }
0x67: {  	_ =	shalt  }
0x68: {  	_ =	shalt  }
0x69: {  	_ =	shalt  }
0x6a: {  	_ =	shalt  }
0x6b: {  	_ =	shalt  }
0x6c: {  	_ =	shalt  }
0x6d: {  	_ =	shalt  }
0x6e: {  	_ =	shalt  }
0x6f: {  	_ =	shalt  }
0x70: {  	_ =	shalt  }
0x71: {  	_ =	shalt  }
0x72: {  	_ =	shalt  }
0x73: {  	_ =	shalt  }
0x74: {  	_ =	shalt  }
0x75: {  	_ =	shalt  }
0x76: {  	_ =	shalt  }
0x77: {  	_ =	shalt  }
0x78: {  	_ =	shalt  }
0x79: {  	_ =	shalt  }
0x7a: {  	_ =	shalt  }
0x7b: {  	_ =	shalt  }
0x7c: {  	_ =	shalt  }
0x7d: {  	_ =	shalt  }
0x7e: {  	_ =	shalt  }
0x7f: {  	_ =	shalt  }
0x80: {  	_ =	shalt  }
0x81: {  	_ =	shalt  }
0x82: {  	_ =	shalt  }
0x83: {  	_ =	shalt  }
0x84: {  	_ =	shalt  }
0x85: {  	_ =	shalt  }
0x86: {  	_ =	shalt  }
0x87: {  	_ =	shalt  }
.Lfunc_end0:
.L_simem_size_0:
called_computation.1_lowered:
.L_overlay_start_0:
0x88: {  	s2 =	sld [smem:$0x3FD9]  }
0x89: {  	s3 =	sld [smem:$0x3FFE];
	_ =	sdelay $0x1  }
0x8a: {  	s1 =	srdreg.scid  }
0x8b: {  	s0 =	sand.u32 $0x1, s1  }
0x8c: {  	s16 =	sshll.u32 s0, $0xA;
	s2 =	sadd.s32 s3, s2  }
0x8d: {  	s2 =	sadd.s32 s2, s16  }
0x8e: {  	[smem:$0x3FB2] =	sst s2  }
0x8f: {  	_ = 	snop  }
0x90: {  	(tm) =	ssettm $0x1  }
0x91: {  	s17 =	sld [smem:$0x3FFB];
	_ =	sdelay $0x3  }
0x92: {  	_ =	strace s17  }
0x93: {  	s2 =	sld [smem:$0x3FFC];
	_ =	sdelay $0x3  }
0x94: {  	_ =	strace s2  }
0x95: {  	s2 =	sld [smem:$0x3FFD];
	_ =	sdelay $0x3  }
0x96: {  	_ =	strace s2  }
0x97: {  	_ =	strace $0x8FFFFFFF  }
0x98: {  	s18 =	sld [smem:$0x3FDB];
	_ =	sdelay $0x1  }
0x99: {  	s19 =	simm.s32 $_scs_section_size  }
0x9a: {  	s4 =	simm.s32 $_size__tile_overlayer_lowered;
	s5 =	simm.s32 $_tile_overlayer_lowered  }
0x9b: {  	s22 =	simm.s32 $0x1BFF;
	s21 =	sshll.u32 s5, $0x1;
	s2 =	sadd.s32 s19, s18  }
0x9c: {  	s6 =	simm.s32 $0x0;
	s20 =	sshll.u32 s4, $0x1;
	s4 =	sadd.s32 s21, s2  }
0x9d: {  	[timem:s6], [sflag:s22] =	dma.local [hbm:s4], s20  }
0x9e: {  	_ =	swait.ge [sflag:s22], s20  }
0x9f: {  	s3 =	ssub.s32 $0x0, s20;
	[sflag:s22] =	ssyncset.done $0x0  }
0xa0: {  	[sflag:s22] =	ssyncadd.s32 s3;
	_ =	sdelay $0x1  }
0xa1: {  	s23 =	simm.s32 $0x1B8B  }
0xa2: {  	_ =	swait.ge [sflag:s23], $0x1  }
0xa3: {  	[sflag:s23] =	ssyncset.done $0x0  }
0xa4: {  	s25 =	simm.s32 $0x1B8E;
	s24 =	sld [smem:$0x3FFE];
	[sflag:s23] =	ssyncadd.s32 $0xFFFFFFFF  }
0xa5: {  	s26 =	simm.s32 $execute0_lowered;
	[smem:$0x3FD2] =	sst s25  }
0xa6: {  	s4 =	sshll.u32 s26, $0x1;
	_ =	strace $0x80000050;
	[dreg:$0x1] =	wrdreg $0xFFFFFFFF  }
0xa7: {  	s28 =	simm.s32 $_size_execute0_lowered;
	s2 =	sadd.s32 s2, s4;
	[dreg:$0x0] =	wrdreg $0x0  }
0xa8: {  	s4 =	sshll.u32 s28, $0x1;
	[dreg:$0x2] =	wrdreg s2  }
0xa9: {  	[dreg:$0x3] =	wrdreg s4  }
0xaa: {  	[dreg:$0x4] =	wrdreg $0xC0  }
0xab: {  	_ =	task [dreg:s6], $0x5FFFF  }
0xac: {  	[dreg:$0x1] =	wrdreg $0xFFFFFFFF  }
0xad: {  	[dreg:$0x0] =	wrdreg $0x60  }
0xae: {  	[dreg:$0x2] =	wrdreg s24  }
0xaf: {  	[dreg:$0x3] =	wrdreg $0x9  }
0xb0: {  	_ =	task.clear_ibuf [dreg:s6], $0x4FFFF;
	_ =	strace $0x90000050  }
0xb1: {  	s29 =	simm.s32 $0x9;
	_ =	strace $0x80000059  }
0xb2: {  	_ =	swait.ge [sflag:s29], $0x1  }
0xb3: {  	[sflag:s29] =	ssyncadd.s32 $0xFFFFFFFF  }
0xb4: {  	_ =	strace $0x90000059  }
0xb5: {  	_ =	sfence  }
0xb6: {  	s30 =	sld [smem:$0x0];
	_ =	sdelay $0x2  }
0xb7: {  	s31 =	sshll.u32 s1, $0xD;
	s1 =	sshrl.u32 s1, $0x2  }
0xb8: {  	s3 =	sand.u32 $0x4000, s31;
	s1 =	sadd.s32 s1, s30  }
0xb9: {  	s0 =	sor.u32 s3, s0;
	s1 =	sshll.u32 s1, $0x11  }
0xba: {  	s0 =	sor.u32 s1, s0  }
0xbb: {  	s0 =	sadd.s32 $0x8F2B, s0  }
0xbc: {  	[sflag:s0] =	ssyncadd.remote.s32 $0x1  }
0xbd: {  	_ =	sfence.sel $0xFFFF  }
0xbe: {  	[dreg:$0x0] =	wrdreg $0xFFFFFFFF;
	(pc) =	sbr.abs _section_cstart, $3  }
0xbf: {  	[dreg:$0x1] =	wrdreg $0xFFFFFFFF  }
0xc0: {  	_ =	task.clear_ibuf [dreg:s6], $0x2FFFF;
	_ =	strace $0x9FFFFFFF  }
0xc1: {  	(tm) =	ssettm $0x7FFFFFFF  }
tec
execute0_lowered:
.L_overlay_start_1:
0x0: {  	(tag) =	ssettag $0x1  }
0x1: {  	s3 =	rddreg [dreg:$0x0]  }
0x2: {  	s0 =	rddreg [dreg:$0x1];
	s1 =	simm.s32 $0x0;
	s2 =	srdreg.scid  }
0x3: {  	s31 =	simm.s32 $0x80;
	s9 =	simm.s32 $0x4;
	s10 =	simm.s32 $0x0  }
0x4: {  	[smem:$0x7FF] =	sst s1;
	s4 =	sand.u32 $0x1, s2;
	s5 =	sadd.s32 $0x5200, s3  }
0x5: {  	s2 =	stileid.u32;
	s29 =	sadd.s32 $0x2A200, s3;
	s3 =	sadd.s32 $0x25200, s3  }
0x6: {  	_ =	strace $0x80000051;
	s6 =	sshll.u32 s4, $0x4;
	[dreg:$0x2] =	wrdreg s5  }
0x7: {  	s4 =	ssub.s32 $0x2, s4;
	[dreg:$0x4] =	wrdreg s29;
	s28 =	sor.u32 s2, s6  }
0x8: {  	[dreg:$0x3] =	wrdreg s31;
	s7 =	sshrl.u32 s4, $0x1;
	s8 =	smul.u32 $0x280, s28  }
0x9: {  	s30 =	ssub.s32 s4, s7;
	s4 =	smul.u32 $0x28, s28;
	s7 =	simm.s32 $0x1  }
0xa: {  	s6 =	smax.u32 s30, $0x1;
	s5 =	sadd.s32 s3, s8;
	s8 =	simm.s32 $0x5  }
.LBB2_1:
0xb: {  	_ =	strace $0x80000052;
	s11 =	simm.s32 $0x1;
	p0 =	por $0x0, $0x0  }
0xc: {  	[tilespmem:s1], [sflag:$0x1] =	stream.linear.gather [hbm4b:s5+s1], $0x80, $0x200038;
	[tilespmem:$0x8100] =	vst v63  }
0xd: {  	s11 =	simm.s32 @p0 $0x0  }
0xe: {  	p4 =	por $0x1, $0x1;
	s20 =	sand.u32 $0x1, s1;
	p1 =	sne.s32 s11, $0x0  }
0xf: {  	p2 =	por $0x1, $0x1;
	s18 =	simm.s32 $0x26;
	p0 =	por !p4, !p1  }
0x10: {  	s16 =	simm.s32 $0x0;
	p5 =	por $0x0, $0x0;
	p0 =	por !p0, !p0  }
0x11: {  	s23 =	sadd.s32 $0x0, s4;
	s30 =	sadd.s32 $0x1, s20;
	s12 =	sadd.s32 @p0 s4, s11  }
0x12: {  	_ =	strace $0x90000052;
	s13 =	sand.u32 @p0 $0x1, s7;
	s12 =	sshll.u32 @p0 s12, $0x4  }
0x13: {  	_ =	strace @p0 $0x80000053;
	s15 =	simm.s32 @p0 $0x0;
	s12 =	sand.u32 @p0 $0x1FFFFFF0, s12  }
0x14: {  	s14 =	sshll.u32 @p0 s13, $0x7;
	s13 =	sadd.s32 @p0 $0x1, s13;
	s12 =	sadd.s32 @p0 s3, s12  }
0x15: {  	[tilespmem:s14], [sflag:s13] =	stream.linear.gather @p0 [hbm4b:s12+s15], $0x80, $0x200038;
	[tilespmem:$0x8100] =	vst v63  }
0x16: {  	p3 =	por p2, p2;
	s21 =	sshll.u32 s20, $0xE;
	_ =	strace @p0 $0x90000053  }
0x17: {  	s16 =	sand.u32 $0x80, s16;
	p2 =	por p5, p5;
	_ =	strace $0x80000054  }
0x18: {  	s17 =	sadd.s32 $0x1, s11;
	s22 =	sor.u32 $0x100, s21;
	_ =	swait.ge [sflag:s30], $0x80  }
0x19: {  	s21 =	simm.s32 $0x1;
	p6 =	por p1, p1;
	[sflag:s30] =	ssyncset.done $0x0  }
0x1a: {  	p1 =	por p3, p3;
	p4 =	por $0x1, $0x1;
	[sflag:s30] =	ssyncadd.s32 $0xFFFFFF80  }
0x1b: {  	s12 =	simm.s32 $0x27;
	s15 =	sand.u32 @!p3 $0x1, s1;
	_ =	strace $0x90000054  }
0x1c: {  	s13 =	simm.s32 $0x1;
	p3 =	seq.s32 s17, $0x28;
	_ =	strace $0x80000055  }
0x1d: {  	s13 =	simm.s32 @!p0 $0x0;
	s17 =	simm.s32 @p3 $0x0;
	s19 =	rddreg [dreg:$0x3]  }
0x1e: {  	p0 =	por $0x0, $0x0;
	s14 =	sadd.s32 $0x1, s13;
	s31 =	rddreg [dreg:$0x2]  }
0x1f: {  	[tilespmem:s22], [sflag:$0x5] =	stream.indirect.gather [hbm4b:s31+s19], $0x80, s16, s19, $0x2000b8;
	[tilespmem:$0x8100] =	vst v63  }
0x20: {  	p3 =	sne.s32 s11, s17;
	s21 =	simm.s32 @!p0 $0x0;
	_ =	swait.ge [sflag:s8], $0x4000  }
0x21: {  	p5 =	por !p4, !p3;
	p4 =	por $0x0, $0x0;
	[sflag:s8] =	ssyncset.done $0x0  }
0x22: {  	s13 =	simm.s32 $0x0;
	p6 =	por p4, p6;
	[sflag:s8] =	ssyncadd.s32 $0xFFFFC000  }
0x23: {  	s16 =	simm.s32 $0x0;
	s19 =	simm.s32 $0x0;
	_ =	strace $0x90000055  }
.LBB2_2:
0x24: {  	_ =	strace @p6 $0x80000056;
	s13 =	sadd.s32 s21, s13;
	s21 =	smov.u32 s12  }
0x25: {  	s12 =	smov.u32 s18;
	s18 =	sadd.s32 $0xFFFFFFFF, s18;
	p0 =	por p3, p3  }
0x26: {  	s28 =	sshll.u32 @p6 s23, $0xB;
	s20 =	sadd.s32 @p6 $0x3, s20;
	s24 =	simm.s32 @!p0 $0x0  }
0x27: {  	s25 =	rddreg [dreg:$0x4];
	s28 =	sand.u32 @p6 $0x1FFFF800, s28;
	s24 =	simm.s32 @p0 $0x1  }
0x28: {  	s25 =	sadd.s32 @p6 s25, s28;
	s28 =	simm.s32 @p6 $0x0;
	p0 =	sne.s32 s18, $0x0  }
0x29: {  	[hbm4b:s25+s28] =	stream.linear.scatter @p6 [tilespmem:s22], [sflag:s20], $0x4000, $0x200038;
	[tilespmem:$0x8100] =	vst v63  }
0x2a: {  	s20 =	sadd.s32 @!p1 $0x3, s15;
	s15 =	simm.s32 @!p0 $0x0  }
0x2b: {  	s26 =	simm.s32 $0x1;
	[smem:$0x7FC] =	sst s24;
	s15 =	simm.s32 @p0 $0x1  }
0x2c: {  	s26 =	simm.s32 @!p6 $0x0;
	_ =	strace @p6 $0x90000056;
	[smem:$0x7FD] =	sst s15  }
0x2d: {  	p5 =	por !p5, !p5;
	s19 =	sadd.s32 s26, s19;
	_ =	strace @!p1 $0x80000057  }
0x2e: {  	s24 =	sand.u32 @!p2 $0x1, s13;
	s22 =	sand.u32 @p5 $0x1, s14;
	_ =	swait.ge @!p1 [sflag:s20], $0x4000  }
0x2f: {  	s15 =	smov.u32 s24;
	s24 =	sadd.s32 @p5 s4, s17;
	[sflag:s20] =	ssyncset.done @!p1 $0x0  }
0x30: {  	s25 =	sshll.u32 @p5 s22, $0x7;
	s24 =	sshll.u32 @p5 s24, $0x4;
	[sflag:s20] =	ssyncadd.s32 @!p1 $0xFFFFC000  }
0x31: {  	s20 =	sadd.s32 @p5 $0x1, s22;
	s22 =	sand.u32 @p5 $0x1FFFFFF0, s24;
	_ =	strace @!p1 $0x90000057  }
0x32: {  	s24 =	simm.s32 @p5 $0x0;
	s22 =	sadd.s32 @p5 s3, s22;
	_ =	strace @p5 $0x80000053  }
0x33: {  	[tilespmem:s25], [sflag:s20] =	stream.linear.gather @p5 [hbm4b:s22+s24], $0x80, $0x200038;
	[tilespmem:$0x8100] =	vst v63  }
0x34: {  	s16 =	sadd.s32 s26, s16;
	s26 =	sand.u32 $0x1, s19;
	_ =	strace @p5 $0x90000053  }
0x35: {  	s24 =	sadd.s32 $0x1, s26;
	_ =	strace $0x80000054  }
0x36: {  	_ =	swait.ge [sflag:s24], $0x80  }
0x37: {  	[sflag:s24] =	ssyncset.done $0x0  }
0x38: {  	s20 =	simm.s32 $0x1;
	[sflag:s24] =	ssyncadd.s32 $0xFFFFFF80  }
0x39: {  	s20 =	simm.s32 @!p5 $0x0;
	_ =	strace $0x90000054  }
0x3a: {  	s14 =	sadd.s32 s20, s14;
	s20 =	sand.u32 $0x1, s16;
	_ =	strace $0x80000055  }
0x3b: {  	s29 =	sshll.u32 s19, $0x7;
	s25 =	sshll.u32 s20, $0xE;
	s26 =	rddreg [dreg:$0x3]  }
0x3c: {  	s29 =	sand.u32 $0x80, s29;
	s22 =	sor.u32 $0x100, s25;
	s30 =	rddreg [dreg:$0x2]  }
0x3d: {  	[tilespmem:s22], [sflag:$0x5] =	stream.indirect.gather [hbm4b:s30+s26], $0x80, s29, s26, $0x2000b8;
	[tilespmem:$0x8100] =	vst v63  }
0x3e: {  	_ =	swait.ge [sflag:s8], $0x4000  }
0x3f: {  	s31 =	sadd.s32 $0x1, s17;
	[sflag:s8] =	ssyncset.done $0x0  }
0x40: {  	s23 =	sadd.s32 s4, s11;
	s11 =	smov.u32 s17;
	[sflag:s8] =	ssyncadd.s32 $0xFFFFC000  }
0x41: {  	p3 =	seq.s32 s31, $0x28;
	s17 =	smov.u32 s31;
	_ =	strace $0x90000055  }
0x42: {  	s17 =	simm.s32 @p3 $0x0;
	s31 =	sld [smem:$0x7FD]  }
0x43: {  	p6 =	sne.s32 s12, $0x1;
	p0 =	sne.s32 s21, $0x28;
	p3 =	sne.s32 s11, s17  }
0x44: {  	p5 =	por !p6, !p3;
	p6 =	seq.s32 s21, $0x1;
	s21 =	simm.s32 $0x1  }
0x45: {  	s21 =	simm.s32 @!p0 $0x0;
	p0 =	seq.s32 s31, $0x1  }
.Ltmp0:
0x46: {  	s30 =	sld [smem:$0x7FC];
	(pc) =	sbr.rel @p0 .LBB2_2-.Ltmp0, $4  }
0x47: {  	_ = 	snop  }
0x48: {  	p4 =	seq.s32 s12, $0x28  }
0x49: {  	p1 =	por p2, p2;
	p2 =	por p4, p4;
	p4 =	seq.s32 s30, $0x1  }
0x4a: {  	p6 =	por p6, p4  }
0x4b: {  	_ =	strace @p6 $0x80000056;
	s23 =	sshll.u32 @p6 s23, $0xB  }
0x4c: {  	s18 =	rddreg [dreg:$0x4];
	s23 =	sand.u32 @p6 $0x1FFFF800, s23  }
0x4d: {  	s20 =	sadd.s32 @p6 $0x3, s20;
	s18 =	sadd.s32 @p6 s18, s23;
	s23 =	simm.s32 @p6 $0x0  }
0x4e: {  	[hbm4b:s18+s23] =	stream.linear.scatter @p6 [tilespmem:s22], [sflag:s20], $0x4000, $0x200038;
	[tilespmem:$0x8100] =	vst v63  }
0x4f: {  	p0 =	por !p5, !p5;
	_ =	strace @p6 $0x90000056  }
0x50: {  	s15 =	sadd.s32 @!p1 $0x3, s15;
	s17 =	sadd.s32 @p0 s4, s17;
	_ =	strace @!p1 $0x80000057  }
0x51: {  	s14 =	sand.u32 @p0 $0x1, s14;
	s17 =	sshll.u32 @p0 s17, $0x4;
	_ =	swait.ge @!p1 [sflag:s15], $0x4000  }
0x52: {  	s18 =	simm.s32 $0x1;
	s20 =	sshll.u32 @p0 s14, $0x7;
	[sflag:s15] =	ssyncset.done @!p1 $0x0  }
0x53: {  	s14 =	sadd.s32 @p0 $0x1, s14;
	s18 =	simm.s32 @!p6 $0x0;
	[sflag:s15] =	ssyncadd.s32 @!p1 $0xFFFFC000  }
0x54: {  	s19 =	sadd.s32 s18, s19;
	s15 =	sand.u32 @p0 $0x1FFFFFF0, s17;
	_ =	strace @!p1 $0x90000057  }
0x55: {  	s17 =	simm.s32 @p0 $0x0;
	s15 =	sadd.s32 @p0 s3, s15;
	_ =	strace @p0 $0x80000053  }
0x56: {  	[tilespmem:s20], [sflag:s14] =	stream.linear.gather @p0 [hbm4b:s15+s17], $0x80, $0x200038;
	[tilespmem:$0x8100] =	vst v63  }
0x57: {  	s25 =	sand.u32 $0x1, s19;
	_ =	strace @p0 $0x90000053  }
0x58: {  	s14 =	sadd.s32 $0x1, s25;
	_ =	strace $0x80000054  }
0x59: {  	_ =	swait.ge [sflag:s14], $0x80  }
0x5a: {  	[sflag:s14] =	ssyncset.done $0x0  }
0x5b: {  	[sflag:s14] =	ssyncadd.s32 $0xFFFFFF80  }
0x5c: {  	s26 =	sadd.s32 s18, s16;
	_ =	strace $0x90000054  }
0x5d: {  	s14 =	sand.u32 $0x1, s26;
	_ =	strace $0x80000055  }
0x5e: {  	s30 =	sshll.u32 s19, $0x7;
	s31 =	sshll.u32 s14, $0xE;
	s28 =	rddreg [dreg:$0x3]  }
0x5f: {  	s17 =	sand.u32 $0x80, s30;
	s18 =	sor.u32 $0x100, s31;
	s29 =	rddreg [dreg:$0x2]  }
0x60: {  	[tilespmem:s18], [sflag:$0x5] =	stream.indirect.gather [hbm4b:s29+s28], $0x80, s17, s28, $0x2000b8;
	[tilespmem:$0x8100] =	vst v63  }
0x61: {  	_ =	swait.ge [sflag:s8], $0x4000  }
0x62: {  	[sflag:s8] =	ssyncset.done $0x0  }
0x63: {  	p5 =	por p3, p3;
	p6 =	seq.s32 s12, $0x1;
	[sflag:s8] =	ssyncadd.s32 $0xFFFFC000  }
0x64: {  	s11 =	sadd.s32 s4, s11;
	p0 =	por p6, p5;
	_ =	strace $0x90000055  }
0x65: {  	s11 =	sshll.u32 @p0 s11, $0xB;
	_ =	strace @p0 $0x80000056  }
0x66: {  	s13 =	sadd.s32 s21, s13;
	s11 =	sand.u32 @p0 $0x1FFFF800, s11;
	s12 =	rddreg [dreg:$0x4]  }
0x67: {  	s14 =	sadd.s32 @p0 $0x3, s14;
	s11 =	sadd.s32 @p0 s12, s11;
	s12 =	simm.s32 @p0 $0x0  }
0x68: {  	[hbm4b:s11+s12] =	stream.linear.scatter @p0 [tilespmem:s18], [sflag:s14], $0x4000, $0x200038;
	[tilespmem:$0x8100] =	vst v63  }
0x69: {  	p1 =	por p2, p2;
	s11 =	sand.u32 @!p2 $0x1, s13;
	_ =	strace @p0 $0x90000056  }
0x6a: {  	s11 =	sadd.s32 @!p1 $0x3, s11;
	_ =	strace @!p1 $0x80000057  }
0x6b: {  	_ =	swait.ge @!p1 [sflag:s11], $0x4000  }
0x6c: {  	[sflag:s11] =	ssyncset.done @!p1 $0x0  }
0x6d: {  	s10 =	sadd.s32 $0x1, s10;
	[sflag:s11] =	ssyncadd.s32 @!p1 $0xFFFFC000  }
0x6e: {  	p0 =	sne.s32 s10, s6;
	_ =	strace @!p1 $0x90000057  }
.Ltmp1:
0x6f: {  	_ =	strace $0x80000058;
	(pc) =	sbr.rel @p0 .LBB2_1-.Ltmp1, $4  }
0x70: {  	_ =	swait.ge [sflag:s9], $0x4000  }
0x71: {  	[sflag:s9] =	ssyncset.done $0x0  }
0x72: {  	[sflag:s9] =	ssyncadd.s32 $0xFFFFC000  }
0x73: {  	_ =	strace $0x90000058  }
0x74: {  	_ =	sfence.sel $0x180000  }
0x75: {  	[bflag:$0x0] =	sbarrier.arrive $0xFFFF  }
0x76: {  	p0 =	sne.s32 s2, $0x0;
	_ =	strace $0x90000051  }
0x77: {  	s0 =	sadd.s32 @!p0 $0x100000, s0;
	[bflag:$0x2] =	sbarrier.arrive $0xFFFF  }
0x78: {  	[sflag:s0] =	ssyncadd.tile.s32 @!p0 $0x1;
	_ =	shalt  }
.Lfunc_end2:
_tile_overlayer_lowered:
.L_overlay_start_2:
0x79: {  	(tag) =	ssettag $0x2  }
0x7a: {  	s0 =	rddreg [dreg:$0x0];
	s2 =	stileid.u32  }
0x7b: {  	s1 =	rddreg [dreg:$0x1];
	p0 =	sne.s32 s2, $0x0  }
0x7c: {  	s3 =	rddreg [dreg:$0x2];
	[bflag:$0x3] =	sbarrier.arrive $0xFFFF;
	s2 =	simm.s32 @!p0 $0x1C01  }
0x7d: {  	[timem:s3], [sflag:s2] =	dma.local @!p0 [hbm:s0], s1  }
0x7e: {  	s0 =	simm.s32 @!p0 $0x1  }
0x7f: {  	_ =	swait.ge @!p0 [sflag:s0], s1  }
0x80: {  	s1 =	ssub.s32 @!p0 $0x0, s1;
	[sflag:s0] =	ssyncset.done @!p0 $0x0  }
0x81: {  	[sflag:s0] =	ssyncadd.s32 @!p0 s1  }
0x82: {  	[bflag:$0x3] =	sbarrier.arrive $0xFFFF  }
0x83: {  	_ =	shalt  }

// kernel: kernel.9.cloned.1.call-start
scs
__scs_entry_jumppad:
0x0: {  	(pc) =	sbr.rel $0x88, $3  }
0x1: {  	(tag) =	ssettag $0x0;
	lr =	simm.s32 $0x1  }
0x2: {  	[smem:$0x3F8B] =	sst lr;
	_ =	strace $0xD0000000  }
0x3: {  	_ = 	snop  }
0x4: {  	_ = 	snop  }
0x5: {  	_ = 	snop  }
0x6: {  	_ = 	snop  }
0x7: {  	_ = 	snop  }
__scs_overlays_trampoline_lowered:
0x8: {  	[smem:$0x3F9A] =	sst s0  }
0x9: {  	[smem:$0x3F9B] =	sst s1  }
0xa: {  	[smem:$0x3F9C] =	sst s2  }
0xb: {  	[smem:$0x3F9D] =	sst s3  }
0xc: {  	[smem:$0x3F9E] =	sst s4  }
0xd: {  	[smem:$0x3F9F] =	sst s5  }
0xe: {  	[smem:$0x3FA0] =	sst s6  }
0xf: {  	[smem:$0x3FA1] =	sst s7  }
0x10: {  	[smem:$0x3FA2] =	sst s8  }
0x11: {  	[smem:$0x3FA3] =	sst s9;
	s0 =	simm.s32 @!p0 $0x0  }
0x12: {  	s1 =	sld [smem:$0x3F89];
	s0 =	simm.s32 @p0 $0x1  }
0x13: {  	[smem:$0x3FA4] =	sst s0;
	s0 =	simm.s32 @!p1 $0x0  }
0x14: {  	s2 =	sld [smem:$0x3F88];
	s0 =	simm.s32 @p1 $0x1  }
0x15: {  	[smem:$0x3FA5] =	sst s0;
	s0 =	simm.s32 @!p2 $0x0  }
0x16: {  	s3 =	sld [smem:$0x3FDB];
	s0 =	simm.s32 @p2 $0x1  }
0x17: {  	s4 =	simm.s32 $0x1BF5;
	[smem:$0x3FA7] =	sst s0  }
0x18: {  	s0 =	sld [smem:$0x3F8A];
	_ =	swait.ge [sflag:s4], $0x0  }
0x19: {  	s7 =	sld [smem:$0x3F8B]  }
0x1a: {  	s8 =	sadd.s32 $0xFFFFE003, lr  }
0x1b: {  	s9 =	sadd.s32 $0xFFFFFEF7, lr;
	s5 =	simm.s32 $0xFFFFFFFF;
	p2 =	slt.u32 s8, $0xFFFFF086  }
0x1c: {  	p1 =	slt.u32 s9, $0xF7A;
	s5 =	simm.s32 @!p2 $0x0  }
0x1d: {  	s5 =	simm.s32 @p1 $0x1;
	p0 =	seq.s32 s7, s2  }
0x1e: {  	s7 =	smul.u32 @!p0 $0xF7A, s2;
	p2 =	seq.s32 @!p0 s5, $0x0  }
0x1f: {  	s9 =	smul.u32 $0xF7A, s1;
	s8 =	simm.s32 @!p0 $0x1BF5;
	p2 =	por !p2, p0  }
0x20: {  	[sflag:s8] =	ssyncset.s32 @!p0 $0xFFFFF086;
	s6 =	sadd.s32 @!p0 s3, s7;
	s7 =	simm.s32 @!p0 $0x108  }
0x21: {  	s3 =	sadd.s32 s3, s9;
	s6 =	sadd.s32 @!p0 $0x88, s6;
	s7 =	simm.s32 @p2 $0x1082  }
0x22: {  	[simem:s7], [sflag:s8] =	dma.local @!p0 [hbm:s6], $0xF7A  }
0x23: {  	s9 =	sor.u32 $0xD0000000, s2;
	s6 =	simm.s32 $0x108;
	_ =	swait.ge @!p0 [sflag:s8], $0x0  }
0x24: {  	s3 =	sadd.s32 $0x88, s3;
	s6 =	simm.s32 @!p1 $0x1082;
	[sflag:s4] =	ssyncset.s32 $0xFFFFF086  }
0x25: {  	[simem:s6], [sflag:s4] =	dma.local [hbm:s3], $0xF7A  }
0x26: {  	[smem:$0x3F8B] =	sst s1;
	(tag) =	ssettag s2;
	_ =	strace s9  }
0x27: {  	s1 =	sld [smem:$0x3F9B]  }
0x28: {  	s2 =	sld [smem:$0x3F9C]  }
0x29: {  	s4 =	sld [smem:$0x3F9E]  }
0x2a: {  	p0 =	seq.s32 s5, $0x0;
	s5 =	sld [smem:$0x3F9F]  }
0x2b: {  	s6 =	sld [smem:$0x3FA0]  }
0x2c: {  	s7 =	sld [smem:$0x3FA1]  }
0x2d: {  	s3 =	simm.s32 $0x108;
	s8 =	sld [smem:$0x3FA2]  }
0x2e: {  	s3 =	simm.s32 @!p0 $0x1082;
	s9 =	sld [smem:$0x3FA3]  }
0x2f: {  	lr =	sadd.s32 s0, s3;
	s0 =	sld [smem:$0x3F9A]  }
0x30: {  	s3 =	sld [smem:$0x3F9D]  }
0x31: {  	[smem:$0x3FA6] =	sst s10  }
0x32: {  	s10 =	sld [smem:$0x3FA4];
	_ =	sdelay $0x3  }
0x33: {  	p0 =	seq.s32 s10, $0x1;
	s10 =	sld [smem:$0x3FA6];
	_ =	sdelay $0x3  }
0x34: {  	[smem:$0x3FA6] =	sst s10  }
0x35: {  	s10 =	sld [smem:$0x3FA5];
	_ =	sdelay $0x3  }
0x36: {  	p1 =	seq.s32 s10, $0x1;
	s10 =	sld [smem:$0x3FA6];
	_ =	sdelay $0x3  }
0x37: {  	[smem:$0x3FA6] =	sst s10  }
0x38: {  	s10 =	sld [smem:$0x3FA7]  }
0x39: {  	_ = 	snop;
	(pc) =	sbr.ind lr, $3  }
0x3a: {  	_ = 	snop  }
0x3b: {  	_ = 	snop  }
0x3c: {  	p2 =	seq.s32 s10, $0x1;
	s10 =	sld [smem:$0x3FA6]  }
0x3d: {  	_ =	shalt  }
0x3e: {  	_ =	shalt  }
0x3f: {  	_ =	shalt  }
0x40: {  	_ =	shalt  }
0x41: {  	_ =	shalt  }
0x42: {  	_ =	shalt  }
0x43: {  	_ =	shalt  }
0x44: {  	_ =	shalt  }
0x45: {  	_ =	shalt  }
0x46: {  	_ =	shalt  }
0x47: {  	_ =	shalt  }
0x48: {  	_ =	shalt  }
0x49: {  	_ =	shalt  }
0x4a: {  	_ =	shalt  }
0x4b: {  	_ =	shalt  }
0x4c: {  	_ =	shalt  }
0x4d: {  	_ =	shalt  }
0x4e: {  	_ =	shalt  }
0x4f: {  	_ =	shalt  }
0x50: {  	_ =	shalt  }
0x51: {  	_ =	shalt  }
0x52: {  	_ =	shalt  }
0x53: {  	_ =	shalt  }
0x54: {  	_ =	shalt  }
0x55: {  	_ =	shalt  }
0x56: {  	_ =	shalt  }
0x57: {  	_ =	shalt  }
0x58: {  	_ =	shalt  }
0x59: {  	_ =	shalt  }
0x5a: {  	_ =	shalt  }
0x5b: {  	_ =	shalt  }
0x5c: {  	_ =	shalt  }
0x5d: {  	_ =	shalt  }
0x5e: {  	_ =	shalt  }
0x5f: {  	_ =	shalt  }
0x60: {  	_ =	shalt  }
0x61: {  	_ =	shalt  }
0x62: {  	_ =	shalt  }
0x63: {  	_ =	shalt  }
0x64: {  	_ =	shalt  }
0x65: {  	_ =	shalt  }
0x66: {  	_ =	shalt  }
0x67: {  	_ =	shalt  }
0x68: {  	_ =	shalt  }
0x69: {  	_ =	shalt  }
0x6a: {  	_ =	shalt  }
0x6b: {  	_ =	shalt  }
0x6c: {  	_ =	shalt  }
0x6d: {  	_ =	shalt  }
0x6e: {  	_ =	shalt  }
0x6f: {  	_ =	shalt  }
0x70: {  	_ =	shalt  }
0x71: {  	_ =	shalt  }
0x72: {  	_ =	shalt  }
0x73: {  	_ =	shalt  }
0x74: {  	_ =	shalt  }
0x75: {  	_ =	shalt  }
0x76: {  	_ =	shalt  }
0x77: {  	_ =	shalt  }
0x78: {  	_ =	shalt  }
0x79: {  	_ =	shalt  }
0x7a: {  	_ =	shalt  }
0x7b: {  	_ =	shalt  }
0x7c: {  	_ =	shalt  }
0x7d: {  	_ =	shalt  }
0x7e: {  	_ =	shalt  }
0x7f: {  	_ =	shalt  }
0x80: {  	_ =	shalt  }
0x81: {  	_ =	shalt  }
0x82: {  	_ =	shalt  }
0x83: {  	_ =	shalt  }
0x84: {  	_ =	shalt  }
0x85: {  	_ =	shalt  }
0x86: {  	_ =	shalt  }
0x87: {  	_ =	shalt  }
.Lfunc_end0:
.L_simem_size_0:
called_computation_lowered:
.L_overlay_start_0:
0x88: {  	s2 =	sld [smem:$0x3FD9]  }
0x89: {  	s3 =	sld [smem:$0x3FFE];
	_ =	sdelay $0x1  }
0x8a: {  	s1 =	srdreg.scid  }
0x8b: {  	s0 =	sand.u32 $0x1, s1  }
0x8c: {  	s16 =	sshll.u32 s0, $0xA;
	s2 =	sadd.s32 s3, s2  }
0x8d: {  	s2 =	sadd.s32 s2, s16  }
0x8e: {  	[smem:$0x3FB2] =	sst s2  }
0x8f: {  	_ = 	snop  }
0x90: {  	(tm) =	ssettm $0x1  }
0x91: {  	s17 =	sld [smem:$0x3FFB];
	_ =	sdelay $0x3  }
0x92: {  	_ =	strace s17  }
0x93: {  	s2 =	sld [smem:$0x3FFC];
	_ =	sdelay $0x3  }
0x94: {  	_ =	strace s2  }
0x95: {  	s2 =	sld [smem:$0x3FFD];
	_ =	sdelay $0x3  }
0x96: {  	_ =	strace s2  }
0x97: {  	_ =	strace $0x8FFFFFFF  }
0x98: {  	s18 =	sld [smem:$0x3FDB];
	_ =	sdelay $0x1  }
0x99: {  	s19 =	simm.s32 $_scs_section_size  }
0x9a: {  	s4 =	simm.s32 $_size__tile_overlayer_lowered;
	s5 =	simm.s32 $_tile_overlayer_lowered  }
0x9b: {  	s22 =	simm.s32 $0x1BFF;
	s21 =	sshll.u32 s5, $0x1;
	s2 =	sadd.s32 s19, s18  }
0x9c: {  	s6 =	simm.s32 $0x0;
	s20 =	sshll.u32 s4, $0x1;
	s4 =	sadd.s32 s21, s2  }
0x9d: {  	[timem:s6], [sflag:s22] =	dma.local [hbm:s4], s20  }
0x9e: {  	_ =	swait.ge [sflag:s22], s20  }
0x9f: {  	s3 =	ssub.s32 $0x0, s20;
	[sflag:s22] =	ssyncset.done $0x0  }
0xa0: {  	[sflag:s22] =	ssyncadd.s32 s3;
	_ =	sdelay $0x1  }
0xa1: {  	s23 =	simm.s32 $0x1B8B  }
0xa2: {  	_ =	swait.ge [sflag:s23], $0x1  }
0xa3: {  	[sflag:s23] =	ssyncset.done $0x0  }
0xa4: {  	s25 =	simm.s32 $0x1B8E;
	s24 =	sld [smem:$0x3FFE];
	[sflag:s23] =	ssyncadd.s32 $0xFFFFFFFF  }
0xa5: {  	s26 =	simm.s32 $execute0_lowered;
	[smem:$0x3FD2] =	sst s25  }
0xa6: {  	s4 =	sshll.u32 s26, $0x1;
	_ =	strace $0x80000046;
	[dreg:$0x1] =	wrdreg $0xFFFFFFFF  }
0xa7: {  	s28 =	simm.s32 $_size_execute0_lowered;
	s2 =	sadd.s32 s2, s4;
	[dreg:$0x0] =	wrdreg $0x0  }
0xa8: {  	s4 =	sshll.u32 s28, $0x1;
	[dreg:$0x2] =	wrdreg s2  }
0xa9: {  	[dreg:$0x3] =	wrdreg s4  }
0xaa: {  	[dreg:$0x4] =	wrdreg $0xC0  }
0xab: {  	_ =	task [dreg:s6], $0x5FFFF  }
0xac: {  	[dreg:$0x1] =	wrdreg $0xFFFFFFFF  }
0xad: {  	[dreg:$0x0] =	wrdreg $0x60  }
0xae: {  	[dreg:$0x2] =	wrdreg s24  }
0xaf: {  	[dreg:$0x3] =	wrdreg $0x9  }
0xb0: {  	_ =	task.clear_ibuf [dreg:s6], $0x4FFFF;
	_ =	strace $0x90000046  }
0xb1: {  	s29 =	simm.s32 $0x9;
	_ =	strace $0x8000004F  }
0xb2: {  	_ =	swait.ge [sflag:s29], $0x1  }
0xb3: {  	[sflag:s29] =	ssyncadd.s32 $0xFFFFFFFF  }
0xb4: {  	_ =	strace $0x9000004F  }
0xb5: {  	_ =	sfence  }
0xb6: {  	s30 =	sld [smem:$0x0];
	_ =	sdelay $0x2  }
0xb7: {  	s31 =	sshll.u32 s1, $0xD;
	s1 =	sshrl.u32 s1, $0x2  }
0xb8: {  	s3 =	sand.u32 $0x4000, s31;
	s1 =	sadd.s32 s1, s30  }
0xb9: {  	s0 =	sor.u32 s3, s0;
	s1 =	sshll.u32 s1, $0x11  }
0xba: {  	s0 =	sor.u32 s1, s0  }
0xbb: {  	s0 =	sadd.s32 $0x8F2B, s0  }
0xbc: {  	[sflag:s0] =	ssyncadd.remote.s32 $0x1  }
0xbd: {  	_ =	sfence.sel $0xFFFF  }
0xbe: {  	[dreg:$0x0] =	wrdreg $0xFFFFFFFF;
	(pc) =	sbr.abs _section_cstart, $3  }
0xbf: {  	[dreg:$0x1] =	wrdreg $0xFFFFFFFF  }
0xc0: {  	_ =	task.clear_ibuf [dreg:s6], $0x2FFFF;
	_ =	strace $0x9FFFFFFF  }
0xc1: {  	(tm) =	ssettm $0x7FFFFFFF  }
tec
execute0_lowered:
.L_overlay_start_1:
0x0: {  	(tag) =	ssettag $0x1  }
0x1: {  	s3 =	rddreg [dreg:$0x0]  }
0x2: {  	s0 =	rddreg [dreg:$0x1];
	s1 =	simm.s32 $0x0;
	s2 =	srdreg.scid  }
0x3: {  	s31 =	simm.s32 $0x80;
	s9 =	simm.s32 $0x4;
	s10 =	simm.s32 $0x0  }
0x4: {  	[smem:$0x7FF] =	sst s1;
	s4 =	sand.u32 $0x1, s2;
	s5 =	sadd.s32 $0x5200, s3  }
0x5: {  	s2 =	stileid.u32;
	s29 =	sadd.s32 $0x2A200, s3;
	s3 =	sadd.s32 $0x25200, s3  }
0x6: {  	_ =	strace $0x80000047;
	s6 =	sshll.u32 s4, $0x4;
	[dreg:$0x2] =	wrdreg s5  }
0x7: {  	s4 =	ssub.s32 $0x2, s4;
	[dreg:$0x4] =	wrdreg s29;
	s28 =	sor.u32 s2, s6  }
0x8: {  	[dreg:$0x3] =	wrdreg s31;
	s7 =	sshrl.u32 s4, $0x1;
	s8 =	smul.u32 $0x280, s28  }
0x9: {  	s30 =	ssub.s32 s4, s7;
	s4 =	smul.u32 $0x28, s28;
	s7 =	simm.s32 $0x1  }
0xa: {  	s6 =	smax.u32 s30, $0x1;
	s5 =	sadd.s32 s3, s8;
	s8 =	simm.s32 $0x5  }
.LBB2_1:
0xb: {  	_ =	strace $0x80000048;
	s11 =	simm.s32 $0x1;
	p0 =	por $0x0, $0x0  }
0xc: {  	[tilespmem:s1], [sflag:$0x1] =	stream.linear.gather [hbm4b:s5+s1], $0x80, $0x200038;
	[tilespmem:$0x8100] =	vst v63  }
0xd: {  	s11 =	simm.s32 @p0 $0x0  }
0xe: {  	p4 =	por $0x1, $0x1;
	s20 =	sand.u32 $0x1, s1;
	p1 =	sne.s32 s11, $0x0  }
0xf: {  	p2 =	por $0x1, $0x1;
	s18 =	simm.s32 $0x26;
	p0 =	por !p4, !p1  }
0x10: {  	s16 =	simm.s32 $0x0;
	p5 =	por $0x0, $0x0;
	p0 =	por !p0, !p0  }
0x11: {  	s23 =	sadd.s32 $0x0, s4;
	s30 =	sadd.s32 $0x1, s20;
	s12 =	sadd.s32 @p0 s4, s11  }
0x12: {  	_ =	strace $0x90000048;
	s13 =	sand.u32 @p0 $0x1, s7;
	s12 =	sshll.u32 @p0 s12, $0x4  }
0x13: {  	_ =	strace @p0 $0x80000049;
	s15 =	simm.s32 @p0 $0x0;
	s12 =	sand.u32 @p0 $0x1FFFFFF0, s12  }
0x14: {  	s14 =	sshll.u32 @p0 s13, $0x7;
	s13 =	sadd.s32 @p0 $0x1, s13;
	s12 =	sadd.s32 @p0 s3, s12  }
0x15: {  	[tilespmem:s14], [sflag:s13] =	stream.linear.gather @p0 [hbm4b:s12+s15], $0x80, $0x200038;
	[tilespmem:$0x8100] =	vst v63  }
0x16: {  	p3 =	por p2, p2;
	s21 =	sshll.u32 s20, $0xE;
	_ =	strace @p0 $0x90000049  }
0x17: {  	s16 =	sand.u32 $0x80, s16;
	p2 =	por p5, p5;
	_ =	strace $0x8000004A  }
0x18: {  	s17 =	sadd.s32 $0x1, s11;
	s22 =	sor.u32 $0x100, s21;
	_ =	swait.ge [sflag:s30], $0x80  }
0x19: {  	s21 =	simm.s32 $0x1;
	p6 =	por p1, p1;
	[sflag:s30] =	ssyncset.done $0x0  }
0x1a: {  	p1 =	por p3, p3;
	p4 =	por $0x1, $0x1;
	[sflag:s30] =	ssyncadd.s32 $0xFFFFFF80  }
0x1b: {  	s12 =	simm.s32 $0x27;
	s15 =	sand.u32 @!p3 $0x1, s1;
	_ =	strace $0x9000004A  }
0x1c: {  	s13 =	simm.s32 $0x1;
	p3 =	seq.s32 s17, $0x28;
	_ =	strace $0x8000004B  }
0x1d: {  	s13 =	simm.s32 @!p0 $0x0;
	s17 =	simm.s32 @p3 $0x0;
	s19 =	rddreg [dreg:$0x3]  }
0x1e: {  	p0 =	por $0x0, $0x0;
	s14 =	sadd.s32 $0x1, s13;
	s31 =	rddreg [dreg:$0x2]  }
0x1f: {  	[tilespmem:s22], [sflag:$0x5] =	stream.indirect.gather [hbm4b:s31+s19], $0x80, s16, s19, $0x2000b8;
	[tilespmem:$0x8100] =	vst v63  }
0x20: {  	p3 =	sne.s32 s11, s17;
	s21 =	simm.s32 @!p0 $0x0;
	_ =	swait.ge [sflag:s8], $0x4000  }
0x21: {  	p5 =	por !p4, !p3;
	p4 =	por $0x0, $0x0;
	[sflag:s8] =	ssyncset.done $0x0  }
0x22: {  	s13 =	simm.s32 $0x0;
	p6 =	por p4, p6;
	[sflag:s8] =	ssyncadd.s32 $0xFFFFC000  }
0x23: {  	s16 =	simm.s32 $0x0;
	s19 =	simm.s32 $0x0;
	_ =	strace $0x9000004B  }
.LBB2_2:
0x24: {  	_ =	strace @p6 $0x8000004C;
	s13 =	sadd.s32 s21, s13;
	s21 =	smov.u32 s12  }
0x25: {  	s12 =	smov.u32 s18;
	s18 =	sadd.s32 $0xFFFFFFFF, s18;
	p0 =	por p3, p3  }
0x26: {  	s28 =	sshll.u32 @p6 s23, $0xB;
	s20 =	sadd.s32 @p6 $0x3, s20;
	s24 =	simm.s32 @!p0 $0x0  }
0x27: {  	s25 =	rddreg [dreg:$0x4];
	s28 =	sand.u32 @p6 $0x1FFFF800, s28;
	s24 =	simm.s32 @p0 $0x1  }
0x28: {  	s25 =	sadd.s32 @p6 s25, s28;
	s28 =	simm.s32 @p6 $0x0;
	p0 =	sne.s32 s18, $0x0  }
0x29: {  	[hbm4b:s25+s28] =	stream.linear.scatter @p6 [tilespmem:s22], [sflag:s20], $0x4000, $0x200038;
	[tilespmem:$0x8100] =	vst v63  }
0x2a: {  	s20 =	sadd.s32 @!p1 $0x3, s15;
	s15 =	simm.s32 @!p0 $0x0  }
0x2b: {  	s26 =	simm.s32 $0x1;
	[smem:$0x7FC] =	sst s24;
	s15 =	simm.s32 @p0 $0x1  }
0x2c: {  	s26 =	simm.s32 @!p6 $0x0;
	_ =	strace @p6 $0x9000004C;
	[smem:$0x7FD] =	sst s15  }
0x2d: {  	p5 =	por !p5, !p5;
	s19 =	sadd.s32 s26, s19;
	_ =	strace @!p1 $0x8000004D  }
0x2e: {  	s24 =	sand.u32 @!p2 $0x1, s13;
	s22 =	sand.u32 @p5 $0x1, s14;
	_ =	swait.ge @!p1 [sflag:s20], $0x4000  }
0x2f: {  	s15 =	smov.u32 s24;
	s24 =	sadd.s32 @p5 s4, s17;
	[sflag:s20] =	ssyncset.done @!p1 $0x0  }
0x30: {  	s25 =	sshll.u32 @p5 s22, $0x7;
	s24 =	sshll.u32 @p5 s24, $0x4;
	[sflag:s20] =	ssyncadd.s32 @!p1 $0xFFFFC000  }
0x31: {  	s20 =	sadd.s32 @p5 $0x1, s22;
	s22 =	sand.u32 @p5 $0x1FFFFFF0, s24;
	_ =	strace @!p1 $0x9000004D  }
0x32: {  	s24 =	simm.s32 @p5 $0x0;
	s22 =	sadd.s32 @p5 s3, s22;
	_ =	strace @p5 $0x80000049  }
0x33: {  	[tilespmem:s25], [sflag:s20] =	stream.linear.gather @p5 [hbm4b:s22+s24], $0x80, $0x200038;
	[tilespmem:$0x8100] =	vst v63  }
0x34: {  	s16 =	sadd.s32 s26, s16;
	s26 =	sand.u32 $0x1, s19;
	_ =	strace @p5 $0x90000049  }
0x35: {  	s24 =	sadd.s32 $0x1, s26;
	_ =	strace $0x8000004A  }
0x36: {  	_ =	swait.ge [sflag:s24], $0x80  }
0x37: {  	[sflag:s24] =	ssyncset.done $0x0  }
0x38: {  	s20 =	simm.s32 $0x1;
	[sflag:s24] =	ssyncadd.s32 $0xFFFFFF80  }
0x39: {  	s20 =	simm.s32 @!p5 $0x0;
	_ =	strace $0x9000004A  }
0x3a: {  	s14 =	sadd.s32 s20, s14;
	s20 =	sand.u32 $0x1, s16;
	_ =	strace $0x8000004B  }
0x3b: {  	s29 =	sshll.u32 s19, $0x7;
	s25 =	sshll.u32 s20, $0xE;
	s26 =	rddreg [dreg:$0x3]  }
0x3c: {  	s29 =	sand.u32 $0x80, s29;
	s22 =	sor.u32 $0x100, s25;
	s30 =	rddreg [dreg:$0x2]  }
0x3d: {  	[tilespmem:s22], [sflag:$0x5] =	stream.indirect.gather [hbm4b:s30+s26], $0x80, s29, s26, $0x2000b8;
	[tilespmem:$0x8100] =	vst v63  }
0x3e: {  	_ =	swait.ge [sflag:s8], $0x4000  }
0x3f: {  	s31 =	sadd.s32 $0x1, s17;
	[sflag:s8] =	ssyncset.done $0x0  }
0x40: {  	s23 =	sadd.s32 s4, s11;
	s11 =	smov.u32 s17;
	[sflag:s8] =	ssyncadd.s32 $0xFFFFC000  }
0x41: {  	p3 =	seq.s32 s31, $0x28;
	s17 =	smov.u32 s31;
	_ =	strace $0x9000004B  }
0x42: {  	s17 =	simm.s32 @p3 $0x0;
	s31 =	sld [smem:$0x7FD]  }
0x43: {  	p6 =	sne.s32 s12, $0x1;
	p0 =	sne.s32 s21, $0x28;
	p3 =	sne.s32 s11, s17  }
0x44: {  	p5 =	por !p6, !p3;
	p6 =	seq.s32 s21, $0x1;
	s21 =	simm.s32 $0x1  }
0x45: {  	s21 =	simm.s32 @!p0 $0x0;
	p0 =	seq.s32 s31, $0x1  }
.Ltmp0:
0x46: {  	s30 =	sld [smem:$0x7FC];
	(pc) =	sbr.rel @p0 .LBB2_2-.Ltmp0, $4  }
0x47: {  	_ = 	snop  }
0x48: {  	p4 =	seq.s32 s12, $0x28  }
0x49: {  	p1 =	por p2, p2;
	p2 =	por p4, p4;
	p4 =	seq.s32 s30, $0x1  }
0x4a: {  	p6 =	por p6, p4  }
0x4b: {  	_ =	strace @p6 $0x8000004C;
	s23 =	sshll.u32 @p6 s23, $0xB  }
0x4c: {  	s18 =	rddreg [dreg:$0x4];
	s23 =	sand.u32 @p6 $0x1FFFF800, s23  }
0x4d: {  	s20 =	sadd.s32 @p6 $0x3, s20;
	s18 =	sadd.s32 @p6 s18, s23;
	s23 =	simm.s32 @p6 $0x0  }
0x4e: {  	[hbm4b:s18+s23] =	stream.linear.scatter @p6 [tilespmem:s22], [sflag:s20], $0x4000, $0x200038;
	[tilespmem:$0x8100] =	vst v63  }
0x4f: {  	p0 =	por !p5, !p5;
	_ =	strace @p6 $0x9000004C  }
0x50: {  	s15 =	sadd.s32 @!p1 $0x3, s15;
	s17 =	sadd.s32 @p0 s4, s17;
	_ =	strace @!p1 $0x8000004D  }
0x51: {  	s14 =	sand.u32 @p0 $0x1, s14;
	s17 =	sshll.u32 @p0 s17, $0x4;
	_ =	swait.ge @!p1 [sflag:s15], $0x4000  }
0x52: {  	s18 =	simm.s32 $0x1;
	s20 =	sshll.u32 @p0 s14, $0x7;
	[sflag:s15] =	ssyncset.done @!p1 $0x0  }
0x53: {  	s14 =	sadd.s32 @p0 $0x1, s14;
	s18 =	simm.s32 @!p6 $0x0;
	[sflag:s15] =	ssyncadd.s32 @!p1 $0xFFFFC000  }
0x54: {  	s19 =	sadd.s32 s18, s19;
	s15 =	sand.u32 @p0 $0x1FFFFFF0, s17;
	_ =	strace @!p1 $0x9000004D  }
0x55: {  	s17 =	simm.s32 @p0 $0x0;
	s15 =	sadd.s32 @p0 s3, s15;
	_ =	strace @p0 $0x80000049  }
0x56: {  	[tilespmem:s20], [sflag:s14] =	stream.linear.gather @p0 [hbm4b:s15+s17], $0x80, $0x200038;
	[tilespmem:$0x8100] =	vst v63  }
0x57: {  	s25 =	sand.u32 $0x1, s19;
	_ =	strace @p0 $0x90000049  }
0x58: {  	s14 =	sadd.s32 $0x1, s25;
	_ =	strace $0x8000004A  }
0x59: {  	_ =	swait.ge [sflag:s14], $0x80  }
0x5a: {  	[sflag:s14] =	ssyncset.done $0x0  }
0x5b: {  	[sflag:s14] =	ssyncadd.s32 $0xFFFFFF80  }
0x5c: {  	s26 =	sadd.s32 s18, s16;
	_ =	strace $0x9000004A  }
0x5d: {  	s14 =	sand.u32 $0x1, s26;
	_ =	strace $0x8000004B  }
0x5e: {  	s30 =	sshll.u32 s19, $0x7;
	s31 =	sshll.u32 s14, $0xE;
	s28 =	rddreg [dreg:$0x3]  }
0x5f: {  	s17 =	sand.u32 $0x80, s30;
	s18 =	sor.u32 $0x100, s31;
	s29 =	rddreg [dreg:$0x2]  }
0x60: {  	[tilespmem:s18], [sflag:$0x5] =	stream.indirect.gather [hbm4b:s29+s28], $0x80, s17, s28, $0x2000b8;
	[tilespmem:$0x8100] =	vst v63  }
0x61: {  	_ =	swait.ge [sflag:s8], $0x4000  }
0x62: {  	[sflag:s8] =	ssyncset.done $0x0  }
0x63: {  	p5 =	por p3, p3;
	p6 =	seq.s32 s12, $0x1;
	[sflag:s8] =	ssyncadd.s32 $0xFFFFC000  }
0x64: {  	s11 =	sadd.s32 s4, s11;
	p0 =	por p6, p5;
	_ =	strace $0x9000004B  }
0x65: {  	s11 =	sshll.u32 @p0 s11, $0xB;
	_ =	strace @p0 $0x8000004C  }
0x66: {  	s13 =	sadd.s32 s21, s13;
	s11 =	sand.u32 @p0 $0x1FFFF800, s11;
	s12 =	rddreg [dreg:$0x4]  }
0x67: {  	s14 =	sadd.s32 @p0 $0x3, s14;
	s11 =	sadd.s32 @p0 s12, s11;
	s12 =	simm.s32 @p0 $0x0  }
0x68: {  	[hbm4b:s11+s12] =	stream.linear.scatter @p0 [tilespmem:s18], [sflag:s14], $0x4000, $0x200038;
	[tilespmem:$0x8100] =	vst v63  }
0x69: {  	p1 =	por p2, p2;
	s11 =	sand.u32 @!p2 $0x1, s13;
	_ =	strace @p0 $0x9000004C  }
0x6a: {  	s11 =	sadd.s32 @!p1 $0x3, s11;
	_ =	strace @!p1 $0x8000004D  }
0x6b: {  	_ =	swait.ge @!p1 [sflag:s11], $0x4000  }
0x6c: {  	[sflag:s11] =	ssyncset.done @!p1 $0x0  }
0x6d: {  	s10 =	sadd.s32 $0x1, s10;
	[sflag:s11] =	ssyncadd.s32 @!p1 $0xFFFFC000  }
0x6e: {  	p0 =	sne.s32 s10, s6;
	_ =	strace @!p1 $0x9000004D  }
.Ltmp1:
0x6f: {  	_ =	strace $0x8000004E;
	(pc) =	sbr.rel @p0 .LBB2_1-.Ltmp1, $4  }
0x70: {  	_ =	swait.ge [sflag:s9], $0x4000  }
0x71: {  	[sflag:s9] =	ssyncset.done $0x0  }
0x72: {  	[sflag:s9] =	ssyncadd.s32 $0xFFFFC000  }
0x73: {  	_ =	strace $0x9000004E  }
0x74: {  	_ =	sfence.sel $0x180000  }
0x75: {  	[bflag:$0x0] =	sbarrier.arrive $0xFFFF  }
0x76: {  	p0 =	sne.s32 s2, $0x0;
	_ =	strace $0x90000047  }
0x77: {  	s0 =	sadd.s32 @!p0 $0x100000, s0;
	[bflag:$0x2] =	sbarrier.arrive $0xFFFF  }
0x78: {  	[sflag:s0] =	ssyncadd.tile.s32 @!p0 $0x1;
	_ =	shalt  }
.Lfunc_end2:
_tile_overlayer_lowered:
.L_overlay_start_2:
0x79: {  	(tag) =	ssettag $0x2  }
0x7a: {  	s0 =	rddreg [dreg:$0x0];
	s2 =	stileid.u32  }
0x7b: {  	s1 =	rddreg [dreg:$0x1];
	p0 =	sne.s32 s2, $0x0  }
0x7c: {  	s3 =	rddreg [dreg:$0x2];
	[bflag:$0x3] =	sbarrier.arrive $0xFFFF;
	s2 =	simm.s32 @!p0 $0x1C01  }
0x7d: {  	[timem:s3], [sflag:s2] =	dma.local @!p0 [hbm:s0], s1  }
0x7e: {  	s0 =	simm.s32 @!p0 $0x1  }
0x7f: {  	_ =	swait.ge @!p0 [sflag:s0], s1  }
0x80: {  	s1 =	ssub.s32 @!p0 $0x0, s1;
	[sflag:s0] =	ssyncset.done @!p0 $0x0  }
0x81: {  	[sflag:s0] =	ssyncadd.s32 @!p0 s1  }
0x82: {  	[bflag:$0x3] =	sbarrier.arrive $0xFFFF  }
0x83: {  	_ =	shalt  }

</sc_bundles>
